<compile_context>
chip_gen: v7x
topology: tpu7x:2x2x1
jax: 0.10.2.dev20260603
libtpu: 0.0.44.dev20260713+nightly
codegen_flags: <defaults>
</compile_context>

<pallas_src>
import functools

import jax
import jax.numpy as jnp
from jax import lax
from jax.experimental import pallas as pl
from jax.experimental.pallas import tpu as pltpu
from jax.experimental.pallas import tpu_sc as plsc

H = 224
W = 224
C = 96
NO = 9
F = 768
NPIX = H * W
NSAMP = NPIX * NO

NC = 2
NS = 16
NW = NC * NS
SW = NSAMP // NW
NB = 48
NBAT = SW // NB



_ROWS_PER_BLK = 8
_NBLK = H // _ROWS_PER_BLK


def _off_conv_body(x_ref, w_ref, b_ref, out_ref, tab_ref, pad_ref):
    r = pl.program_id(0)
    y0 = r * _ROWS_PER_BLK
    nr = _ROWS_PER_BLK + 2
    pad_ref[0, :, :] = jnp.zeros((W + 2, C), jnp.float32)
    pad_ref[nr - 1, :, :] = jnp.zeros((W + 2, C), jnp.float32)
    pad_ref[:, pl.ds(0, 1), :] = jnp.zeros((nr, 1, C), jnp.float32)
    pad_ref[:, pl.ds(W + 1, 1), :] = jnp.zeros((nr, 1, C), jnp.float32)

    @pl.when(r == 0)
    def _():
        pad_ref[pl.ds(1, nr - 1), pl.ds(1, W), :] = x_ref[0, pl.ds(0, nr - 1),
                                                          :, :]

    @pl.when(r == _NBLK - 1)
    def _():
        pad_ref[pl.ds(0, nr - 1), pl.ds(1, W), :] = x_ref[
            0, pl.ds(y0 - 1, nr - 1), :, :]

    @pl.when(jnp.logical_and(r > 0, r < _NBLK - 1))
    def _():
        pad_ref[:, pl.ds(1, W), :] = x_ref[0, pl.ds(y0 - 1, nr), :, :]

    acc = jnp.broadcast_to(b_ref[...], (_ROWS_PER_BLK * W, 2 * NO))
    for dy in range(3):
        for dx in range(3):
            slab = pad_ref[pl.ds(dy, _ROWS_PER_BLK), pl.ds(dx, W), :]
            a = slab.reshape(_ROWS_PER_BLK * W, C)
            acc = acc + jnp.dot(a, w_ref[dy, dx],
                                preferred_element_type=jnp.float32)
    out_ref[...] = acc
    center = pad_ref[pl.ds(1, _ROWS_PER_BLK), pl.ds(1, W), :]
    tab_ref[...] = jnp.concatenate(
        [center.reshape(_ROWS_PER_BLK * W, C),
         jnp.zeros((_ROWS_PER_BLK * W, 128 - C), jnp.float32)], axis=1)


def _off_conv(x, w_off, b_off2d):
    return pl.pallas_call(
        _off_conv_body,
        grid=(_NBLK,),
        in_specs=[
            pl.BlockSpec((1, H, W, C), lambda i: (0, 0, 0, 0)),
            pl.BlockSpec((3, 3, C, 2 * NO), lambda i: (0, 0, 0, 0)),
            pl.BlockSpec((1, 2 * NO), lambda i: (0, 0)),
        ],
        out_specs=[
            pl.BlockSpec((_ROWS_PER_BLK * W, 2 * NO), lambda i: (i, 0)),
            pl.BlockSpec((_ROWS_PER_BLK * W, 128), lambda i: (i, 0)),
        ],
        out_shape=[
            jax.ShapeDtypeStruct((NPIX, 2 * NO), jnp.float32),
            jax.ShapeDtypeStruct((NPIX, 128), jnp.float32),
        ],
        scratch_shapes=[
            pltpu.VMEM((_ROWS_PER_BLK + 2, W + 2, C), jnp.float32)],
    )(x, w_off, b_off2d)



_NPAIR = NBAT // 2


def _sc_sample_body(off_hbm, tab_hbm, out_hbm,
                    off_v, ia_v, ib_v, ic_v, id_v,
                    wa_v, wb_v, wc_v, wd_v,
                    ga_v, gb_v, gc_v, gd_v, o_v,
                    semg0, semg1, semo):
    wid = lax.axis_index("s") * NC + lax.axis_index("c")
    lanes = lax.broadcasted_iota(jnp.int32, (16,), 0)
    fmax = jnp.float32(W - 1)
    semg = (semg0, semg1)

    pltpu.sync_copy(off_hbm.at[pl.ds(wid * (SW * 2), SW * 2)], off_v)

    def phase1(t, p):
        for g in range(NB // 16):
            row = t * NB + g * 16 + lanes
            s_vec = wid * SW + row
            pp = lax.div(s_vec, jnp.int32(NO))
            yy = lax.div(pp, jnp.int32(W))
            xx = pp - yy * W
            offx = plsc.load_gather(off_v, [row * 2])
            offy = plsc.load_gather(off_v, [row * 2 + 1])
            new_x = jnp.minimum(jnp.maximum(xx.astype(jnp.float32) + offx,
                                            0.0), fmax)
            new_y = jnp.minimum(jnp.maximum(yy.astype(jnp.float32) + offy,
                                            0.0), fmax)
            x0i = new_x.astype(jnp.int32)
            y0i = new_y.astype(jnp.int32)
            x0f = x0i.astype(jnp.float32)
            y0f = y0i.astype(jnp.float32)
            x1f = jnp.minimum(x0f + 1.0, fmax)
            y1f = jnp.minimum(y0f + 1.0, fmax)
            x1i = x1f.astype(jnp.int32)
            y1i = y1f.astype(jnp.int32)
            u0 = x1f - new_x
            u1 = new_x - x0f
            v0 = y1f - new_y
            v1 = new_y - y0f
            sl = pl.ds(g * 16, 16)
            fl = pl.ds(p * NB + g * 16, 16)
            ia_v[p, sl] = y0i * W + x0i
            ib_v[p, sl] = y1i * W + x0i
            ic_v[p, sl] = y0i * W + x1i
            id_v[p, sl] = y1i * W + x1i
            wa_v[fl] = u0 * v0
            wb_v[fl] = u0 * v1
            wc_v[fl] = u1 * v0
            wd_v[fl] = u1 * v1
        pltpu.async_copy(tab_hbm.at[ia_v.at[p]], ga_v.at[p], semg[p])
        pltpu.async_copy(tab_hbm.at[ib_v.at[p]], gb_v.at[p], semg[p])
        pltpu.async_copy(tab_hbm.at[ic_v.at[p]], gc_v.at[p], semg[p])
        pltpu.async_copy(tab_hbm.at[id_v.at[p]], gd_v.at[p], semg[p])

    def drain_gathers(p):
        for gv in (ga_v, gb_v, gc_v, gd_v):
            pltpu.make_async_copy(tab_hbm.at[pl.ds(0, NB), :], gv.at[p],
                                  semg[p]).wait()

    def drain_out(p):
        pltpu.make_async_copy(o_v.at[p], out_hbm.at[pl.ds(0, NB), :],
                              semo).wait()

    def compute(t, p):
        @plsc.parallel_loop(0, NB, 1, unroll=4)
        def _(i):
            iv = jnp.zeros((16,), jnp.int32) + (p * NB + i)
            wa = plsc.load_gather(wa_v, [iv])
            wb = plsc.load_gather(wb_v, [iv])
            wc = plsc.load_gather(wc_v, [iv])
            wd = plsc.load_gather(wd_v, [iv])
            for j in range(C // 16):
                cs = pl.ds(j * 16, 16)
                o_v[p, i, cs] = (wa * ga_v[p, i, cs] + wb * gb_v[p, i, cs]
                                 + wc * gc_v[p, i, cs] + wd * gd_v[p, i, cs])
            zf = jnp.zeros((16,), jnp.float32)
            o_v[p, i, pl.ds(C, 16)] = zf
            o_v[p, i, pl.ds(C + 16, 16)] = zf
        pltpu.async_copy(o_v.at[p],
                         out_hbm.at[pl.ds(wid * SW + t * NB, NB), :], semo)

    phase1(0, 0)

    def pair_body(q, carry):
        t_a = 2 * q
        phase1(t_a + 1, 1)
        drain_gathers(0)

        @pl.when(q > 0)
        def _():
            drain_out(0)
        compute(t_a, 0)

        @pl.when(q < _NPAIR - 1)
        def _():
            phase1(t_a + 2, 0)
        drain_gathers(1)

        @pl.when(q > 0)
        def _():
            drain_out(1)
        compute(t_a + 1, 1)
        return carry

    lax.fori_loop(0, _NPAIR, pair_body, 0)
    drain_out(0)
    drain_out(1)


def _sc_sample(off_pairs, table):
    mesh = plsc.VectorSubcoreMesh(core_axis_name="c", subcore_axis_name="s")
    fn = functools.partial(
        pl.kernel,
        mesh=mesh,
        compiler_params=pltpu.CompilerParams(needs_layout_passes=False,
                                             use_tc_tiling_on_sc=True),
        out_type=jax.ShapeDtypeStruct((NSAMP, 128), jnp.float32),
        scratch_types=[
            pltpu.VMEM((SW * 2,), jnp.float32),
            pltpu.VMEM((2, NB), jnp.int32),
            pltpu.VMEM((2, NB), jnp.int32),
            pltpu.VMEM((2, NB), jnp.int32),
            pltpu.VMEM((2, NB), jnp.int32),
            pltpu.VMEM((2 * NB,), jnp.float32),
            pltpu.VMEM((2 * NB,), jnp.float32),
            pltpu.VMEM((2 * NB,), jnp.float32),
            pltpu.VMEM((2 * NB,), jnp.float32),
            pltpu.VMEM((2, NB, 128), jnp.float32),
            pltpu.VMEM((2, NB, 128), jnp.float32),
            pltpu.VMEM((2, NB, 128), jnp.float32),
            pltpu.VMEM((2, NB, 128), jnp.float32),
            pltpu.VMEM((2, NB, 128), jnp.float32),
            pltpu.SemaphoreType.DMA,
            pltpu.SemaphoreType.DMA,
            pltpu.SemaphoreType.DMA,
        ],
    )(_sc_sample_body)
    return fn(off_pairs, table)



_M_BLK = 512


def _mm_body(a_ref, w_ref, b_ref, o_ref):
    a_bf = a_ref[...].astype(jnp.bfloat16).reshape(_M_BLK, NO * 128)
    o_ref[...] = (jnp.dot(a_bf, w_ref[...],
                          preferred_element_type=jnp.float32) + b_ref[...])


def _matmul(a, w, b2d):
    return pl.pallas_call(
        _mm_body,
        grid=(NPIX // _M_BLK,),
        in_specs=[
            pl.BlockSpec((_M_BLK * NO, 128), lambda i: (i, 0)),
            pl.BlockSpec((NO * 128, F), lambda i: (0, 0)),
            pl.BlockSpec((1, F), lambda i: (0, 0)),
        ],
        out_specs=pl.BlockSpec((_M_BLK, F), lambda i: (i, 0)),
        out_shape=jax.ShapeDtypeStruct((NPIX, F), jnp.float32),
    )(a, w, b2d)



def kernel(inputs, W_off, b_off, W_pt, b_pt):
    offs, table = _off_conv(inputs, W_off, b_off.reshape(1, 2 * NO))
    off_pairs = offs.reshape(NSAMP * 2)
    sampled = _sc_sample(off_pairs, table)
    wp = jnp.zeros((NO, 128, F), jnp.float32)
    wp = wp.at[:, :C, :].set(W_pt.reshape(NO, C, F))
    w = wp.reshape(NO * 128, F).astype(jnp.bfloat16)
    out = _matmul(sampled, w, b_pt.reshape(1, F))
    return out.reshape(1, H, W, F)

# --- scband reference (transcript-rebuilt; emitter-appended) ---
"""Pipeline reference for scband-deformable-conv2-d-57226144251968 (READ-ONLY COPY).

The authoritative reference and input builder live on the scoring server;
editing this copy changes nothing except your own understanding.
"""

import jax, jax.numpy as jnp
import numpy as np

B, H, W, C = 1, 224, 224, 96
K = 3
NO = K * K
F = 768


def _conv2d(x, w, b):
    out = jax.lax.conv_general_dilated(
        x, w, window_strides=(1, 1), padding='SAME',
        dimension_numbers=('NHWC', 'HWIO', 'NHWC'))
    return out + b


def setup_inputs(seed: int = 0) -> dict:
    key = jax.random.key(seed)
    k1, k2, k3, k4 = jax.random.split(key, 4)
    inputs = jax.random.normal(k1, (B, H, W, C), dtype=jnp.float32)
    # conv_offset: kernel_size x kernel_size conv, C -> 2*K*K (Zeros init in module;
    # use small random values so offsets are nontrivial)
    W_off = jax.random.normal(k2, (K, K, C, 2 * NO), dtype=jnp.float32) * 0.01
    b_off = jax.random.normal(k3, (2 * NO,), dtype=jnp.float32) * 0.01
    # pointwise conv: 1x1, NO*C -> F
    W_pt = jax.random.normal(k4, (1, 1, NO * C, F), dtype=jnp.float32) * 0.02
    b_pt = jnp.zeros((F,), dtype=jnp.float32)
    return {"inputs": inputs, "W_off": W_off, "b_off": b_off, "W_pt": W_pt, "b_pt": b_pt}


def _gather_values(inputs, xi, yi):
    b, h, w, c = inputs.shape
    no = xi.shape[-1]
    batch_idx = jnp.arange(b, dtype=jnp.int32).reshape(b, 1, 1, 1)
    batch_idx = jnp.broadcast_to(batch_idx, (b, h, w, no))
    flat_idx = batch_idx * (h * w) + yi * w + xi
    inputs_flat = inputs.reshape(-1, c)
    gathered = jnp.take(inputs_flat, flat_idx.reshape(-1), axis=0)
    return gathered.reshape(b, h, w, no, c)


def reference(inputs, W_off, b_off, W_pt, b_pt):
    offsets = _conv2d(inputs, W_off, b_off)
    b, h, w, c = inputs.shape
    yy, xx = jnp.meshgrid(jnp.arange(h, dtype=jnp.float32),
                          jnp.arange(w, dtype=jnp.float32), indexing='ij')
    xx = jnp.broadcast_to(xx[None], (b, h, w))[..., None]
    yy = jnp.broadcast_to(yy[None], (b, h, w))[..., None]
    off = offsets.reshape(b, h, w, NO, 2)
    new_x = jnp.clip(xx + off[..., 0], 0.0, float(w - 1))
    new_y = jnp.clip(yy + off[..., 1], 0.0, float(h - 1))
    x0 = jnp.floor(new_x)
    x1 = x0 + 1.0
    y0 = jnp.floor(new_y)
    y1 = y0 + 1.0
    x0 = jnp.clip(x0, 0.0, float(w - 1))
    x1 = jnp.clip(x1, 0.0, float(w - 1))
    y0 = jnp.clip(y0, 0.0, float(h - 1))
    y1 = jnp.clip(y1, 0.0, float(h - 1))
    wa = (x1 - new_x) * (y1 - new_y)
    wb = (x1 - new_x) * (new_y - y0)
    wc = (new_x - x0) * (y1 - new_y)
    wd = (new_x - x0) * (new_y - y0)
    Ia = _gather_values(inputs, x0.astype(jnp.int32), y0.astype(jnp.int32))
    Ib = _gather_values(inputs, x0.astype(jnp.int32), y1.astype(jnp.int32))
    Ic = _gather_values(inputs, x1.astype(jnp.int32), y0.astype(jnp.int32))
    Id = _gather_values(inputs, x1.astype(jnp.int32), y1.astype(jnp.int32))
    interpolated = (wa[..., None] * Ia + wb[..., None] * Ib +
                    wc[..., None] * Ic + wd[..., None] * Id)
    sampled = interpolated.reshape(b, h, w, NO * c)
    return _conv2d(sampled, W_pt, b_pt)

if __name__ == "__main__":
    import jax
    _d = setup_inputs()
    print(jax.jit(kernel)(*tuple(_d.values())))

</pallas_src>

<mosaic_0001>
#map = affine_map<(d0, d1) -> (0)>
#map1 = affine_map<(d0, d1) -> (0, 0)>
module attributes {stable_mosaic.version = 14 : i64} {
  func.func @_sc_sample_body(%arg0: i32, %arg1: i32, %arg2: memref<903168xf32, #tpu.memory_space<hbm>>, %arg3: memref<50176x128xf32, #tpu.memory_space<hbm>>, %arg4: memref<451584x128xf32, #tpu.memory_space<hbm>>, %arg5: memref<28224xf32, #tpu.memory_space<vmem>>, %arg6: memref<2x48xi32, #tpu.memory_space<vmem>>, %arg7: memref<2x48xi32, #tpu.memory_space<vmem>>, %arg8: memref<2x48xi32, #tpu.memory_space<vmem>>, %arg9: memref<2x48xi32, #tpu.memory_space<vmem>>, %arg10: memref<96xf32, #tpu.memory_space<vmem>>, %arg11: memref<96xf32, #tpu.memory_space<vmem>>, %arg12: memref<96xf32, #tpu.memory_space<vmem>>, %arg13: memref<96xf32, #tpu.memory_space<vmem>>, %arg14: memref<2x48x128xf32, #tpu.memory_space<vmem>>, %arg15: memref<2x48x128xf32, #tpu.memory_space<vmem>>, %arg16: memref<2x48x128xf32, #tpu.memory_space<vmem>>, %arg17: memref<2x48x128xf32, #tpu.memory_space<vmem>>, %arg18: memref<2x48x128xf32, #tpu.memory_space<vmem>>, %arg19: memref<!tpu.dma_semaphore, #tpu.memory_space<semaphore_mem>>, %arg20: memref<!tpu.dma_semaphore, #tpu.memory_space<semaphore_mem>>, %arg21: memref<!tpu.dma_semaphore, #tpu.memory_space<semaphore_mem>>) attributes {dimension_semantics = [#tpu.dimension_semantics<core_parallel>, #tpu.dimension_semantics<subcore_parallel>], iteration_bounds = array<i64: 2, 16>, scalar_prefetch = 0 : i64, scratch_operands = 17 : i64, tpu.core_type = #tpu.core_type<sc_vector_subcore>, window_params = [{transform_indices = #map}, {transform_indices = #map1}, {transform_indices = #map1}]} {
    %mul3A = arith.constant 2 : i32
    %mul3A_0 = arith.muli %arg1, %mul3A : i32
    %add3A = arith.addi %mul3A_0, %arg0 : i32
    %iota3A = tpu.iota {dimensions = array<i32: 0>} : vector<16xi32>
    %mul3A_1 = arith.constant 28224 : i32
    %mul3A_2 = arith.muli %add3A, %mul3A_1 : i32
    "tpu.region"() ({
      %run_scoped3A = tpu.sem_alloc : memref<!tpu.dma_semaphore, #tpu.memory_space<semaphore_mem>>
      %dma_start3A_408 = tpu.memref_slice %arg2[%mul3A_2] : memref<903168xf32, #tpu.memory_space<hbm>> -> memref<28224xf32, #tpu.memory_space<hbm>>
      %dma_start3A_409 = tpu.memref_slice %arg2[%mul3A_2] : memref<903168xf32, #tpu.memory_space<hbm>> -> memref<28224xf32, #tpu.memory_space<hbm>>
      tpu.enqueue_dma source(%dma_start3A_409 : memref<28224xf32, #tpu.memory_space<hbm>>) target(%arg5 : memref<28224xf32, #tpu.memory_space<vmem>>) target_semaphore(%run_scoped3A : memref<!tpu.dma_semaphore, #tpu.memory_space<semaphore_mem>>)
      %dma_wait3A_410 = tpu.memref_slice %arg2[%mul3A_2] : memref<903168xf32, #tpu.memory_space<hbm>> -> memref<28224xf32, #tpu.memory_space<hbm>>
      %dma_wait3A_411 = tpu.memref_slice %arg2[%mul3A_2] : memref<903168xf32, #tpu.memory_space<hbm>> -> memref<28224xf32, #tpu.memory_space<hbm>>
      tpu.wait_dma2 semaphore(%run_scoped3A : memref<!tpu.dma_semaphore, #tpu.memory_space<semaphore_mem>>) src(%dma_wait3A_411 : memref<28224xf32, #tpu.memory_space<hbm>>) dst(%arg5 : memref<28224xf32, #tpu.memory_space<vmem>>)
      tpu.yield
    }) : () -> ()
    %add3A_3 = arith.constant 0 : i32
    %add3A_4 = vector.broadcast %add3A_3 : i32 to vector<16xi32>
    %add3A_5 = arith.addi %add3A_4, %iota3A : vector<16xi32>
    %mul3A_6 = arith.constant 14112 : i32
    %mul3A_7 = arith.muli %add3A, %mul3A_6 : i32
    %add3A_8 = vector.broadcast %mul3A_7 : i32 to vector<16xi32>
    %add3A_9 = arith.addi %add3A_8, %add3A_5 : vector<16xi32>
    %div3A = arith.constant 9 : i32
    %div3A_10 = vector.broadcast %div3A : i32 to vector<16xi32>
    %div3A_11 = arith.divsi %add3A_9, %div3A_10 : vector<16xi32>
    %div3A_12 = arith.constant 224 : i32
    %div3A_13 = vector.broadcast %div3A_12 : i32 to vector<16xi32>
    %div3A_14 = arith.divsi %div3A_11, %div3A_13 : vector<16xi32>
    %mul3A_15 = arith.constant 224 : i32
    %mul3A_16 = vector.broadcast %mul3A_15 : i32 to vector<16xi32>
    %mul3A_17 = arith.muli %div3A_14, %mul3A_16 : vector<16xi32>
    %sub3A = arith.subi %div3A_11, %mul3A_17 : vector<16xi32>
    %mul3A_18 = arith.constant 2 : i32
    %mul3A_19 = vector.broadcast %mul3A_18 : i32 to vector<16xi32>
    %mul3A_20 = arith.muli %add3A_5, %mul3A_19 : vector<16xi32>
    %gather3A = tpu.vector_load_idx %arg5[%mul3A_20] : memref<28224xf32, #tpu.memory_space<vmem>>[vector<16xi32>], vector<16xf32>,
    %mul3A_21 = arith.constant 2 : i32
    %mul3A_22 = vector.broadcast %mul3A_21 : i32 to vector<16xi32>
    %mul3A_23 = arith.muli %add3A_5, %mul3A_22 : vector<16xi32>
    %add3A_24 = arith.constant 1 : i32
    %add3A_25 = vector.broadcast %add3A_24 : i32 to vector<16xi32>
    %add3A_26 = arith.addi %mul3A_23, %add3A_25 : vector<16xi32>
    %gather3A_27 = tpu.vector_load_idx %arg5[%add3A_26] : memref<28224xf32, #tpu.memory_space<vmem>>[vector<16xi32>], vector<16xf32>,
    %convert_element_type3A = arith.sitofp %sub3A : vector<16xi32> to vector<16xf32>
    %add3A_28 = arith.addf %convert_element_type3A, %gather3A : vector<16xf32>
    %max3A = arith.constant 0.000000e+00 : f32
    %max3A_29 = vector.broadcast %max3A : f32 to vector<16xf32>
    %max3A_30 = arith.maximumf %add3A_28, %max3A_29 : vector<16xf32>
    %min3A = arith.constant 2.230000e+02 : f32
    %min3A_31 = vector.broadcast %min3A : f32 to vector<16xf32>
    %min3A_32 = arith.minimumf %max3A_30, %min3A_31 : vector<16xf32>
    %convert_element_type3A_33 = arith.sitofp %div3A_14 : vector<16xi32> to vector<16xf32>
    %add3A_34 = arith.addf %convert_element_type3A_33, %gather3A_27 : vector<16xf32>
    %max3A_35 = arith.constant 0.000000e+00 : f32
    %max3A_36 = vector.broadcast %max3A_35 : f32 to vector<16xf32>
    %max3A_37 = arith.maximumf %add3A_34, %max3A_36 : vector<16xf32>
    %min3A_38 = arith.constant 2.230000e+02 : f32
    %min3A_39 = vector.broadcast %min3A_38 : f32 to vector<16xf32>
    %min3A_40 = arith.minimumf %max3A_37, %min3A_39 : vector<16xf32>
    %convert_element_type3A_41 = arith.fptosi %min3A_32 : vector<16xf32> to vector<16xi32>
    %convert_element_type3A_42 = arith.fptosi %min3A_40 : vector<16xf32> to vector<16xi32>
    %convert_element_type3A_43 = arith.sitofp %convert_element_type3A_41 : vector<16xi32> to vector<16xf32>
    %convert_element_type3A_44 = arith.sitofp %convert_element_type3A_42 : vector<16xi32> to vector<16xf32>
    %add3A_45 = arith.constant 1.000000e+00 : f32
    %add3A_46 = vector.broadcast %add3A_45 : f32 to vector<16xf32>
    %add3A_47 = arith.addf %convert_element_type3A_43, %add3A_46 : vector<16xf32>
    %min3A_48 = arith.constant 2.230000e+02 : f32
    %min3A_49 = vector.broadcast %min3A_48 : f32 to vector<16xf32>
    %min3A_50 = arith.minimumf %add3A_47, %min3A_49 : vector<16xf32>
    %add3A_51 = arith.constant 1.000000e+00 : f32
    %add3A_52 = vector.broadcast %add3A_51 : f32 to vector<16xf32>
    %add3A_53 = arith.addf %convert_element_type3A_44, %add3A_52 : vector<16xf32>
    %min3A_54 = arith.constant 2.230000e+02 : f32
    %min3A_55 = vector.broadcast %min3A_54 : f32 to vector<16xf32>
    %min3A_56 = arith.minimumf %add3A_53, %min3A_55 : vector<16xf32>
    %convert_element_type3A_57 = arith.fptosi %min3A_50 : vector<16xf32> to vector<16xi32>
    %convert_element_type3A_58 = arith.fptosi %min3A_56 : vector<16xf32> to vector<16xi32>
    %sub3A_59 = arith.subf %min3A_50, %min3A_32 : vector<16xf32>
    %sub3A_60 = arith.subf %min3A_32, %convert_element_type3A_43 : vector<16xf32>
    %sub3A_61 = arith.subf %min3A_56, %min3A_40 : vector<16xf32>
    %sub3A_62 = arith.subf %min3A_40, %convert_element_type3A_44 : vector<16xf32>
    %mul3A_63 = arith.constant 224 : i32
    %mul3A_64 = vector.broadcast %mul3A_63 : i32 to vector<16xi32>
    %mul3A_65 = arith.muli %convert_element_type3A_42, %mul3A_64 : vector<16xi32>
    %add3A_66 = arith.addi %mul3A_65, %convert_element_type3A_41 : vector<16xi32>
    %swap3A = arith.constant 0 : i32
    %swap3A_67 = arith.index_cast %swap3A : i32 to index
    %swap3A_68 = arith.constant 0 : index
    %swap3A_69 = tpu.vector_load %arg6[%swap3A_67, %swap3A_68] {strides = array<i32>} : memref<2x48xi32, #tpu.memory_space<vmem>>, vector<16xi32>,
    tpu.vector_store %arg6[%swap3A_67, %swap3A_68], %add3A_66 {strides = array<i32>} : memref<2x48xi32, #tpu.memory_space<vmem>>, vector<16xi32>,
    %mul3A_70 = arith.constant 224 : i32
    %mul3A_71 = vector.broadcast %mul3A_70 : i32 to vector<16xi32>
    %mul3A_72 = arith.muli %convert_element_type3A_58, %mul3A_71 : vector<16xi32>
    %add3A_73 = arith.addi %mul3A_72, %convert_element_type3A_41 : vector<16xi32>
    %swap3A_74 = arith.constant 0 : i32
    %swap3A_75 = arith.index_cast %swap3A_74 : i32 to index
    %swap3A_76 = arith.constant 0 : index
    %swap3A_77 = tpu.vector_load %arg7[%swap3A_75, %swap3A_76] {strides = array<i32>} : memref<2x48xi32, #tpu.memory_space<vmem>>, vector<16xi32>,
    tpu.vector_store %arg7[%swap3A_75, %swap3A_76], %add3A_73 {strides = array<i32>} : memref<2x48xi32, #tpu.memory_space<vmem>>, vector<16xi32>,
    %mul3A_78 = arith.constant 224 : i32
    %mul3A_79 = vector.broadcast %mul3A_78 : i32 to vector<16xi32>
    %mul3A_80 = arith.muli %convert_element_type3A_42, %mul3A_79 : vector<16xi32>
    %add3A_81 = arith.addi %mul3A_80, %convert_element_type3A_57 : vector<16xi32>
    %swap3A_82 = arith.constant 0 : i32
    %swap3A_83 = arith.index_cast %swap3A_82 : i32 to index
    %swap3A_84 = arith.constant 0 : index
    %swap3A_85 = tpu.vector_load %arg8[%swap3A_83, %swap3A_84] {strides = array<i32>} : memref<2x48xi32, #tpu.memory_space<vmem>>, vector<16xi32>,
    tpu.vector_store %arg8[%swap3A_83, %swap3A_84], %add3A_81 {strides = array<i32>} : memref<2x48xi32, #tpu.memory_space<vmem>>, vector<16xi32>,
    %mul3A_86 = arith.constant 224 : i32
    %mul3A_87 = vector.broadcast %mul3A_86 : i32 to vector<16xi32>
    %mul3A_88 = arith.muli %convert_element_type3A_58, %mul3A_87 : vector<16xi32>
    %add3A_89 = arith.addi %mul3A_88, %convert_element_type3A_57 : vector<16xi32>
    %swap3A_90 = arith.constant 0 : i32
    %swap3A_91 = arith.index_cast %swap3A_90 : i32 to index
    %swap3A_92 = arith.constant 0 : index
    %swap3A_93 = tpu.vector_load %arg9[%swap3A_91, %swap3A_92] {strides = array<i32>} : memref<2x48xi32, #tpu.memory_space<vmem>>, vector<16xi32>,
    tpu.vector_store %arg9[%swap3A_91, %swap3A_92], %add3A_89 {strides = array<i32>} : memref<2x48xi32, #tpu.memory_space<vmem>>, vector<16xi32>,
    %mul3A_94 = arith.mulf %sub3A_59, %sub3A_61 : vector<16xf32>
    %swap3A_95 = arith.constant 0 : index
    %swap3A_96 = tpu.vector_load %arg10[%swap3A_95] {strides = array<i32>} : memref<96xf32, #tpu.memory_space<vmem>>, vector<16xf32>,
    tpu.vector_store %arg10[%swap3A_95], %mul3A_94 {strides = array<i32>} : memref<96xf32, #tpu.memory_space<vmem>>, vector<16xf32>,
    %mul3A_97 = arith.mulf %sub3A_59, %sub3A_62 : vector<16xf32>
    %swap3A_98 = arith.constant 0 : index
    %swap3A_99 = tpu.vector_load %arg11[%swap3A_98] {strides = array<i32>} : memref<96xf32, #tpu.memory_space<vmem>>, vector<16xf32>,
    tpu.vector_store %arg11[%swap3A_98], %mul3A_97 {strides = array<i32>} : memref<96xf32, #tpu.memory_space<vmem>>, vector<16xf32>,
    %mul3A_100 = arith.mulf %sub3A_60, %sub3A_61 : vector<16xf32>
    %swap3A_101 = arith.constant 0 : index
    %swap3A_102 = tpu.vector_load %arg12[%swap3A_101] {strides = array<i32>} : memref<96xf32, #tpu.memory_space<vmem>>, vector<16xf32>,
    tpu.vector_store %arg12[%swap3A_101], %mul3A_100 {strides = array<i32>} : memref<96xf32, #tpu.memory_space<vmem>>, vector<16xf32>,
    %mul3A_103 = arith.mulf %sub3A_60, %sub3A_62 : vector<16xf32>
    %swap3A_104 = arith.constant 0 : index
    %swap3A_105 = tpu.vector_load %arg13[%swap3A_104] {strides = array<i32>} : memref<96xf32, #tpu.memory_space<vmem>>, vector<16xf32>,
    tpu.vector_store %arg13[%swap3A_104], %mul3A_103 {strides = array<i32>} : memref<96xf32, #tpu.memory_space<vmem>>, vector<16xf32>,
    %add3A_106 = arith.constant 16 : i32
    %add3A_107 = vector.broadcast %add3A_106 : i32 to vector<16xi32>
    %add3A_108 = arith.addi %add3A_107, %iota3A : vector<16xi32>
    %mul3A_109 = arith.constant 14112 : i32
    %mul3A_110 = arith.muli %add3A, %mul3A_109 : i32
    %add3A_111 = vector.broadcast %mul3A_110 : i32 to vector<16xi32>
    %add3A_112 = arith.addi %add3A_111, %add3A_108 : vector<16xi32>
    %div3A_113 = arith.constant 9 : i32
    %div3A_114 = vector.broadcast %div3A_113 : i32 to vector<16xi32>
    %div3A_115 = arith.divsi %add3A_112, %div3A_114 : vector<16xi32>
    %div3A_116 = arith.constant 224 : i32
    %div3A_117 = vector.broadcast %div3A_116 : i32 to vector<16xi32>
    %div3A_118 = arith.divsi %div3A_115, %div3A_117 : vector<16xi32>
    %mul3A_119 = arith.constant 224 : i32
    %mul3A_120 = vector.broadcast %mul3A_119 : i32 to vector<16xi32>
    %mul3A_121 = arith.muli %div3A_118, %mul3A_120 : vector<16xi32>
    %sub3A_122 = arith.subi %div3A_115, %mul3A_121 : vector<16xi32>
    %mul3A_123 = arith.constant 2 : i32
    %mul3A_124 = vector.broadcast %mul3A_123 : i32 to vector<16xi32>
    %mul3A_125 = arith.muli %add3A_108, %mul3A_124 : vector<16xi32>
    %gather3A_126 = tpu.vector_load_idx %arg5[%mul3A_125] : memref<28224xf32, #tpu.memory_space<vmem>>[vector<16xi32>], vector<16xf32>,
    %mul3A_127 = arith.constant 2 : i32
    %mul3A_128 = vector.broadcast %mul3A_127 : i32 to vector<16xi32>
    %mul3A_129 = arith.muli %add3A_108, %mul3A_128 : vector<16xi32>
    %add3A_130 = arith.constant 1 : i32
    %add3A_131 = vector.broadcast %add3A_130 : i32 to vector<16xi32>
    %add3A_132 = arith.addi %mul3A_129, %add3A_131 : vector<16xi32>
    %gather3A_133 = tpu.vector_load_idx %arg5[%add3A_132] : memref<28224xf32, #tpu.memory_space<vmem>>[vector<16xi32>], vector<16xf32>,
    %convert_element_type3A_134 = arith.sitofp %sub3A_122 : vector<16xi32> to vector<16xf32>
    %add3A_135 = arith.addf %convert_element_type3A_134, %gather3A_126 : vector<16xf32>
    %max3A_136 = arith.constant 0.000000e+00 : f32
    %max3A_137 = vector.broadcast %max3A_136 : f32 to vector<16xf32>
    %max3A_138 = arith.maximumf %add3A_135, %max3A_137 : vector<16xf32>
    %min3A_139 = arith.constant 2.230000e+02 : f32
    %min3A_140 = vector.broadcast %min3A_139 : f32 to vector<16xf32>
    %min3A_141 = arith.minimumf %max3A_138, %min3A_140 : vector<16xf32>
    %convert_element_type3A_142 = arith.sitofp %div3A_118 : vector<16xi32> to vector<16xf32>
    %add3A_143 = arith.addf %convert_element_type3A_142, %gather3A_133 : vector<16xf32>
    %max3A_144 = arith.constant 0.000000e+00 : f32
    %max3A_145 = vector.broadcast %max3A_144 : f32 to vector<16xf32>
    %max3A_146 = arith.maximumf %add3A_143, %max3A_145 : vector<16xf32>
    %min3A_147 = arith.constant 2.230000e+02 : f32
    %min3A_148 = vector.broadcast %min3A_147 : f32 to vector<16xf32>
    %min3A_149 = arith.minimumf %max3A_146, %min3A_148 : vector<16xf32>
    %convert_element_type3A_150 = arith.fptosi %min3A_141 : vector<16xf32> to vector<16xi32>
    %convert_element_type3A_151 = arith.fptosi %min3A_149 : vector<16xf32> to vector<16xi32>
    %convert_element_type3A_152 = arith.sitofp %convert_element_type3A_150 : vector<16xi32> to vector<16xf32>
    %convert_element_type3A_153 = arith.sitofp %convert_element_type3A_151 : vector<16xi32> to vector<16xf32>
    %add3A_154 = arith.constant 1.000000e+00 : f32
    %add3A_155 = vector.broadcast %add3A_154 : f32 to vector<16xf32>
    %add3A_156 = arith.addf %convert_element_type3A_152, %add3A_155 : vector<16xf32>
    %min3A_157 = arith.constant 2.230000e+02 : f32
    %min3A_158 = vector.broadcast %min3A_157 : f32 to vector<16xf32>
    %min3A_159 = arith.minimumf %add3A_156, %min3A_158 : vector<16xf32>
    %add3A_160 = arith.constant 1.000000e+00 : f32
    %add3A_161 = vector.broadcast %add3A_160 : f32 to vector<16xf32>
    %add3A_162 = arith.addf %convert_element_type3A_153, %add3A_161 : vector<16xf32>
    %min3A_163 = arith.constant 2.230000e+02 : f32
    %min3A_164 = vector.broadcast %min3A_163 : f32 to vector<16xf32>
    %min3A_165 = arith.minimumf %add3A_162, %min3A_164 : vector<16xf32>
    %convert_element_type3A_166 = arith.fptosi %min3A_159 : vector<16xf32> to vector<16xi32>
    %convert_element_type3A_167 = arith.fptosi %min3A_165 : vector<16xf32> to vector<16xi32>
    %sub3A_168 = arith.subf %min3A_159, %min3A_141 : vector<16xf32>
    %sub3A_169 = arith.subf %min3A_141, %convert_element_type3A_152 : vector<16xf32>
    %sub3A_170 = arith.subf %min3A_165, %min3A_149 : vector<16xf32>
    %sub3A_171 = arith.subf %min3A_149, %convert_element_type3A_153 : vector<16xf32>
    %mul3A_172 = arith.constant 224 : i32
    %mul3A_173 = vector.broadcast %mul3A_172 : i32 to vector<16xi32>
    %mul3A_174 = arith.muli %convert_element_type3A_151, %mul3A_173 : vector<16xi32>
    %add3A_175 = arith.addi %mul3A_174, %convert_element_type3A_150 : vector<16xi32>
    %swap3A_176 = arith.constant 0 : i32
    %swap3A_177 = arith.index_cast %swap3A_176 : i32 to index
    %swap3A_178 = arith.constant 16 : index
    %swap3A_179 = tpu.vector_load %arg6[%swap3A_177, %swap3A_178] {strides = array<i32>} : memref<2x48xi32, #tpu.memory_space<vmem>>, vector<16xi32>,
    tpu.vector_store %arg6[%swap3A_177, %swap3A_178], %add3A_175 {strides = array<i32>} : memref<2x48xi32, #tpu.memory_space<vmem>>, vector<16xi32>,
    %mul3A_180 = arith.constant 224 : i32
    %mul3A_181 = vector.broadcast %mul3A_180 : i32 to vector<16xi32>
    %mul3A_182 = arith.muli %convert_element_type3A_167, %mul3A_181 : vector<16xi32>
    %add3A_183 = arith.addi %mul3A_182, %convert_element_type3A_150 : vector<16xi32>
    %swap3A_184 = arith.constant 0 : i32
    %swap3A_185 = arith.index_cast %swap3A_184 : i32 to index
    %swap3A_186 = arith.constant 16 : index
    %swap3A_187 = tpu.vector_load %arg7[%swap3A_185, %swap3A_186] {strides = array<i32>} : memref<2x48xi32, #tpu.memory_space<vmem>>, vector<16xi32>,
    tpu.vector_store %arg7[%swap3A_185, %swap3A_186], %add3A_183 {strides = array<i32>} : memref<2x48xi32, #tpu.memory_space<vmem>>, vector<16xi32>,
    %mul3A_188 = arith.constant 224 : i32
    %mul3A_189 = vector.broadcast %mul3A_188 : i32 to vector<16xi32>
    %mul3A_190 = arith.muli %convert_element_type3A_151, %mul3A_189 : vector<16xi32>
    %add3A_191 = arith.addi %mul3A_190, %convert_element_type3A_166 : vector<16xi32>
    %swap3A_192 = arith.constant 0 : i32
    %swap3A_193 = arith.index_cast %swap3A_192 : i32 to index
    %swap3A_194 = arith.constant 16 : index
    %swap3A_195 = tpu.vector_load %arg8[%swap3A_193, %swap3A_194] {strides = array<i32>} : memref<2x48xi32, #tpu.memory_space<vmem>>, vector<16xi32>,
    tpu.vector_store %arg8[%swap3A_193, %swap3A_194], %add3A_191 {strides = array<i32>} : memref<2x48xi32, #tpu.memory_space<vmem>>, vector<16xi32>,
    %mul3A_196 = arith.constant 224 : i32
    %mul3A_197 = vector.broadcast %mul3A_196 : i32 to vector<16xi32>
    %mul3A_198 = arith.muli %convert_element_type3A_167, %mul3A_197 : vector<16xi32>
    %add3A_199 = arith.addi %mul3A_198, %convert_element_type3A_166 : vector<16xi32>
    %swap3A_200 = arith.constant 0 : i32
    %swap3A_201 = arith.index_cast %swap3A_200 : i32 to index
    %swap3A_202 = arith.constant 16 : index
    %swap3A_203 = tpu.vector_load %arg9[%swap3A_201, %swap3A_202] {strides = array<i32>} : memref<2x48xi32, #tpu.memory_space<vmem>>, vector<16xi32>,
    tpu.vector_store %arg9[%swap3A_201, %swap3A_202], %add3A_199 {strides = array<i32>} : memref<2x48xi32, #tpu.memory_space<vmem>>, vector<16xi32>,
    %mul3A_204 = arith.mulf %sub3A_168, %sub3A_170 : vector<16xf32>
    %swap3A_205 = arith.constant 16 : index
    %swap3A_206 = tpu.vector_load %arg10[%swap3A_205] {strides = array<i32>} : memref<96xf32, #tpu.memory_space<vmem>>, vector<16xf32>,
    tpu.vector_store %arg10[%swap3A_205], %mul3A_204 {strides = array<i32>} : memref<96xf32, #tpu.memory_space<vmem>>, vector<16xf32>,
    %mul3A_207 = arith.mulf %sub3A_168, %sub3A_171 : vector<16xf32>
    %swap3A_208 = arith.constant 16 : index
    %swap3A_209 = tpu.vector_load %arg11[%swap3A_208] {strides = array<i32>} : memref<96xf32, #tpu.memory_space<vmem>>, vector<16xf32>,
    tpu.vector_store %arg11[%swap3A_208], %mul3A_207 {strides = array<i32>} : memref<96xf32, #tpu.memory_space<vmem>>, vector<16xf32>,
    %mul3A_210 = arith.mulf %sub3A_169, %sub3A_170 : vector<16xf32>
    %swap3A_211 = arith.constant 16 : index
    %swap3A_212 = tpu.vector_load %arg12[%swap3A_211] {strides = array<i32>} : memref<96xf32, #tpu.memory_space<vmem>>, vector<16xf32>,
    tpu.vector_store %arg12[%swap3A_211], %mul3A_210 {strides = array<i32>} : memref<96xf32, #tpu.memory_space<vmem>>, vector<16xf32>,
    %mul3A_213 = arith.mulf %sub3A_169, %sub3A_171 : vector<16xf32>
    %swap3A_214 = arith.constant 16 : index
    %swap3A_215 = tpu.vector_load %arg13[%swap3A_214] {strides = array<i32>} : memref<96xf32, #tpu.memory_space<vmem>>, vector<16xf32>,
    tpu.vector_store %arg13[%swap3A_214], %mul3A_213 {strides = array<i32>} : memref<96xf32, #tpu.memory_space<vmem>>, vector<16xf32>,
    %add3A_216 = arith.constant 32 : i32
    %add3A_217 = vector.broadcast %add3A_216 : i32 to vector<16xi32>
    %add3A_218 = arith.addi %add3A_217, %iota3A : vector<16xi32>
    %mul3A_219 = arith.constant 14112 : i32
    %mul3A_220 = arith.muli %add3A, %mul3A_219 : i32
    %add3A_221 = vector.broadcast %mul3A_220 : i32 to vector<16xi32>
    %add3A_222 = arith.addi %add3A_221, %add3A_218 : vector<16xi32>
    %div3A_223 = arith.constant 9 : i32
    %div3A_224 = vector.broadcast %div3A_223 : i32 to vector<16xi32>
    %div3A_225 = arith.divsi %add3A_222, %div3A_224 : vector<16xi32>
    %div3A_226 = arith.constant 224 : i32
    %div3A_227 = vector.broadcast %div3A_226 : i32 to vector<16xi32>
    %div3A_228 = arith.divsi %div3A_225, %div3A_227 : vector<16xi32>
    %mul3A_229 = arith.constant 224 : i32
    %mul3A_230 = vector.broadcast %mul3A_229 : i32 to vector<16xi32>
    %mul3A_231 = arith.muli %div3A_228, %mul3A_230 : vector<16xi32>
    %sub3A_232 = arith.subi %div3A_225, %mul3A_231 : vector<16xi32>
    %mul3A_233 = arith.constant 2 : i32
    %mul3A_234 = vector.broadcast %mul3A_233 : i32 to vector<16xi32>
    %mul3A_235 = arith.muli %add3A_218, %mul3A_234 : vector<16xi32>
    %gather3A_236 = tpu.vector_load_idx %arg5[%mul3A_235] : memref<28224xf32, #tpu.memory_space<vmem>>[vector<16xi32>], vector<16xf32>,
    %mul3A_237 = arith.constant 2 : i32
    %mul3A_238 = vector.broadcast %mul3A_237 : i32 to vector<16xi32>
    %mul3A_239 = arith.muli %add3A_218, %mul3A_238 : vector<16xi32>
    %add3A_240 = arith.constant 1 : i32
    %add3A_241 = vector.broadcast %add3A_240 : i32 to vector<16xi32>
    %add3A_242 = arith.addi %mul3A_239, %add3A_241 : vector<16xi32>
    %gather3A_243 = tpu.vector_load_idx %arg5[%add3A_242] : memref<28224xf32, #tpu.memory_space<vmem>>[vector<16xi32>], vector<16xf32>,
    %convert_element_type3A_244 = arith.sitofp %sub3A_232 : vector<16xi32> to vector<16xf32>
    %add3A_245 = arith.addf %convert_element_type3A_244, %gather3A_236 : vector<16xf32>
    %max3A_246 = arith.constant 0.000000e+00 : f32
    %max3A_247 = vector.broadcast %max3A_246 : f32 to vector<16xf32>
    %max3A_248 = arith.maximumf %add3A_245, %max3A_247 : vector<16xf32>
    %min3A_249 = arith.constant 2.230000e+02 : f32
    %min3A_250 = vector.broadcast %min3A_249 : f32 to vector<16xf32>
    %min3A_251 = arith.minimumf %max3A_248, %min3A_250 : vector<16xf32>
    %convert_element_type3A_252 = arith.sitofp %div3A_228 : vector<16xi32> to vector<16xf32>
    %add3A_253 = arith.addf %convert_element_type3A_252, %gather3A_243 : vector<16xf32>
    %max3A_254 = arith.constant 0.000000e+00 : f32
    %max3A_255 = vector.broadcast %max3A_254 : f32 to vector<16xf32>
    %max3A_256 = arith.maximumf %add3A_253, %max3A_255 : vector<16xf32>
    %min3A_257 = arith.constant 2.230000e+02 : f32
    %min3A_258 = vector.broadcast %min3A_257 : f32 to vector<16xf32>
    %min3A_259 = arith.minimumf %max3A_256, %min3A_258 : vector<16xf32>
    %convert_element_type3A_260 = arith.fptosi %min3A_251 : vector<16xf32> to vector<16xi32>
    %convert_element_type3A_261 = arith.fptosi %min3A_259 : vector<16xf32> to vector<16xi32>
    %convert_element_type3A_262 = arith.sitofp %convert_element_type3A_260 : vector<16xi32> to vector<16xf32>
    %convert_element_type3A_263 = arith.sitofp %convert_element_type3A_261 : vector<16xi32> to vector<16xf32>
    %add3A_264 = arith.constant 1.000000e+00 : f32
    %add3A_265 = vector.broadcast %add3A_264 : f32 to vector<16xf32>
    %add3A_266 = arith.addf %convert_element_type3A_262, %add3A_265 : vector<16xf32>
    %min3A_267 = arith.constant 2.230000e+02 : f32
    %min3A_268 = vector.broadcast %min3A_267 : f32 to vector<16xf32>
    %min3A_269 = arith.minimumf %add3A_266, %min3A_268 : vector<16xf32>
    %add3A_270 = arith.constant 1.000000e+00 : f32
    %add3A_271 = vector.broadcast %add3A_270 : f32 to vector<16xf32>
    %add3A_272 = arith.addf %convert_element_type3A_263, %add3A_271 : vector<16xf32>
    %min3A_273 = arith.constant 2.230000e+02 : f32
    %min3A_274 = vector.broadcast %min3A_273 : f32 to vector<16xf32>
    %min3A_275 = arith.minimumf %add3A_272, %min3A_274 : vector<16xf32>
    %convert_element_type3A_276 = arith.fptosi %min3A_269 : vector<16xf32> to vector<16xi32>
    %convert_element_type3A_277 = arith.fptosi %min3A_275 : vector<16xf32> to vector<16xi32>
    %sub3A_278 = arith.subf %min3A_269, %min3A_251 : vector<16xf32>
    %sub3A_279 = arith.subf %min3A_251, %convert_element_type3A_262 : vector<16xf32>
    %sub3A_280 = arith.subf %min3A_275, %min3A_259 : vector<16xf32>
    %sub3A_281 = arith.subf %min3A_259, %convert_element_type3A_263 : vector<16xf32>
    %mul3A_282 = arith.constant 224 : i32
    %mul3A_283 = vector.broadcast %mul3A_282 : i32 to vector<16xi32>
    %mul3A_284 = arith.muli %convert_element_type3A_261, %mul3A_283 : vector<16xi32>
    %add3A_285 = arith.addi %mul3A_284, %convert_element_type3A_260 : vector<16xi32>
    %swap3A_286 = arith.constant 0 : i32
    %swap3A_287 = arith.index_cast %swap3A_286 : i32 to index
    %swap3A_288 = arith.constant 32 : index
    %swap3A_289 = tpu.vector_load %arg6[%swap3A_287, %swap3A_288] {strides = array<i32>} : memref<2x48xi32, #tpu.memory_space<vmem>>, vector<16xi32>,
    tpu.vector_store %arg6[%swap3A_287, %swap3A_288], %add3A_285 {strides = array<i32>} : memref<2x48xi32, #tpu.memory_space<vmem>>, vector<16xi32>,
    %mul3A_290 = arith.constant 224 : i32
    %mul3A_291 = vector.broadcast %mul3A_290 : i32 to vector<16xi32>
    %mul3A_292 = arith.muli %convert_element_type3A_277, %mul3A_291 : vector<16xi32>
    %add3A_293 = arith.addi %mul3A_292, %convert_element_type3A_260 : vector<16xi32>
    %swap3A_294 = arith.constant 0 : i32
    %swap3A_295 = arith.index_cast %swap3A_294 : i32 to index
    %swap3A_296 = arith.constant 32 : index
    %swap3A_297 = tpu.vector_load %arg7[%swap3A_295, %swap3A_296] {strides = array<i32>} : memref<2x48xi32, #tpu.memory_space<vmem>>, vector<16xi32>,
    tpu.vector_store %arg7[%swap3A_295, %swap3A_296], %add3A_293 {strides = array<i32>} : memref<2x48xi32, #tpu.memory_space<vmem>>, vector<16xi32>,
    %mul3A_298 = arith.constant 224 : i32
    %mul3A_299 = vector.broadcast %mul3A_298 : i32 to vector<16xi32>
    %mul3A_300 = arith.muli %convert_element_type3A_261, %mul3A_299 : vector<16xi32>
    %add3A_301 = arith.addi %mul3A_300, %convert_element_type3A_276 : vector<16xi32>
    %swap3A_302 = arith.constant 0 : i32
    %swap3A_303 = arith.index_cast %swap3A_302 : i32 to index
    %swap3A_304 = arith.constant 32 : index
    %swap3A_305 = tpu.vector_load %arg8[%swap3A_303, %swap3A_304] {strides = array<i32>} : memref<2x48xi32, #tpu.memory_space<vmem>>, vector<16xi32>,
    tpu.vector_store %arg8[%swap3A_303, %swap3A_304], %add3A_301 {strides = array<i32>} : memref<2x48xi32, #tpu.memory_space<vmem>>, vector<16xi32>,
    %mul3A_306 = arith.constant 224 : i32
    %mul3A_307 = vector.broadcast %mul3A_306 : i32 to vector<16xi32>
    %mul3A_308 = arith.muli %convert_element_type3A_277, %mul3A_307 : vector<16xi32>
    %add3A_309 = arith.addi %mul3A_308, %convert_element_type3A_276 : vector<16xi32>
    %swap3A_310 = arith.constant 0 : i32
    %swap3A_311 = arith.index_cast %swap3A_310 : i32 to index
    %swap3A_312 = arith.constant 32 : index
    %swap3A_313 = tpu.vector_load %arg9[%swap3A_311, %swap3A_312] {strides = array<i32>} : memref<2x48xi32, #tpu.memory_space<vmem>>, vector<16xi32>,
    tpu.vector_store %arg9[%swap3A_311, %swap3A_312], %add3A_309 {strides = array<i32>} : memref<2x48xi32, #tpu.memory_space<vmem>>, vector<16xi32>,
    %mul3A_314 = arith.mulf %sub3A_278, %sub3A_280 : vector<16xf32>
    %swap3A_315 = arith.constant 32 : index
    %swap3A_316 = tpu.vector_load %arg10[%swap3A_315] {strides = array<i32>} : memref<96xf32, #tpu.memory_space<vmem>>, vector<16xf32>,
    tpu.vector_store %arg10[%swap3A_315], %mul3A_314 {strides = array<i32>} : memref<96xf32, #tpu.memory_space<vmem>>, vector<16xf32>,
    %mul3A_317 = arith.mulf %sub3A_278, %sub3A_281 : vector<16xf32>
    %swap3A_318 = arith.constant 32 : index
    %swap3A_319 = tpu.vector_load %arg11[%swap3A_318] {strides = array<i32>} : memref<96xf32, #tpu.memory_space<vmem>>, vector<16xf32>,
    tpu.vector_store %arg11[%swap3A_318], %mul3A_317 {strides = array<i32>} : memref<96xf32, #tpu.memory_space<vmem>>, vector<16xf32>,
    %mul3A_320 = arith.mulf %sub3A_279, %sub3A_280 : vector<16xf32>
    %swap3A_321 = arith.constant 32 : index
    %swap3A_322 = tpu.vector_load %arg12[%swap3A_321] {strides = array<i32>} : memref<96xf32, #tpu.memory_space<vmem>>, vector<16xf32>,
    tpu.vector_store %arg12[%swap3A_321], %mul3A_320 {strides = array<i32>} : memref<96xf32, #tpu.memory_space<vmem>>, vector<16xf32>,
    %mul3A_323 = arith.mulf %sub3A_279, %sub3A_281 : vector<16xf32>
    %swap3A_324 = arith.constant 32 : index
    %swap3A_325 = tpu.vector_load %arg13[%swap3A_324] {strides = array<i32>} : memref<96xf32, #tpu.memory_space<vmem>>, vector<16xf32>,
    tpu.vector_store %arg13[%swap3A_324], %mul3A_323 {strides = array<i32>} : memref<96xf32, #tpu.memory_space<vmem>>, vector<16xf32>,
    %dma_start3A = arith.constant 0 : i32
    %dma_start3A_326 = arith.constant 0 : i32
    %dma_start3A_327 = arith.constant 0 : i32
    %dma_start3A_328 = arith.constant 0 : i32
    %dma_start3A_329 = tpu.memref_slice %arg14[%dma_start3A_326, %dma_start3A_327, %dma_start3A_328] : memref<2x48x128xf32, #tpu.memory_space<vmem>> -> memref<1x48x128xf32, #tpu.memory_space<vmem>>
    %dma_start3A_330 = tpu.memref_squeeze %dma_start3A_329 : memref<1x48x128xf32, #tpu.memory_space<vmem>> -> memref<48x128xf32, #tpu.memory_space<vmem>>
    %dma_start3A_331 = arith.constant 0 : i32
    %dma_start3A_332 = tpu.memref_slice %arg6[%dma_start3A, %dma_start3A_331] : memref<2x48xi32, #tpu.memory_space<vmem>> -> memref<1x48xi32, #tpu.memory_space<vmem>>
    %dma_start3A_333 = tpu.memref_squeeze %dma_start3A_332 : memref<1x48xi32, #tpu.memory_space<vmem>> -> memref<48xi32, #tpu.memory_space<vmem>>
    %dma_start3A_334 = arith.constant 0 : i32
    %dma_start3A_335 = arith.constant 0 : i32
    %dma_start3A_336 = tpu.memref_slice %arg3[%dma_start3A_334, %dma_start3A_335] : memref<50176x128xf32, #tpu.memory_space<hbm>> -> memref<50176x128xf32, #tpu.memory_space<hbm>>
    tpu.enqueue_indirect_dma source(%dma_start3A_336 : memref<50176x128xf32, #tpu.memory_space<hbm>>) target(%dma_start3A_330 : memref<48x128xf32, #tpu.memory_space<vmem>>) offsets(%dma_start3A_333 : memref<48xi32, #tpu.memory_space<vmem>>) semaphore(%arg19 : memref<!tpu.dma_semaphore, #tpu.memory_space<semaphore_mem>>)
    %dma_start3A_337 = arith.constant 0 : i32
    %dma_start3A_338 = arith.constant 0 : i32
    %dma_start3A_339 = arith.constant 0 : i32
    %dma_start3A_340 = arith.constant 0 : i32
    %dma_start3A_341 = tpu.memref_slice %arg15[%dma_start3A_338, %dma_start3A_339, %dma_start3A_340] : memref<2x48x128xf32, #tpu.memory_space<vmem>> -> memref<1x48x128xf32, #tpu.memory_space<vmem>>
    %dma_start3A_342 = tpu.memref_squeeze %dma_start3A_341 : memref<1x48x128xf32, #tpu.memory_space<vmem>> -> memref<48x128xf32, #tpu.memory_space<vmem>>
    %dma_start3A_343 = arith.constant 0 : i32
    %dma_start3A_344 = tpu.memref_slice %arg7[%dma_start3A_337, %dma_start3A_343] : memref<2x48xi32, #tpu.memory_space<vmem>> -> memref<1x48xi32, #tpu.memory_space<vmem>>
    %dma_start3A_345 = tpu.memref_squeeze %dma_start3A_344 : memref<1x48xi32, #tpu.memory_space<vmem>> -> memref<48xi32, #tpu.memory_space<vmem>>
    %dma_start3A_346 = arith.constant 0 : i32
    %dma_start3A_347 = arith.constant 0 : i32
    %dma_start3A_348 = tpu.memref_slice %arg3[%dma_start3A_346, %dma_start3A_347] : memref<50176x128xf32, #tpu.memory_space<hbm>> -> memref<50176x128xf32, #tpu.memory_space<hbm>>
    tpu.enqueue_indirect_dma source(%dma_start3A_348 : memref<50176x128xf32, #tpu.memory_space<hbm>>) target(%dma_start3A_342 : memref<48x128xf32, #tpu.memory_space<vmem>>) offsets(%dma_start3A_345 : memref<48xi32, #tpu.memory_space<vmem>>) semaphore(%arg19 : memref<!tpu.dma_semaphore, #tpu.memory_space<semaphore_mem>>)
    %dma_start3A_349 = arith.constant 0 : i32
    %dma_start3A_350 = arith.constant 0 : i32
    %dma_start3A_351 = arith.constant 0 : i32
    %dma_start3A_352 = arith.constant 0 : i32
    %dma_start3A_353 = tpu.memref_slice %arg16[%dma_start3A_350, %dma_start3A_351, %dma_start3A_352] : memref<2x48x128xf32, #tpu.memory_space<vmem>> -> memref<1x48x128xf32, #tpu.memory_space<vmem>>
    %dma_start3A_354 = tpu.memref_squeeze %dma_start3A_353 : memref<1x48x128xf32, #tpu.memory_space<vmem>> -> memref<48x128xf32, #tpu.memory_space<vmem>>
    %dma_start3A_355 = arith.constant 0 : i32
    %dma_start3A_356 = tpu.memref_slice %arg8[%dma_start3A_349, %dma_start3A_355] : memref<2x48xi32, #tpu.memory_space<vmem>> -> memref<1x48xi32, #tpu.memory_space<vmem>>
    %dma_start3A_357 = tpu.memref_squeeze %dma_start3A_356 : memref<1x48xi32, #tpu.memory_space<vmem>> -> memref<48xi32, #tpu.memory_space<vmem>>
    %dma_start3A_358 = arith.constant 0 : i32
    %dma_start3A_359 = arith.constant 0 : i32
    %dma_start3A_360 = tpu.memref_slice %arg3[%dma_start3A_358, %dma_start3A_359] : memref<50176x128xf32, #tpu.memory_space<hbm>> -> memref<50176x128xf32, #tpu.memory_space<hbm>>
    tpu.enqueue_indirect_dma source(%dma_start3A_360 : memref<50176x128xf32, #tpu.memory_space<hbm>>) target(%dma_start3A_354 : memref<48x128xf32, #tpu.memory_space<vmem>>) offsets(%dma_start3A_357 : memref<48xi32, #tpu.memory_space<vmem>>) semaphore(%arg19 : memref<!tpu.dma_semaphore, #tpu.memory_space<semaphore_mem>>)
    %dma_start3A_361 = arith.constant 0 : i32
    %dma_start3A_362 = arith.constant 0 : i32
    %dma_start3A_363 = arith.constant 0 : i32
    %dma_start3A_364 = arith.constant 0 : i32
    %dma_start3A_365 = tpu.memref_slice %arg17[%dma_start3A_362, %dma_start3A_363, %dma_start3A_364] : memref<2x48x128xf32, #tpu.memory_space<vmem>> -> memref<1x48x128xf32, #tpu.memory_space<vmem>>
    %dma_start3A_366 = tpu.memref_squeeze %dma_start3A_365 : memref<1x48x128xf32, #tpu.memory_space<vmem>> -> memref<48x128xf32, #tpu.memory_space<vmem>>
    %dma_start3A_367 = arith.constant 0 : i32
    %dma_start3A_368 = tpu.memref_slice %arg9[%dma_start3A_361, %dma_start3A_367] : memref<2x48xi32, #tpu.memory_space<vmem>> -> memref<1x48xi32, #tpu.memory_space<vmem>>
    %dma_start3A_369 = tpu.memref_squeeze %dma_start3A_368 : memref<1x48xi32, #tpu.memory_space<vmem>> -> memref<48xi32, #tpu.memory_space<vmem>>
    %dma_start3A_370 = arith.constant 0 : i32
    %dma_start3A_371 = arith.constant 0 : i32
    %dma_start3A_372 = tpu.memref_slice %arg3[%dma_start3A_370, %dma_start3A_371] : memref<50176x128xf32, #tpu.memory_space<hbm>> -> memref<50176x128xf32, #tpu.memory_space<hbm>>
    tpu.enqueue_indirect_dma source(%dma_start3A_372 : memref<50176x128xf32, #tpu.memory_space<hbm>>) target(%dma_start3A_366 : memref<48x128xf32, #tpu.memory_space<vmem>>) offsets(%dma_start3A_369 : memref<48xi32, #tpu.memory_space<vmem>>) semaphore(%arg19 : memref<!tpu.dma_semaphore, #tpu.memory_space<semaphore_mem>>)
    %scan3A = arith.constant 0 : i32
    %scan3A_373 = arith.constant 2.230000e+02 : f32
    %scan3A_374 = arith.constant 0 : i32
    %scan3A_375 = arith.constant 147 : i32
    %scan3A_376 = arith.addi %scan3A_374, %scan3A_375 : i32
    %scan3A_377 = arith.constant 1 : i32
    scf.for %scan3A_408 = %scan3A_374 to %scan3A_376 step %scan3A_377  : i32 {
      %mul3A_409 = arith.constant 2 : i32
      %mul3A_410 = arith.muli %mul3A_409, %scan3A_408 : i32
      %add3A_411 = arith.constant 1 : i32
      %add3A_412 = arith.addi %mul3A_410, %add3A_411 : i32
      %mul3A_413 = arith.constant 48 : i32
      %mul3A_414 = arith.muli %add3A_412, %mul3A_413 : i32
      %add3A_415 = arith.constant 0 : i32
      %add3A_416 = arith.addi %mul3A_414, %add3A_415 : i32
      %add3A_417 = vector.broadcast %add3A_416 : i32 to vector<16xi32>
      %add3A_418 = arith.addi %add3A_417, %iota3A : vector<16xi32>
      %mul3A_419 = arith.constant 14112 : i32
      %mul3A_420 = arith.muli %add3A, %mul3A_419 : i32
      %add3A_421 = vector.broadcast %mul3A_420 : i32 to vector<16xi32>
      %add3A_422 = arith.addi %add3A_421, %add3A_418 : vector<16xi32>
      %div3A_423 = arith.constant 9 : i32
      %div3A_424 = vector.broadcast %div3A_423 : i32 to vector<16xi32>
      %div3A_425 = arith.divsi %add3A_422, %div3A_424 : vector<16xi32>
      %div3A_426 = arith.constant 224 : i32
      %div3A_427 = vector.broadcast %div3A_426 : i32 to vector<16xi32>
      %div3A_428 = arith.divsi %div3A_425, %div3A_427 : vector<16xi32>
      %mul3A_429 = arith.constant 224 : i32
      %mul3A_430 = vector.broadcast %mul3A_429 : i32 to vector<16xi32>
      %mul3A_431 = arith.muli %div3A_428, %mul3A_430 : vector<16xi32>
      %sub3A_432 = arith.subi %div3A_425, %mul3A_431 : vector<16xi32>
      %mul3A_433 = arith.constant 2 : i32
      %mul3A_434 = vector.broadcast %mul3A_433 : i32 to vector<16xi32>
      %mul3A_435 = arith.muli %add3A_418, %mul3A_434 : vector<16xi32>
      %gather3A_436 = tpu.vector_load_idx %arg5[%mul3A_435] : memref<28224xf32, #tpu.memory_space<vmem>>[vector<16xi32>], vector<16xf32>,
      %mul3A_437 = arith.constant 2 : i32
      %mul3A_438 = vector.broadcast %mul3A_437 : i32 to vector<16xi32>
      %mul3A_439 = arith.muli %add3A_418, %mul3A_438 : vector<16xi32>
      %add3A_440 = arith.constant 1 : i32
      %add3A_441 = vector.broadcast %add3A_440 : i32 to vector<16xi32>
      %add3A_442 = arith.addi %mul3A_439, %add3A_441 : vector<16xi32>
      %gather3A_443 = tpu.vector_load_idx %arg5[%add3A_442] : memref<28224xf32, #tpu.memory_space<vmem>>[vector<16xi32>], vector<16xf32>,
      %convert_element_type3A_444 = arith.sitofp %sub3A_432 : vector<16xi32> to vector<16xf32>
      %add3A_445 = arith.addf %convert_element_type3A_444, %gather3A_436 : vector<16xf32>
      %max3A_446 = arith.constant 0.000000e+00 : f32
      %max3A_447 = vector.broadcast %max3A_446 : f32 to vector<16xf32>
      %max3A_448 = arith.maximumf %add3A_445, %max3A_447 : vector<16xf32>
      %min3A_449 = vector.broadcast %scan3A_373 : f32 to vector<16xf32>
      %min3A_450 = arith.minimumf %max3A_448, %min3A_449 : vector<16xf32>
      %convert_element_type3A_451 = arith.sitofp %div3A_428 : vector<16xi32> to vector<16xf32>
      %add3A_452 = arith.addf %convert_element_type3A_451, %gather3A_443 : vector<16xf32>
      %max3A_453 = arith.constant 0.000000e+00 : f32
      %max3A_454 = vector.broadcast %max3A_453 : f32 to vector<16xf32>
      %max3A_455 = arith.maximumf %add3A_452, %max3A_454 : vector<16xf32>
      %min3A_456 = vector.broadcast %scan3A_373 : f32 to vector<16xf32>
      %min3A_457 = arith.minimumf %max3A_455, %min3A_456 : vector<16xf32>
      %convert_element_type3A_458 = arith.fptosi %min3A_450 : vector<16xf32> to vector<16xi32>
      %convert_element_type3A_459 = arith.fptosi %min3A_457 : vector<16xf32> to vector<16xi32>
      %convert_element_type3A_460 = arith.sitofp %convert_element_type3A_458 : vector<16xi32> to vector<16xf32>
      %convert_element_type3A_461 = arith.sitofp %convert_element_type3A_459 : vector<16xi32> to vector<16xf32>
      %add3A_462 = arith.constant 1.000000e+00 : f32
      %add3A_463 = vector.broadcast %add3A_462 : f32 to vector<16xf32>
      %add3A_464 = arith.addf %convert_element_type3A_460, %add3A_463 : vector<16xf32>
      %min3A_465 = vector.broadcast %scan3A_373 : f32 to vector<16xf32>
      %min3A_466 = arith.minimumf %add3A_464, %min3A_465 : vector<16xf32>
      %add3A_467 = arith.constant 1.000000e+00 : f32
      %add3A_468 = vector.broadcast %add3A_467 : f32 to vector<16xf32>
      %add3A_469 = arith.addf %convert_element_type3A_461, %add3A_468 : vector<16xf32>
      %min3A_470 = vector.broadcast %scan3A_373 : f32 to vector<16xf32>
      %min3A_471 = arith.minimumf %add3A_469, %min3A_470 : vector<16xf32>
      %convert_element_type3A_472 = arith.fptosi %min3A_466 : vector<16xf32> to vector<16xi32>
      %convert_element_type3A_473 = arith.fptosi %min3A_471 : vector<16xf32> to vector<16xi32>
      %sub3A_474 = arith.subf %min3A_466, %min3A_450 : vector<16xf32>
      %sub3A_475 = arith.subf %min3A_450, %convert_element_type3A_460 : vector<16xf32>
      %sub3A_476 = arith.subf %min3A_471, %min3A_457 : vector<16xf32>
      %sub3A_477 = arith.subf %min3A_457, %convert_element_type3A_461 : vector<16xf32>
      %mul3A_478 = arith.constant 224 : i32
      %mul3A_479 = vector.broadcast %mul3A_478 : i32 to vector<16xi32>
      %mul3A_480 = arith.muli %convert_element_type3A_459, %mul3A_479 : vector<16xi32>
      %add3A_481 = arith.addi %mul3A_480, %convert_element_type3A_458 : vector<16xi32>
      %swap3A_482 = arith.constant 1 : i32
      %swap3A_483 = arith.index_cast %swap3A_482 : i32 to index
      %swap3A_484 = arith.constant 0 : index
      %swap3A_485 = tpu.vector_load %arg6[%swap3A_483, %swap3A_484] {strides = array<i32>} : memref<2x48xi32, #tpu.memory_space<vmem>>, vector<16xi32>,
      tpu.vector_store %arg6[%swap3A_483, %swap3A_484], %add3A_481 {strides = array<i32>} : memref<2x48xi32, #tpu.memory_space<vmem>>, vector<16xi32>,
      %mul3A_486 = arith.constant 224 : i32
      %mul3A_487 = vector.broadcast %mul3A_486 : i32 to vector<16xi32>
      %mul3A_488 = arith.muli %convert_element_type3A_473, %mul3A_487 : vector<16xi32>
      %add3A_489 = arith.addi %mul3A_488, %convert_element_type3A_458 : vector<16xi32>
      %swap3A_490 = arith.constant 1 : i32
      %swap3A_491 = arith.index_cast %swap3A_490 : i32 to index
      %swap3A_492 = arith.constant 0 : index
      %swap3A_493 = tpu.vector_load %arg7[%swap3A_491, %swap3A_492] {strides = array<i32>} : memref<2x48xi32, #tpu.memory_space<vmem>>, vector<16xi32>,
      tpu.vector_store %arg7[%swap3A_491, %swap3A_492], %add3A_489 {strides = array<i32>} : memref<2x48xi32, #tpu.memory_space<vmem>>, vector<16xi32>,
      %mul3A_494 = arith.constant 224 : i32
      %mul3A_495 = vector.broadcast %mul3A_494 : i32 to vector<16xi32>
      %mul3A_496 = arith.muli %convert_element_type3A_459, %mul3A_495 : vector<16xi32>
      %add3A_497 = arith.addi %mul3A_496, %convert_element_type3A_472 : vector<16xi32>
      %swap3A_498 = arith.constant 1 : i32
      %swap3A_499 = arith.index_cast %swap3A_498 : i32 to index
      %swap3A_500 = arith.constant 0 : index
      %swap3A_501 = tpu.vector_load %arg8[%swap3A_499, %swap3A_500] {strides = array<i32>} : memref<2x48xi32, #tpu.memory_space<vmem>>, vector<16xi32>,
      tpu.vector_store %arg8[%swap3A_499, %swap3A_500], %add3A_497 {strides = array<i32>} : memref<2x48xi32, #tpu.memory_space<vmem>>, vector<16xi32>,
      %mul3A_502 = arith.constant 224 : i32
      %mul3A_503 = vector.broadcast %mul3A_502 : i32 to vector<16xi32>
      %mul3A_504 = arith.muli %convert_element_type3A_473, %mul3A_503 : vector<16xi32>
      %add3A_505 = arith.addi %mul3A_504, %convert_element_type3A_472 : vector<16xi32>
      %swap3A_506 = arith.constant 1 : i32
      %swap3A_507 = arith.index_cast %swap3A_506 : i32 to index
      %swap3A_508 = arith.constant 0 : index
      %swap3A_509 = tpu.vector_load %arg9[%swap3A_507, %swap3A_508] {strides = array<i32>} : memref<2x48xi32, #tpu.memory_space<vmem>>, vector<16xi32>,
      tpu.vector_store %arg9[%swap3A_507, %swap3A_508], %add3A_505 {strides = array<i32>} : memref<2x48xi32, #tpu.memory_space<vmem>>, vector<16xi32>,
      %mul3A_510 = arith.mulf %sub3A_474, %sub3A_476 : vector<16xf32>
      %swap3A_511 = arith.constant 48 : index
      %swap3A_512 = tpu.vector_load %arg10[%swap3A_511] {strides = array<i32>} : memref<96xf32, #tpu.memory_space<vmem>>, vector<16xf32>,
      tpu.vector_store %arg10[%swap3A_511], %mul3A_510 {strides = array<i32>} : memref<96xf32, #tpu.memory_space<vmem>>, vector<16xf32>,
      %mul3A_513 = arith.mulf %sub3A_474, %sub3A_477 : vector<16xf32>
      %swap3A_514 = arith.constant 48 : index
      %swap3A_515 = tpu.vector_load %arg11[%swap3A_514] {strides = array<i32>} : memref<96xf32, #tpu.memory_space<vmem>>, vector<16xf32>,
      tpu.vector_store %arg11[%swap3A_514], %mul3A_513 {strides = array<i32>} : memref<96xf32, #tpu.memory_space<vmem>>, vector<16xf32>,
      %mul3A_516 = arith.mulf %sub3A_475, %sub3A_476 : vector<16xf32>
      %swap3A_517 = arith.constant 48 : index
      %swap3A_518 = tpu.vector_load %arg12[%swap3A_517] {strides = array<i32>} : memref<96xf32, #tpu.memory_space<vmem>>, vector<16xf32>,
      tpu.vector_store %arg12[%swap3A_517], %mul3A_516 {strides = array<i32>} : memref<96xf32, #tpu.memory_space<vmem>>, vector<16xf32>,
      %mul3A_519 = arith.mulf %sub3A_475, %sub3A_477 : vector<16xf32>
      %swap3A_520 = arith.constant 48 : index
      %swap3A_521 = tpu.vector_load %arg13[%swap3A_520] {strides = array<i32>} : memref<96xf32, #tpu.memory_space<vmem>>, vector<16xf32>,
      tpu.vector_store %arg13[%swap3A_520], %mul3A_519 {strides = array<i32>} : memref<96xf32, #tpu.memory_space<vmem>>, vector<16xf32>,
      %mul3A_522 = arith.constant 48 : i32
      %mul3A_523 = arith.muli %add3A_412, %mul3A_522 : i32
      %add3A_524 = arith.constant 16 : i32
      %add3A_525 = arith.addi %mul3A_523, %add3A_524 : i32
      %add3A_526 = vector.broadcast %add3A_525 : i32 to vector<16xi32>
      %add3A_527 = arith.addi %add3A_526, %iota3A : vector<16xi32>
      %mul3A_528 = arith.constant 14112 : i32
      %mul3A_529 = arith.muli %add3A, %mul3A_528 : i32
      %add3A_530 = vector.broadcast %mul3A_529 : i32 to vector<16xi32>
      %add3A_531 = arith.addi %add3A_530, %add3A_527 : vector<16xi32>
      %div3A_532 = arith.constant 9 : i32
      %div3A_533 = vector.broadcast %div3A_532 : i32 to vector<16xi32>
      %div3A_534 = arith.divsi %add3A_531, %div3A_533 : vector<16xi32>
      %div3A_535 = arith.constant 224 : i32
      %div3A_536 = vector.broadcast %div3A_535 : i32 to vector<16xi32>
      %div3A_537 = arith.divsi %div3A_534, %div3A_536 : vector<16xi32>
      %mul3A_538 = arith.constant 224 : i32
      %mul3A_539 = vector.broadcast %mul3A_538 : i32 to vector<16xi32>
      %mul3A_540 = arith.muli %div3A_537, %mul3A_539 : vector<16xi32>
      %sub3A_541 = arith.subi %div3A_534, %mul3A_540 : vector<16xi32>
      %mul3A_542 = arith.constant 2 : i32
      %mul3A_543 = vector.broadcast %mul3A_542 : i32 to vector<16xi32>
      %mul3A_544 = arith.muli %add3A_527, %mul3A_543 : vector<16xi32>
      %gather3A_545 = tpu.vector_load_idx %arg5[%mul3A_544] : memref<28224xf32, #tpu.memory_space<vmem>>[vector<16xi32>], vector<16xf32>,
      %mul3A_546 = arith.constant 2 : i32
      %mul3A_547 = vector.broadcast %mul3A_546 : i32 to vector<16xi32>
      %mul3A_548 = arith.muli %add3A_527, %mul3A_547 : vector<16xi32>
      %add3A_549 = arith.constant 1 : i32
      %add3A_550 = vector.broadcast %add3A_549 : i32 to vector<16xi32>
      %add3A_551 = arith.addi %mul3A_548, %add3A_550 : vector<16xi32>
      %gather3A_552 = tpu.vector_load_idx %arg5[%add3A_551] : memref<28224xf32, #tpu.memory_space<vmem>>[vector<16xi32>], vector<16xf32>,
      %convert_element_type3A_553 = arith.sitofp %sub3A_541 : vector<16xi32> to vector<16xf32>
      %add3A_554 = arith.addf %convert_element_type3A_553, %gather3A_545 : vector<16xf32>
      %max3A_555 = arith.constant 0.000000e+00 : f32
      %max3A_556 = vector.broadcast %max3A_555 : f32 to vector<16xf32>
      %max3A_557 = arith.maximumf %add3A_554, %max3A_556 : vector<16xf32>
      %min3A_558 = vector.broadcast %scan3A_373 : f32 to vector<16xf32>
      %min3A_559 = arith.minimumf %max3A_557, %min3A_558 : vector<16xf32>
      %convert_element_type3A_560 = arith.sitofp %div3A_537 : vector<16xi32> to vector<16xf32>
      %add3A_561 = arith.addf %convert_element_type3A_560, %gather3A_552 : vector<16xf32>
      %max3A_562 = arith.constant 0.000000e+00 : f32
      %max3A_563 = vector.broadcast %max3A_562 : f32 to vector<16xf32>
      %max3A_564 = arith.maximumf %add3A_561, %max3A_563 : vector<16xf32>
      %min3A_565 = vector.broadcast %scan3A_373 : f32 to vector<16xf32>
      %min3A_566 = arith.minimumf %max3A_564, %min3A_565 : vector<16xf32>
      %convert_element_type3A_567 = arith.fptosi %min3A_559 : vector<16xf32> to vector<16xi32>
      %convert_element_type3A_568 = arith.fptosi %min3A_566 : vector<16xf32> to vector<16xi32>
      %convert_element_type3A_569 = arith.sitofp %convert_element_type3A_567 : vector<16xi32> to vector<16xf32>
      %convert_element_type3A_570 = arith.sitofp %convert_element_type3A_568 : vector<16xi32> to vector<16xf32>
      %add3A_571 = arith.constant 1.000000e+00 : f32
      %add3A_572 = vector.broadcast %add3A_571 : f32 to vector<16xf32>
      %add3A_573 = arith.addf %convert_element_type3A_569, %add3A_572 : vector<16xf32>
      %min3A_574 = vector.broadcast %scan3A_373 : f32 to vector<16xf32>
      %min3A_575 = arith.minimumf %add3A_573, %min3A_574 : vector<16xf32>
      %add3A_576 = arith.constant 1.000000e+00 : f32
      %add3A_577 = vector.broadcast %add3A_576 : f32 to vector<16xf32>
      %add3A_578 = arith.addf %convert_element_type3A_570, %add3A_577 : vector<16xf32>
      %min3A_579 = vector.broadcast %scan3A_373 : f32 to vector<16xf32>
      %min3A_580 = arith.minimumf %add3A_578, %min3A_579 : vector<16xf32>
      %convert_element_type3A_581 = arith.fptosi %min3A_575 : vector<16xf32> to vector<16xi32>
      %convert_element_type3A_582 = arith.fptosi %min3A_580 : vector<16xf32> to vector<16xi32>
      %sub3A_583 = arith.subf %min3A_575, %min3A_559 : vector<16xf32>
      %sub3A_584 = arith.subf %min3A_559, %convert_element_type3A_569 : vector<16xf32>
      %sub3A_585 = arith.subf %min3A_580, %min3A_566 : vector<16xf32>
      %sub3A_586 = arith.subf %min3A_566, %convert_element_type3A_570 : vector<16xf32>
      %mul3A_587 = arith.constant 224 : i32
      %mul3A_588 = vector.broadcast %mul3A_587 : i32 to vector<16xi32>
      %mul3A_589 = arith.muli %convert_element_type3A_568, %mul3A_588 : vector<16xi32>
      %add3A_590 = arith.addi %mul3A_589, %convert_element_type3A_567 : vector<16xi32>
      %swap3A_591 = arith.constant 1 : i32
      %swap3A_592 = arith.index_cast %swap3A_591 : i32 to index
      %swap3A_593 = arith.constant 16 : index
      %swap3A_594 = tpu.vector_load %arg6[%swap3A_592, %swap3A_593] {strides = array<i32>} : memref<2x48xi32, #tpu.memory_space<vmem>>, vector<16xi32>,
      tpu.vector_store %arg6[%swap3A_592, %swap3A_593], %add3A_590 {strides = array<i32>} : memref<2x48xi32, #tpu.memory_space<vmem>>, vector<16xi32>,
      %mul3A_595 = arith.constant 224 : i32
      %mul3A_596 = vector.broadcast %mul3A_595 : i32 to vector<16xi32>
      %mul3A_597 = arith.muli %convert_element_type3A_582, %mul3A_596 : vector<16xi32>
      %add3A_598 = arith.addi %mul3A_597, %convert_element_type3A_567 : vector<16xi32>
      %swap3A_599 = arith.constant 1 : i32
      %swap3A_600 = arith.index_cast %swap3A_599 : i32 to index
      %swap3A_601 = arith.constant 16 : index
      %swap3A_602 = tpu.vector_load %arg7[%swap3A_600, %swap3A_601] {strides = array<i32>} : memref<2x48xi32, #tpu.memory_space<vmem>>, vector<16xi32>,
      tpu.vector_store %arg7[%swap3A_600, %swap3A_601], %add3A_598 {strides = array<i32>} : memref<2x48xi32, #tpu.memory_space<vmem>>, vector<16xi32>,
      %mul3A_603 = arith.constant 224 : i32
      %mul3A_604 = vector.broadcast %mul3A_603 : i32 to vector<16xi32>
      %mul3A_605 = arith.muli %convert_element_type3A_568, %mul3A_604 : vector<16xi32>
      %add3A_606 = arith.addi %mul3A_605, %convert_element_type3A_581 : vector<16xi32>
      %swap3A_607 = arith.constant 1 : i32
      %swap3A_608 = arith.index_cast %swap3A_607 : i32 to index
      %swap3A_609 = arith.constant 16 : index
      %swap3A_610 = tpu.vector_load %arg8[%swap3A_608, %swap3A_609] {strides = array<i32>} : memref<2x48xi32, #tpu.memory_space<vmem>>, vector<16xi32>,
      tpu.vector_store %arg8[%swap3A_608, %swap3A_609], %add3A_606 {strides = array<i32>} : memref<2x48xi32, #tpu.memory_space<vmem>>, vector<16xi32>,
      %mul3A_611 = arith.constant 224 : i32
      %mul3A_612 = vector.broadcast %mul3A_611 : i32 to vector<16xi32>
      %mul3A_613 = arith.muli %convert_element_type3A_582, %mul3A_612 : vector<16xi32>
      %add3A_614 = arith.addi %mul3A_613, %convert_element_type3A_581 : vector<16xi32>
      %swap3A_615 = arith.constant 1 : i32
      %swap3A_616 = arith.index_cast %swap3A_615 : i32 to index
      %swap3A_617 = arith.constant 16 : index
      %swap3A_618 = tpu.vector_load %arg9[%swap3A_616, %swap3A_617] {strides = array<i32>} : memref<2x48xi32, #tpu.memory_space<vmem>>, vector<16xi32>,
      tpu.vector_store %arg9[%swap3A_616, %swap3A_617], %add3A_614 {strides = array<i32>} : memref<2x48xi32, #tpu.memory_space<vmem>>, vector<16xi32>,
      %mul3A_619 = arith.mulf %sub3A_583, %sub3A_585 : vector<16xf32>
      %swap3A_620 = arith.constant 64 : index
      %swap3A_621 = tpu.vector_load %arg10[%swap3A_620] {strides = array<i32>} : memref<96xf32, #tpu.memory_space<vmem>>, vector<16xf32>,
      tpu.vector_store %arg10[%swap3A_620], %mul3A_619 {strides = array<i32>} : memref<96xf32, #tpu.memory_space<vmem>>, vector<16xf32>,
      %mul3A_622 = arith.mulf %sub3A_583, %sub3A_586 : vector<16xf32>
      %swap3A_623 = arith.constant 64 : index
      %swap3A_624 = tpu.vector_load %arg11[%swap3A_623] {strides = array<i32>} : memref<96xf32, #tpu.memory_space<vmem>>, vector<16xf32>,
      tpu.vector_store %arg11[%swap3A_623], %mul3A_622 {strides = array<i32>} : memref<96xf32, #tpu.memory_space<vmem>>, vector<16xf32>,
      %mul3A_625 = arith.mulf %sub3A_584, %sub3A_585 : vector<16xf32>
      %swap3A_626 = arith.constant 64 : index
      %swap3A_627 = tpu.vector_load %arg12[%swap3A_626] {strides = array<i32>} : memref<96xf32, #tpu.memory_space<vmem>>, vector<16xf32>,
      tpu.vector_store %arg12[%swap3A_626], %mul3A_625 {strides = array<i32>} : memref<96xf32, #tpu.memory_space<vmem>>, vector<16xf32>,
      %mul3A_628 = arith.mulf %sub3A_584, %sub3A_586 : vector<16xf32>
      %swap3A_629 = arith.constant 64 : index
      %swap3A_630 = tpu.vector_load %arg13[%swap3A_629] {strides = array<i32>} : memref<96xf32, #tpu.memory_space<vmem>>, vector<16xf32>,
      tpu.vector_store %arg13[%swap3A_629], %mul3A_628 {strides = array<i32>} : memref<96xf32, #tpu.memory_space<vmem>>, vector<16xf32>,
      %mul3A_631 = arith.constant 48 : i32
      %mul3A_632 = arith.muli %add3A_412, %mul3A_631 : i32
      %add3A_633 = arith.constant 32 : i32
      %add3A_634 = arith.addi %mul3A_632, %add3A_633 : i32
      %add3A_635 = vector.broadcast %add3A_634 : i32 to vector<16xi32>
      %add3A_636 = arith.addi %add3A_635, %iota3A : vector<16xi32>
      %mul3A_637 = arith.constant 14112 : i32
      %mul3A_638 = arith.muli %add3A, %mul3A_637 : i32
      %add3A_639 = vector.broadcast %mul3A_638 : i32 to vector<16xi32>
      %add3A_640 = arith.addi %add3A_639, %add3A_636 : vector<16xi32>
      %div3A_641 = arith.constant 9 : i32
      %div3A_642 = vector.broadcast %div3A_641 : i32 to vector<16xi32>
      %div3A_643 = arith.divsi %add3A_640, %div3A_642 : vector<16xi32>
      %div3A_644 = arith.constant 224 : i32
      %div3A_645 = vector.broadcast %div3A_644 : i32 to vector<16xi32>
      %div3A_646 = arith.divsi %div3A_643, %div3A_645 : vector<16xi32>
      %mul3A_647 = arith.constant 224 : i32
      %mul3A_648 = vector.broadcast %mul3A_647 : i32 to vector<16xi32>
      %mul3A_649 = arith.muli %div3A_646, %mul3A_648 : vector<16xi32>
      %sub3A_650 = arith.subi %div3A_643, %mul3A_649 : vector<16xi32>
      %mul3A_651 = arith.constant 2 : i32
      %mul3A_652 = vector.broadcast %mul3A_651 : i32 to vector<16xi32>
      %mul3A_653 = arith.muli %add3A_636, %mul3A_652 : vector<16xi32>
      %gather3A_654 = tpu.vector_load_idx %arg5[%mul3A_653] : memref<28224xf32, #tpu.memory_space<vmem>>[vector<16xi32>], vector<16xf32>,
      %mul3A_655 = arith.constant 2 : i32
      %mul3A_656 = vector.broadcast %mul3A_655 : i32 to vector<16xi32>
      %mul3A_657 = arith.muli %add3A_636, %mul3A_656 : vector<16xi32>
      %add3A_658 = arith.constant 1 : i32
      %add3A_659 = vector.broadcast %add3A_658 : i32 to vector<16xi32>
      %add3A_660 = arith.addi %mul3A_657, %add3A_659 : vector<16xi32>
      %gather3A_661 = tpu.vector_load_idx %arg5[%add3A_660] : memref<28224xf32, #tpu.memory_space<vmem>>[vector<16xi32>], vector<16xf32>,
      %convert_element_type3A_662 = arith.sitofp %sub3A_650 : vector<16xi32> to vector<16xf32>
      %add3A_663 = arith.addf %convert_element_type3A_662, %gather3A_654 : vector<16xf32>
      %max3A_664 = arith.constant 0.000000e+00 : f32
      %max3A_665 = vector.broadcast %max3A_664 : f32 to vector<16xf32>
      %max3A_666 = arith.maximumf %add3A_663, %max3A_665 : vector<16xf32>
      %min3A_667 = vector.broadcast %scan3A_373 : f32 to vector<16xf32>
      %min3A_668 = arith.minimumf %max3A_666, %min3A_667 : vector<16xf32>
      %convert_element_type3A_669 = arith.sitofp %div3A_646 : vector<16xi32> to vector<16xf32>
      %add3A_670 = arith.addf %convert_element_type3A_669, %gather3A_661 : vector<16xf32>
      %max3A_671 = arith.constant 0.000000e+00 : f32
      %max3A_672 = vector.broadcast %max3A_671 : f32 to vector<16xf32>
      %max3A_673 = arith.maximumf %add3A_670, %max3A_672 : vector<16xf32>
      %min3A_674 = vector.broadcast %scan3A_373 : f32 to vector<16xf32>
      %min3A_675 = arith.minimumf %max3A_673, %min3A_674 : vector<16xf32>
      %convert_element_type3A_676 = arith.fptosi %min3A_668 : vector<16xf32> to vector<16xi32>
      %convert_element_type3A_677 = arith.fptosi %min3A_675 : vector<16xf32> to vector<16xi32>
      %convert_element_type3A_678 = arith.sitofp %convert_element_type3A_676 : vector<16xi32> to vector<16xf32>
      %convert_element_type3A_679 = arith.sitofp %convert_element_type3A_677 : vector<16xi32> to vector<16xf32>
      %add3A_680 = arith.constant 1.000000e+00 : f32
      %add3A_681 = vector.broadcast %add3A_680 : f32 to vector<16xf32>
      %add3A_682 = arith.addf %convert_element_type3A_678, %add3A_681 : vector<16xf32>
      %min3A_683 = vector.broadcast %scan3A_373 : f32 to vector<16xf32>
      %min3A_684 = arith.minimumf %add3A_682, %min3A_683 : vector<16xf32>
      %add3A_685 = arith.constant 1.000000e+00 : f32
      %add3A_686 = vector.broadcast %add3A_685 : f32 to vector<16xf32>
      %add3A_687 = arith.addf %convert_element_type3A_679, %add3A_686 : vector<16xf32>
      %min3A_688 = vector.broadcast %scan3A_373 : f32 to vector<16xf32>
      %min3A_689 = arith.minimumf %add3A_687, %min3A_688 : vector<16xf32>
      %convert_element_type3A_690 = arith.fptosi %min3A_684 : vector<16xf32> to vector<16xi32>
      %convert_element_type3A_691 = arith.fptosi %min3A_689 : vector<16xf32> to vector<16xi32>
      %sub3A_692 = arith.subf %min3A_684, %min3A_668 : vector<16xf32>
      %sub3A_693 = arith.subf %min3A_668, %convert_element_type3A_678 : vector<16xf32>
      %sub3A_694 = arith.subf %min3A_689, %min3A_675 : vector<16xf32>
      %sub3A_695 = arith.subf %min3A_675, %convert_element_type3A_679 : vector<16xf32>
      %mul3A_696 = arith.constant 224 : i32
      %mul3A_697 = vector.broadcast %mul3A_696 : i32 to vector<16xi32>
      %mul3A_698 = arith.muli %convert_element_type3A_677, %mul3A_697 : vector<16xi32>
      %add3A_699 = arith.addi %mul3A_698, %convert_element_type3A_676 : vector<16xi32>
      %swap3A_700 = arith.constant 1 : i32
      %swap3A_701 = arith.index_cast %swap3A_700 : i32 to index
      %swap3A_702 = arith.constant 32 : index
      %swap3A_703 = tpu.vector_load %arg6[%swap3A_701, %swap3A_702] {strides = array<i32>} : memref<2x48xi32, #tpu.memory_space<vmem>>, vector<16xi32>,
      tpu.vector_store %arg6[%swap3A_701, %swap3A_702], %add3A_699 {strides = array<i32>} : memref<2x48xi32, #tpu.memory_space<vmem>>, vector<16xi32>,
      %mul3A_704 = arith.constant 224 : i32
      %mul3A_705 = vector.broadcast %mul3A_704 : i32 to vector<16xi32>
      %mul3A_706 = arith.muli %convert_element_type3A_691, %mul3A_705 : vector<16xi32>
      %add3A_707 = arith.addi %mul3A_706, %convert_element_type3A_676 : vector<16xi32>
      %swap3A_708 = arith.constant 1 : i32
      %swap3A_709 = arith.index_cast %swap3A_708 : i32 to index
      %swap3A_710 = arith.constant 32 : index
      %swap3A_711 = tpu.vector_load %arg7[%swap3A_709, %swap3A_710] {strides = array<i32>} : memref<2x48xi32, #tpu.memory_space<vmem>>, vector<16xi32>,
      tpu.vector_store %arg7[%swap3A_709, %swap3A_710], %add3A_707 {strides = array<i32>} : memref<2x48xi32, #tpu.memory_space<vmem>>, vector<16xi32>,
      %mul3A_712 = arith.constant 224 : i32
      %mul3A_713 = vector.broadcast %mul3A_712 : i32 to vector<16xi32>
      %mul3A_714 = arith.muli %convert_element_type3A_677, %mul3A_713 : vector<16xi32>
      %add3A_715 = arith.addi %mul3A_714, %convert_element_type3A_690 : vector<16xi32>
      %swap3A_716 = arith.constant 1 : i32
      %swap3A_717 = arith.index_cast %swap3A_716 : i32 to index
      %swap3A_718 = arith.constant 32 : index
      %swap3A_719 = tpu.vector_load %arg8[%swap3A_717, %swap3A_718] {strides = array<i32>} : memref<2x48xi32, #tpu.memory_space<vmem>>, vector<16xi32>,
      tpu.vector_store %arg8[%swap3A_717, %swap3A_718], %add3A_715 {strides = array<i32>} : memref<2x48xi32, #tpu.memory_space<vmem>>, vector<16xi32>,
      %mul3A_720 = arith.constant 224 : i32
      %mul3A_721 = vector.broadcast %mul3A_720 : i32 to vector<16xi32>
      %mul3A_722 = arith.muli %convert_element_type3A_691, %mul3A_721 : vector<16xi32>
      %add3A_723 = arith.addi %mul3A_722, %convert_element_type3A_690 : vector<16xi32>
      %swap3A_724 = arith.constant 1 : i32
      %swap3A_725 = arith.index_cast %swap3A_724 : i32 to index
      %swap3A_726 = arith.constant 32 : index
      %swap3A_727 = tpu.vector_load %arg9[%swap3A_725, %swap3A_726] {strides = array<i32>} : memref<2x48xi32, #tpu.memory_space<vmem>>, vector<16xi32>,
      tpu.vector_store %arg9[%swap3A_725, %swap3A_726], %add3A_723 {strides = array<i32>} : memref<2x48xi32, #tpu.memory_space<vmem>>, vector<16xi32>,
      %mul3A_728 = arith.mulf %sub3A_692, %sub3A_694 : vector<16xf32>
      %swap3A_729 = arith.constant 80 : index
      %swap3A_730 = tpu.vector_load %arg10[%swap3A_729] {strides = array<i32>} : memref<96xf32, #tpu.memory_space<vmem>>, vector<16xf32>,
      tpu.vector_store %arg10[%swap3A_729], %mul3A_728 {strides = array<i32>} : memref<96xf32, #tpu.memory_space<vmem>>, vector<16xf32>,
      %mul3A_731 = arith.mulf %sub3A_692, %sub3A_695 : vector<16xf32>
      %swap3A_732 = arith.constant 80 : index
      %swap3A_733 = tpu.vector_load %arg11[%swap3A_732] {strides = array<i32>} : memref<96xf32, #tpu.memory_space<vmem>>, vector<16xf32>,
      tpu.vector_store %arg11[%swap3A_732], %mul3A_731 {strides = array<i32>} : memref<96xf32, #tpu.memory_space<vmem>>, vector<16xf32>,
      %mul3A_734 = arith.mulf %sub3A_693, %sub3A_694 : vector<16xf32>
      %swap3A_735 = arith.constant 80 : index
      %swap3A_736 = tpu.vector_load %arg12[%swap3A_735] {strides = array<i32>} : memref<96xf32, #tpu.memory_space<vmem>>, vector<16xf32>,
      tpu.vector_store %arg12[%swap3A_735], %mul3A_734 {strides = array<i32>} : memref<96xf32, #tpu.memory_space<vmem>>, vector<16xf32>,
      %mul3A_737 = arith.mulf %sub3A_693, %sub3A_695 : vector<16xf32>
      %swap3A_738 = arith.constant 80 : index
      %swap3A_739 = tpu.vector_load %arg13[%swap3A_738] {strides = array<i32>} : memref<96xf32, #tpu.memory_space<vmem>>, vector<16xf32>,
      tpu.vector_store %arg13[%swap3A_738], %mul3A_737 {strides = array<i32>} : memref<96xf32, #tpu.memory_space<vmem>>, vector<16xf32>,
      %dma_start3A_740 = arith.constant 1 : i32
      %dma_start3A_741 = arith.constant 1 : i32
      %dma_start3A_742 = arith.constant 0 : i32
      %dma_start3A_743 = arith.constant 0 : i32
      %dma_start3A_744 = tpu.memref_slice %arg14[%dma_start3A_741, %dma_start3A_742, %dma_start3A_743] : memref<2x48x128xf32, #tpu.memory_space<vmem>> -> memref<1x48x128xf32, #tpu.memory_space<vmem>>
      %dma_start3A_745 = tpu.memref_squeeze %dma_start3A_744 : memref<1x48x128xf32, #tpu.memory_space<vmem>> -> memref<48x128xf32, #tpu.memory_space<vmem>>
      %dma_start3A_746 = arith.constant 0 : i32
      %dma_start3A_747 = tpu.memref_slice %arg6[%dma_start3A_740, %dma_start3A_746] : memref<2x48xi32, #tpu.memory_space<vmem>> -> memref<1x48xi32, #tpu.memory_space<vmem>>
      %dma_start3A_748 = tpu.memref_squeeze %dma_start3A_747 : memref<1x48xi32, #tpu.memory_space<vmem>> -> memref<48xi32, #tpu.memory_space<vmem>>
      %dma_start3A_749 = arith.constant 0 : i32
      %dma_start3A_750 = arith.constant 0 : i32
      %dma_start3A_751 = tpu.memref_slice %arg3[%dma_start3A_749, %dma_start3A_750] : memref<50176x128xf32, #tpu.memory_space<hbm>> -> memref<50176x128xf32, #tpu.memory_space<hbm>>
      tpu.enqueue_indirect_dma source(%dma_start3A_751 : memref<50176x128xf32, #tpu.memory_space<hbm>>) target(%dma_start3A_745 : memref<48x128xf32, #tpu.memory_space<vmem>>) offsets(%dma_start3A_748 : memref<48xi32, #tpu.memory_space<vmem>>) semaphore(%arg20 : memref<!tpu.dma_semaphore, #tpu.memory_space<semaphore_mem>>)
      %dma_start3A_752 = arith.constant 1 : i32
      %dma_start3A_753 = arith.constant 1 : i32
      %dma_start3A_754 = arith.constant 0 : i32
      %dma_start3A_755 = arith.constant 0 : i32
      %dma_start3A_756 = tpu.memref_slice %arg15[%dma_start3A_753, %dma_start3A_754, %dma_start3A_755] : memref<2x48x128xf32, #tpu.memory_space<vmem>> -> memref<1x48x128xf32, #tpu.memory_space<vmem>>
      %dma_start3A_757 = tpu.memref_squeeze %dma_start3A_756 : memref<1x48x128xf32, #tpu.memory_space<vmem>> -> memref<48x128xf32, #tpu.memory_space<vmem>>
      %dma_start3A_758 = arith.constant 0 : i32
      %dma_start3A_759 = tpu.memref_slice %arg7[%dma_start3A_752, %dma_start3A_758] : memref<2x48xi32, #tpu.memory_space<vmem>> -> memref<1x48xi32, #tpu.memory_space<vmem>>
      %dma_start3A_760 = tpu.memref_squeeze %dma_start3A_759 : memref<1x48xi32, #tpu.memory_space<vmem>> -> memref<48xi32, #tpu.memory_space<vmem>>
      %dma_start3A_761 = arith.constant 0 : i32
      %dma_start3A_762 = arith.constant 0 : i32
      %dma_start3A_763 = tpu.memref_slice %arg3[%dma_start3A_761, %dma_start3A_762] : memref<50176x128xf32, #tpu.memory_space<hbm>> -> memref<50176x128xf32, #tpu.memory_space<hbm>>
      tpu.enqueue_indirect_dma source(%dma_start3A_763 : memref<50176x128xf32, #tpu.memory_space<hbm>>) target(%dma_start3A_757 : memref<48x128xf32, #tpu.memory_space<vmem>>) offsets(%dma_start3A_760 : memref<48xi32, #tpu.memory_space<vmem>>) semaphore(%arg20 : memref<!tpu.dma_semaphore, #tpu.memory_space<semaphore_mem>>)
      %dma_start3A_764 = arith.constant 1 : i32
      %dma_start3A_765 = arith.constant 1 : i32
      %dma_start3A_766 = arith.constant 0 : i32
      %dma_start3A_767 = arith.constant 0 : i32
      %dma_start3A_768 = tpu.memref_slice %arg16[%dma_start3A_765, %dma_start3A_766, %dma_start3A_767] : memref<2x48x128xf32, #tpu.memory_space<vmem>> -> memref<1x48x128xf32, #tpu.memory_space<vmem>>
      %dma_start3A_769 = tpu.memref_squeeze %dma_start3A_768 : memref<1x48x128xf32, #tpu.memory_space<vmem>> -> memref<48x128xf32, #tpu.memory_space<vmem>>
      %dma_start3A_770 = arith.constant 0 : i32
      %dma_start3A_771 = tpu.memref_slice %arg8[%dma_start3A_764, %dma_start3A_770] : memref<2x48xi32, #tpu.memory_space<vmem>> -> memref<1x48xi32, #tpu.memory_space<vmem>>
      %dma_start3A_772 = tpu.memref_squeeze %dma_start3A_771 : memref<1x48xi32, #tpu.memory_space<vmem>> -> memref<48xi32, #tpu.memory_space<vmem>>
      %dma_start3A_773 = arith.constant 0 : i32
      %dma_start3A_774 = arith.constant 0 : i32
      %dma_start3A_775 = tpu.memref_slice %arg3[%dma_start3A_773, %dma_start3A_774] : memref<50176x128xf32, #tpu.memory_space<hbm>> -> memref<50176x128xf32, #tpu.memory_space<hbm>>
      tpu.enqueue_indirect_dma source(%dma_start3A_775 : memref<50176x128xf32, #tpu.memory_space<hbm>>) target(%dma_start3A_769 : memref<48x128xf32, #tpu.memory_space<vmem>>) offsets(%dma_start3A_772 : memref<48xi32, #tpu.memory_space<vmem>>) semaphore(%arg20 : memref<!tpu.dma_semaphore, #tpu.memory_space<semaphore_mem>>)
      %dma_start3A_776 = arith.constant 1 : i32
      %dma_start3A_777 = arith.constant 1 : i32
      %dma_start3A_778 = arith.constant 0 : i32
      %dma_start3A_779 = arith.constant 0 : i32
      %dma_start3A_780 = tpu.memref_slice %arg17[%dma_start3A_777, %dma_start3A_778, %dma_start3A_779] : memref<2x48x128xf32, #tpu.memory_space<vmem>> -> memref<1x48x128xf32, #tpu.memory_space<vmem>>
      %dma_start3A_781 = tpu.memref_squeeze %dma_start3A_780 : memref<1x48x128xf32, #tpu.memory_space<vmem>> -> memref<48x128xf32, #tpu.memory_space<vmem>>
      %dma_start3A_782 = arith.constant 0 : i32
      %dma_start3A_783 = tpu.memref_slice %arg9[%dma_start3A_776, %dma_start3A_782] : memref<2x48xi32, #tpu.memory_space<vmem>> -> memref<1x48xi32, #tpu.memory_space<vmem>>
      %dma_start3A_784 = tpu.memref_squeeze %dma_start3A_783 : memref<1x48xi32, #tpu.memory_space<vmem>> -> memref<48xi32, #tpu.memory_space<vmem>>
      %dma_start3A_785 = arith.constant 0 : i32
      %dma_start3A_786 = arith.constant 0 : i32
      %dma_start3A_787 = tpu.memref_slice %arg3[%dma_start3A_785, %dma_start3A_786] : memref<50176x128xf32, #tpu.memory_space<hbm>> -> memref<50176x128xf32, #tpu.memory_space<hbm>>
      tpu.enqueue_indirect_dma source(%dma_start3A_787 : memref<50176x128xf32, #tpu.memory_space<hbm>>) target(%dma_start3A_781 : memref<48x128xf32, #tpu.memory_space<vmem>>) offsets(%dma_start3A_784 : memref<48xi32, #tpu.memory_space<vmem>>) semaphore(%arg20 : memref<!tpu.dma_semaphore, #tpu.memory_space<semaphore_mem>>)
      %dma_wait3A_788 = arith.constant 0 : i32
      %dma_wait3A_789 = arith.constant 0 : i32
      %dma_wait3A_790 = arith.constant 0 : i32
      %dma_wait3A_791 = tpu.memref_slice %arg14[%dma_wait3A_788, %dma_wait3A_789, %dma_wait3A_790] : memref<2x48x128xf32, #tpu.memory_space<vmem>> -> memref<1x48x128xf32, #tpu.memory_space<vmem>>
      %dma_wait3A_792 = tpu.memref_squeeze %dma_wait3A_791 : memref<1x48x128xf32, #tpu.memory_space<vmem>> -> memref<48x128xf32, #tpu.memory_space<vmem>>
      %dma_wait3A_793 = arith.constant 0 : i32
      %dma_wait3A_794 = arith.constant 0 : i32
      %dma_wait3A_795 = tpu.memref_slice %arg3[%dma_wait3A_793, %dma_wait3A_794] : memref<50176x128xf32, #tpu.memory_space<hbm>> -> memref<48x128xf32, #tpu.memory_space<hbm>>
      %dma_wait3A_796 = arith.constant 0 : i32
      %dma_wait3A_797 = arith.constant 0 : i32
      %dma_wait3A_798 = tpu.memref_slice %arg14[%dma_wait3A_788, %dma_wait3A_796, %dma_wait3A_797] : memref<2x48x128xf32, #tpu.memory_space<vmem>> -> memref<1x48x128xf32, #tpu.memory_space<vmem>>
      %dma_wait3A_799 = tpu.memref_squeeze %dma_wait3A_798 : memref<1x48x128xf32, #tpu.memory_space<vmem>> -> memref<48x128xf32, #tpu.memory_space<vmem>>
      %dma_wait3A_800 = arith.constant 0 : i32
      %dma_wait3A_801 = arith.constant 0 : i32
      %dma_wait3A_802 = tpu.memref_slice %arg3[%dma_wait3A_800, %dma_wait3A_801] : memref<50176x128xf32, #tpu.memory_space<hbm>> -> memref<48x128xf32, #tpu.memory_space<hbm>>
      tpu.wait_dma2 semaphore(%arg19 : memref<!tpu.dma_semaphore, #tpu.memory_space<semaphore_mem>>) src(%dma_wait3A_802 : memref<48x128xf32, #tpu.memory_space<hbm>>) dst(%dma_wait3A_799 : memref<48x128xf32, #tpu.memory_space<vmem>>)
      %dma_wait3A_803 = arith.constant 0 : i32
      %dma_wait3A_804 = arith.constant 0 : i32
      %dma_wait3A_805 = arith.constant 0 : i32
      %dma_wait3A_806 = tpu.memref_slice %arg15[%dma_wait3A_803, %dma_wait3A_804, %dma_wait3A_805] : memref<2x48x128xf32, #tpu.memory_space<vmem>> -> memref<1x48x128xf32, #tpu.memory_space<vmem>>
      %dma_wait3A_807 = tpu.memref_squeeze %dma_wait3A_806 : memref<1x48x128xf32, #tpu.memory_space<vmem>> -> memref<48x128xf32, #tpu.memory_space<vmem>>
      %dma_wait3A_808 = arith.constant 0 : i32
      %dma_wait3A_809 = arith.constant 0 : i32
      %dma_wait3A_810 = tpu.memref_slice %arg3[%dma_wait3A_808, %dma_wait3A_809] : memref<50176x128xf32, #tpu.memory_space<hbm>> -> memref<48x128xf32, #tpu.memory_space<hbm>>
      %dma_wait3A_811 = arith.constant 0 : i32
      %dma_wait3A_812 = arith.constant 0 : i32
      %dma_wait3A_813 = tpu.memref_slice %arg15[%dma_wait3A_803, %dma_wait3A_811, %dma_wait3A_812] : memref<2x48x128xf32, #tpu.memory_space<vmem>> -> memref<1x48x128xf32, #tpu.memory_space<vmem>>
      %dma_wait3A_814 = tpu.memref_squeeze %dma_wait3A_813 : memref<1x48x128xf32, #tpu.memory_space<vmem>> -> memref<48x128xf32, #tpu.memory_space<vmem>>
      %dma_wait3A_815 = arith.constant 0 : i32
      %dma_wait3A_816 = arith.constant 0 : i32
      %dma_wait3A_817 = tpu.memref_slice %arg3[%dma_wait3A_815, %dma_wait3A_816] : memref<50176x128xf32, #tpu.memory_space<hbm>> -> memref<48x128xf32, #tpu.memory_space<hbm>>
      tpu.wait_dma2 semaphore(%arg19 : memref<!tpu.dma_semaphore, #tpu.memory_space<semaphore_mem>>) src(%dma_wait3A_817 : memref<48x128xf32, #tpu.memory_space<hbm>>) dst(%dma_wait3A_814 : memref<48x128xf32, #tpu.memory_space<vmem>>)
      %dma_wait3A_818 = arith.constant 0 : i32
      %dma_wait3A_819 = arith.constant 0 : i32
      %dma_wait3A_820 = arith.constant 0 : i32
      %dma_wait3A_821 = tpu.memref_slice %arg16[%dma_wait3A_818, %dma_wait3A_819, %dma_wait3A_820] : memref<2x48x128xf32, #tpu.memory_space<vmem>> -> memref<1x48x128xf32, #tpu.memory_space<vmem>>
      %dma_wait3A_822 = tpu.memref_squeeze %dma_wait3A_821 : memref<1x48x128xf32, #tpu.memory_space<vmem>> -> memref<48x128xf32, #tpu.memory_space<vmem>>
      %dma_wait3A_823 = arith.constant 0 : i32
      %dma_wait3A_824 = arith.constant 0 : i32
      %dma_wait3A_825 = tpu.memref_slice %arg3[%dma_wait3A_823, %dma_wait3A_824] : memref<50176x128xf32, #tpu.memory_space<hbm>> -> memref<48x128xf32, #tpu.memory_space<hbm>>
      %dma_wait3A_826 = arith.constant 0 : i32
      %dma_wait3A_827 = arith.constant 0 : i32
      %dma_wait3A_828 = tpu.memref_slice %arg16[%dma_wait3A_818, %dma_wait3A_826, %dma_wait3A_827] : memref<2x48x128xf32, #tpu.memory_space<vmem>> -> memref<1x48x128xf32, #tpu.memory_space<vmem>>
      %dma_wait3A_829 = tpu.memref_squeeze %dma_wait3A_828 : memref<1x48x128xf32, #tpu.memory_space<vmem>> -> memref<48x128xf32, #tpu.memory_space<vmem>>
      %dma_wait3A_830 = arith.constant 0 : i32
      %dma_wait3A_831 = arith.constant 0 : i32
      %dma_wait3A_832 = tpu.memref_slice %arg3[%dma_wait3A_830, %dma_wait3A_831] : memref<50176x128xf32, #tpu.memory_space<hbm>> -> memref<48x128xf32, #tpu.memory_space<hbm>>
      tpu.wait_dma2 semaphore(%arg19 : memref<!tpu.dma_semaphore, #tpu.memory_space<semaphore_mem>>) src(%dma_wait3A_832 : memref<48x128xf32, #tpu.memory_space<hbm>>) dst(%dma_wait3A_829 : memref<48x128xf32, #tpu.memory_space<vmem>>)
      %dma_wait3A_833 = arith.constant 0 : i32
      %dma_wait3A_834 = arith.constant 0 : i32
      %dma_wait3A_835 = arith.constant 0 : i32
      %dma_wait3A_836 = tpu.memref_slice %arg17[%dma_wait3A_833, %dma_wait3A_834, %dma_wait3A_835] : memref<2x48x128xf32, #tpu.memory_space<vmem>> -> memref<1x48x128xf32, #tpu.memory_space<vmem>>
      %dma_wait3A_837 = tpu.memref_squeeze %dma_wait3A_836 : memref<1x48x128xf32, #tpu.memory_space<vmem>> -> memref<48x128xf32, #tpu.memory_space<vmem>>
      %dma_wait3A_838 = arith.constant 0 : i32
      %dma_wait3A_839 = arith.constant 0 : i32
      %dma_wait3A_840 = tpu.memref_slice %arg3[%dma_wait3A_838, %dma_wait3A_839] : memref<50176x128xf32, #tpu.memory_space<hbm>> -> memref<48x128xf32, #tpu.memory_space<hbm>>
      %dma_wait3A_841 = arith.constant 0 : i32
      %dma_wait3A_842 = arith.constant 0 : i32
      %dma_wait3A_843 = tpu.memref_slice %arg17[%dma_wait3A_833, %dma_wait3A_841, %dma_wait3A_842] : memref<2x48x128xf32, #tpu.memory_space<vmem>> -> memref<1x48x128xf32, #tpu.memory_space<vmem>>
      %dma_wait3A_844 = tpu.memref_squeeze %dma_wait3A_843 : memref<1x48x128xf32, #tpu.memory_space<vmem>> -> memref<48x128xf32, #tpu.memory_space<vmem>>
      %dma_wait3A_845 = arith.constant 0 : i32
      %dma_wait3A_846 = arith.constant 0 : i32
      %dma_wait3A_847 = tpu.memref_slice %arg3[%dma_wait3A_845, %dma_wait3A_846] : memref<50176x128xf32, #tpu.memory_space<hbm>> -> memref<48x128xf32, #tpu.memory_space<hbm>>
      tpu.wait_dma2 semaphore(%arg19 : memref<!tpu.dma_semaphore, #tpu.memory_space<semaphore_mem>>) src(%dma_wait3A_847 : memref<48x128xf32, #tpu.memory_space<hbm>>) dst(%dma_wait3A_844 : memref<48x128xf32, #tpu.memory_space<vmem>>)
      %gt3A = arith.constant 0 : i32
      %gt3A_848 = arith.cmpi sgt, %scan3A_408, %gt3A : i32
      %convert_element_type3A_849 = arith.extui %gt3A_848 : i1 to i32
      %cond3A = arith.constant 0 : i32
      %cond3A_850 = arith.cmpi ne, %convert_element_type3A_849, %cond3A : i32
      scf.if %cond3A_850 {
        %dma_wait3A_963 = arith.constant 0 : i32
        %dma_wait3A_964 = arith.constant 0 : i32
        %dma_wait3A_965 = arith.constant 0 : i32
        %dma_wait3A_966 = tpu.memref_slice %arg18[%dma_wait3A_963, %dma_wait3A_964, %dma_wait3A_965] : memref<2x48x128xf32, #tpu.memory_space<vmem>> -> memref<1x48x128xf32, #tpu.memory_space<vmem>>
        %dma_wait3A_967 = tpu.memref_squeeze %dma_wait3A_966 : memref<1x48x128xf32, #tpu.memory_space<vmem>> -> memref<48x128xf32, #tpu.memory_space<vmem>>
        %dma_wait3A_968 = arith.constant 0 : i32
        %dma_wait3A_969 = arith.constant 0 : i32
        %dma_wait3A_970 = tpu.memref_slice %arg4[%dma_wait3A_968, %dma_wait3A_969] : memref<451584x128xf32, #tpu.memory_space<hbm>> -> memref<48x128xf32, #tpu.memory_space<hbm>>
        %dma_wait3A_971 = arith.constant 0 : i32
        %dma_wait3A_972 = arith.constant 0 : i32
        %dma_wait3A_973 = tpu.memref_slice %arg4[%dma_wait3A_971, %dma_wait3A_972] : memref<451584x128xf32, #tpu.memory_space<hbm>> -> memref<48x128xf32, #tpu.memory_space<hbm>>
        %dma_wait3A_974 = arith.constant 0 : i32
        %dma_wait3A_975 = arith.constant 0 : i32
        %dma_wait3A_976 = tpu.memref_slice %arg18[%dma_wait3A_963, %dma_wait3A_974, %dma_wait3A_975] : memref<2x48x128xf32, #tpu.memory_space<vmem>> -> memref<1x48x128xf32, #tpu.memory_space<vmem>>
        %dma_wait3A_977 = tpu.memref_squeeze %dma_wait3A_976 : memref<1x48x128xf32, #tpu.memory_space<vmem>> -> memref<48x128xf32, #tpu.memory_space<vmem>>
        tpu.wait_dma2 semaphore(%arg21 : memref<!tpu.dma_semaphore, #tpu.memory_space<semaphore_mem>>) src(%dma_wait3A_977 : memref<48x128xf32, #tpu.memory_space<vmem>>) dst(%dma_wait3A_973 : memref<48x128xf32, #tpu.memory_space<hbm>>)
      } else {
      }
      %parallel_loop3A = arith.constant 0 : i32
      %parallel_loop3A_851 = arith.constant 48 : i32
      %parallel_loop3A_852 = arith.constant 1 : i32
      scf.for %parallel_loop3A_963 = %parallel_loop3A to %parallel_loop3A_851 step %parallel_loop3A_852  : i32 {
        %parallel_loop3A_964 = arith.constant 0 : i32
        %parallel_loop3A_965 = vector.broadcast %parallel_loop3A_964 : i32 to vector<16xi32>
        %parallel_loop3A_966 = arith.constant 0 : i32
        %parallel_loop3A_967 = arith.addi %parallel_loop3A_966, %parallel_loop3A_963 : i32
        %parallel_loop3A_968 = vector.broadcast %parallel_loop3A_967 : i32 to vector<16xi32>
        %parallel_loop3A_969 = arith.addi %parallel_loop3A_965, %parallel_loop3A_968 : vector<16xi32>
        %parallel_loop3A_970 = tpu.vector_load_idx %arg10[%parallel_loop3A_969] : memref<96xf32, #tpu.memory_space<vmem>>[vector<16xi32>], vector<16xf32>,
        %parallel_loop3A_971 = tpu.vector_load_idx %arg11[%parallel_loop3A_969] : memref<96xf32, #tpu.memory_space<vmem>>[vector<16xi32>], vector<16xf32>,
        %parallel_loop3A_972 = tpu.vector_load_idx %arg12[%parallel_loop3A_969] : memref<96xf32, #tpu.memory_space<vmem>>[vector<16xi32>], vector<16xf32>,
        %parallel_loop3A_973 = tpu.vector_load_idx %arg13[%parallel_loop3A_969] : memref<96xf32, #tpu.memory_space<vmem>>[vector<16xi32>], vector<16xf32>,
        %parallel_loop3A_974 = arith.constant 0 : i32
        %parallel_loop3A_975 = arith.index_cast %parallel_loop3A_974 : i32 to index
        %parallel_loop3A_976 = arith.index_cast %parallel_loop3A_963 : i32 to index
        %parallel_loop3A_977 = arith.constant 0 : index
        %parallel_loop3A_978 = tpu.vector_load %arg14[%parallel_loop3A_975, %parallel_loop3A_976, %parallel_loop3A_977] {strides = array<i32>} : memref<2x48x128xf32, #tpu.memory_space<vmem>>, vector<16xf32>,
        %parallel_loop3A_979 = arith.mulf %parallel_loop3A_970, %parallel_loop3A_978 : vector<16xf32>
        %parallel_loop3A_980 = arith.constant 0 : i32
        %parallel_loop3A_981 = arith.index_cast %parallel_loop3A_980 : i32 to index
        %parallel_loop3A_982 = arith.index_cast %parallel_loop3A_963 : i32 to index
        %parallel_loop3A_983 = arith.constant 0 : index
        %parallel_loop3A_984 = tpu.vector_load %arg15[%parallel_loop3A_981, %parallel_loop3A_982, %parallel_loop3A_983] {strides = array<i32>} : memref<2x48x128xf32, #tpu.memory_space<vmem>>, vector<16xf32>,
        %parallel_loop3A_985 = arith.mulf %parallel_loop3A_971, %parallel_loop3A_984 : vector<16xf32>
        %parallel_loop3A_986 = arith.addf %parallel_loop3A_979, %parallel_loop3A_985 : vector<16xf32>
        %parallel_loop3A_987 = arith.constant 0 : i32
        %parallel_loop3A_988 = arith.index_cast %parallel_loop3A_987 : i32 to index
        %parallel_loop3A_989 = arith.index_cast %parallel_loop3A_963 : i32 to index
        %parallel_loop3A_990 = arith.constant 0 : index
        %parallel_loop3A_991 = tpu.vector_load %arg16[%parallel_loop3A_988, %parallel_loop3A_989, %parallel_loop3A_990] {strides = array<i32>} : memref<2x48x128xf32, #tpu.memory_space<vmem>>, vector<16xf32>,
        %parallel_loop3A_992 = arith.mulf %parallel_loop3A_972, %parallel_loop3A_991 : vector<16xf32>
        %parallel_loop3A_993 = arith.addf %parallel_loop3A_986, %parallel_loop3A_992 : vector<16xf32>
        %parallel_loop3A_994 = arith.constant 0 : i32
        %parallel_loop3A_995 = arith.index_cast %parallel_loop3A_994 : i32 to index
        %parallel_loop3A_996 = arith.index_cast %parallel_loop3A_963 : i32 to index
        %parallel_loop3A_997 = arith.constant 0 : index
        %parallel_loop3A_998 = tpu.vector_load %arg17[%parallel_loop3A_995, %parallel_loop3A_996, %parallel_loop3A_997] {strides = array<i32>} : memref<2x48x128xf32, #tpu.memory_space<vmem>>, vector<16xf32>,
        %parallel_loop3A_999 = arith.mulf %parallel_loop3A_973, %parallel_loop3A_998 : vector<16xf32>
        %parallel_loop3A_1000 = arith.addf %parallel_loop3A_993, %parallel_loop3A_999 : vector<16xf32>
        %parallel_loop3A_1001 = arith.constant 0 : i32
        %parallel_loop3A_1002 = arith.index_cast %parallel_loop3A_1001 : i32 to index
        %parallel_loop3A_1003 = arith.index_cast %parallel_loop3A_963 : i32 to index
        %parallel_loop3A_1004 = arith.constant 0 : index
        %parallel_loop3A_1005 = tpu.vector_load %arg18[%parallel_loop3A_1002, %parallel_loop3A_1003, %parallel_loop3A_1004] {strides = array<i32>} : memref<2x48x128xf32, #tpu.memory_space<vmem>>, vector<16xf32>,
        tpu.vector_store %arg18[%parallel_loop3A_1002, %parallel_loop3A_1003, %parallel_loop3A_1004], %parallel_loop3A_1000 {strides = array<i32>} : memref<2x48x128xf32, #tpu.memory_space<vmem>>, vector<16xf32>,
        %parallel_loop3A_1006 = arith.constant 0 : i32
        %parallel_loop3A_1007 = arith.index_cast %parallel_loop3A_1006 : i32 to index
        %parallel_loop3A_1008 = arith.index_cast %parallel_loop3A_963 : i32 to index
        %parallel_loop3A_1009 = arith.constant 16 : index
        %parallel_loop3A_1010 = tpu.vector_load %arg14[%parallel_loop3A_1007, %parallel_loop3A_1008, %parallel_loop3A_1009] {strides = array<i32>} : memref<2x48x128xf32, #tpu.memory_space<vmem>>, vector<16xf32>,
        %parallel_loop3A_1011 = arith.mulf %parallel_loop3A_970, %parallel_loop3A_1010 : vector<16xf32>
        %parallel_loop3A_1012 = arith.constant 0 : i32
        %parallel_loop3A_1013 = arith.index_cast %parallel_loop3A_1012 : i32 to index
        %parallel_loop3A_1014 = arith.index_cast %parallel_loop3A_963 : i32 to index
        %parallel_loop3A_1015 = arith.constant 16 : index
        %parallel_loop3A_1016 = tpu.vector_load %arg15[%parallel_loop3A_1013, %parallel_loop3A_1014, %parallel_loop3A_1015] {strides = array<i32>} : memref<2x48x128xf32, #tpu.memory_space<vmem>>, vector<16xf32>,
        %parallel_loop3A_1017 = arith.mulf %parallel_loop3A_971, %parallel_loop3A_1016 : vector<16xf32>
        %parallel_loop3A_1018 = arith.addf %parallel_loop3A_1011, %parallel_loop3A_1017 : vector<16xf32>
        %parallel_loop3A_1019 = arith.constant 0 : i32
        %parallel_loop3A_1020 = arith.index_cast %parallel_loop3A_1019 : i32 to index
        %parallel_loop3A_1021 = arith.index_cast %parallel_loop3A_963 : i32 to index
        %parallel_loop3A_1022 = arith.constant 16 : index
        %parallel_loop3A_1023 = tpu.vector_load %arg16[%parallel_loop3A_1020, %parallel_loop3A_1021, %parallel_loop3A_1022] {strides = array<i32>} : memref<2x48x128xf32, #tpu.memory_space<vmem>>, vector<16xf32>,
        %parallel_loop3A_1024 = arith.mulf %parallel_loop3A_972, %parallel_loop3A_1023 : vector<16xf32>
        %parallel_loop3A_1025 = arith.addf %parallel_loop3A_1018, %parallel_loop3A_1024 : vector<16xf32>
        %parallel_loop3A_1026 = arith.constant 0 : i32
        %parallel_loop3A_1027 = arith.index_cast %parallel_loop3A_1026 : i32 to index
        %parallel_loop3A_1028 = arith.index_cast %parallel_loop3A_963 : i32 to index
        %parallel_loop3A_1029 = arith.constant 16 : index
        %parallel_loop3A_1030 = tpu.vector_load %arg17[%parallel_loop3A_1027, %parallel_loop3A_1028, %parallel_loop3A_1029] {strides = array<i32>} : memref<2x48x128xf32, #tpu.memory_space<vmem>>, vector<16xf32>,
        %parallel_loop3A_1031 = arith.mulf %parallel_loop3A_973, %parallel_loop3A_1030 : vector<16xf32>
        %parallel_loop3A_1032 = arith.addf %parallel_loop3A_1025, %parallel_loop3A_1031 : vector<16xf32>
        %parallel_loop3A_1033 = arith.constant 0 : i32
        %parallel_loop3A_1034 = arith.index_cast %parallel_loop3A_1033 : i32 to index
        %parallel_loop3A_1035 = arith.index_cast %parallel_loop3A_963 : i32 to index
        %parallel_loop3A_1036 = arith.constant 16 : index
        %parallel_loop3A_1037 = tpu.vector_load %arg18[%parallel_loop3A_1034, %parallel_loop3A_1035, %parallel_loop3A_1036] {strides = array<i32>} : memref<2x48x128xf32, #tpu.memory_space<vmem>>, vector<16xf32>,
        tpu.vector_store %arg18[%parallel_loop3A_1034, %parallel_loop3A_1035, %parallel_loop3A_1036], %parallel_loop3A_1032 {strides = array<i32>} : memref<2x48x128xf32, #tpu.memory_space<vmem>>, vector<16xf32>,
        %parallel_loop3A_1038 = arith.constant 0 : i32
        %parallel_loop3A_1039 = arith.index_cast %parallel_loop3A_1038 : i32 to index
        %parallel_loop3A_1040 = arith.index_cast %parallel_loop3A_963 : i32 to index
        %parallel_loop3A_1041 = arith.constant 32 : index
        %parallel_loop3A_1042 = tpu.vector_load %arg14[%parallel_loop3A_1039, %parallel_loop3A_1040, %parallel_loop3A_1041] {strides = array<i32>} : memref<2x48x128xf32, #tpu.memory_space<vmem>>, vector<16xf32>,
        %parallel_loop3A_1043 = arith.mulf %parallel_loop3A_970, %parallel_loop3A_1042 : vector<16xf32>
        %parallel_loop3A_1044 = arith.constant 0 : i32
        %parallel_loop3A_1045 = arith.index_cast %parallel_loop3A_1044 : i32 to index
        %parallel_loop3A_1046 = arith.index_cast %parallel_loop3A_963 : i32 to index
        %parallel_loop3A_1047 = arith.constant 32 : index
        %parallel_loop3A_1048 = tpu.vector_load %arg15[%parallel_loop3A_1045, %parallel_loop3A_1046, %parallel_loop3A_1047] {strides = array<i32>} : memref<2x48x128xf32, #tpu.memory_space<vmem>>, vector<16xf32>,
        %parallel_loop3A_1049 = arith.mulf %parallel_loop3A_971, %parallel_loop3A_1048 : vector<16xf32>
        %parallel_loop3A_1050 = arith.addf %parallel_loop3A_1043, %parallel_loop3A_1049 : vector<16xf32>
        %parallel_loop3A_1051 = arith.constant 0 : i32
        %parallel_loop3A_1052 = arith.index_cast %parallel_loop3A_1051 : i32 to index
        %parallel_loop3A_1053 = arith.index_cast %parallel_loop3A_963 : i32 to index
        %parallel_loop3A_1054 = arith.constant 32 : index
        %parallel_loop3A_1055 = tpu.vector_load %arg16[%parallel_loop3A_1052, %parallel_loop3A_1053, %parallel_loop3A_1054] {strides = array<i32>} : memref<2x48x128xf32, #tpu.memory_space<vmem>>, vector<16xf32>,
        %parallel_loop3A_1056 = arith.mulf %parallel_loop3A_972, %parallel_loop3A_1055 : vector<16xf32>
        %parallel_loop3A_1057 = arith.addf %parallel_loop3A_1050, %parallel_loop3A_1056 : vector<16xf32>
        %parallel_loop3A_1058 = arith.constant 0 : i32
        %parallel_loop3A_1059 = arith.index_cast %parallel_loop3A_1058 : i32 to index
        %parallel_loop3A_1060 = arith.index_cast %parallel_loop3A_963 : i32 to index
        %parallel_loop3A_1061 = arith.constant 32 : index
        %parallel_loop3A_1062 = tpu.vector_load %arg17[%parallel_loop3A_1059, %parallel_loop3A_1060, %parallel_loop3A_1061] {strides = array<i32>} : memref<2x48x128xf32, #tpu.memory_space<vmem>>, vector<16xf32>,
        %parallel_loop3A_1063 = arith.mulf %parallel_loop3A_973, %parallel_loop3A_1062 : vector<16xf32>
        %parallel_loop3A_1064 = arith.addf %parallel_loop3A_1057, %parallel_loop3A_1063 : vector<16xf32>
        %parallel_loop3A_1065 = arith.constant 0 : i32
        %parallel_loop3A_1066 = arith.index_cast %parallel_loop3A_1065 : i32 to index
        %parallel_loop3A_1067 = arith.index_cast %parallel_loop3A_963 : i32 to index
        %parallel_loop3A_1068 = arith.constant 32 : index
        %parallel_loop3A_1069 = tpu.vector_load %arg18[%parallel_loop3A_1066, %parallel_loop3A_1067, %parallel_loop3A_1068] {strides = array<i32>} : memref<2x48x128xf32, #tpu.memory_space<vmem>>, vector<16xf32>,
        tpu.vector_store %arg18[%parallel_loop3A_1066, %parallel_loop3A_1067, %parallel_loop3A_1068], %parallel_loop3A_1064 {strides = array<i32>} : memref<2x48x128xf32, #tpu.memory_space<vmem>>, vector<16xf32>,
        %parallel_loop3A_1070 = arith.constant 0 : i32
        %parallel_loop3A_1071 = arith.index_cast %parallel_loop3A_1070 : i32 to index
        %parallel_loop3A_1072 = arith.index_cast %parallel_loop3A_963 : i32 to index
        %parallel_loop3A_1073 = arith.constant 48 : index
        %parallel_loop3A_1074 = tpu.vector_load %arg14[%parallel_loop3A_1071, %parallel_loop3A_1072, %parallel_loop3A_1073] {strides = array<i32>} : memref<2x48x128xf32, #tpu.memory_space<vmem>>, vector<16xf32>,
        %parallel_loop3A_1075 = arith.mulf %parallel_loop3A_970, %parallel_loop3A_1074 : vector<16xf32>
        %parallel_loop3A_1076 = arith.constant 0 : i32
        %parallel_loop3A_1077 = arith.index_cast %parallel_loop3A_1076 : i32 to index
        %parallel_loop3A_1078 = arith.index_cast %parallel_loop3A_963 : i32 to index
        %parallel_loop3A_1079 = arith.constant 48 : index
        %parallel_loop3A_1080 = tpu.vector_load %arg15[%parallel_loop3A_1077, %parallel_loop3A_1078, %parallel_loop3A_1079] {strides = array<i32>} : memref<2x48x128xf32, #tpu.memory_space<vmem>>, vector<16xf32>,
        %parallel_loop3A_1081 = arith.mulf %parallel_loop3A_971, %parallel_loop3A_1080 : vector<16xf32>
        %parallel_loop3A_1082 = arith.addf %parallel_loop3A_1075, %parallel_loop3A_1081 : vector<16xf32>
        %parallel_loop3A_1083 = arith.constant 0 : i32
        %parallel_loop3A_1084 = arith.index_cast %parallel_loop3A_1083 : i32 to index
        %parallel_loop3A_1085 = arith.index_cast %parallel_loop3A_963 : i32 to index
        %parallel_loop3A_1086 = arith.constant 48 : index
        %parallel_loop3A_1087 = tpu.vector_load %arg16[%parallel_loop3A_1084, %parallel_loop3A_1085, %parallel_loop3A_1086] {strides = array<i32>} : memref<2x48x128xf32, #tpu.memory_space<vmem>>, vector<16xf32>,
        %parallel_loop3A_1088 = arith.mulf %parallel_loop3A_972, %parallel_loop3A_1087 : vector<16xf32>
        %parallel_loop3A_1089 = arith.addf %parallel_loop3A_1082, %parallel_loop3A_1088 : vector<16xf32>
        %parallel_loop3A_1090 = arith.constant 0 : i32
        %parallel_loop3A_1091 = arith.index_cast %parallel_loop3A_1090 : i32 to index
        %parallel_loop3A_1092 = arith.index_cast %parallel_loop3A_963 : i32 to index
        %parallel_loop3A_1093 = arith.constant 48 : index
        %parallel_loop3A_1094 = tpu.vector_load %arg17[%parallel_loop3A_1091, %parallel_loop3A_1092, %parallel_loop3A_1093] {strides = array<i32>} : memref<2x48x128xf32, #tpu.memory_space<vmem>>, vector<16xf32>,
        %parallel_loop3A_1095 = arith.mulf %parallel_loop3A_973, %parallel_loop3A_1094 : vector<16xf32>
        %parallel_loop3A_1096 = arith.addf %parallel_loop3A_1089, %parallel_loop3A_1095 : vector<16xf32>
        %parallel_loop3A_1097 = arith.constant 0 : i32
        %parallel_loop3A_1098 = arith.index_cast %parallel_loop3A_1097 : i32 to index
        %parallel_loop3A_1099 = arith.index_cast %parallel_loop3A_963 : i32 to index
        %parallel_loop3A_1100 = arith.constant 48 : index
        %parallel_loop3A_1101 = tpu.vector_load %arg18[%parallel_loop3A_1098, %parallel_loop3A_1099, %parallel_loop3A_1100] {strides = array<i32>} : memref<2x48x128xf32, #tpu.memory_space<vmem>>, vector<16xf32>,
        tpu.vector_store %arg18[%parallel_loop3A_1098, %parallel_loop3A_1099, %parallel_loop3A_1100], %parallel_loop3A_1096 {strides = array<i32>} : memref<2x48x128xf32, #tpu.memory_space<vmem>>, vector<16xf32>,
        %parallel_loop3A_1102 = arith.constant 0 : i32
        %parallel_loop3A_1103 = arith.index_cast %parallel_loop3A_1102 : i32 to index
        %parallel_loop3A_1104 = arith.index_cast %parallel_loop3A_963 : i32 to index
        %parallel_loop3A_1105 = arith.constant 64 : index
        %parallel_loop3A_1106 = tpu.vector_load %arg14[%parallel_loop3A_1103, %parallel_loop3A_1104, %parallel_loop3A_1105] {strides = array<i32>} : memref<2x48x128xf32, #tpu.memory_space<vmem>>, vector<16xf32>,
        %parallel_loop3A_1107 = arith.mulf %parallel_loop3A_970, %parallel_loop3A_1106 : vector<16xf32>
        %parallel_loop3A_1108 = arith.constant 0 : i32
        %parallel_loop3A_1109 = arith.index_cast %parallel_loop3A_1108 : i32 to index
        %parallel_loop3A_1110 = arith.index_cast %parallel_loop3A_963 : i32 to index
        %parallel_loop3A_1111 = arith.constant 64 : index
        %parallel_loop3A_1112 = tpu.vector_load %arg15[%parallel_loop3A_1109, %parallel_loop3A_1110, %parallel_loop3A_1111] {strides = array<i32>} : memref<2x48x128xf32, #tpu.memory_space<vmem>>, vector<16xf32>,
        %parallel_loop3A_1113 = arith.mulf %parallel_loop3A_971, %parallel_loop3A_1112 : vector<16xf32>
        %parallel_loop3A_1114 = arith.addf %parallel_loop3A_1107, %parallel_loop3A_1113 : vector<16xf32>
        %parallel_loop3A_1115 = arith.constant 0 : i32
        %parallel_loop3A_1116 = arith.index_cast %parallel_loop3A_1115 : i32 to index
        %parallel_loop3A_1117 = arith.index_cast %parallel_loop3A_963 : i32 to index
        %parallel_loop3A_1118 = arith.constant 64 : index
        %parallel_loop3A_1119 = tpu.vector_load %arg16[%parallel_loop3A_1116, %parallel_loop3A_1117, %parallel_loop3A_1118] {strides = array<i32>} : memref<2x48x128xf32, #tpu.memory_space<vmem>>, vector<16xf32>,
        %parallel_loop3A_1120 = arith.mulf %parallel_loop3A_972, %parallel_loop3A_1119 : vector<16xf32>
        %parallel_loop3A_1121 = arith.addf %parallel_loop3A_1114, %parallel_loop3A_1120 : vector<16xf32>
        %parallel_loop3A_1122 = arith.constant 0 : i32
        %parallel_loop3A_1123 = arith.index_cast %parallel_loop3A_1122 : i32 to index
        %parallel_loop3A_1124 = arith.index_cast %parallel_loop3A_963 : i32 to index
        %parallel_loop3A_1125 = arith.constant 64 : index
        %parallel_loop3A_1126 = tpu.vector_load %arg17[%parallel_loop3A_1123, %parallel_loop3A_1124, %parallel_loop3A_1125] {strides = array<i32>} : memref<2x48x128xf32, #tpu.memory_space<vmem>>, vector<16xf32>,
        %parallel_loop3A_1127 = arith.mulf %parallel_loop3A_973, %parallel_loop3A_1126 : vector<16xf32>
        %parallel_loop3A_1128 = arith.addf %parallel_loop3A_1121, %parallel_loop3A_1127 : vector<16xf32>
        %parallel_loop3A_1129 = arith.constant 0 : i32
        %parallel_loop3A_1130 = arith.index_cast %parallel_loop3A_1129 : i32 to index
        %parallel_loop3A_1131 = arith.index_cast %parallel_loop3A_963 : i32 to index
        %parallel_loop3A_1132 = arith.constant 64 : index
        %parallel_loop3A_1133 = tpu.vector_load %arg18[%parallel_loop3A_1130, %parallel_loop3A_1131, %parallel_loop3A_1132] {strides = array<i32>} : memref<2x48x128xf32, #tpu.memory_space<vmem>>, vector<16xf32>,
        tpu.vector_store %arg18[%parallel_loop3A_1130, %parallel_loop3A_1131, %parallel_loop3A_1132], %parallel_loop3A_1128 {strides = array<i32>} : memref<2x48x128xf32, #tpu.memory_space<vmem>>, vector<16xf32>,
        %parallel_loop3A_1134 = arith.constant 0 : i32
        %parallel_loop3A_1135 = arith.index_cast %parallel_loop3A_1134 : i32 to index
        %parallel_loop3A_1136 = arith.index_cast %parallel_loop3A_963 : i32 to index
        %parallel_loop3A_1137 = arith.constant 80 : index
        %parallel_loop3A_1138 = tpu.vector_load %arg14[%parallel_loop3A_1135, %parallel_loop3A_1136, %parallel_loop3A_1137] {strides = array<i32>} : memref<2x48x128xf32, #tpu.memory_space<vmem>>, vector<16xf32>,
        %parallel_loop3A_1139 = arith.mulf %parallel_loop3A_970, %parallel_loop3A_1138 : vector<16xf32>
        %parallel_loop3A_1140 = arith.constant 0 : i32
        %parallel_loop3A_1141 = arith.index_cast %parallel_loop3A_1140 : i32 to index
        %parallel_loop3A_1142 = arith.index_cast %parallel_loop3A_963 : i32 to index
        %parallel_loop3A_1143 = arith.constant 80 : index
        %parallel_loop3A_1144 = tpu.vector_load %arg15[%parallel_loop3A_1141, %parallel_loop3A_1142, %parallel_loop3A_1143] {strides = array<i32>} : memref<2x48x128xf32, #tpu.memory_space<vmem>>, vector<16xf32>,
        %parallel_loop3A_1145 = arith.mulf %parallel_loop3A_971, %parallel_loop3A_1144 : vector<16xf32>
        %parallel_loop3A_1146 = arith.addf %parallel_loop3A_1139, %parallel_loop3A_1145 : vector<16xf32>
        %parallel_loop3A_1147 = arith.constant 0 : i32
        %parallel_loop3A_1148 = arith.index_cast %parallel_loop3A_1147 : i32 to index
        %parallel_loop3A_1149 = arith.index_cast %parallel_loop3A_963 : i32 to index
        %parallel_loop3A_1150 = arith.constant 80 : index
        %parallel_loop3A_1151 = tpu.vector_load %arg16[%parallel_loop3A_1148, %parallel_loop3A_1149, %parallel_loop3A_1150] {strides = array<i32>} : memref<2x48x128xf32, #tpu.memory_space<vmem>>, vector<16xf32>,
        %parallel_loop3A_1152 = arith.mulf %parallel_loop3A_972, %parallel_loop3A_1151 : vector<16xf32>
        %parallel_loop3A_1153 = arith.addf %parallel_loop3A_1146, %parallel_loop3A_1152 : vector<16xf32>
        %parallel_loop3A_1154 = arith.constant 0 : i32
        %parallel_loop3A_1155 = arith.index_cast %parallel_loop3A_1154 : i32 to index
        %parallel_loop3A_1156 = arith.index_cast %parallel_loop3A_963 : i32 to index
        %parallel_loop3A_1157 = arith.constant 80 : index
        %parallel_loop3A_1158 = tpu.vector_load %arg17[%parallel_loop3A_1155, %parallel_loop3A_1156, %parallel_loop3A_1157] {strides = array<i32>} : memref<2x48x128xf32, #tpu.memory_space<vmem>>, vector<16xf32>,
        %parallel_loop3A_1159 = arith.mulf %parallel_loop3A_973, %parallel_loop3A_1158 : vector<16xf32>
        %parallel_loop3A_1160 = arith.addf %parallel_loop3A_1153, %parallel_loop3A_1159 : vector<16xf32>
        %parallel_loop3A_1161 = arith.constant 0 : i32
        %parallel_loop3A_1162 = arith.index_cast %parallel_loop3A_1161 : i32 to index
        %parallel_loop3A_1163 = arith.index_cast %parallel_loop3A_963 : i32 to index
        %parallel_loop3A_1164 = arith.constant 80 : index
        %parallel_loop3A_1165 = tpu.vector_load %arg18[%parallel_loop3A_1162, %parallel_loop3A_1163, %parallel_loop3A_1164] {strides = array<i32>} : memref<2x48x128xf32, #tpu.memory_space<vmem>>, vector<16xf32>,
        tpu.vector_store %arg18[%parallel_loop3A_1162, %parallel_loop3A_1163, %parallel_loop3A_1164], %parallel_loop3A_1160 {strides = array<i32>} : memref<2x48x128xf32, #tpu.memory_space<vmem>>, vector<16xf32>,
        %parallel_loop3A_1166 = arith.constant 0.000000e+00 : f32
        %parallel_loop3A_1167 = vector.broadcast %parallel_loop3A_1166 : f32 to vector<16xf32>
        %parallel_loop3A_1168 = arith.constant 0 : i32
        %parallel_loop3A_1169 = arith.index_cast %parallel_loop3A_1168 : i32 to index
        %parallel_loop3A_1170 = arith.index_cast %parallel_loop3A_963 : i32 to index
        %parallel_loop3A_1171 = arith.constant 96 : index
        %parallel_loop3A_1172 = tpu.vector_load %arg18[%parallel_loop3A_1169, %parallel_loop3A_1170, %parallel_loop3A_1171] {strides = array<i32>} : memref<2x48x128xf32, #tpu.memory_space<vmem>>, vector<16xf32>,
        tpu.vector_store %arg18[%parallel_loop3A_1169, %parallel_loop3A_1170, %parallel_loop3A_1171], %parallel_loop3A_1167 {strides = array<i32>} : memref<2x48x128xf32, #tpu.memory_space<vmem>>, vector<16xf32>,
        %parallel_loop3A_1173 = arith.constant 0 : i32
        %parallel_loop3A_1174 = arith.index_cast %parallel_loop3A_1173 : i32 to index
        %parallel_loop3A_1175 = arith.index_cast %parallel_loop3A_963 : i32 to index
        %parallel_loop3A_1176 = arith.constant 112 : index
        %parallel_loop3A_1177 = tpu.vector_load %arg18[%parallel_loop3A_1174, %parallel_loop3A_1175, %parallel_loop3A_1176] {strides = array<i32>} : memref<2x48x128xf32, #tpu.memory_space<vmem>>, vector<16xf32>,
        tpu.vector_store %arg18[%parallel_loop3A_1174, %parallel_loop3A_1175, %parallel_loop3A_1176], %parallel_loop3A_1167 {strides = array<i32>} : memref<2x48x128xf32, #tpu.memory_space<vmem>>, vector<16xf32>,
      } {sc.loop_unroll_factor = 4 : i64, sc.parallel_access}
      %mul3A_853 = arith.constant 14112 : i32
      %mul3A_854 = arith.muli %add3A, %mul3A_853 : i32
      %mul3A_855 = arith.constant 48 : i32
      %mul3A_856 = arith.muli %mul3A_410, %mul3A_855 : i32
      %add3A_857 = arith.addi %mul3A_854, %mul3A_856 : i32
      %dma_start3A_858 = arith.constant 0 : i32
      %dma_start3A_859 = arith.constant 0 : i32
      %dma_start3A_860 = arith.constant 0 : i32
      %dma_start3A_861 = tpu.memref_slice %arg18[%dma_start3A_858, %dma_start3A_859, %dma_start3A_860] : memref<2x48x128xf32, #tpu.memory_space<vmem>> -> memref<1x48x128xf32, #tpu.memory_space<vmem>>
      %dma_start3A_862 = tpu.memref_squeeze %dma_start3A_861 : memref<1x48x128xf32, #tpu.memory_space<vmem>> -> memref<48x128xf32, #tpu.memory_space<vmem>>
      %dma_start3A_863 = arith.constant 0 : i32
      %dma_start3A_864 = tpu.memref_slice %arg4[%add3A_857, %dma_start3A_863] : memref<451584x128xf32, #tpu.memory_space<hbm>> -> memref<48x128xf32, #tpu.memory_space<hbm>>
      %dma_start3A_865 = arith.constant 0 : i32
      %dma_start3A_866 = tpu.memref_slice %arg4[%add3A_857, %dma_start3A_865] : memref<451584x128xf32, #tpu.memory_space<hbm>> -> memref<48x128xf32, #tpu.memory_space<hbm>>
      %dma_start3A_867 = arith.constant 0 : i32
      %dma_start3A_868 = arith.constant 0 : i32
      %dma_start3A_869 = tpu.memref_slice %arg18[%dma_start3A_858, %dma_start3A_867, %dma_start3A_868] : memref<2x48x128xf32, #tpu.memory_space<vmem>> -> memref<1x48x128xf32, #tpu.memory_space<vmem>>
      %dma_start3A_870 = tpu.memref_squeeze %dma_start3A_869 : memref<1x48x128xf32, #tpu.memory_space<vmem>> -> memref<48x128xf32, #tpu.memory_space<vmem>>
      tpu.enqueue_dma source(%dma_start3A_870 : memref<48x128xf32, #tpu.memory_space<vmem>>) target(%dma_start3A_866 : memref<48x128xf32, #tpu.memory_space<hbm>>) target_semaphore(%arg21 : memref<!tpu.dma_semaphore, #tpu.memory_space<semaphore_mem>>)
      %lt3A = arith.constant 146 : i32
      %lt3A_871 = arith.cmpi slt, %scan3A_408, %lt3A : i32
      %convert_element_type3A_872 = arith.extui %lt3A_871 : i1 to i32
      %cond3A_873 = arith.constant 0 : i32
      %cond3A_874 = arith.cmpi ne, %convert_element_type3A_872, %cond3A_873 : i32
      scf.if %cond3A_874 {
        %add3A_963 = arith.constant 2 : i32
        %add3A_964 = arith.addi %mul3A_410, %add3A_963 : i32
        %mul3A_965 = arith.constant 48 : i32
        %mul3A_966 = arith.muli %add3A_964, %mul3A_965 : i32
        %add3A_967 = arith.constant 0 : i32
        %add3A_968 = arith.addi %mul3A_966, %add3A_967 : i32
        %add3A_969 = vector.broadcast %add3A_968 : i32 to vector<16xi32>
        %add3A_970 = arith.addi %add3A_969, %iota3A : vector<16xi32>
        %mul3A_971 = arith.constant 14112 : i32
        %mul3A_972 = arith.muli %add3A, %mul3A_971 : i32
        %add3A_973 = vector.broadcast %mul3A_972 : i32 to vector<16xi32>
        %add3A_974 = arith.addi %add3A_973, %add3A_970 : vector<16xi32>
        %div3A_975 = arith.constant 9 : i32
        %div3A_976 = vector.broadcast %div3A_975 : i32 to vector<16xi32>
        %div3A_977 = arith.divsi %add3A_974, %div3A_976 : vector<16xi32>
        %div3A_978 = arith.constant 224 : i32
        %div3A_979 = vector.broadcast %div3A_978 : i32 to vector<16xi32>
        %div3A_980 = arith.divsi %div3A_977, %div3A_979 : vector<16xi32>
        %mul3A_981 = arith.constant 224 : i32
        %mul3A_982 = vector.broadcast %mul3A_981 : i32 to vector<16xi32>
        %mul3A_983 = arith.muli %div3A_980, %mul3A_982 : vector<16xi32>
        %sub3A_984 = arith.subi %div3A_977, %mul3A_983 : vector<16xi32>
        %mul3A_985 = arith.constant 2 : i32
        %mul3A_986 = vector.broadcast %mul3A_985 : i32 to vector<16xi32>
        %mul3A_987 = arith.muli %add3A_970, %mul3A_986 : vector<16xi32>
        %gather3A_988 = tpu.vector_load_idx %arg5[%mul3A_987] : memref<28224xf32, #tpu.memory_space<vmem>>[vector<16xi32>], vector<16xf32>,
        %mul3A_989 = arith.constant 2 : i32
        %mul3A_990 = vector.broadcast %mul3A_989 : i32 to vector<16xi32>
        %mul3A_991 = arith.muli %add3A_970, %mul3A_990 : vector<16xi32>
        %add3A_992 = arith.constant 1 : i32
        %add3A_993 = vector.broadcast %add3A_992 : i32 to vector<16xi32>
        %add3A_994 = arith.addi %mul3A_991, %add3A_993 : vector<16xi32>
        %gather3A_995 = tpu.vector_load_idx %arg5[%add3A_994] : memref<28224xf32, #tpu.memory_space<vmem>>[vector<16xi32>], vector<16xf32>,
        %convert_element_type3A_996 = arith.sitofp %sub3A_984 : vector<16xi32> to vector<16xf32>
        %add3A_997 = arith.addf %convert_element_type3A_996, %gather3A_988 : vector<16xf32>
        %max3A_998 = arith.constant 0.000000e+00 : f32
        %max3A_999 = vector.broadcast %max3A_998 : f32 to vector<16xf32>
        %max3A_1000 = arith.maximumf %add3A_997, %max3A_999 : vector<16xf32>
        %min3A_1001 = vector.broadcast %scan3A_373 : f32 to vector<16xf32>
        %min3A_1002 = arith.minimumf %max3A_1000, %min3A_1001 : vector<16xf32>
        %convert_element_type3A_1003 = arith.sitofp %div3A_980 : vector<16xi32> to vector<16xf32>
        %add3A_1004 = arith.addf %convert_element_type3A_1003, %gather3A_995 : vector<16xf32>
        %max3A_1005 = arith.constant 0.000000e+00 : f32
        %max3A_1006 = vector.broadcast %max3A_1005 : f32 to vector<16xf32>
        %max3A_1007 = arith.maximumf %add3A_1004, %max3A_1006 : vector<16xf32>
        %min3A_1008 = vector.broadcast %scan3A_373 : f32 to vector<16xf32>
        %min3A_1009 = arith.minimumf %max3A_1007, %min3A_1008 : vector<16xf32>
        %convert_element_type3A_1010 = arith.fptosi %min3A_1002 : vector<16xf32> to vector<16xi32>
        %convert_element_type3A_1011 = arith.fptosi %min3A_1009 : vector<16xf32> to vector<16xi32>
        %convert_element_type3A_1012 = arith.sitofp %convert_element_type3A_1010 : vector<16xi32> to vector<16xf32>
        %convert_element_type3A_1013 = arith.sitofp %convert_element_type3A_1011 : vector<16xi32> to vector<16xf32>
        %add3A_1014 = arith.constant 1.000000e+00 : f32
        %add3A_1015 = vector.broadcast %add3A_1014 : f32 to vector<16xf32>
        %add3A_1016 = arith.addf %convert_element_type3A_1012, %add3A_1015 : vector<16xf32>
        %min3A_1017 = vector.broadcast %scan3A_373 : f32 to vector<16xf32>
        %min3A_1018 = arith.minimumf %add3A_1016, %min3A_1017 : vector<16xf32>
        %add3A_1019 = arith.constant 1.000000e+00 : f32
        %add3A_1020 = vector.broadcast %add3A_1019 : f32 to vector<16xf32>
        %add3A_1021 = arith.addf %convert_element_type3A_1013, %add3A_1020 : vector<16xf32>
        %min3A_1022 = vector.broadcast %scan3A_373 : f32 to vector<16xf32>
        %min3A_1023 = arith.minimumf %add3A_1021, %min3A_1022 : vector<16xf32>
        %convert_element_type3A_1024 = arith.fptosi %min3A_1018 : vector<16xf32> to vector<16xi32>
        %convert_element_type3A_1025 = arith.fptosi %min3A_1023 : vector<16xf32> to vector<16xi32>
        %sub3A_1026 = arith.subf %min3A_1018, %min3A_1002 : vector<16xf32>
        %sub3A_1027 = arith.subf %min3A_1002, %convert_element_type3A_1012 : vector<16xf32>
        %sub3A_1028 = arith.subf %min3A_1023, %min3A_1009 : vector<16xf32>
        %sub3A_1029 = arith.subf %min3A_1009, %convert_element_type3A_1013 : vector<16xf32>
        %mul3A_1030 = arith.constant 224 : i32
        %mul3A_1031 = vector.broadcast %mul3A_1030 : i32 to vector<16xi32>
        %mul3A_1032 = arith.muli %convert_element_type3A_1011, %mul3A_1031 : vector<16xi32>
        %add3A_1033 = arith.addi %mul3A_1032, %convert_element_type3A_1010 : vector<16xi32>
        %swap3A_1034 = arith.constant 0 : i32
        %swap3A_1035 = arith.index_cast %swap3A_1034 : i32 to index
        %swap3A_1036 = arith.constant 0 : index
        %swap3A_1037 = tpu.vector_load %arg6[%swap3A_1035, %swap3A_1036] {strides = array<i32>} : memref<2x48xi32, #tpu.memory_space<vmem>>, vector<16xi32>,
        tpu.vector_store %arg6[%swap3A_1035, %swap3A_1036], %add3A_1033 {strides = array<i32>} : memref<2x48xi32, #tpu.memory_space<vmem>>, vector<16xi32>,
        %mul3A_1038 = arith.constant 224 : i32
        %mul3A_1039 = vector.broadcast %mul3A_1038 : i32 to vector<16xi32>
        %mul3A_1040 = arith.muli %convert_element_type3A_1025, %mul3A_1039 : vector<16xi32>
        %add3A_1041 = arith.addi %mul3A_1040, %convert_element_type3A_1010 : vector<16xi32>
        %swap3A_1042 = arith.constant 0 : i32
        %swap3A_1043 = arith.index_cast %swap3A_1042 : i32 to index
        %swap3A_1044 = arith.constant 0 : index
        %swap3A_1045 = tpu.vector_load %arg7[%swap3A_1043, %swap3A_1044] {strides = array<i32>} : memref<2x48xi32, #tpu.memory_space<vmem>>, vector<16xi32>,
        tpu.vector_store %arg7[%swap3A_1043, %swap3A_1044], %add3A_1041 {strides = array<i32>} : memref<2x48xi32, #tpu.memory_space<vmem>>, vector<16xi32>,
        %mul3A_1046 = arith.constant 224 : i32
        %mul3A_1047 = vector.broadcast %mul3A_1046 : i32 to vector<16xi32>
        %mul3A_1048 = arith.muli %convert_element_type3A_1011, %mul3A_1047 : vector<16xi32>
        %add3A_1049 = arith.addi %mul3A_1048, %convert_element_type3A_1024 : vector<16xi32>
        %swap3A_1050 = arith.constant 0 : i32
        %swap3A_1051 = arith.index_cast %swap3A_1050 : i32 to index
        %swap3A_1052 = arith.constant 0 : index
        %swap3A_1053 = tpu.vector_load %arg8[%swap3A_1051, %swap3A_1052] {strides = array<i32>} : memref<2x48xi32, #tpu.memory_space<vmem>>, vector<16xi32>,
        tpu.vector_store %arg8[%swap3A_1051, %swap3A_1052], %add3A_1049 {strides = array<i32>} : memref<2x48xi32, #tpu.memory_space<vmem>>, vector<16xi32>,
        %mul3A_1054 = arith.constant 224 : i32
        %mul3A_1055 = vector.broadcast %mul3A_1054 : i32 to vector<16xi32>
        %mul3A_1056 = arith.muli %convert_element_type3A_1025, %mul3A_1055 : vector<16xi32>
        %add3A_1057 = arith.addi %mul3A_1056, %convert_element_type3A_1024 : vector<16xi32>
        %swap3A_1058 = arith.constant 0 : i32
        %swap3A_1059 = arith.index_cast %swap3A_1058 : i32 to index
        %swap3A_1060 = arith.constant 0 : index
        %swap3A_1061 = tpu.vector_load %arg9[%swap3A_1059, %swap3A_1060] {strides = array<i32>} : memref<2x48xi32, #tpu.memory_space<vmem>>, vector<16xi32>,
        tpu.vector_store %arg9[%swap3A_1059, %swap3A_1060], %add3A_1057 {strides = array<i32>} : memref<2x48xi32, #tpu.memory_space<vmem>>, vector<16xi32>,
        %mul3A_1062 = arith.mulf %sub3A_1026, %sub3A_1028 : vector<16xf32>
        %swap3A_1063 = arith.constant 0 : index
        %swap3A_1064 = tpu.vector_load %arg10[%swap3A_1063] {strides = array<i32>} : memref<96xf32, #tpu.memory_space<vmem>>, vector<16xf32>,
        tpu.vector_store %arg10[%swap3A_1063], %mul3A_1062 {strides = array<i32>} : memref<96xf32, #tpu.memory_space<vmem>>, vector<16xf32>,
        %mul3A_1065 = arith.mulf %sub3A_1026, %sub3A_1029 : vector<16xf32>
        %swap3A_1066 = arith.constant 0 : index
        %swap3A_1067 = tpu.vector_load %arg11[%swap3A_1066] {strides = array<i32>} : memref<96xf32, #tpu.memory_space<vmem>>, vector<16xf32>,
        tpu.vector_store %arg11[%swap3A_1066], %mul3A_1065 {strides = array<i32>} : memref<96xf32, #tpu.memory_space<vmem>>, vector<16xf32>,
        %mul3A_1068 = arith.mulf %sub3A_1027, %sub3A_1028 : vector<16xf32>
        %swap3A_1069 = arith.constant 0 : index
        %swap3A_1070 = tpu.vector_load %arg12[%swap3A_1069] {strides = array<i32>} : memref<96xf32, #tpu.memory_space<vmem>>, vector<16xf32>,
        tpu.vector_store %arg12[%swap3A_1069], %mul3A_1068 {strides = array<i32>} : memref<96xf32, #tpu.memory_space<vmem>>, vector<16xf32>,
        %mul3A_1071 = arith.mulf %sub3A_1027, %sub3A_1029 : vector<16xf32>
        %swap3A_1072 = arith.constant 0 : index
        %swap3A_1073 = tpu.vector_load %arg13[%swap3A_1072] {strides = array<i32>} : memref<96xf32, #tpu.memory_space<vmem>>, vector<16xf32>,
        tpu.vector_store %arg13[%swap3A_1072], %mul3A_1071 {strides = array<i32>} : memref<96xf32, #tpu.memory_space<vmem>>, vector<16xf32>,
        %mul3A_1074 = arith.constant 48 : i32
        %mul3A_1075 = arith.muli %add3A_964, %mul3A_1074 : i32
        %add3A_1076 = arith.constant 16 : i32
        %add3A_1077 = arith.addi %mul3A_1075, %add3A_1076 : i32
        %add3A_1078 = vector.broadcast %add3A_1077 : i32 to vector<16xi32>
        %add3A_1079 = arith.addi %add3A_1078, %iota3A : vector<16xi32>
        %mul3A_1080 = arith.constant 14112 : i32
        %mul3A_1081 = arith.muli %add3A, %mul3A_1080 : i32
        %add3A_1082 = vector.broadcast %mul3A_1081 : i32 to vector<16xi32>
        %add3A_1083 = arith.addi %add3A_1082, %add3A_1079 : vector<16xi32>
        %div3A_1084 = arith.constant 9 : i32
        %div3A_1085 = vector.broadcast %div3A_1084 : i32 to vector<16xi32>
        %div3A_1086 = arith.divsi %add3A_1083, %div3A_1085 : vector<16xi32>
        %div3A_1087 = arith.constant 224 : i32
        %div3A_1088 = vector.broadcast %div3A_1087 : i32 to vector<16xi32>
        %div3A_1089 = arith.divsi %div3A_1086, %div3A_1088 : vector<16xi32>
        %mul3A_1090 = arith.constant 224 : i32
        %mul3A_1091 = vector.broadcast %mul3A_1090 : i32 to vector<16xi32>
        %mul3A_1092 = arith.muli %div3A_1089, %mul3A_1091 : vector<16xi32>
        %sub3A_1093 = arith.subi %div3A_1086, %mul3A_1092 : vector<16xi32>
        %mul3A_1094 = arith.constant 2 : i32
        %mul3A_1095 = vector.broadcast %mul3A_1094 : i32 to vector<16xi32>
        %mul3A_1096 = arith.muli %add3A_1079, %mul3A_1095 : vector<16xi32>
        %gather3A_1097 = tpu.vector_load_idx %arg5[%mul3A_1096] : memref<28224xf32, #tpu.memory_space<vmem>>[vector<16xi32>], vector<16xf32>,
        %mul3A_1098 = arith.constant 2 : i32
        %mul3A_1099 = vector.broadcast %mul3A_1098 : i32 to vector<16xi32>
        %mul3A_1100 = arith.muli %add3A_1079, %mul3A_1099 : vector<16xi32>
        %add3A_1101 = arith.constant 1 : i32
        %add3A_1102 = vector.broadcast %add3A_1101 : i32 to vector<16xi32>
        %add3A_1103 = arith.addi %mul3A_1100, %add3A_1102 : vector<16xi32>
        %gather3A_1104 = tpu.vector_load_idx %arg5[%add3A_1103] : memref<28224xf32, #tpu.memory_space<vmem>>[vector<16xi32>], vector<16xf32>,
        %convert_element_type3A_1105 = arith.sitofp %sub3A_1093 : vector<16xi32> to vector<16xf32>
        %add3A_1106 = arith.addf %convert_element_type3A_1105, %gather3A_1097 : vector<16xf32>
        %max3A_1107 = arith.constant 0.000000e+00 : f32
        %max3A_1108 = vector.broadcast %max3A_1107 : f32 to vector<16xf32>
        %max3A_1109 = arith.maximumf %add3A_1106, %max3A_1108 : vector<16xf32>
        %min3A_1110 = vector.broadcast %scan3A_373 : f32 to vector<16xf32>
        %min3A_1111 = arith.minimumf %max3A_1109, %min3A_1110 : vector<16xf32>
        %convert_element_type3A_1112 = arith.sitofp %div3A_1089 : vector<16xi32> to vector<16xf32>
        %add3A_1113 = arith.addf %convert_element_type3A_1112, %gather3A_1104 : vector<16xf32>
        %max3A_1114 = arith.constant 0.000000e+00 : f32
        %max3A_1115 = vector.broadcast %max3A_1114 : f32 to vector<16xf32>
        %max3A_1116 = arith.maximumf %add3A_1113, %max3A_1115 : vector<16xf32>
        %min3A_1117 = vector.broadcast %scan3A_373 : f32 to vector<16xf32>
        %min3A_1118 = arith.minimumf %max3A_1116, %min3A_1117 : vector<16xf32>
        %convert_element_type3A_1119 = arith.fptosi %min3A_1111 : vector<16xf32> to vector<16xi32>
        %convert_element_type3A_1120 = arith.fptosi %min3A_1118 : vector<16xf32> to vector<16xi32>
        %convert_element_type3A_1121 = arith.sitofp %convert_element_type3A_1119 : vector<16xi32> to vector<16xf32>
        %convert_element_type3A_1122 = arith.sitofp %convert_element_type3A_1120 : vector<16xi32> to vector<16xf32>
        %add3A_1123 = arith.constant 1.000000e+00 : f32
        %add3A_1124 = vector.broadcast %add3A_1123 : f32 to vector<16xf32>
        %add3A_1125 = arith.addf %convert_element_type3A_1121, %add3A_1124 : vector<16xf32>
        %min3A_1126 = vector.broadcast %scan3A_373 : f32 to vector<16xf32>
        %min3A_1127 = arith.minimumf %add3A_1125, %min3A_1126 : vector<16xf32>
        %add3A_1128 = arith.constant 1.000000e+00 : f32
        %add3A_1129 = vector.broadcast %add3A_1128 : f32 to vector<16xf32>
        %add3A_1130 = arith.addf %convert_element_type3A_1122, %add3A_1129 : vector<16xf32>
        %min3A_1131 = vector.broadcast %scan3A_373 : f32 to vector<16xf32>
        %min3A_1132 = arith.minimumf %add3A_1130, %min3A_1131 : vector<16xf32>
        %convert_element_type3A_1133 = arith.fptosi %min3A_1127 : vector<16xf32> to vector<16xi32>
        %convert_element_type3A_1134 = arith.fptosi %min3A_1132 : vector<16xf32> to vector<16xi32>
        %sub3A_1135 = arith.subf %min3A_1127, %min3A_1111 : vector<16xf32>
        %sub3A_1136 = arith.subf %min3A_1111, %convert_element_type3A_1121 : vector<16xf32>
        %sub3A_1137 = arith.subf %min3A_1132, %min3A_1118 : vector<16xf32>
        %sub3A_1138 = arith.subf %min3A_1118, %convert_element_type3A_1122 : vector<16xf32>
        %mul3A_1139 = arith.constant 224 : i32
        %mul3A_1140 = vector.broadcast %mul3A_1139 : i32 to vector<16xi32>
        %mul3A_1141 = arith.muli %convert_element_type3A_1120, %mul3A_1140 : vector<16xi32>
        %add3A_1142 = arith.addi %mul3A_1141, %convert_element_type3A_1119 : vector<16xi32>
        %swap3A_1143 = arith.constant 0 : i32
        %swap3A_1144 = arith.index_cast %swap3A_1143 : i32 to index
        %swap3A_1145 = arith.constant 16 : index
        %swap3A_1146 = tpu.vector_load %arg6[%swap3A_1144, %swap3A_1145] {strides = array<i32>} : memref<2x48xi32, #tpu.memory_space<vmem>>, vector<16xi32>,
        tpu.vector_store %arg6[%swap3A_1144, %swap3A_1145], %add3A_1142 {strides = array<i32>} : memref<2x48xi32, #tpu.memory_space<vmem>>, vector<16xi32>,
        %mul3A_1147 = arith.constant 224 : i32
        %mul3A_1148 = vector.broadcast %mul3A_1147 : i32 to vector<16xi32>
        %mul3A_1149 = arith.muli %convert_element_type3A_1134, %mul3A_1148 : vector<16xi32>
        %add3A_1150 = arith.addi %mul3A_1149, %convert_element_type3A_1119 : vector<16xi32>
        %swap3A_1151 = arith.constant 0 : i32
        %swap3A_1152 = arith.index_cast %swap3A_1151 : i32 to index
        %swap3A_1153 = arith.constant 16 : index
        %swap3A_1154 = tpu.vector_load %arg7[%swap3A_1152, %swap3A_1153] {strides = array<i32>} : memref<2x48xi32, #tpu.memory_space<vmem>>, vector<16xi32>,
        tpu.vector_store %arg7[%swap3A_1152, %swap3A_1153], %add3A_1150 {strides = array<i32>} : memref<2x48xi32, #tpu.memory_space<vmem>>, vector<16xi32>,
        %mul3A_1155 = arith.constant 224 : i32
        %mul3A_1156 = vector.broadcast %mul3A_1155 : i32 to vector<16xi32>
        %mul3A_1157 = arith.muli %convert_element_type3A_1120, %mul3A_1156 : vector<16xi32>
        %add3A_1158 = arith.addi %mul3A_1157, %convert_element_type3A_1133 : vector<16xi32>
        %swap3A_1159 = arith.constant 0 : i32
        %swap3A_1160 = arith.index_cast %swap3A_1159 : i32 to index
        %swap3A_1161 = arith.constant 16 : index
        %swap3A_1162 = tpu.vector_load %arg8[%swap3A_1160, %swap3A_1161] {strides = array<i32>} : memref<2x48xi32, #tpu.memory_space<vmem>>, vector<16xi32>,
        tpu.vector_store %arg8[%swap3A_1160, %swap3A_1161], %add3A_1158 {strides = array<i32>} : memref<2x48xi32, #tpu.memory_space<vmem>>, vector<16xi32>,
        %mul3A_1163 = arith.constant 224 : i32
        %mul3A_1164 = vector.broadcast %mul3A_1163 : i32 to vector<16xi32>
        %mul3A_1165 = arith.muli %convert_element_type3A_1134, %mul3A_1164 : vector<16xi32>
        %add3A_1166 = arith.addi %mul3A_1165, %convert_element_type3A_1133 : vector<16xi32>
        %swap3A_1167 = arith.constant 0 : i32
        %swap3A_1168 = arith.index_cast %swap3A_1167 : i32 to index
        %swap3A_1169 = arith.constant 16 : index
        %swap3A_1170 = tpu.vector_load %arg9[%swap3A_1168, %swap3A_1169] {strides = array<i32>} : memref<2x48xi32, #tpu.memory_space<vmem>>, vector<16xi32>,
        tpu.vector_store %arg9[%swap3A_1168, %swap3A_1169], %add3A_1166 {strides = array<i32>} : memref<2x48xi32, #tpu.memory_space<vmem>>, vector<16xi32>,
        %mul3A_1171 = arith.mulf %sub3A_1135, %sub3A_1137 : vector<16xf32>
        %swap3A_1172 = arith.constant 16 : index
        %swap3A_1173 = tpu.vector_load %arg10[%swap3A_1172] {strides = array<i32>} : memref<96xf32, #tpu.memory_space<vmem>>, vector<16xf32>,
        tpu.vector_store %arg10[%swap3A_1172], %mul3A_1171 {strides = array<i32>} : memref<96xf32, #tpu.memory_space<vmem>>, vector<16xf32>,
        %mul3A_1174 = arith.mulf %sub3A_1135, %sub3A_1138 : vector<16xf32>
        %swap3A_1175 = arith.constant 16 : index
        %swap3A_1176 = tpu.vector_load %arg11[%swap3A_1175] {strides = array<i32>} : memref<96xf32, #tpu.memory_space<vmem>>, vector<16xf32>,
        tpu.vector_store %arg11[%swap3A_1175], %mul3A_1174 {strides = array<i32>} : memref<96xf32, #tpu.memory_space<vmem>>, vector<16xf32>,
        %mul3A_1177 = arith.mulf %sub3A_1136, %sub3A_1137 : vector<16xf32>
        %swap3A_1178 = arith.constant 16 : index
        %swap3A_1179 = tpu.vector_load %arg12[%swap3A_1178] {strides = array<i32>} : memref<96xf32, #tpu.memory_space<vmem>>, vector<16xf32>,
        tpu.vector_store %arg12[%swap3A_1178], %mul3A_1177 {strides = array<i32>} : memref<96xf32, #tpu.memory_space<vmem>>, vector<16xf32>,
        %mul3A_1180 = arith.mulf %sub3A_1136, %sub3A_1138 : vector<16xf32>
        %swap3A_1181 = arith.constant 16 : index
        %swap3A_1182 = tpu.vector_load %arg13[%swap3A_1181] {strides = array<i32>} : memref<96xf32, #tpu.memory_space<vmem>>, vector<16xf32>,
        tpu.vector_store %arg13[%swap3A_1181], %mul3A_1180 {strides = array<i32>} : memref<96xf32, #tpu.memory_space<vmem>>, vector<16xf32>,
        %mul3A_1183 = arith.constant 48 : i32
        %mul3A_1184 = arith.muli %add3A_964, %mul3A_1183 : i32
        %add3A_1185 = arith.constant 32 : i32
        %add3A_1186 = arith.addi %mul3A_1184, %add3A_1185 : i32
        %add3A_1187 = vector.broadcast %add3A_1186 : i32 to vector<16xi32>
        %add3A_1188 = arith.addi %add3A_1187, %iota3A : vector<16xi32>
        %mul3A_1189 = arith.constant 14112 : i32
        %mul3A_1190 = arith.muli %add3A, %mul3A_1189 : i32
        %add3A_1191 = vector.broadcast %mul3A_1190 : i32 to vector<16xi32>
        %add3A_1192 = arith.addi %add3A_1191, %add3A_1188 : vector<16xi32>
        %div3A_1193 = arith.constant 9 : i32
        %div3A_1194 = vector.broadcast %div3A_1193 : i32 to vector<16xi32>
        %div3A_1195 = arith.divsi %add3A_1192, %div3A_1194 : vector<16xi32>
        %div3A_1196 = arith.constant 224 : i32
        %div3A_1197 = vector.broadcast %div3A_1196 : i32 to vector<16xi32>
        %div3A_1198 = arith.divsi %div3A_1195, %div3A_1197 : vector<16xi32>
        %mul3A_1199 = arith.constant 224 : i32
        %mul3A_1200 = vector.broadcast %mul3A_1199 : i32 to vector<16xi32>
        %mul3A_1201 = arith.muli %div3A_1198, %mul3A_1200 : vector<16xi32>
        %sub3A_1202 = arith.subi %div3A_1195, %mul3A_1201 : vector<16xi32>
        %mul3A_1203 = arith.constant 2 : i32
        %mul3A_1204 = vector.broadcast %mul3A_1203 : i32 to vector<16xi32>
        %mul3A_1205 = arith.muli %add3A_1188, %mul3A_1204 : vector<16xi32>
        %gather3A_1206 = tpu.vector_load_idx %arg5[%mul3A_1205] : memref<28224xf32, #tpu.memory_space<vmem>>[vector<16xi32>], vector<16xf32>,
        %mul3A_1207 = arith.constant 2 : i32
        %mul3A_1208 = vector.broadcast %mul3A_1207 : i32 to vector<16xi32>
        %mul3A_1209 = arith.muli %add3A_1188, %mul3A_1208 : vector<16xi32>
        %add3A_1210 = arith.constant 1 : i32
        %add3A_1211 = vector.broadcast %add3A_1210 : i32 to vector<16xi32>
        %add3A_1212 = arith.addi %mul3A_1209, %add3A_1211 : vector<16xi32>
        %gather3A_1213 = tpu.vector_load_idx %arg5[%add3A_1212] : memref<28224xf32, #tpu.memory_space<vmem>>[vector<16xi32>], vector<16xf32>,
        %convert_element_type3A_1214 = arith.sitofp %sub3A_1202 : vector<16xi32> to vector<16xf32>
        %add3A_1215 = arith.addf %convert_element_type3A_1214, %gather3A_1206 : vector<16xf32>
        %max3A_1216 = arith.constant 0.000000e+00 : f32
        %max3A_1217 = vector.broadcast %max3A_1216 : f32 to vector<16xf32>
        %max3A_1218 = arith.maximumf %add3A_1215, %max3A_1217 : vector<16xf32>
        %min3A_1219 = vector.broadcast %scan3A_373 : f32 to vector<16xf32>
        %min3A_1220 = arith.minimumf %max3A_1218, %min3A_1219 : vector<16xf32>
        %convert_element_type3A_1221 = arith.sitofp %div3A_1198 : vector<16xi32> to vector<16xf32>
        %add3A_1222 = arith.addf %convert_element_type3A_1221, %gather3A_1213 : vector<16xf32>
        %max3A_1223 = arith.constant 0.000000e+00 : f32
        %max3A_1224 = vector.broadcast %max3A_1223 : f32 to vector<16xf32>
        %max3A_1225 = arith.maximumf %add3A_1222, %max3A_1224 : vector<16xf32>
        %min3A_1226 = vector.broadcast %scan3A_373 : f32 to vector<16xf32>
        %min3A_1227 = arith.minimumf %max3A_1225, %min3A_1226 : vector<16xf32>
        %convert_element_type3A_1228 = arith.fptosi %min3A_1220 : vector<16xf32> to vector<16xi32>
        %convert_element_type3A_1229 = arith.fptosi %min3A_1227 : vector<16xf32> to vector<16xi32>
        %convert_element_type3A_1230 = arith.sitofp %convert_element_type3A_1228 : vector<16xi32> to vector<16xf32>
        %convert_element_type3A_1231 = arith.sitofp %convert_element_type3A_1229 : vector<16xi32> to vector<16xf32>
        %add3A_1232 = arith.constant 1.000000e+00 : f32
        %add3A_1233 = vector.broadcast %add3A_1232 : f32 to vector<16xf32>
        %add3A_1234 = arith.addf %convert_element_type3A_1230, %add3A_1233 : vector<16xf32>
        %min3A_1235 = vector.broadcast %scan3A_373 : f32 to vector<16xf32>
        %min3A_1236 = arith.minimumf %add3A_1234, %min3A_1235 : vector<16xf32>
        %add3A_1237 = arith.constant 1.000000e+00 : f32
        %add3A_1238 = vector.broadcast %add3A_1237 : f32 to vector<16xf32>
        %add3A_1239 = arith.addf %convert_element_type3A_1231, %add3A_1238 : vector<16xf32>
        %min3A_1240 = vector.broadcast %scan3A_373 : f32 to vector<16xf32>
        %min3A_1241 = arith.minimumf %add3A_1239, %min3A_1240 : vector<16xf32>
        %convert_element_type3A_1242 = arith.fptosi %min3A_1236 : vector<16xf32> to vector<16xi32>
        %convert_element_type3A_1243 = arith.fptosi %min3A_1241 : vector<16xf32> to vector<16xi32>
        %sub3A_1244 = arith.subf %min3A_1236, %min3A_1220 : vector<16xf32>
        %sub3A_1245 = arith.subf %min3A_1220, %convert_element_type3A_1230 : vector<16xf32>
        %sub3A_1246 = arith.subf %min3A_1241, %min3A_1227 : vector<16xf32>
        %sub3A_1247 = arith.subf %min3A_1227, %convert_element_type3A_1231 : vector<16xf32>
        %mul3A_1248 = arith.constant 224 : i32
        %mul3A_1249 = vector.broadcast %mul3A_1248 : i32 to vector<16xi32>
        %mul3A_1250 = arith.muli %convert_element_type3A_1229, %mul3A_1249 : vector<16xi32>
        %add3A_1251 = arith.addi %mul3A_1250, %convert_element_type3A_1228 : vector<16xi32>
        %swap3A_1252 = arith.constant 0 : i32
        %swap3A_1253 = arith.index_cast %swap3A_1252 : i32 to index
        %swap3A_1254 = arith.constant 32 : index
        %swap3A_1255 = tpu.vector_load %arg6[%swap3A_1253, %swap3A_1254] {strides = array<i32>} : memref<2x48xi32, #tpu.memory_space<vmem>>, vector<16xi32>,
        tpu.vector_store %arg6[%swap3A_1253, %swap3A_1254], %add3A_1251 {strides = array<i32>} : memref<2x48xi32, #tpu.memory_space<vmem>>, vector<16xi32>,
        %mul3A_1256 = arith.constant 224 : i32
        %mul3A_1257 = vector.broadcast %mul3A_1256 : i32 to vector<16xi32>
        %mul3A_1258 = arith.muli %convert_element_type3A_1243, %mul3A_1257 : vector<16xi32>
        %add3A_1259 = arith.addi %mul3A_1258, %convert_element_type3A_1228 : vector<16xi32>
        %swap3A_1260 = arith.constant 0 : i32
        %swap3A_1261 = arith.index_cast %swap3A_1260 : i32 to index
        %swap3A_1262 = arith.constant 32 : index
        %swap3A_1263 = tpu.vector_load %arg7[%swap3A_1261, %swap3A_1262] {strides = array<i32>} : memref<2x48xi32, #tpu.memory_space<vmem>>, vector<16xi32>,
        tpu.vector_store %arg7[%swap3A_1261, %swap3A_1262], %add3A_1259 {strides = array<i32>} : memref<2x48xi32, #tpu.memory_space<vmem>>, vector<16xi32>,
        %mul3A_1264 = arith.constant 224 : i32
        %mul3A_1265 = vector.broadcast %mul3A_1264 : i32 to vector<16xi32>
        %mul3A_1266 = arith.muli %convert_element_type3A_1229, %mul3A_1265 : vector<16xi32>
        %add3A_1267 = arith.addi %mul3A_1266, %convert_element_type3A_1242 : vector<16xi32>
        %swap3A_1268 = arith.constant 0 : i32
        %swap3A_1269 = arith.index_cast %swap3A_1268 : i32 to index
        %swap3A_1270 = arith.constant 32 : index
        %swap3A_1271 = tpu.vector_load %arg8[%swap3A_1269, %swap3A_1270] {strides = array<i32>} : memref<2x48xi32, #tpu.memory_space<vmem>>, vector<16xi32>,
        tpu.vector_store %arg8[%swap3A_1269, %swap3A_1270], %add3A_1267 {strides = array<i32>} : memref<2x48xi32, #tpu.memory_space<vmem>>, vector<16xi32>,
        %mul3A_1272 = arith.constant 224 : i32
        %mul3A_1273 = vector.broadcast %mul3A_1272 : i32 to vector<16xi32>
        %mul3A_1274 = arith.muli %convert_element_type3A_1243, %mul3A_1273 : vector<16xi32>
        %add3A_1275 = arith.addi %mul3A_1274, %convert_element_type3A_1242 : vector<16xi32>
        %swap3A_1276 = arith.constant 0 : i32
        %swap3A_1277 = arith.index_cast %swap3A_1276 : i32 to index
        %swap3A_1278 = arith.constant 32 : index
        %swap3A_1279 = tpu.vector_load %arg9[%swap3A_1277, %swap3A_1278] {strides = array<i32>} : memref<2x48xi32, #tpu.memory_space<vmem>>, vector<16xi32>,
        tpu.vector_store %arg9[%swap3A_1277, %swap3A_1278], %add3A_1275 {strides = array<i32>} : memref<2x48xi32, #tpu.memory_space<vmem>>, vector<16xi32>,
        %mul3A_1280 = arith.mulf %sub3A_1244, %sub3A_1246 : vector<16xf32>
        %swap3A_1281 = arith.constant 32 : index
        %swap3A_1282 = tpu.vector_load %arg10[%swap3A_1281] {strides = array<i32>} : memref<96xf32, #tpu.memory_space<vmem>>, vector<16xf32>,
        tpu.vector_store %arg10[%swap3A_1281], %mul3A_1280 {strides = array<i32>} : memref<96xf32, #tpu.memory_space<vmem>>, vector<16xf32>,
        %mul3A_1283 = arith.mulf %sub3A_1244, %sub3A_1247 : vector<16xf32>
        %swap3A_1284 = arith.constant 32 : index
        %swap3A_1285 = tpu.vector_load %arg11[%swap3A_1284] {strides = array<i32>} : memref<96xf32, #tpu.memory_space<vmem>>, vector<16xf32>,
        tpu.vector_store %arg11[%swap3A_1284], %mul3A_1283 {strides = array<i32>} : memref<96xf32, #tpu.memory_space<vmem>>, vector<16xf32>,
        %mul3A_1286 = arith.mulf %sub3A_1245, %sub3A_1246 : vector<16xf32>
        %swap3A_1287 = arith.constant 32 : index
        %swap3A_1288 = tpu.vector_load %arg12[%swap3A_1287] {strides = array<i32>} : memref<96xf32, #tpu.memory_space<vmem>>, vector<16xf32>,
        tpu.vector_store %arg12[%swap3A_1287], %mul3A_1286 {strides = array<i32>} : memref<96xf32, #tpu.memory_space<vmem>>, vector<16xf32>,
        %mul3A_1289 = arith.mulf %sub3A_1245, %sub3A_1247 : vector<16xf32>
        %swap3A_1290 = arith.constant 32 : index
        %swap3A_1291 = tpu.vector_load %arg13[%swap3A_1290] {strides = array<i32>} : memref<96xf32, #tpu.memory_space<vmem>>, vector<16xf32>,
        tpu.vector_store %arg13[%swap3A_1290], %mul3A_1289 {strides = array<i32>} : memref<96xf32, #tpu.memory_space<vmem>>, vector<16xf32>,
        %dma_start3A_1292 = arith.constant 0 : i32
        %dma_start3A_1293 = arith.constant 0 : i32
        %dma_start3A_1294 = arith.constant 0 : i32
        %dma_start3A_1295 = arith.constant 0 : i32
        %dma_start3A_1296 = tpu.memref_slice %arg14[%dma_start3A_1293, %dma_start3A_1294, %dma_start3A_1295] : memref<2x48x128xf32, #tpu.memory_space<vmem>> -> memref<1x48x128xf32, #tpu.memory_space<vmem>>
        %dma_start3A_1297 = tpu.memref_squeeze %dma_start3A_1296 : memref<1x48x128xf32, #tpu.memory_space<vmem>> -> memref<48x128xf32, #tpu.memory_space<vmem>>
        %dma_start3A_1298 = arith.constant 0 : i32
        %dma_start3A_1299 = tpu.memref_slice %arg6[%dma_start3A_1292, %dma_start3A_1298] : memref<2x48xi32, #tpu.memory_space<vmem>> -> memref<1x48xi32, #tpu.memory_space<vmem>>
        %dma_start3A_1300 = tpu.memref_squeeze %dma_start3A_1299 : memref<1x48xi32, #tpu.memory_space<vmem>> -> memref<48xi32, #tpu.memory_space<vmem>>
        %dma_start3A_1301 = arith.constant 0 : i32
        %dma_start3A_1302 = arith.constant 0 : i32
        %dma_start3A_1303 = tpu.memref_slice %arg3[%dma_start3A_1301, %dma_start3A_1302] : memref<50176x128xf32, #tpu.memory_space<hbm>> -> memref<50176x128xf32, #tpu.memory_space<hbm>>
        tpu.enqueue_indirect_dma source(%dma_start3A_1303 : memref<50176x128xf32, #tpu.memory_space<hbm>>) target(%dma_start3A_1297 : memref<48x128xf32, #tpu.memory_space<vmem>>) offsets(%dma_start3A_1300 : memref<48xi32, #tpu.memory_space<vmem>>) semaphore(%arg19 : memref<!tpu.dma_semaphore, #tpu.memory_space<semaphore_mem>>)
        %dma_start3A_1304 = arith.constant 0 : i32
        %dma_start3A_1305 = arith.constant 0 : i32
        %dma_start3A_1306 = arith.constant 0 : i32
        %dma_start3A_1307 = arith.constant 0 : i32
        %dma_start3A_1308 = tpu.memref_slice %arg15[%dma_start3A_1305, %dma_start3A_1306, %dma_start3A_1307] : memref<2x48x128xf32, #tpu.memory_space<vmem>> -> memref<1x48x128xf32, #tpu.memory_space<vmem>>
        %dma_start3A_1309 = tpu.memref_squeeze %dma_start3A_1308 : memref<1x48x128xf32, #tpu.memory_space<vmem>> -> memref<48x128xf32, #tpu.memory_space<vmem>>
        %dma_start3A_1310 = arith.constant 0 : i32
        %dma_start3A_1311 = tpu.memref_slice %arg7[%dma_start3A_1304, %dma_start3A_1310] : memref<2x48xi32, #tpu.memory_space<vmem>> -> memref<1x48xi32, #tpu.memory_space<vmem>>
        %dma_start3A_1312 = tpu.memref_squeeze %dma_start3A_1311 : memref<1x48xi32, #tpu.memory_space<vmem>> -> memref<48xi32, #tpu.memory_space<vmem>>
        %dma_start3A_1313 = arith.constant 0 : i32
        %dma_start3A_1314 = arith.constant 0 : i32
        %dma_start3A_1315 = tpu.memref_slice %arg3[%dma_start3A_1313, %dma_start3A_1314] : memref<50176x128xf32, #tpu.memory_space<hbm>> -> memref<50176x128xf32, #tpu.memory_space<hbm>>
        tpu.enqueue_indirect_dma source(%dma_start3A_1315 : memref<50176x128xf32, #tpu.memory_space<hbm>>) target(%dma_start3A_1309 : memref<48x128xf32, #tpu.memory_space<vmem>>) offsets(%dma_start3A_1312 : memref<48xi32, #tpu.memory_space<vmem>>) semaphore(%arg19 : memref<!tpu.dma_semaphore, #tpu.memory_space<semaphore_mem>>)
        %dma_start3A_1316 = arith.constant 0 : i32
        %dma_start3A_1317 = arith.constant 0 : i32
        %dma_start3A_1318 = arith.constant 0 : i32
        %dma_start3A_1319 = arith.constant 0 : i32
        %dma_start3A_1320 = tpu.memref_slice %arg16[%dma_start3A_1317, %dma_start3A_1318, %dma_start3A_1319] : memref<2x48x128xf32, #tpu.memory_space<vmem>> -> memref<1x48x128xf32, #tpu.memory_space<vmem>>
        %dma_start3A_1321 = tpu.memref_squeeze %dma_start3A_1320 : memref<1x48x128xf32, #tpu.memory_space<vmem>> -> memref<48x128xf32, #tpu.memory_space<vmem>>
        %dma_start3A_1322 = arith.constant 0 : i32
        %dma_start3A_1323 = tpu.memref_slice %arg8[%dma_start3A_1316, %dma_start3A_1322] : memref<2x48xi32, #tpu.memory_space<vmem>> -> memref<1x48xi32, #tpu.memory_space<vmem>>
        %dma_start3A_1324 = tpu.memref_squeeze %dma_start3A_1323 : memref<1x48xi32, #tpu.memory_space<vmem>> -> memref<48xi32, #tpu.memory_space<vmem>>
        %dma_start3A_1325 = arith.constant 0 : i32
        %dma_start3A_1326 = arith.constant 0 : i32
        %dma_start3A_1327 = tpu.memref_slice %arg3[%dma_start3A_1325, %dma_start3A_1326] : memref<50176x128xf32, #tpu.memory_space<hbm>> -> memref<50176x128xf32, #tpu.memory_space<hbm>>
        tpu.enqueue_indirect_dma source(%dma_start3A_1327 : memref<50176x128xf32, #tpu.memory_space<hbm>>) target(%dma_start3A_1321 : memref<48x128xf32, #tpu.memory_space<vmem>>) offsets(%dma_start3A_1324 : memref<48xi32, #tpu.memory_space<vmem>>) semaphore(%arg19 : memref<!tpu.dma_semaphore, #tpu.memory_space<semaphore_mem>>)
        %dma_start3A_1328 = arith.constant 0 : i32
        %dma_start3A_1329 = arith.constant 0 : i32
        %dma_start3A_1330 = arith.constant 0 : i32
        %dma_start3A_1331 = arith.constant 0 : i32
        %dma_start3A_1332 = tpu.memref_slice %arg17[%dma_start3A_1329, %dma_start3A_1330, %dma_start3A_1331] : memref<2x48x128xf32, #tpu.memory_space<vmem>> -> memref<1x48x128xf32, #tpu.memory_space<vmem>>
        %dma_start3A_1333 = tpu.memref_squeeze %dma_start3A_1332 : memref<1x48x128xf32, #tpu.memory_space<vmem>> -> memref<48x128xf32, #tpu.memory_space<vmem>>
        %dma_start3A_1334 = arith.constant 0 : i32
        %dma_start3A_1335 = tpu.memref_slice %arg9[%dma_start3A_1328, %dma_start3A_1334] : memref<2x48xi32, #tpu.memory_space<vmem>> -> memref<1x48xi32, #tpu.memory_space<vmem>>
        %dma_start3A_1336 = tpu.memref_squeeze %dma_start3A_1335 : memref<1x48xi32, #tpu.memory_space<vmem>> -> memref<48xi32, #tpu.memory_space<vmem>>
        %dma_start3A_1337 = arith.constant 0 : i32
        %dma_start3A_1338 = arith.constant 0 : i32
        %dma_start3A_1339 = tpu.memref_slice %arg3[%dma_start3A_1337, %dma_start3A_1338] : memref<50176x128xf32, #tpu.memory_space<hbm>> -> memref<50176x128xf32, #tpu.memory_space<hbm>>
        tpu.enqueue_indirect_dma source(%dma_start3A_1339 : memref<50176x128xf32, #tpu.memory_space<hbm>>) target(%dma_start3A_1333 : memref<48x128xf32, #tpu.memory_space<vmem>>) offsets(%dma_start3A_1336 : memref<48xi32, #tpu.memory_space<vmem>>) semaphore(%arg19 : memref<!tpu.dma_semaphore, #tpu.memory_space<semaphore_mem>>)
      } else {
      }
      %dma_wait3A_875 = arith.constant 1 : i32
      %dma_wait3A_876 = arith.constant 0 : i32
      %dma_wait3A_877 = arith.constant 0 : i32
      %dma_wait3A_878 = tpu.memref_slice %arg14[%dma_wait3A_875, %dma_wait3A_876, %dma_wait3A_877] : memref<2x48x128xf32, #tpu.memory_space<vmem>> -> memref<1x48x128xf32, #tpu.memory_space<vmem>>
      %dma_wait3A_879 = tpu.memref_squeeze %dma_wait3A_878 : memref<1x48x128xf32, #tpu.memory_space<vmem>> -> memref<48x128xf32, #tpu.memory_space<vmem>>
      %dma_wait3A_880 = arith.constant 0 : i32
      %dma_wait3A_881 = arith.constant 0 : i32
      %dma_wait3A_882 = tpu.memref_slice %arg3[%dma_wait3A_880, %dma_wait3A_881] : memref<50176x128xf32, #tpu.memory_space<hbm>> -> memref<48x128xf32, #tpu.memory_space<hbm>>
      %dma_wait3A_883 = arith.constant 0 : i32
      %dma_wait3A_884 = arith.constant 0 : i32
      %dma_wait3A_885 = tpu.memref_slice %arg14[%dma_wait3A_875, %dma_wait3A_883, %dma_wait3A_884] : memref<2x48x128xf32, #tpu.memory_space<vmem>> -> memref<1x48x128xf32, #tpu.memory_space<vmem>>
      %dma_wait3A_886 = tpu.memref_squeeze %dma_wait3A_885 : memref<1x48x128xf32, #tpu.memory_space<vmem>> -> memref<48x128xf32, #tpu.memory_space<vmem>>
      %dma_wait3A_887 = arith.constant 0 : i32
      %dma_wait3A_888 = arith.constant 0 : i32
      %dma_wait3A_889 = tpu.memref_slice %arg3[%dma_wait3A_887, %dma_wait3A_888] : memref<50176x128xf32, #tpu.memory_space<hbm>> -> memref<48x128xf32, #tpu.memory_space<hbm>>
      tpu.wait_dma2 semaphore(%arg20 : memref<!tpu.dma_semaphore, #tpu.memory_space<semaphore_mem>>) src(%dma_wait3A_889 : memref<48x128xf32, #tpu.memory_space<hbm>>) dst(%dma_wait3A_886 : memref<48x128xf32, #tpu.memory_space<vmem>>)
      %dma_wait3A_890 = arith.constant 1 : i32
      %dma_wait3A_891 = arith.constant 0 : i32
      %dma_wait3A_892 = arith.constant 0 : i32
      %dma_wait3A_893 = tpu.memref_slice %arg15[%dma_wait3A_890, %dma_wait3A_891, %dma_wait3A_892] : memref<2x48x128xf32, #tpu.memory_space<vmem>> -> memref<1x48x128xf32, #tpu.memory_space<vmem>>
      %dma_wait3A_894 = tpu.memref_squeeze %dma_wait3A_893 : memref<1x48x128xf32, #tpu.memory_space<vmem>> -> memref<48x128xf32, #tpu.memory_space<vmem>>
      %dma_wait3A_895 = arith.constant 0 : i32
      %dma_wait3A_896 = arith.constant 0 : i32
      %dma_wait3A_897 = tpu.memref_slice %arg3[%dma_wait3A_895, %dma_wait3A_896] : memref<50176x128xf32, #tpu.memory_space<hbm>> -> memref<48x128xf32, #tpu.memory_space<hbm>>
      %dma_wait3A_898 = arith.constant 0 : i32
      %dma_wait3A_899 = arith.constant 0 : i32
      %dma_wait3A_900 = tpu.memref_slice %arg15[%dma_wait3A_890, %dma_wait3A_898, %dma_wait3A_899] : memref<2x48x128xf32, #tpu.memory_space<vmem>> -> memref<1x48x128xf32, #tpu.memory_space<vmem>>
      %dma_wait3A_901 = tpu.memref_squeeze %dma_wait3A_900 : memref<1x48x128xf32, #tpu.memory_space<vmem>> -> memref<48x128xf32, #tpu.memory_space<vmem>>
      %dma_wait3A_902 = arith.constant 0 : i32
      %dma_wait3A_903 = arith.constant 0 : i32
      %dma_wait3A_904 = tpu.memref_slice %arg3[%dma_wait3A_902, %dma_wait3A_903] : memref<50176x128xf32, #tpu.memory_space<hbm>> -> memref<48x128xf32, #tpu.memory_space<hbm>>
      tpu.wait_dma2 semaphore(%arg20 : memref<!tpu.dma_semaphore, #tpu.memory_space<semaphore_mem>>) src(%dma_wait3A_904 : memref<48x128xf32, #tpu.memory_space<hbm>>) dst(%dma_wait3A_901 : memref<48x128xf32, #tpu.memory_space<vmem>>)
      %dma_wait3A_905 = arith.constant 1 : i32
      %dma_wait3A_906 = arith.constant 0 : i32
      %dma_wait3A_907 = arith.constant 0 : i32
      %dma_wait3A_908 = tpu.memref_slice %arg16[%dma_wait3A_905, %dma_wait3A_906, %dma_wait3A_907] : memref<2x48x128xf32, #tpu.memory_space<vmem>> -> memref<1x48x128xf32, #tpu.memory_space<vmem>>
      %dma_wait3A_909 = tpu.memref_squeeze %dma_wait3A_908 : memref<1x48x128xf32, #tpu.memory_space<vmem>> -> memref<48x128xf32, #tpu.memory_space<vmem>>
      %dma_wait3A_910 = arith.constant 0 : i32
      %dma_wait3A_911 = arith.constant 0 : i32
      %dma_wait3A_912 = tpu.memref_slice %arg3[%dma_wait3A_910, %dma_wait3A_911] : memref<50176x128xf32, #tpu.memory_space<hbm>> -> memref<48x128xf32, #tpu.memory_space<hbm>>
      %dma_wait3A_913 = arith.constant 0 : i32
      %dma_wait3A_914 = arith.constant 0 : i32
      %dma_wait3A_915 = tpu.memref_slice %arg16[%dma_wait3A_905, %dma_wait3A_913, %dma_wait3A_914] : memref<2x48x128xf32, #tpu.memory_space<vmem>> -> memref<1x48x128xf32, #tpu.memory_space<vmem>>
      %dma_wait3A_916 = tpu.memref_squeeze %dma_wait3A_915 : memref<1x48x128xf32, #tpu.memory_space<vmem>> -> memref<48x128xf32, #tpu.memory_space<vmem>>
      %dma_wait3A_917 = arith.constant 0 : i32
      %dma_wait3A_918 = arith.constant 0 : i32
      %dma_wait3A_919 = tpu.memref_slice %arg3[%dma_wait3A_917, %dma_wait3A_918] : memref<50176x128xf32, #tpu.memory_space<hbm>> -> memref<48x128xf32, #tpu.memory_space<hbm>>
      tpu.wait_dma2 semaphore(%arg20 : memref<!tpu.dma_semaphore, #tpu.memory_space<semaphore_mem>>) src(%dma_wait3A_919 : memref<48x128xf32, #tpu.memory_space<hbm>>) dst(%dma_wait3A_916 : memref<48x128xf32, #tpu.memory_space<vmem>>)
      %dma_wait3A_920 = arith.constant 1 : i32
      %dma_wait3A_921 = arith.constant 0 : i32
      %dma_wait3A_922 = arith.constant 0 : i32
      %dma_wait3A_923 = tpu.memref_slice %arg17[%dma_wait3A_920, %dma_wait3A_921, %dma_wait3A_922] : memref<2x48x128xf32, #tpu.memory_space<vmem>> -> memref<1x48x128xf32, #tpu.memory_space<vmem>>
      %dma_wait3A_924 = tpu.memref_squeeze %dma_wait3A_923 : memref<1x48x128xf32, #tpu.memory_space<vmem>> -> memref<48x128xf32, #tpu.memory_space<vmem>>
      %dma_wait3A_925 = arith.constant 0 : i32
      %dma_wait3A_926 = arith.constant 0 : i32
      %dma_wait3A_927 = tpu.memref_slice %arg3[%dma_wait3A_925, %dma_wait3A_926] : memref<50176x128xf32, #tpu.memory_space<hbm>> -> memref<48x128xf32, #tpu.memory_space<hbm>>
      %dma_wait3A_928 = arith.constant 0 : i32
      %dma_wait3A_929 = arith.constant 0 : i32
      %dma_wait3A_930 = tpu.memref_slice %arg17[%dma_wait3A_920, %dma_wait3A_928, %dma_wait3A_929] : memref<2x48x128xf32, #tpu.memory_space<vmem>> -> memref<1x48x128xf32, #tpu.memory_space<vmem>>
      %dma_wait3A_931 = tpu.memref_squeeze %dma_wait3A_930 : memref<1x48x128xf32, #tpu.memory_space<vmem>> -> memref<48x128xf32, #tpu.memory_space<vmem>>
      %dma_wait3A_932 = arith.constant 0 : i32
      %dma_wait3A_933 = arith.constant 0 : i32
      %dma_wait3A_934 = tpu.memref_slice %arg3[%dma_wait3A_932, %dma_wait3A_933] : memref<50176x128xf32, #tpu.memory_space<hbm>> -> memref<48x128xf32, #tpu.memory_space<hbm>>
      tpu.wait_dma2 semaphore(%arg20 : memref<!tpu.dma_semaphore, #tpu.memory_space<semaphore_mem>>) src(%dma_wait3A_934 : memref<48x128xf32, #tpu.memory_space<hbm>>) dst(%dma_wait3A_931 : memref<48x128xf32, #tpu.memory_space<vmem>>)
      %gt3A_935 = arith.constant 0 : i32
      %gt3A_936 = arith.cmpi sgt, %scan3A_408, %gt3A_935 : i32
      %convert_element_type3A_937 = arith.extui %gt3A_936 : i1 to i32
      %cond3A_938 = arith.constant 0 : i32
      %cond3A_939 = arith.cmpi ne, %convert_element_type3A_937, %cond3A_938 : i32
      scf.if %cond3A_939 {
        %dma_wait3A_963 = arith.constant 1 : i32
        %dma_wait3A_964 = arith.constant 0 : i32
        %dma_wait3A_965 = arith.constant 0 : i32
        %dma_wait3A_966 = tpu.memref_slice %arg18[%dma_wait3A_963, %dma_wait3A_964, %dma_wait3A_965] : memref<2x48x128xf32, #tpu.memory_space<vmem>> -> memref<1x48x128xf32, #tpu.memory_space<vmem>>
        %dma_wait3A_967 = tpu.memref_squeeze %dma_wait3A_966 : memref<1x48x128xf32, #tpu.memory_space<vmem>> -> memref<48x128xf32, #tpu.memory_space<vmem>>
        %dma_wait3A_968 = arith.constant 0 : i32
        %dma_wait3A_969 = arith.constant 0 : i32
        %dma_wait3A_970 = tpu.memref_slice %arg4[%dma_wait3A_968, %dma_wait3A_969] : memref<451584x128xf32, #tpu.memory_space<hbm>> -> memref<48x128xf32, #tpu.memory_space<hbm>>
        %dma_wait3A_971 = arith.constant 0 : i32
        %dma_wait3A_972 = arith.constant 0 : i32
        %dma_wait3A_973 = tpu.memref_slice %arg4[%dma_wait3A_971, %dma_wait3A_972] : memref<451584x128xf32, #tpu.memory_space<hbm>> -> memref<48x128xf32, #tpu.memory_space<hbm>>
        %dma_wait3A_974 = arith.constant 0 : i32
        %dma_wait3A_975 = arith.constant 0 : i32
        %dma_wait3A_976 = tpu.memref_slice %arg18[%dma_wait3A_963, %dma_wait3A_974, %dma_wait3A_975] : memref<2x48x128xf32, #tpu.memory_space<vmem>> -> memref<1x48x128xf32, #tpu.memory_space<vmem>>
        %dma_wait3A_977 = tpu.memref_squeeze %dma_wait3A_976 : memref<1x48x128xf32, #tpu.memory_space<vmem>> -> memref<48x128xf32, #tpu.memory_space<vmem>>
        tpu.wait_dma2 semaphore(%arg21 : memref<!tpu.dma_semaphore, #tpu.memory_space<semaphore_mem>>) src(%dma_wait3A_977 : memref<48x128xf32, #tpu.memory_space<vmem>>) dst(%dma_wait3A_973 : memref<48x128xf32, #tpu.memory_space<hbm>>)
      } else {
      }
      %add3A_940 = arith.constant 1 : i32
      %add3A_941 = arith.addi %mul3A_410, %add3A_940 : i32
      %parallel_loop3A_942 = arith.constant 0 : i32
      %parallel_loop3A_943 = arith.constant 48 : i32
      %parallel_loop3A_944 = arith.constant 1 : i32
      scf.for %parallel_loop3A_963 = %parallel_loop3A_942 to %parallel_loop3A_943 step %parallel_loop3A_944  : i32 {
        %parallel_loop3A_964 = arith.constant 0 : i32
        %parallel_loop3A_965 = vector.broadcast %parallel_loop3A_964 : i32 to vector<16xi32>
        %parallel_loop3A_966 = arith.constant 48 : i32
        %parallel_loop3A_967 = arith.addi %parallel_loop3A_966, %parallel_loop3A_963 : i32
        %parallel_loop3A_968 = vector.broadcast %parallel_loop3A_967 : i32 to vector<16xi32>
        %parallel_loop3A_969 = arith.addi %parallel_loop3A_965, %parallel_loop3A_968 : vector<16xi32>
        %parallel_loop3A_970 = tpu.vector_load_idx %arg10[%parallel_loop3A_969] : memref<96xf32, #tpu.memory_space<vmem>>[vector<16xi32>], vector<16xf32>,
        %parallel_loop3A_971 = tpu.vector_load_idx %arg11[%parallel_loop3A_969] : memref<96xf32, #tpu.memory_space<vmem>>[vector<16xi32>], vector<16xf32>,
        %parallel_loop3A_972 = tpu.vector_load_idx %arg12[%parallel_loop3A_969] : memref<96xf32, #tpu.memory_space<vmem>>[vector<16xi32>], vector<16xf32>,
        %parallel_loop3A_973 = tpu.vector_load_idx %arg13[%parallel_loop3A_969] : memref<96xf32, #tpu.memory_space<vmem>>[vector<16xi32>], vector<16xf32>,
        %parallel_loop3A_974 = arith.constant 1 : i32
        %parallel_loop3A_975 = arith.index_cast %parallel_loop3A_974 : i32 to index
        %parallel_loop3A_976 = arith.index_cast %parallel_loop3A_963 : i32 to index
        %parallel_loop3A_977 = arith.constant 0 : index
        %parallel_loop3A_978 = tpu.vector_load %arg14[%parallel_loop3A_975, %parallel_loop3A_976, %parallel_loop3A_977] {strides = array<i32>} : memref<2x48x128xf32, #tpu.memory_space<vmem>>, vector<16xf32>,
        %parallel_loop3A_979 = arith.mulf %parallel_loop3A_970, %parallel_loop3A_978 : vector<16xf32>
        %parallel_loop3A_980 = arith.constant 1 : i32
        %parallel_loop3A_981 = arith.index_cast %parallel_loop3A_980 : i32 to index
        %parallel_loop3A_982 = arith.index_cast %parallel_loop3A_963 : i32 to index
        %parallel_loop3A_983 = arith.constant 0 : index
        %parallel_loop3A_984 = tpu.vector_load %arg15[%parallel_loop3A_981, %parallel_loop3A_982, %parallel_loop3A_983] {strides = array<i32>} : memref<2x48x128xf32, #tpu.memory_space<vmem>>, vector<16xf32>,
        %parallel_loop3A_985 = arith.mulf %parallel_loop3A_971, %parallel_loop3A_984 : vector<16xf32>
        %parallel_loop3A_986 = arith.addf %parallel_loop3A_979, %parallel_loop3A_985 : vector<16xf32>
        %parallel_loop3A_987 = arith.constant 1 : i32
        %parallel_loop3A_988 = arith.index_cast %parallel_loop3A_987 : i32 to index
        %parallel_loop3A_989 = arith.index_cast %parallel_loop3A_963 : i32 to index
        %parallel_loop3A_990 = arith.constant 0 : index
        %parallel_loop3A_991 = tpu.vector_load %arg16[%parallel_loop3A_988, %parallel_loop3A_989, %parallel_loop3A_990] {strides = array<i32>} : memref<2x48x128xf32, #tpu.memory_space<vmem>>, vector<16xf32>,
        %parallel_loop3A_992 = arith.mulf %parallel_loop3A_972, %parallel_loop3A_991 : vector<16xf32>
        %parallel_loop3A_993 = arith.addf %parallel_loop3A_986, %parallel_loop3A_992 : vector<16xf32>
        %parallel_loop3A_994 = arith.constant 1 : i32
        %parallel_loop3A_995 = arith.index_cast %parallel_loop3A_994 : i32 to index
        %parallel_loop3A_996 = arith.index_cast %parallel_loop3A_963 : i32 to index
        %parallel_loop3A_997 = arith.constant 0 : index
        %parallel_loop3A_998 = tpu.vector_load %arg17[%parallel_loop3A_995, %parallel_loop3A_996, %parallel_loop3A_997] {strides = array<i32>} : memref<2x48x128xf32, #tpu.memory_space<vmem>>, vector<16xf32>,
        %parallel_loop3A_999 = arith.mulf %parallel_loop3A_973, %parallel_loop3A_998 : vector<16xf32>
        %parallel_loop3A_1000 = arith.addf %parallel_loop3A_993, %parallel_loop3A_999 : vector<16xf32>
        %parallel_loop3A_1001 = arith.constant 1 : i32
        %parallel_loop3A_1002 = arith.index_cast %parallel_loop3A_1001 : i32 to index
        %parallel_loop3A_1003 = arith.index_cast %parallel_loop3A_963 : i32 to index
        %parallel_loop3A_1004 = arith.constant 0 : index
        %parallel_loop3A_1005 = tpu.vector_load %arg18[%parallel_loop3A_1002, %parallel_loop3A_1003, %parallel_loop3A_1004] {strides = array<i32>} : memref<2x48x128xf32, #tpu.memory_space<vmem>>, vector<16xf32>,
        tpu.vector_store %arg18[%parallel_loop3A_1002, %parallel_loop3A_1003, %parallel_loop3A_1004], %parallel_loop3A_1000 {strides = array<i32>} : memref<2x48x128xf32, #tpu.memory_space<vmem>>, vector<16xf32>,
        %parallel_loop3A_1006 = arith.constant 1 : i32
        %parallel_loop3A_1007 = arith.index_cast %parallel_loop3A_1006 : i32 to index
        %parallel_loop3A_1008 = arith.index_cast %parallel_loop3A_963 : i32 to index
        %parallel_loop3A_1009 = arith.constant 16 : index
        %parallel_loop3A_1010 = tpu.vector_load %arg14[%parallel_loop3A_1007, %parallel_loop3A_1008, %parallel_loop3A_1009] {strides = array<i32>} : memref<2x48x128xf32, #tpu.memory_space<vmem>>, vector<16xf32>,
        %parallel_loop3A_1011 = arith.mulf %parallel_loop3A_970, %parallel_loop3A_1010 : vector<16xf32>
        %parallel_loop3A_1012 = arith.constant 1 : i32
        %parallel_loop3A_1013 = arith.index_cast %parallel_loop3A_1012 : i32 to index
        %parallel_loop3A_1014 = arith.index_cast %parallel_loop3A_963 : i32 to index
        %parallel_loop3A_1015 = arith.constant 16 : index
        %parallel_loop3A_1016 = tpu.vector_load %arg15[%parallel_loop3A_1013, %parallel_loop3A_1014, %parallel_loop3A_1015] {strides = array<i32>} : memref<2x48x128xf32, #tpu.memory_space<vmem>>, vector<16xf32>,
        %parallel_loop3A_1017 = arith.mulf %parallel_loop3A_971, %parallel_loop3A_1016 : vector<16xf32>
        %parallel_loop3A_1018 = arith.addf %parallel_loop3A_1011, %parallel_loop3A_1017 : vector<16xf32>
        %parallel_loop3A_1019 = arith.constant 1 : i32
        %parallel_loop3A_1020 = arith.index_cast %parallel_loop3A_1019 : i32 to index
        %parallel_loop3A_1021 = arith.index_cast %parallel_loop3A_963 : i32 to index
        %parallel_loop3A_1022 = arith.constant 16 : index
        %parallel_loop3A_1023 = tpu.vector_load %arg16[%parallel_loop3A_1020, %parallel_loop3A_1021, %parallel_loop3A_1022] {strides = array<i32>} : memref<2x48x128xf32, #tpu.memory_space<vmem>>, vector<16xf32>,
        %parallel_loop3A_1024 = arith.mulf %parallel_loop3A_972, %parallel_loop3A_1023 : vector<16xf32>
        %parallel_loop3A_1025 = arith.addf %parallel_loop3A_1018, %parallel_loop3A_1024 : vector<16xf32>
        %parallel_loop3A_1026 = arith.constant 1 : i32
        %parallel_loop3A_1027 = arith.index_cast %parallel_loop3A_1026 : i32 to index
        %parallel_loop3A_1028 = arith.index_cast %parallel_loop3A_963 : i32 to index
        %parallel_loop3A_1029 = arith.constant 16 : index
        %parallel_loop3A_1030 = tpu.vector_load %arg17[%parallel_loop3A_1027, %parallel_loop3A_1028, %parallel_loop3A_1029] {strides = array<i32>} : memref<2x48x128xf32, #tpu.memory_space<vmem>>, vector<16xf32>,
        %parallel_loop3A_1031 = arith.mulf %parallel_loop3A_973, %parallel_loop3A_1030 : vector<16xf32>
        %parallel_loop3A_1032 = arith.addf %parallel_loop3A_1025, %parallel_loop3A_1031 : vector<16xf32>
        %parallel_loop3A_1033 = arith.constant 1 : i32
        %parallel_loop3A_1034 = arith.index_cast %parallel_loop3A_1033 : i32 to index
        %parallel_loop3A_1035 = arith.index_cast %parallel_loop3A_963 : i32 to index
        %parallel_loop3A_1036 = arith.constant 16 : index
        %parallel_loop3A_1037 = tpu.vector_load %arg18[%parallel_loop3A_1034, %parallel_loop3A_1035, %parallel_loop3A_1036] {strides = array<i32>} : memref<2x48x128xf32, #tpu.memory_space<vmem>>, vector<16xf32>,
        tpu.vector_store %arg18[%parallel_loop3A_1034, %parallel_loop3A_1035, %parallel_loop3A_1036], %parallel_loop3A_1032 {strides = array<i32>} : memref<2x48x128xf32, #tpu.memory_space<vmem>>, vector<16xf32>,
        %parallel_loop3A_1038 = arith.constant 1 : i32
        %parallel_loop3A_1039 = arith.index_cast %parallel_loop3A_1038 : i32 to index
        %parallel_loop3A_1040 = arith.index_cast %parallel_loop3A_963 : i32 to index
        %parallel_loop3A_1041 = arith.constant 32 : index
        %parallel_loop3A_1042 = tpu.vector_load %arg14[%parallel_loop3A_1039, %parallel_loop3A_1040, %parallel_loop3A_1041] {strides = array<i32>} : memref<2x48x128xf32, #tpu.memory_space<vmem>>, vector<16xf32>,
        %parallel_loop3A_1043 = arith.mulf %parallel_loop3A_970, %parallel_loop3A_1042 : vector<16xf32>
        %parallel_loop3A_1044 = arith.constant 1 : i32
        %parallel_loop3A_1045 = arith.index_cast %parallel_loop3A_1044 : i32 to index
        %parallel_loop3A_1046 = arith.index_cast %parallel_loop3A_963 : i32 to index
        %parallel_loop3A_1047 = arith.constant 32 : index
        %parallel_loop3A_1048 = tpu.vector_load %arg15[%parallel_loop3A_1045, %parallel_loop3A_1046, %parallel_loop3A_1047] {strides = array<i32>} : memref<2x48x128xf32, #tpu.memory_space<vmem>>, vector<16xf32>,
        %parallel_loop3A_1049 = arith.mulf %parallel_loop3A_971, %parallel_loop3A_1048 : vector<16xf32>
        %parallel_loop3A_1050 = arith.addf %parallel_loop3A_1043, %parallel_loop3A_1049 : vector<16xf32>
        %parallel_loop3A_1051 = arith.constant 1 : i32
        %parallel_loop3A_1052 = arith.index_cast %parallel_loop3A_1051 : i32 to index
        %parallel_loop3A_1053 = arith.index_cast %parallel_loop3A_963 : i32 to index
        %parallel_loop3A_1054 = arith.constant 32 : index
        %parallel_loop3A_1055 = tpu.vector_load %arg16[%parallel_loop3A_1052, %parallel_loop3A_1053, %parallel_loop3A_1054] {strides = array<i32>} : memref<2x48x128xf32, #tpu.memory_space<vmem>>, vector<16xf32>,
        %parallel_loop3A_1056 = arith.mulf %parallel_loop3A_972, %parallel_loop3A_1055 : vector<16xf32>
        %parallel_loop3A_1057 = arith.addf %parallel_loop3A_1050, %parallel_loop3A_1056 : vector<16xf32>
        %parallel_loop3A_1058 = arith.constant 1 : i32
        %parallel_loop3A_1059 = arith.index_cast %parallel_loop3A_1058 : i32 to index
        %parallel_loop3A_1060 = arith.index_cast %parallel_loop3A_963 : i32 to index
        %parallel_loop3A_1061 = arith.constant 32 : index
        %parallel_loop3A_1062 = tpu.vector_load %arg17[%parallel_loop3A_1059, %parallel_loop3A_1060, %parallel_loop3A_1061] {strides = array<i32>} : memref<2x48x128xf32, #tpu.memory_space<vmem>>, vector<16xf32>,
        %parallel_loop3A_1063 = arith.mulf %parallel_loop3A_973, %parallel_loop3A_1062 : vector<16xf32>
        %parallel_loop3A_1064 = arith.addf %parallel_loop3A_1057, %parallel_loop3A_1063 : vector<16xf32>
        %parallel_loop3A_1065 = arith.constant 1 : i32
        %parallel_loop3A_1066 = arith.index_cast %parallel_loop3A_1065 : i32 to index
        %parallel_loop3A_1067 = arith.index_cast %parallel_loop3A_963 : i32 to index
        %parallel_loop3A_1068 = arith.constant 32 : index
        %parallel_loop3A_1069 = tpu.vector_load %arg18[%parallel_loop3A_1066, %parallel_loop3A_1067, %parallel_loop3A_1068] {strides = array<i32>} : memref<2x48x128xf32, #tpu.memory_space<vmem>>, vector<16xf32>,
        tpu.vector_store %arg18[%parallel_loop3A_1066, %parallel_loop3A_1067, %parallel_loop3A_1068], %parallel_loop3A_1064 {strides = array<i32>} : memref<2x48x128xf32, #tpu.memory_space<vmem>>, vector<16xf32>,
        %parallel_loop3A_1070 = arith.constant 1 : i32
        %parallel_loop3A_1071 = arith.index_cast %parallel_loop3A_1070 : i32 to index
        %parallel_loop3A_1072 = arith.index_cast %parallel_loop3A_963 : i32 to index
        %parallel_loop3A_1073 = arith.constant 48 : index
        %parallel_loop3A_1074 = tpu.vector_load %arg14[%parallel_loop3A_1071, %parallel_loop3A_1072, %parallel_loop3A_1073] {strides = array<i32>} : memref<2x48x128xf32, #tpu.memory_space<vmem>>, vector<16xf32>,
        %parallel_loop3A_1075 = arith.mulf %parallel_loop3A_970, %parallel_loop3A_1074 : vector<16xf32>
        %parallel_loop3A_1076 = arith.constant 1 : i32
        %parallel_loop3A_1077 = arith.index_cast %parallel_loop3A_1076 : i32 to index
        %parallel_loop3A_1078 = arith.index_cast %parallel_loop3A_963 : i32 to index
        %parallel_loop3A_1079 = arith.constant 48 : index
        %parallel_loop3A_1080 = tpu.vector_load %arg15[%parallel_loop3A_1077, %parallel_loop3A_1078, %parallel_loop3A_1079] {strides = array<i32>} : memref<2x48x128xf32, #tpu.memory_space<vmem>>, vector<16xf32>,
        %parallel_loop3A_1081 = arith.mulf %parallel_loop3A_971, %parallel_loop3A_1080 : vector<16xf32>
        %parallel_loop3A_1082 = arith.addf %parallel_loop3A_1075, %parallel_loop3A_1081 : vector<16xf32>
        %parallel_loop3A_1083 = arith.constant 1 : i32
        %parallel_loop3A_1084 = arith.index_cast %parallel_loop3A_1083 : i32 to index
        %parallel_loop3A_1085 = arith.index_cast %parallel_loop3A_963 : i32 to index
        %parallel_loop3A_1086 = arith.constant 48 : index
        %parallel_loop3A_1087 = tpu.vector_load %arg16[%parallel_loop3A_1084, %parallel_loop3A_1085, %parallel_loop3A_1086] {strides = array<i32>} : memref<2x48x128xf32, #tpu.memory_space<vmem>>, vector<16xf32>,
        %parallel_loop3A_1088 = arith.mulf %parallel_loop3A_972, %parallel_loop3A_1087 : vector<16xf32>
        %parallel_loop3A_1089 = arith.addf %parallel_loop3A_1082, %parallel_loop3A_1088 : vector<16xf32>
        %parallel_loop3A_1090 = arith.constant 1 : i32
        %parallel_loop3A_1091 = arith.index_cast %parallel_loop3A_1090 : i32 to index
        %parallel_loop3A_1092 = arith.index_cast %parallel_loop3A_963 : i32 to index
        %parallel_loop3A_1093 = arith.constant 48 : index
        %parallel_loop3A_1094 = tpu.vector_load %arg17[%parallel_loop3A_1091, %parallel_loop3A_1092, %parallel_loop3A_1093] {strides = array<i32>} : memref<2x48x128xf32, #tpu.memory_space<vmem>>, vector<16xf32>,
        %parallel_loop3A_1095 = arith.mulf %parallel_loop3A_973, %parallel_loop3A_1094 : vector<16xf32>
        %parallel_loop3A_1096 = arith.addf %parallel_loop3A_1089, %parallel_loop3A_1095 : vector<16xf32>
        %parallel_loop3A_1097 = arith.constant 1 : i32
        %parallel_loop3A_1098 = arith.index_cast %parallel_loop3A_1097 : i32 to index
        %parallel_loop3A_1099 = arith.index_cast %parallel_loop3A_963 : i32 to index
        %parallel_loop3A_1100 = arith.constant 48 : index
        %parallel_loop3A_1101 = tpu.vector_load %arg18[%parallel_loop3A_1098, %parallel_loop3A_1099, %parallel_loop3A_1100] {strides = array<i32>} : memref<2x48x128xf32, #tpu.memory_space<vmem>>, vector<16xf32>,
        tpu.vector_store %arg18[%parallel_loop3A_1098, %parallel_loop3A_1099, %parallel_loop3A_1100], %parallel_loop3A_1096 {strides = array<i32>} : memref<2x48x128xf32, #tpu.memory_space<vmem>>, vector<16xf32>,
        %parallel_loop3A_1102 = arith.constant 1 : i32
        %parallel_loop3A_1103 = arith.index_cast %parallel_loop3A_1102 : i32 to index
        %parallel_loop3A_1104 = arith.index_cast %parallel_loop3A_963 : i32 to index
        %parallel_loop3A_1105 = arith.constant 64 : index
        %parallel_loop3A_1106 = tpu.vector_load %arg14[%parallel_loop3A_1103, %parallel_loop3A_1104, %parallel_loop3A_1105] {strides = array<i32>} : memref<2x48x128xf32, #tpu.memory_space<vmem>>, vector<16xf32>,
        %parallel_loop3A_1107 = arith.mulf %parallel_loop3A_970, %parallel_loop3A_1106 : vector<16xf32>
        %parallel_loop3A_1108 = arith.constant 1 : i32
        %parallel_loop3A_1109 = arith.index_cast %parallel_loop3A_1108 : i32 to index
        %parallel_loop3A_1110 = arith.index_cast %parallel_loop3A_963 : i32 to index
        %parallel_loop3A_1111 = arith.constant 64 : index
        %parallel_loop3A_1112 = tpu.vector_load %arg15[%parallel_loop3A_1109, %parallel_loop3A_1110, %parallel_loop3A_1111] {strides = array<i32>} : memref<2x48x128xf32, #tpu.memory_space<vmem>>, vector<16xf32>,
        %parallel_loop3A_1113 = arith.mulf %parallel_loop3A_971, %parallel_loop3A_1112 : vector<16xf32>
        %parallel_loop3A_1114 = arith.addf %parallel_loop3A_1107, %parallel_loop3A_1113 : vector<16xf32>
        %parallel_loop3A_1115 = arith.constant 1 : i32
        %parallel_loop3A_1116 = arith.index_cast %parallel_loop3A_1115 : i32 to index
        %parallel_loop3A_1117 = arith.index_cast %parallel_loop3A_963 : i32 to index
        %parallel_loop3A_1118 = arith.constant 64 : index
        %parallel_loop3A_1119 = tpu.vector_load %arg16[%parallel_loop3A_1116, %parallel_loop3A_1117, %parallel_loop3A_1118] {strides = array<i32>} : memref<2x48x128xf32, #tpu.memory_space<vmem>>, vector<16xf32>,
        %parallel_loop3A_1120 = arith.mulf %parallel_loop3A_972, %parallel_loop3A_1119 : vector<16xf32>
        %parallel_loop3A_1121 = arith.addf %parallel_loop3A_1114, %parallel_loop3A_1120 : vector<16xf32>
        %parallel_loop3A_1122 = arith.constant 1 : i32
        %parallel_loop3A_1123 = arith.index_cast %parallel_loop3A_1122 : i32 to index
        %parallel_loop3A_1124 = arith.index_cast %parallel_loop3A_963 : i32 to index
        %parallel_loop3A_1125 = arith.constant 64 : index
        %parallel_loop3A_1126 = tpu.vector_load %arg17[%parallel_loop3A_1123, %parallel_loop3A_1124, %parallel_loop3A_1125] {strides = array<i32>} : memref<2x48x128xf32, #tpu.memory_space<vmem>>, vector<16xf32>,
        %parallel_loop3A_1127 = arith.mulf %parallel_loop3A_973, %parallel_loop3A_1126 : vector<16xf32>
        %parallel_loop3A_1128 = arith.addf %parallel_loop3A_1121, %parallel_loop3A_1127 : vector<16xf32>
        %parallel_loop3A_1129 = arith.constant 1 : i32
        %parallel_loop3A_1130 = arith.index_cast %parallel_loop3A_1129 : i32 to index
        %parallel_loop3A_1131 = arith.index_cast %parallel_loop3A_963 : i32 to index
        %parallel_loop3A_1132 = arith.constant 64 : index
        %parallel_loop3A_1133 = tpu.vector_load %arg18[%parallel_loop3A_1130, %parallel_loop3A_1131, %parallel_loop3A_1132] {strides = array<i32>} : memref<2x48x128xf32, #tpu.memory_space<vmem>>, vector<16xf32>,
        tpu.vector_store %arg18[%parallel_loop3A_1130, %parallel_loop3A_1131, %parallel_loop3A_1132], %parallel_loop3A_1128 {strides = array<i32>} : memref<2x48x128xf32, #tpu.memory_space<vmem>>, vector<16xf32>,
        %parallel_loop3A_1134 = arith.constant 1 : i32
        %parallel_loop3A_1135 = arith.index_cast %parallel_loop3A_1134 : i32 to index
        %parallel_loop3A_1136 = arith.index_cast %parallel_loop3A_963 : i32 to index
        %parallel_loop3A_1137 = arith.constant 80 : index
        %parallel_loop3A_1138 = tpu.vector_load %arg14[%parallel_loop3A_1135, %parallel_loop3A_1136, %parallel_loop3A_1137] {strides = array<i32>} : memref<2x48x128xf32, #tpu.memory_space<vmem>>, vector<16xf32>,
        %parallel_loop3A_1139 = arith.mulf %parallel_loop3A_970, %parallel_loop3A_1138 : vector<16xf32>
        %parallel_loop3A_1140 = arith.constant 1 : i32
        %parallel_loop3A_1141 = arith.index_cast %parallel_loop3A_1140 : i32 to index
        %parallel_loop3A_1142 = arith.index_cast %parallel_loop3A_963 : i32 to index
        %parallel_loop3A_1143 = arith.constant 80 : index
        %parallel_loop3A_1144 = tpu.vector_load %arg15[%parallel_loop3A_1141, %parallel_loop3A_1142, %parallel_loop3A_1143] {strides = array<i32>} : memref<2x48x128xf32, #tpu.memory_space<vmem>>, vector<16xf32>,
        %parallel_loop3A_1145 = arith.mulf %parallel_loop3A_971, %parallel_loop3A_1144 : vector<16xf32>
        %parallel_loop3A_1146 = arith.addf %parallel_loop3A_1139, %parallel_loop3A_1145 : vector<16xf32>
        %parallel_loop3A_1147 = arith.constant 1 : i32
        %parallel_loop3A_1148 = arith.index_cast %parallel_loop3A_1147 : i32 to index
        %parallel_loop3A_1149 = arith.index_cast %parallel_loop3A_963 : i32 to index
        %parallel_loop3A_1150 = arith.constant 80 : index
        %parallel_loop3A_1151 = tpu.vector_load %arg16[%parallel_loop3A_1148, %parallel_loop3A_1149, %parallel_loop3A_1150] {strides = array<i32>} : memref<2x48x128xf32, #tpu.memory_space<vmem>>, vector<16xf32>,
        %parallel_loop3A_1152 = arith.mulf %parallel_loop3A_972, %parallel_loop3A_1151 : vector<16xf32>
        %parallel_loop3A_1153 = arith.addf %parallel_loop3A_1146, %parallel_loop3A_1152 : vector<16xf32>
        %parallel_loop3A_1154 = arith.constant 1 : i32
        %parallel_loop3A_1155 = arith.index_cast %parallel_loop3A_1154 : i32 to index
        %parallel_loop3A_1156 = arith.index_cast %parallel_loop3A_963 : i32 to index
        %parallel_loop3A_1157 = arith.constant 80 : index
        %parallel_loop3A_1158 = tpu.vector_load %arg17[%parallel_loop3A_1155, %parallel_loop3A_1156, %parallel_loop3A_1157] {strides = array<i32>} : memref<2x48x128xf32, #tpu.memory_space<vmem>>, vector<16xf32>,
        %parallel_loop3A_1159 = arith.mulf %parallel_loop3A_973, %parallel_loop3A_1158 : vector<16xf32>
        %parallel_loop3A_1160 = arith.addf %parallel_loop3A_1153, %parallel_loop3A_1159 : vector<16xf32>
        %parallel_loop3A_1161 = arith.constant 1 : i32
        %parallel_loop3A_1162 = arith.index_cast %parallel_loop3A_1161 : i32 to index
        %parallel_loop3A_1163 = arith.index_cast %parallel_loop3A_963 : i32 to index
        %parallel_loop3A_1164 = arith.constant 80 : index
        %parallel_loop3A_1165 = tpu.vector_load %arg18[%parallel_loop3A_1162, %parallel_loop3A_1163, %parallel_loop3A_1164] {strides = array<i32>} : memref<2x48x128xf32, #tpu.memory_space<vmem>>, vector<16xf32>,
        tpu.vector_store %arg18[%parallel_loop3A_1162, %parallel_loop3A_1163, %parallel_loop3A_1164], %parallel_loop3A_1160 {strides = array<i32>} : memref<2x48x128xf32, #tpu.memory_space<vmem>>, vector<16xf32>,
        %parallel_loop3A_1166 = arith.constant 0.000000e+00 : f32
        %parallel_loop3A_1167 = vector.broadcast %parallel_loop3A_1166 : f32 to vector<16xf32>
        %parallel_loop3A_1168 = arith.constant 1 : i32
        %parallel_loop3A_1169 = arith.index_cast %parallel_loop3A_1168 : i32 to index
        %parallel_loop3A_1170 = arith.index_cast %parallel_loop3A_963 : i32 to index
        %parallel_loop3A_1171 = arith.constant 96 : index
        %parallel_loop3A_1172 = tpu.vector_load %arg18[%parallel_loop3A_1169, %parallel_loop3A_1170, %parallel_loop3A_1171] {strides = array<i32>} : memref<2x48x128xf32, #tpu.memory_space<vmem>>, vector<16xf32>,
        tpu.vector_store %arg18[%parallel_loop3A_1169, %parallel_loop3A_1170, %parallel_loop3A_1171], %parallel_loop3A_1167 {strides = array<i32>} : memref<2x48x128xf32, #tpu.memory_space<vmem>>, vector<16xf32>,
        %parallel_loop3A_1173 = arith.constant 1 : i32
        %parallel_loop3A_1174 = arith.index_cast %parallel_loop3A_1173 : i32 to index
        %parallel_loop3A_1175 = arith.index_cast %parallel_loop3A_963 : i32 to index
        %parallel_loop3A_1176 = arith.constant 112 : index
        %parallel_loop3A_1177 = tpu.vector_load %arg18[%parallel_loop3A_1174, %parallel_loop3A_1175, %parallel_loop3A_1176] {strides = array<i32>} : memref<2x48x128xf32, #tpu.memory_space<vmem>>, vector<16xf32>,
        tpu.vector_store %arg18[%parallel_loop3A_1174, %parallel_loop3A_1175, %parallel_loop3A_1176], %parallel_loop3A_1167 {strides = array<i32>} : memref<2x48x128xf32, #tpu.memory_space<vmem>>, vector<16xf32>,
      } {sc.loop_unroll_factor = 4 : i64, sc.parallel_access}
      %mul3A_945 = arith.constant 14112 : i32
      %mul3A_946 = arith.muli %add3A, %mul3A_945 : i32
      %mul3A_947 = arith.constant 48 : i32
      %mul3A_948 = arith.muli %add3A_941, %mul3A_947 : i32
      %add3A_949 = arith.addi %mul3A_946, %mul3A_948 : i32
      %dma_start3A_950 = arith.constant 1 : i32
      %dma_start3A_951 = arith.constant 0 : i32
      %dma_start3A_952 = arith.constant 0 : i32
      %dma_start3A_953 = tpu.memref_slice %arg18[%dma_start3A_950, %dma_start3A_951, %dma_start3A_952] : memref<2x48x128xf32, #tpu.memory_space<vmem>> -> memref<1x48x128xf32, #tpu.memory_space<vmem>>
      %dma_start3A_954 = tpu.memref_squeeze %dma_start3A_953 : memref<1x48x128xf32, #tpu.memory_space<vmem>> -> memref<48x128xf32, #tpu.memory_space<vmem>>
      %dma_start3A_955 = arith.constant 0 : i32
      %dma_start3A_956 = tpu.memref_slice %arg4[%add3A_949, %dma_start3A_955] : memref<451584x128xf32, #tpu.memory_space<hbm>> -> memref<48x128xf32, #tpu.memory_space<hbm>>
      %dma_start3A_957 = arith.constant 0 : i32
      %dma_start3A_958 = tpu.memref_slice %arg4[%add3A_949, %dma_start3A_957] : memref<451584x128xf32, #tpu.memory_space<hbm>> -> memref<48x128xf32, #tpu.memory_space<hbm>>
      %dma_start3A_959 = arith.constant 0 : i32
      %dma_start3A_960 = arith.constant 0 : i32
      %dma_start3A_961 = tpu.memref_slice %arg18[%dma_start3A_950, %dma_start3A_959, %dma_start3A_960] : memref<2x48x128xf32, #tpu.memory_space<vmem>> -> memref<1x48x128xf32, #tpu.memory_space<vmem>>
      %dma_start3A_962 = tpu.memref_squeeze %dma_start3A_961 : memref<1x48x128xf32, #tpu.memory_space<vmem>> -> memref<48x128xf32, #tpu.memory_space<vmem>>
      tpu.enqueue_dma source(%dma_start3A_962 : memref<48x128xf32, #tpu.memory_space<vmem>>) target(%dma_start3A_958 : memref<48x128xf32, #tpu.memory_space<hbm>>) target_semaphore(%arg21 : memref<!tpu.dma_semaphore, #tpu.memory_space<semaphore_mem>>)
    }
    %scan3A_378 = arith.constant 147 : i32
    %dma_wait3A = arith.constant 0 : i32
    %dma_wait3A_379 = arith.constant 0 : i32
    %dma_wait3A_380 = arith.constant 0 : i32
    %dma_wait3A_381 = tpu.memref_slice %arg18[%dma_wait3A, %dma_wait3A_379, %dma_wait3A_380] : memref<2x48x128xf32, #tpu.memory_space<vmem>> -> memref<1x48x128xf32, #tpu.memory_space<vmem>>
    %dma_wait3A_382 = tpu.memref_squeeze %dma_wait3A_381 : memref<1x48x128xf32, #tpu.memory_space<vmem>> -> memref<48x128xf32, #tpu.memory_space<vmem>>
    %dma_wait3A_383 = arith.constant 0 : i32
    %dma_wait3A_384 = arith.constant 0 : i32
    %dma_wait3A_385 = tpu.memref_slice %arg4[%dma_wait3A_383, %dma_wait3A_384] : memref<451584x128xf32, #tpu.memory_space<hbm>> -> memref<48x128xf32, #tpu.memory_space<hbm>>
    %dma_wait3A_386 = arith.constant 0 : i32
    %dma_wait3A_387 = arith.constant 0 : i32
    %dma_wait3A_388 = tpu.memref_slice %arg4[%dma_wait3A_386, %dma_wait3A_387] : memref<451584x128xf32, #tpu.memory_space<hbm>> -> memref<48x128xf32, #tpu.memory_space<hbm>>
    %dma_wait3A_389 = arith.constant 0 : i32
    %dma_wait3A_390 = arith.constant 0 : i32
    %dma_wait3A_391 = tpu.memref_slice %arg18[%dma_wait3A, %dma_wait3A_389, %dma_wait3A_390] : memref<2x48x128xf32, #tpu.memory_space<vmem>> -> memref<1x48x128xf32, #tpu.memory_space<vmem>>
    %dma_wait3A_392 = tpu.memref_squeeze %dma_wait3A_391 : memref<1x48x128xf32, #tpu.memory_space<vmem>> -> memref<48x128xf32, #tpu.memory_space<vmem>>
    tpu.wait_dma2 semaphore(%arg21 : memref<!tpu.dma_semaphore, #tpu.memory_space<semaphore_mem>>) src(%dma_wait3A_392 : memref<48x128xf32, #tpu.memory_space<vmem>>) dst(%dma_wait3A_388 : memref<48x128xf32, #tpu.memory_space<hbm>>)
    %dma_wait3A_393 = arith.constant 1 : i32
    %dma_wait3A_394 = arith.constant 0 : i32
    %dma_wait3A_395 = arith.constant 0 : i32
    %dma_wait3A_396 = tpu.memref_slice %arg18[%dma_wait3A_393, %dma_wait3A_394, %dma_wait3A_395] : memref<2x48x128xf32, #tpu.memory_space<vmem>> -> memref<1x48x128xf32, #tpu.memory_space<vmem>>
    %dma_wait3A_397 = tpu.memref_squeeze %dma_wait3A_396 : memref<1x48x128xf32, #tpu.memory_space<vmem>> -> memref<48x128xf32, #tpu.memory_space<vmem>>
    %dma_wait3A_398 = arith.constant 0 : i32
    %dma_wait3A_399 = arith.constant 0 : i32
    %dma_wait3A_400 = tpu.memref_slice %arg4[%dma_wait3A_398, %dma_wait3A_399] : memref<451584x128xf32, #tpu.memory_space<hbm>> -> memref<48x128xf32, #tpu.memory_space<hbm>>
    %dma_wait3A_401 = arith.constant 0 : i32
    %dma_wait3A_402 = arith.constant 0 : i32
    %dma_wait3A_403 = tpu.memref_slice %arg4[%dma_wait3A_401, %dma_wait3A_402] : memref<451584x128xf32, #tpu.memory_space<hbm>> -> memref<48x128xf32, #tpu.memory_space<hbm>>
    %dma_wait3A_404 = arith.constant 0 : i32
    %dma_wait3A_405 = arith.constant 0 : i32
    %dma_wait3A_406 = tpu.memref_slice %arg18[%dma_wait3A_393, %dma_wait3A_404, %dma_wait3A_405] : memref<2x48x128xf32, #tpu.memory_space<vmem>> -> memref<1x48x128xf32, #tpu.memory_space<vmem>>
    %dma_wait3A_407 = tpu.memref_squeeze %dma_wait3A_406 : memref<1x48x128xf32, #tpu.memory_space<vmem>> -> memref<48x128xf32, #tpu.memory_space<vmem>>
    tpu.wait_dma2 semaphore(%arg21 : memref<!tpu.dma_semaphore, #tpu.memory_space<semaphore_mem>>) src(%dma_wait3A_407 : memref<48x128xf32, #tpu.memory_space<vmem>>) dst(%dma_wait3A_403 : memref<48x128xf32, #tpu.memory_space<hbm>>)
    return
  }
}

module attributes {stable_mosaic.version = 14 : i64} {
  func.func @_off_conv_body(%arg0: i32, %arg1: memref<1x224x224x96xf32, #tpu.memory_space<vmem>>, %arg2: memref<3x3x96x18xf32, #tpu.memory_space<vmem>>, %arg3: memref<1x18xf32, #tpu.memory_space<vmem>>, %arg4: memref<1792x18xf32, #tpu.memory_space<vmem>>, %arg5: memref<1792x128xf32, #tpu.memory_space<vmem>>, %arg6: memref<10x226x96xf32, #tpu.memory_space<vmem>>) attributes {dimension_semantics = [#tpu.dimension_semantics<arbitrary>], iteration_bounds = array<i64: 28>, scalar_prefetch = 0 : i64, scratch_operands = 1 : i64, tpu.core_type = #tpu.core_type<tc>, window_params = [{pipeline_mode = #tpu.pipeline_mode<synchronous>, transform_indices = @transform_0, window_bounds = array<i64: 1, 224, 224, 96>}, {pipeline_mode = #tpu.pipeline_mode<synchronous>, transform_indices = @transform_1, window_bounds = array<i64: 3, 3, 96, 18>}, {pipeline_mode = #tpu.pipeline_mode<synchronous>, transform_indices = @transform_2, window_bounds = array<i64: 1, 18>}, {transform_indices = @transform_3, window_bounds = array<i64: 1792, 18>}, {transform_indices = @transform_4, window_bounds = array<i64: 1792, 128>}]} {
    %mul3A = arith.constant 8 : i32
    %mul3A_0 = arith.muli %arg0, %mul3A : i32
    %broadcast_in_dim3A = arith.constant 0.000000e+00 : f32
    %broadcast_in_dim3A_1 = vector.broadcast %broadcast_in_dim3A : f32 to vector<226x96xf32>
    %swap3A = arith.constant 0 : index
    %swap3A_2 = arith.constant 0 : index
    %swap3A_3 = arith.constant 0 : index
    %swap3A_4 = vector.load %arg6[%swap3A, %swap3A_2, %swap3A_3] : memref<10x226x96xf32, #tpu.memory_space<vmem>>, vector<1x226x96xf32>
    %swap3A_5 = vector.shape_cast %swap3A_4 : vector<1x226x96xf32> to vector<226x96xf32>
    %swap3A_6 = vector.shape_cast %broadcast_in_dim3A_1 : vector<226x96xf32> to vector<1x226x96xf32>
    tpu.vector_store %arg6[%swap3A, %swap3A_2, %swap3A_3], %swap3A_6 {strides = array<i32>} : memref<10x226x96xf32, #tpu.memory_space<vmem>>, vector<1x226x96xf32>,
    %broadcast_in_dim3A_7 = arith.constant 0.000000e+00 : f32
    %broadcast_in_dim3A_8 = vector.broadcast %broadcast_in_dim3A_7 : f32 to vector<226x96xf32>
    %swap3A_9 = arith.constant 9 : index
    %swap3A_10 = arith.constant 0 : index
    %swap3A_11 = arith.constant 0 : index
    %swap3A_12 = vector.load %arg6[%swap3A_9, %swap3A_10, %swap3A_11] : memref<10x226x96xf32, #tpu.memory_space<vmem>>, vector<1x226x96xf32>
    %swap3A_13 = vector.shape_cast %swap3A_12 : vector<1x226x96xf32> to vector<226x96xf32>
    %swap3A_14 = vector.shape_cast %broadcast_in_dim3A_8 : vector<226x96xf32> to vector<1x226x96xf32>
    tpu.vector_store %arg6[%swap3A_9, %swap3A_10, %swap3A_11], %swap3A_14 {strides = array<i32>} : memref<10x226x96xf32, #tpu.memory_space<vmem>>, vector<1x226x96xf32>,
    %broadcast_in_dim3A_15 = arith.constant 0.000000e+00 : f32
    %broadcast_in_dim3A_16 = vector.broadcast %broadcast_in_dim3A_15 : f32 to vector<10x1x96xf32>
    %swap3A_17 = arith.constant 0 : index
    %swap3A_18 = arith.constant 0 : index
    %swap3A_19 = arith.constant 0 : index
    %swap3A_20 = vector.load %arg6[%swap3A_17, %swap3A_18, %swap3A_19] : memref<10x226x96xf32, #tpu.memory_space<vmem>>, vector<10x1x96xf32>
    tpu.vector_store %arg6[%swap3A_17, %swap3A_18, %swap3A_19], %broadcast_in_dim3A_16 {strides = array<i32>} : memref<10x226x96xf32, #tpu.memory_space<vmem>>, vector<10x1x96xf32>,
    %broadcast_in_dim3A_21 = arith.constant 0.000000e+00 : f32
    %broadcast_in_dim3A_22 = vector.broadcast %broadcast_in_dim3A_21 : f32 to vector<10x1x96xf32>
    %swap3A_23 = arith.constant 0 : index
    %swap3A_24 = arith.constant 225 : index
    %swap3A_25 = arith.constant 0 : index
    %swap3A_26 = vector.load %arg6[%swap3A_23, %swap3A_24, %swap3A_25] : memref<10x226x96xf32, #tpu.memory_space<vmem>>, vector<10x1x96xf32>
    tpu.vector_store %arg6[%swap3A_23, %swap3A_24, %swap3A_25], %broadcast_in_dim3A_22 {strides = array<i32>} : memref<10x226x96xf32, #tpu.memory_space<vmem>>, vector<10x1x96xf32>,
    %eq3A = arith.constant 0 : i32
    %eq3A_27 = arith.cmpi eq, %arg0, %eq3A : i32
    %convert_element_type3A = arith.extui %eq3A_27 : i1 to i32
    %cond3A = arith.constant 0 : i32
    %cond3A_28 = arith.cmpi ne, %convert_element_type3A, %cond3A : i32
    scf.if %cond3A_28 {
      %get3A_179 = arith.constant 0 : index
      %get3A_180 = arith.constant 0 : index
      %get3A_181 = arith.constant 0 : index
      %get3A_182 = arith.constant 0 : index
      %get3A_183 = vector.load %arg1[%get3A_179, %get3A_180, %get3A_181, %get3A_182] : memref<1x224x224x96xf32, #tpu.memory_space<vmem>>, vector<1x9x224x96xf32>
      %get3A_184 = vector.shape_cast %get3A_183 : vector<1x9x224x96xf32> to vector<9x224x96xf32>
      %swap3A_185 = arith.constant 1 : index
      %swap3A_186 = arith.constant 1 : index
      %swap3A_187 = arith.constant 0 : index
      %swap3A_188 = vector.load %arg6[%swap3A_185, %swap3A_186, %swap3A_187] : memref<10x226x96xf32, #tpu.memory_space<vmem>>, vector<9x224x96xf32>
      tpu.vector_store %arg6[%swap3A_185, %swap3A_186, %swap3A_187], %get3A_184 {strides = array<i32>} : memref<10x226x96xf32, #tpu.memory_space<vmem>>, vector<9x224x96xf32>,
    } else {
    }
    %eq3A_29 = arith.constant 27 : i32
    %eq3A_30 = arith.cmpi eq, %arg0, %eq3A_29 : i32
    %convert_element_type3A_31 = arith.extui %eq3A_30 : i1 to i32
    %cond3A_32 = arith.constant 0 : i32
    %cond3A_33 = arith.cmpi ne, %convert_element_type3A_31, %cond3A_32 : i32
    scf.if %cond3A_33 {
      %sub3A = arith.constant 1 : i32
      %sub3A_179 = arith.subi %mul3A_0, %sub3A : i32
      %get3A_180 = arith.constant 0 : index
      %get3A_181 = arith.index_cast %sub3A_179 : i32 to index
      %get3A_182 = arith.constant 0 : index
      %get3A_183 = arith.constant 0 : index
      %get3A_184 = vector.load %arg1[%get3A_180, %get3A_181, %get3A_182, %get3A_183] : memref<1x224x224x96xf32, #tpu.memory_space<vmem>>, vector<1x9x224x96xf32>
      %get3A_185 = vector.shape_cast %get3A_184 : vector<1x9x224x96xf32> to vector<9x224x96xf32>
      %swap3A_186 = arith.constant 0 : index
      %swap3A_187 = arith.constant 1 : index
      %swap3A_188 = arith.constant 0 : index
      %swap3A_189 = vector.load %arg6[%swap3A_186, %swap3A_187, %swap3A_188] : memref<10x226x96xf32, #tpu.memory_space<vmem>>, vector<9x224x96xf32>
      tpu.vector_store %arg6[%swap3A_186, %swap3A_187, %swap3A_188], %get3A_185 {strides = array<i32>} : memref<10x226x96xf32, #tpu.memory_space<vmem>>, vector<9x224x96xf32>,
    } else {
    }
    %gt3A = arith.constant 0 : i32
    %gt3A_34 = arith.cmpi sgt, %arg0, %gt3A : i32
    %lt3A = arith.constant 27 : i32
    %lt3A_35 = arith.cmpi slt, %arg0, %lt3A : i32
    %and3A = arith.andi %gt3A_34, %lt3A_35 : i1
    %convert_element_type3A_36 = arith.extui %and3A : i1 to i32
    %cond3A_37 = arith.constant 0 : i32
    %cond3A_38 = arith.cmpi ne, %convert_element_type3A_36, %cond3A_37 : i32
    scf.if %cond3A_38 {
      %sub3A = arith.constant 1 : i32
      %sub3A_179 = arith.subi %mul3A_0, %sub3A : i32
      %get3A_180 = arith.constant 0 : index
      %get3A_181 = arith.index_cast %sub3A_179 : i32 to index
      %get3A_182 = arith.constant 0 : index
      %get3A_183 = arith.constant 0 : index
      %get3A_184 = vector.load %arg1[%get3A_180, %get3A_181, %get3A_182, %get3A_183] : memref<1x224x224x96xf32, #tpu.memory_space<vmem>>, vector<1x10x224x96xf32>
      %get3A_185 = vector.shape_cast %get3A_184 : vector<1x10x224x96xf32> to vector<10x224x96xf32>
      %swap3A_186 = arith.constant 0 : index
      %swap3A_187 = arith.constant 1 : index
      %swap3A_188 = arith.constant 0 : index
      %swap3A_189 = vector.load %arg6[%swap3A_186, %swap3A_187, %swap3A_188] : memref<10x226x96xf32, #tpu.memory_space<vmem>>, vector<10x224x96xf32>
      tpu.vector_store %arg6[%swap3A_186, %swap3A_187, %swap3A_188], %get3A_185 {strides = array<i32>} : memref<10x226x96xf32, #tpu.memory_space<vmem>>, vector<10x224x96xf32>,
    } else {
    }
    %get3A = arith.constant 0 : index
    %get3A_39 = arith.constant 0 : index
    %get3A_40 = vector.load %arg3[%get3A, %get3A_39] : memref<1x18xf32, #tpu.memory_space<vmem>>, vector<1x18xf32>
    %broadcast_in_dim3A_41 = vector.shape_cast %get3A_40 : vector<1x18xf32> to vector<1x18xf32>
    %broadcast_in_dim3A_42 = vector.broadcast %broadcast_in_dim3A_41 : vector<1x18xf32> to vector<1792x18xf32>
    %get3A_43 = arith.constant 0 : index
    %get3A_44 = arith.constant 0 : index
    %get3A_45 = arith.constant 0 : index
    %get3A_46 = vector.load %arg6[%get3A_43, %get3A_44, %get3A_45] : memref<10x226x96xf32, #tpu.memory_space<vmem>>, vector<8x224x96xf32>
    %reshape3A = vector.shape_cast %get3A_46 : vector<8x224x96xf32> to vector<1792x96xf32>
    %get3A_47 = arith.constant 0 : index
    %get3A_48 = arith.constant 0 : index
    %get3A_49 = arith.constant 0 : index
    %get3A_50 = arith.constant 0 : index
    %get3A_51 = vector.load %arg2[%get3A_47, %get3A_48, %get3A_49, %get3A_50] : memref<3x3x96x18xf32, #tpu.memory_space<vmem>>, vector<1x1x96x18xf32>
    %get3A_52 = vector.shape_cast %get3A_51 : vector<1x1x96x18xf32> to vector<96x18xf32>
    %dot_general3A = arith.constant dense<0.000000e+00> : vector<1792x18xf32>
    %dot_general3A_53 = tpu.matmul %reshape3A, %get3A_52, %dot_general3A {dimension_numbers = #tpu.dot_dimension_numbers<[1], [0], [0], [1], [0, 0, 1, 1], [], []>, transpose_lhs_hint = false} : vector<1792x96xf32>, vector<96x18xf32>, vector<1792x18xf32> -> vector<1792x18xf32>
    %add3A = arith.addf %broadcast_in_dim3A_42, %dot_general3A_53 : vector<1792x18xf32>
    %get3A_54 = arith.constant 0 : index
    %get3A_55 = arith.constant 1 : index
    %get3A_56 = arith.constant 0 : index
    %get3A_57 = vector.load %arg6[%get3A_54, %get3A_55, %get3A_56] : memref<10x226x96xf32, #tpu.memory_space<vmem>>, vector<8x224x96xf32>
    %reshape3A_58 = vector.shape_cast %get3A_57 : vector<8x224x96xf32> to vector<1792x96xf32>
    %get3A_59 = arith.constant 0 : index
    %get3A_60 = arith.constant 1 : index
    %get3A_61 = arith.constant 0 : index
    %get3A_62 = arith.constant 0 : index
    %get3A_63 = vector.load %arg2[%get3A_59, %get3A_60, %get3A_61, %get3A_62] : memref<3x3x96x18xf32, #tpu.memory_space<vmem>>, vector<1x1x96x18xf32>
    %get3A_64 = vector.shape_cast %get3A_63 : vector<1x1x96x18xf32> to vector<96x18xf32>
    %dot_general3A_65 = arith.constant dense<0.000000e+00> : vector<1792x18xf32>
    %dot_general3A_66 = tpu.matmul %reshape3A_58, %get3A_64, %dot_general3A_65 {dimension_numbers = #tpu.dot_dimension_numbers<[1], [0], [0], [1], [0, 0, 1, 1], [], []>, transpose_lhs_hint = false} : vector<1792x96xf32>, vector<96x18xf32>, vector<1792x18xf32> -> vector<1792x18xf32>
    %add3A_67 = arith.addf %add3A, %dot_general3A_66 : vector<1792x18xf32>
    %get3A_68 = arith.constant 0 : index
    %get3A_69 = arith.constant 2 : index
    %get3A_70 = arith.constant 0 : index
    %get3A_71 = vector.load %arg6[%get3A_68, %get3A_69, %get3A_70] : memref<10x226x96xf32, #tpu.memory_space<vmem>>, vector<8x224x96xf32>
    %reshape3A_72 = vector.shape_cast %get3A_71 : vector<8x224x96xf32> to vector<1792x96xf32>
    %get3A_73 = arith.constant 0 : index
    %get3A_74 = arith.constant 2 : index
    %get3A_75 = arith.constant 0 : index
    %get3A_76 = arith.constant 0 : index
    %get3A_77 = vector.load %arg2[%get3A_73, %get3A_74, %get3A_75, %get3A_76] : memref<3x3x96x18xf32, #tpu.memory_space<vmem>>, vector<1x1x96x18xf32>
    %get3A_78 = vector.shape_cast %get3A_77 : vector<1x1x96x18xf32> to vector<96x18xf32>
    %dot_general3A_79 = arith.constant dense<0.000000e+00> : vector<1792x18xf32>
    %dot_general3A_80 = tpu.matmul %reshape3A_72, %get3A_78, %dot_general3A_79 {dimension_numbers = #tpu.dot_dimension_numbers<[1], [0], [0], [1], [0, 0, 1, 1], [], []>, transpose_lhs_hint = false} : vector<1792x96xf32>, vector<96x18xf32>, vector<1792x18xf32> -> vector<1792x18xf32>
    %add3A_81 = arith.addf %add3A_67, %dot_general3A_80 : vector<1792x18xf32>
    %get3A_82 = arith.constant 1 : index
    %get3A_83 = arith.constant 0 : index
    %get3A_84 = arith.constant 0 : index
    %get3A_85 = vector.load %arg6[%get3A_82, %get3A_83, %get3A_84] : memref<10x226x96xf32, #tpu.memory_space<vmem>>, vector<8x224x96xf32>
    %reshape3A_86 = vector.shape_cast %get3A_85 : vector<8x224x96xf32> to vector<1792x96xf32>
    %get3A_87 = arith.constant 1 : index
    %get3A_88 = arith.constant 0 : index
    %get3A_89 = arith.constant 0 : index
    %get3A_90 = arith.constant 0 : index
    %get3A_91 = vector.load %arg2[%get3A_87, %get3A_88, %get3A_89, %get3A_90] : memref<3x3x96x18xf32, #tpu.memory_space<vmem>>, vector<1x1x96x18xf32>
    %get3A_92 = vector.shape_cast %get3A_91 : vector<1x1x96x18xf32> to vector<96x18xf32>
    %dot_general3A_93 = arith.constant dense<0.000000e+00> : vector<1792x18xf32>
    %dot_general3A_94 = tpu.matmul %reshape3A_86, %get3A_92, %dot_general3A_93 {dimension_numbers = #tpu.dot_dimension_numbers<[1], [0], [0], [1], [0, 0, 1, 1], [], []>, transpose_lhs_hint = false} : vector<1792x96xf32>, vector<96x18xf32>, vector<1792x18xf32> -> vector<1792x18xf32>
    %add3A_95 = arith.addf %add3A_81, %dot_general3A_94 : vector<1792x18xf32>
    %get3A_96 = arith.constant 1 : index
    %get3A_97 = arith.constant 1 : index
    %get3A_98 = arith.constant 0 : index
    %get3A_99 = vector.load %arg6[%get3A_96, %get3A_97, %get3A_98] : memref<10x226x96xf32, #tpu.memory_space<vmem>>, vector<8x224x96xf32>
    %reshape3A_100 = vector.shape_cast %get3A_99 : vector<8x224x96xf32> to vector<1792x96xf32>
    %get3A_101 = arith.constant 1 : index
    %get3A_102 = arith.constant 1 : index
    %get3A_103 = arith.constant 0 : index
    %get3A_104 = arith.constant 0 : index
    %get3A_105 = vector.load %arg2[%get3A_101, %get3A_102, %get3A_103, %get3A_104] : memref<3x3x96x18xf32, #tpu.memory_space<vmem>>, vector<1x1x96x18xf32>
    %get3A_106 = vector.shape_cast %get3A_105 : vector<1x1x96x18xf32> to vector<96x18xf32>
    %dot_general3A_107 = arith.constant dense<0.000000e+00> : vector<1792x18xf32>
    %dot_general3A_108 = tpu.matmul %reshape3A_100, %get3A_106, %dot_general3A_107 {dimension_numbers = #tpu.dot_dimension_numbers<[1], [0], [0], [1], [0, 0, 1, 1], [], []>, transpose_lhs_hint = false} : vector<1792x96xf32>, vector<96x18xf32>, vector<1792x18xf32> -> vector<1792x18xf32>
    %add3A_109 = arith.addf %add3A_95, %dot_general3A_108 : vector<1792x18xf32>
    %get3A_110 = arith.constant 1 : index
    %get3A_111 = arith.constant 2 : index
    %get3A_112 = arith.constant 0 : index
    %get3A_113 = vector.load %arg6[%get3A_110, %get3A_111, %get3A_112] : memref<10x226x96xf32, #tpu.memory_space<vmem>>, vector<8x224x96xf32>
    %reshape3A_114 = vector.shape_cast %get3A_113 : vector<8x224x96xf32> to vector<1792x96xf32>
    %get3A_115 = arith.constant 1 : index
    %get3A_116 = arith.constant 2 : index
    %get3A_117 = arith.constant 0 : index
    %get3A_118 = arith.constant 0 : index
    %get3A_119 = vector.load %arg2[%get3A_115, %get3A_116, %get3A_117, %get3A_118] : memref<3x3x96x18xf32, #tpu.memory_space<vmem>>, vector<1x1x96x18xf32>
    %get3A_120 = vector.shape_cast %get3A_119 : vector<1x1x96x18xf32> to vector<96x18xf32>
    %dot_general3A_121 = arith.constant dense<0.000000e+00> : vector<1792x18xf32>
    %dot_general3A_122 = tpu.matmul %reshape3A_114, %get3A_120, %dot_general3A_121 {dimension_numbers = #tpu.dot_dimension_numbers<[1], [0], [0], [1], [0, 0, 1, 1], [], []>, transpose_lhs_hint = false} : vector<1792x96xf32>, vector<96x18xf32>, vector<1792x18xf32> -> vector<1792x18xf32>
    %add3A_123 = arith.addf %add3A_109, %dot_general3A_122 : vector<1792x18xf32>
    %get3A_124 = arith.constant 2 : index
    %get3A_125 = arith.constant 0 : index
    %get3A_126 = arith.constant 0 : index
    %get3A_127 = vector.load %arg6[%get3A_124, %get3A_125, %get3A_126] : memref<10x226x96xf32, #tpu.memory_space<vmem>>, vector<8x224x96xf32>
    %reshape3A_128 = vector.shape_cast %get3A_127 : vector<8x224x96xf32> to vector<1792x96xf32>
    %get3A_129 = arith.constant 2 : index
    %get3A_130 = arith.constant 0 : index
    %get3A_131 = arith.constant 0 : index
    %get3A_132 = arith.constant 0 : index
    %get3A_133 = vector.load %arg2[%get3A_129, %get3A_130, %get3A_131, %get3A_132] : memref<3x3x96x18xf32, #tpu.memory_space<vmem>>, vector<1x1x96x18xf32>
    %get3A_134 = vector.shape_cast %get3A_133 : vector<1x1x96x18xf32> to vector<96x18xf32>
    %dot_general3A_135 = arith.constant dense<0.000000e+00> : vector<1792x18xf32>
    %dot_general3A_136 = tpu.matmul %reshape3A_128, %get3A_134, %dot_general3A_135 {dimension_numbers = #tpu.dot_dimension_numbers<[1], [0], [0], [1], [0, 0, 1, 1], [], []>, transpose_lhs_hint = false} : vector<1792x96xf32>, vector<96x18xf32>, vector<1792x18xf32> -> vector<1792x18xf32>
    %add3A_137 = arith.addf %add3A_123, %dot_general3A_136 : vector<1792x18xf32>
    %get3A_138 = arith.constant 2 : index
    %get3A_139 = arith.constant 1 : index
    %get3A_140 = arith.constant 0 : index
    %get3A_141 = vector.load %arg6[%get3A_138, %get3A_139, %get3A_140] : memref<10x226x96xf32, #tpu.memory_space<vmem>>, vector<8x224x96xf32>
    %reshape3A_142 = vector.shape_cast %get3A_141 : vector<8x224x96xf32> to vector<1792x96xf32>
    %get3A_143 = arith.constant 2 : index
    %get3A_144 = arith.constant 1 : index
    %get3A_145 = arith.constant 0 : index
    %get3A_146 = arith.constant 0 : index
    %get3A_147 = vector.load %arg2[%get3A_143, %get3A_144, %get3A_145, %get3A_146] : memref<3x3x96x18xf32, #tpu.memory_space<vmem>>, vector<1x1x96x18xf32>
    %get3A_148 = vector.shape_cast %get3A_147 : vector<1x1x96x18xf32> to vector<96x18xf32>
    %dot_general3A_149 = arith.constant dense<0.000000e+00> : vector<1792x18xf32>
    %dot_general3A_150 = tpu.matmul %reshape3A_142, %get3A_148, %dot_general3A_149 {dimension_numbers = #tpu.dot_dimension_numbers<[1], [0], [0], [1], [0, 0, 1, 1], [], []>, transpose_lhs_hint = false} : vector<1792x96xf32>, vector<96x18xf32>, vector<1792x18xf32> -> vector<1792x18xf32>
    %add3A_151 = arith.addf %add3A_137, %dot_general3A_150 : vector<1792x18xf32>
    %get3A_152 = arith.constant 2 : index
    %get3A_153 = arith.constant 2 : index
    %get3A_154 = arith.constant 0 : index
    %get3A_155 = vector.load %arg6[%get3A_152, %get3A_153, %get3A_154] : memref<10x226x96xf32, #tpu.memory_space<vmem>>, vector<8x224x96xf32>
    %reshape3A_156 = vector.shape_cast %get3A_155 : vector<8x224x96xf32> to vector<1792x96xf32>
    %get3A_157 = arith.constant 2 : index
    %get3A_158 = arith.constant 2 : index
    %get3A_159 = arith.constant 0 : index
    %get3A_160 = arith.constant 0 : index
    %get3A_161 = vector.load %arg2[%get3A_157, %get3A_158, %get3A_159, %get3A_160] : memref<3x3x96x18xf32, #tpu.memory_space<vmem>>, vector<1x1x96x18xf32>
    %get3A_162 = vector.shape_cast %get3A_161 : vector<1x1x96x18xf32> to vector<96x18xf32>
    %dot_general3A_163 = arith.constant dense<0.000000e+00> : vector<1792x18xf32>
    %dot_general3A_164 = tpu.matmul %reshape3A_156, %get3A_162, %dot_general3A_163 {dimension_numbers = #tpu.dot_dimension_numbers<[1], [0], [0], [1], [0, 0, 1, 1], [], []>, transpose_lhs_hint = false} : vector<1792x96xf32>, vector<96x18xf32>, vector<1792x18xf32> -> vector<1792x18xf32>
    %add3A_165 = arith.addf %add3A_151, %dot_general3A_164 : vector<1792x18xf32>
    %swap3A_166 = arith.constant 0 : index
    %swap3A_167 = arith.constant 0 : index
    %swap3A_168 = vector.load %arg4[%swap3A_166, %swap3A_167] : memref<1792x18xf32, #tpu.memory_space<vmem>>, vector<1792x18xf32>
    tpu.vector_store %arg4[%swap3A_166, %swap3A_167], %add3A_165 {strides = array<i32>} : memref<1792x18xf32, #tpu.memory_space<vmem>>, vector<1792x18xf32>,
    %get3A_169 = arith.constant 1 : index
    %get3A_170 = arith.constant 1 : index
    %get3A_171 = arith.constant 0 : index
    %get3A_172 = vector.load %arg6[%get3A_169, %get3A_170, %get3A_171] : memref<10x226x96xf32, #tpu.memory_space<vmem>>, vector<8x224x96xf32>
    %reshape3A_173 = vector.shape_cast %get3A_172 : vector<8x224x96xf32> to vector<1792x96xf32>
    %broadcast_in_dim3A_174 = arith.constant 0.000000e+00 : f32
    %broadcast_in_dim3A_175 = vector.broadcast %broadcast_in_dim3A_174 : f32 to vector<1792x32xf32>
    %concatenate3A = tpu.concatenate %reshape3A_173, %broadcast_in_dim3A_175 in 1 : vector<1792x96xf32>, vector<1792x32xf32> -> vector<1792x128xf32>
    %swap3A_176 = arith.constant 0 : index
    %swap3A_177 = arith.constant 0 : index
    %swap3A_178 = vector.load %arg5[%swap3A_176, %swap3A_177] : memref<1792x128xf32, #tpu.memory_space<vmem>>, vector<1792x128xf32>
    tpu.vector_store %arg5[%swap3A_176, %swap3A_177], %concatenate3A {strides = array<i32>} : memref<1792x128xf32, #tpu.memory_space<vmem>>, vector<1792x128xf32>,
    return
  }
  func.func @transform_0(%arg0: i32) -> (i32, i32, i32, i32) {
    %c0_i32 = arith.constant 0 : i32
    %c0_i32_0 = arith.constant 0 : i32
    %c0_i32_1 = arith.constant 0 : i32
    %c0_i32_2 = arith.constant 0 : i32
    %c0_i32_3 = arith.constant 0 : i32
    return %c0_i32, %c0_i32_0, %c0_i32_1, %c0_i32_2 : i32, i32, i32, i32
  }
  func.func @transform_1(%arg0: i32) -> (i32, i32, i32, i32) {
    %c0_i32 = arith.constant 0 : i32
    %c0_i32_0 = arith.constant 0 : i32
    %c0_i32_1 = arith.constant 0 : i32
    %c0_i32_2 = arith.constant 0 : i32
    %c0_i32_3 = arith.constant 0 : i32
    return %c0_i32, %c0_i32_0, %c0_i32_1, %c0_i32_2 : i32, i32, i32, i32
  }
  func.func @transform_2(%arg0: i32) -> (i32, i32) {
    %c0_i32 = arith.constant 0 : i32
    %c0_i32_0 = arith.constant 0 : i32
    %c0_i32_1 = arith.constant 0 : i32
    return %c0_i32, %c0_i32_0 : i32, i32
  }
  func.func @transform_3(%arg0: i32) -> (i32, i32) {
    %c0_i32 = arith.constant 0 : i32
    %c0_i32_0 = arith.constant 0 : i32
    return %arg0, %c0_i32 : i32, i32
  }
  func.func @transform_4(%arg0: i32) -> (i32, i32) {
    %c0_i32 = arith.constant 0 : i32
    %c0_i32_0 = arith.constant 0 : i32
    return %arg0, %c0_i32 : i32, i32
  }
}

module attributes {stable_mosaic.version = 14 : i64} {
  func.func @_mm_body(%arg0: i32, %arg1: memref<4608x128xf32, #tpu.memory_space<vmem>>, %arg2: memref<1152x768xbf16, #tpu.memory_space<vmem>>, %arg3: memref<1x768xf32, #tpu.memory_space<vmem>>, %arg4: memref<512x768xf32, #tpu.memory_space<vmem>>) attributes {dimension_semantics = [#tpu.dimension_semantics<arbitrary>], iteration_bounds = array<i64: 98>, scalar_prefetch = 0 : i64, scratch_operands = 0 : i64, tpu.core_type = #tpu.core_type<tc>, window_params = [{transform_indices = @transform_0, window_bounds = array<i64: 4608, 128>}, {pipeline_mode = #tpu.pipeline_mode<synchronous>, transform_indices = @transform_1, window_bounds = array<i64: 1152, 768>}, {pipeline_mode = #tpu.pipeline_mode<synchronous>, transform_indices = @transform_2, window_bounds = array<i64: 1, 768>}, {transform_indices = @transform_3, window_bounds = array<i64: 512, 768>}]} {
    %get3A = arith.constant 0 : index
    %get3A_0 = arith.constant 0 : index
    %get3A_1 = vector.load %arg1[%get3A, %get3A_0] : memref<4608x128xf32, #tpu.memory_space<vmem>>, vector<4608x128xf32>
    %convert_element_type3A = arith.truncf %get3A_1 : vector<4608x128xf32> to vector<4608x128xbf16>
    %reshape3A = vector.shape_cast %convert_element_type3A : vector<4608x128xbf16> to vector<512x1152xbf16>
    %get3A_2 = arith.constant 0 : index
    %get3A_3 = arith.constant 0 : index
    %get3A_4 = vector.load %arg2[%get3A_2, %get3A_3] : memref<1152x768xbf16, #tpu.memory_space<vmem>>, vector<1152x768xbf16>
    %dot_general3A = arith.constant dense<0.000000e+00> : vector<512x768xf32>
    %dot_general3A_5 = tpu.matmul %reshape3A, %get3A_4, %dot_general3A {dimension_numbers = #tpu.dot_dimension_numbers<[1], [0], [0], [1], [0, 0, 1, 1], [], []>, transpose_lhs_hint = false} : vector<512x1152xbf16>, vector<1152x768xbf16>, vector<512x768xf32> -> vector<512x768xf32>
    %get3A_6 = arith.constant 0 : index
    %get3A_7 = arith.constant 0 : index
    %get3A_8 = vector.load %arg3[%get3A_6, %get3A_7] : memref<1x768xf32, #tpu.memory_space<vmem>>, vector<1x768xf32>
    %add3A = vector.broadcast %get3A_8 : vector<1x768xf32> to vector<512x768xf32>
    %add3A_9 = arith.addf %dot_general3A_5, %add3A : vector<512x768xf32>
    %swap3A = arith.constant 0 : index
    %swap3A_10 = arith.constant 0 : index
    %swap3A_11 = vector.load %arg4[%swap3A, %swap3A_10] : memref<512x768xf32, #tpu.memory_space<vmem>>, vector<512x768xf32>
    tpu.vector_store %arg4[%swap3A, %swap3A_10], %add3A_9 {strides = array<i32>} : memref<512x768xf32, #tpu.memory_space<vmem>>, vector<512x768xf32>,
    return
  }
  func.func @transform_0(%arg0: i32) -> (i32, i32) {
    %c0_i32 = arith.constant 0 : i32
    %c0_i32_0 = arith.constant 0 : i32
    return %arg0, %c0_i32 : i32, i32
  }
  func.func @transform_1(%arg0: i32) -> (i32, i32) {
    %c0_i32 = arith.constant 0 : i32
    %c0_i32_0 = arith.constant 0 : i32
    %c0_i32_1 = arith.constant 0 : i32
    return %c0_i32, %c0_i32_0 : i32, i32
  }
  func.func @transform_2(%arg0: i32) -> (i32, i32) {
    %c0_i32 = arith.constant 0 : i32
    %c0_i32_0 = arith.constant 0 : i32
    %c0_i32_1 = arith.constant 0 : i32
    return %c0_i32, %c0_i32_0 : i32, i32
  }
  func.func @transform_3(%arg0: i32) -> (i32, i32) {
    %c0_i32 = arith.constant 0 : i32
    %c0_i32_0 = arith.constant 0 : i32
    return %arg0, %c0_i32 : i32, i32
  }
}

</mosaic_0001>

<sc_bundles>
// kernel: kernel.5.cloned.1.call-start
scs
__scs_entry_jumppad:
0x0: {  	(pc) =	sbr.rel $0x88, $3  }
0x1: {  	(tag) =	ssettag $0x0;
	lr =	simm.s32 $0x1  }
0x2: {  	[smem:$0x3F9C] =	sst lr;
	_ =	strace $0xD0000000  }
0x3: {  	_ = 	snop  }
0x4: {  	_ = 	snop  }
0x5: {  	_ = 	snop  }
0x6: {  	_ = 	snop  }
0x7: {  	_ = 	snop  }
__scs_overlays_trampoline_lowered:
0x8: {  	[smem:$0x3FAB] =	sst s0  }
0x9: {  	[smem:$0x3FAC] =	sst s1  }
0xa: {  	[smem:$0x3FAD] =	sst s2  }
0xb: {  	[smem:$0x3FAE] =	sst s3  }
0xc: {  	[smem:$0x3FAF] =	sst s4  }
0xd: {  	[smem:$0x3FB0] =	sst s5  }
0xe: {  	[smem:$0x3FB1] =	sst s6  }
0xf: {  	[smem:$0x3FB2] =	sst s7  }
0x10: {  	[smem:$0x3FB3] =	sst s8  }
0x11: {  	[smem:$0x3FB4] =	sst s9;
	s0 =	simm.s32 @!p0 $0x0  }
0x12: {  	s1 =	sld [smem:$0x3F9A];
	s0 =	simm.s32 @p0 $0x1  }
0x13: {  	[smem:$0x3FB5] =	sst s0;
	s0 =	simm.s32 @!p1 $0x0  }
0x14: {  	s2 =	sld [smem:$0x3F99];
	s0 =	simm.s32 @p1 $0x1  }
0x15: {  	[smem:$0x3FB6] =	sst s0;
	s0 =	simm.s32 @!p2 $0x0  }
0x16: {  	s3 =	sld [smem:$0x3FDB];
	s0 =	simm.s32 @p2 $0x1  }
0x17: {  	s4 =	simm.s32 $0x1BF5;
	[smem:$0x3FB8] =	sst s0  }
0x18: {  	s0 =	sld [smem:$0x3F9B];
	_ =	swait.ge [sflag:s4], $0x0  }
0x19: {  	s7 =	sld [smem:$0x3F9C]  }
0x1a: {  	s8 =	sadd.s32 $0xFFFFE003, lr  }
0x1b: {  	s9 =	sadd.s32 $0xFFFFFEF7, lr;
	s5 =	simm.s32 $0xFFFFFFFF;
	p2 =	slt.u32 s8, $0xFFFFF086  }
0x1c: {  	p1 =	slt.u32 s9, $0xF7A;
	s5 =	simm.s32 @!p2 $0x0  }
0x1d: {  	s5 =	simm.s32 @p1 $0x1;
	p0 =	seq.s32 s7, s2  }
0x1e: {  	s7 =	smul.u32 @!p0 $0xF7A, s2;
	p2 =	seq.s32 @!p0 s5, $0x0  }
0x1f: {  	s9 =	smul.u32 $0xF7A, s1;
	s8 =	simm.s32 @!p0 $0x1BF5;
	p2 =	por !p2, p0  }
0x20: {  	[sflag:s8] =	ssyncset.s32 @!p0 $0xFFFFF086;
	s6 =	sadd.s32 @!p0 s3, s7;
	s7 =	simm.s32 @!p0 $0x108  }
0x21: {  	s3 =	sadd.s32 s3, s9;
	s6 =	sadd.s32 @!p0 $0x88, s6;
	s7 =	simm.s32 @p2 $0x1082  }
0x22: {  	[simem:s7], [sflag:s8] =	dma.local @!p0 [hbm:s6], $0xF7A  }
0x23: {  	s9 =	sor.u32 $0xD0000000, s2;
	s6 =	simm.s32 $0x108;
	_ =	swait.ge @!p0 [sflag:s8], $0x0  }
0x24: {  	s3 =	sadd.s32 $0x88, s3;
	s6 =	simm.s32 @!p1 $0x1082;
	[sflag:s4] =	ssyncset.s32 $0xFFFFF086  }
0x25: {  	[simem:s6], [sflag:s4] =	dma.local [hbm:s3], $0xF7A  }
0x26: {  	[smem:$0x3F9C] =	sst s1;
	(tag) =	ssettag s2;
	_ =	strace s9  }
0x27: {  	s1 =	sld [smem:$0x3FAC]  }
0x28: {  	s2 =	sld [smem:$0x3FAD]  }
0x29: {  	s4 =	sld [smem:$0x3FAF]  }
0x2a: {  	p0 =	seq.s32 s5, $0x0;
	s5 =	sld [smem:$0x3FB0]  }
0x2b: {  	s6 =	sld [smem:$0x3FB1]  }
0x2c: {  	s7 =	sld [smem:$0x3FB2]  }
0x2d: {  	s3 =	simm.s32 $0x108;
	s8 =	sld [smem:$0x3FB3]  }
0x2e: {  	s3 =	simm.s32 @!p0 $0x1082;
	s9 =	sld [smem:$0x3FB4]  }
0x2f: {  	lr =	sadd.s32 s0, s3;
	s0 =	sld [smem:$0x3FAB]  }
0x30: {  	s3 =	sld [smem:$0x3FAE]  }
0x31: {  	[smem:$0x3FB7] =	sst s10  }
0x32: {  	s10 =	sld [smem:$0x3FB5];
	_ =	sdelay $0x3  }
0x33: {  	p0 =	seq.s32 s10, $0x1;
	s10 =	sld [smem:$0x3FB7];
	_ =	sdelay $0x3  }
0x34: {  	[smem:$0x3FB7] =	sst s10  }
0x35: {  	s10 =	sld [smem:$0x3FB6];
	_ =	sdelay $0x3  }
0x36: {  	p1 =	seq.s32 s10, $0x1;
	s10 =	sld [smem:$0x3FB7];
	_ =	sdelay $0x3  }
0x37: {  	[smem:$0x3FB7] =	sst s10  }
0x38: {  	s10 =	sld [smem:$0x3FB8]  }
0x39: {  	_ = 	snop;
	(pc) =	sbr.ind lr, $3  }
0x3a: {  	_ = 	snop  }
0x3b: {  	_ = 	snop  }
0x3c: {  	p2 =	seq.s32 s10, $0x1;
	s10 =	sld [smem:$0x3FB7]  }
0x3d: {  	_ =	shalt  }
0x3e: {  	_ =	shalt  }
0x3f: {  	_ =	shalt  }
0x40: {  	_ =	shalt  }
0x41: {  	_ =	shalt  }
0x42: {  	_ =	shalt  }
0x43: {  	_ =	shalt  }
0x44: {  	_ =	shalt  }
0x45: {  	_ =	shalt  }
0x46: {  	_ =	shalt  }
0x47: {  	_ =	shalt  }
0x48: {  	_ =	shalt  }
0x49: {  	_ =	shalt  }
0x4a: {  	_ =	shalt  }
0x4b: {  	_ =	shalt  }
0x4c: {  	_ =	shalt  }
0x4d: {  	_ =	shalt  }
0x4e: {  	_ =	shalt  }
0x4f: {  	_ =	shalt  }
0x50: {  	_ =	shalt  }
0x51: {  	_ =	shalt  }
0x52: {  	_ =	shalt  }
0x53: {  	_ =	shalt  }
0x54: {  	_ =	shalt  }
0x55: {  	_ =	shalt  }
0x56: {  	_ =	shalt  }
0x57: {  	_ =	shalt  }
0x58: {  	_ =	shalt  }
0x59: {  	_ =	shalt  }
0x5a: {  	_ =	shalt  }
0x5b: {  	_ =	shalt  }
0x5c: {  	_ =	shalt  }
0x5d: {  	_ =	shalt  }
0x5e: {  	_ =	shalt  }
0x5f: {  	_ =	shalt  }
0x60: {  	_ =	shalt  }
0x61: {  	_ =	shalt  }
0x62: {  	_ =	shalt  }
0x63: {  	_ =	shalt  }
0x64: {  	_ =	shalt  }
0x65: {  	_ =	shalt  }
0x66: {  	_ =	shalt  }
0x67: {  	_ =	shalt  }
0x68: {  	_ =	shalt  }
0x69: {  	_ =	shalt  }
0x6a: {  	_ =	shalt  }
0x6b: {  	_ =	shalt  }
0x6c: {  	_ =	shalt  }
0x6d: {  	_ =	shalt  }
0x6e: {  	_ =	shalt  }
0x6f: {  	_ =	shalt  }
0x70: {  	_ =	shalt  }
0x71: {  	_ =	shalt  }
0x72: {  	_ =	shalt  }
0x73: {  	_ =	shalt  }
0x74: {  	_ =	shalt  }
0x75: {  	_ =	shalt  }
0x76: {  	_ =	shalt  }
0x77: {  	_ =	shalt  }
0x78: {  	_ =	shalt  }
0x79: {  	_ =	shalt  }
0x7a: {  	_ =	shalt  }
0x7b: {  	_ =	shalt  }
0x7c: {  	_ =	shalt  }
0x7d: {  	_ =	shalt  }
0x7e: {  	_ =	shalt  }
0x7f: {  	_ =	shalt  }
0x80: {  	_ =	shalt  }
0x81: {  	_ =	shalt  }
0x82: {  	_ =	shalt  }
0x83: {  	_ =	shalt  }
0x84: {  	_ =	shalt  }
0x85: {  	_ =	shalt  }
0x86: {  	_ =	shalt  }
0x87: {  	_ =	shalt  }
.Lfunc_end0:
.L_simem_size_0:
called_computation_lowered:
.L_overlay_start_0:
0x88: {  	s2 =	sld [smem:$0x3FD9]  }
0x89: {  	s3 =	sld [smem:$0x3FFE];
	_ =	sdelay $0x1  }
0x8a: {  	s1 =	srdreg.scid  }
0x8b: {  	s0 =	sand.u32 $0x1, s1  }
0x8c: {  	s17 =	sshll.u32 s0, $0xA;
	s2 =	sadd.s32 s3, s2  }
0x8d: {  	s2 =	sadd.s32 s2, s17  }
0x8e: {  	[smem:$0x3FC3] =	sst s2  }
0x8f: {  	_ = 	snop  }
0x90: {  	s2 =	sld [smem:$0x3FD0];
	(tm) =	ssettm $0x1  }
0x91: {  	s18 =	sld [smem:$0x3FFB];
	_ =	sdelay $0x3  }
0x92: {  	_ =	strace s18  }
0x93: {  	s3 =	sld [smem:$0x3FFC];
	_ =	sdelay $0x3  }
0x94: {  	_ =	strace s3  }
0x95: {  	s3 =	sld [smem:$0x3FFD];
	_ =	sdelay $0x3  }
0x96: {  	_ =	strace s3  }
0x97: {  	_ =	strace $0x8FFFFFFF  }
0x98: {  	s19 =	sld [smem:$0x3FDB];
	_ =	sdelay $0x1  }
0x99: {  	s4 =	simm.s32 $_scs_section_size  }
0x9a: {  	s5 =	simm.s32 $_size__tile_overlayer_lowered;
	s6 =	simm.s32 $_tile_overlayer_lowered  }
0x9b: {  	s22 =	simm.s32 $0x1BFF;
	s21 =	sshll.u32 s6, $0x1;
	s3 =	sadd.s32 s4, s19  }
0x9c: {  	s7 =	simm.s32 $0x0;
	s20 =	sshll.u32 s5, $0x1;
	s5 =	sadd.s32 s21, s3  }
0x9d: {  	[timem:s7], [sflag:s22] =	dma.local [hbm:s5], s20  }
0x9e: {  	_ =	swait.ge [sflag:s22], s20  }
0x9f: {  	s4 =	ssub.s32 $0x0, s20;
	[sflag:s22] =	ssyncset.done $0x0  }
0xa0: {  	[sflag:s22] =	ssyncadd.s32 s4;
	_ =	sdelay $0x1  }
0xa1: {  	s23 =	simm.s32 $0x1B8B  }
0xa2: {  	_ =	swait.ge [sflag:s23], $0x1  }
0xa3: {  	[sflag:s23] =	ssyncset.done $0x0  }
0xa4: {  	s25 =	simm.s32 $0x1B8E;
	s24 =	sld [smem:$0x3FFE];
	[sflag:s23] =	ssyncadd.s32 $0xFFFFFFFF  }
0xa5: {  	s26 =	simm.s32 $execute0_lowered;
	[smem:$0x3FD2] =	sst s25  }
0xa6: {  	s5 =	sshll.u32 s26, $0x1;
	_ =	strace $0x80000046;
	[dreg:$0x1] =	wrdreg $0xFFFFFFFF  }
0xa7: {  	s28 =	simm.s32 $_size_execute0_lowered;
	s3 =	sadd.s32 s3, s5;
	[dreg:$0x0] =	wrdreg $0x0  }
0xa8: {  	s5 =	sshll.u32 s28, $0x1;
	[dreg:$0x2] =	wrdreg s3  }
0xa9: {  	[dreg:$0x3] =	wrdreg s5  }
0xaa: {  	[dreg:$0x4] =	wrdreg $0xC0  }
0xab: {  	_ =	task [dreg:s7], $0x5FFFF  }
0xac: {  	[dreg:$0x1] =	wrdreg $0xFFFFFFFF  }
0xad: {  	[dreg:$0x0] =	wrdreg $0x60  }
0xae: {  	[dreg:$0x2] =	wrdreg s2  }
0xaf: {  	[dreg:$0x3] =	wrdreg s24  }
0xb0: {  	[dreg:$0x4] =	wrdreg $0x9  }
0xb1: {  	_ =	task.clear_ibuf [dreg:s7], $0x5FFFF;
	_ =	strace $0x90000046  }
0xb2: {  	s29 =	simm.s32 $0x9;
	_ =	strace $0x80000048  }
0xb3: {  	_ =	swait.ge [sflag:s29], $0x1  }
0xb4: {  	[sflag:s29] =	ssyncadd.s32 $0xFFFFFFFF  }
0xb5: {  	_ =	strace $0x90000048  }
0xb6: {  	_ =	sfence  }
0xb7: {  	s30 =	sld [smem:$0x0];
	_ =	sdelay $0x2  }
0xb8: {  	s31 =	sshll.u32 s1, $0xD;
	s1 =	sshrl.u32 s1, $0x2  }
0xb9: {  	s3 =	sand.u32 $0x4000, s31;
	s1 =	sadd.s32 s1, s30  }
0xba: {  	s0 =	sor.u32 s3, s0;
	s1 =	sshll.u32 s1, $0x11  }
0xbb: {  	s0 =	sor.u32 s1, s0  }
0xbc: {  	s0 =	sadd.s32 $0x8F2B, s0  }
0xbd: {  	[sflag:s0] =	ssyncadd.remote.s32 $0x1  }
0xbe: {  	_ =	sfence.sel $0xFFFF  }
0xbf: {  	[dreg:$0x0] =	wrdreg $0xFFFFFFFF;
	(pc) =	sbr.abs _section_cstart, $3  }
0xc0: {  	[dreg:$0x1] =	wrdreg $0xFFFFFFFF  }
0xc1: {  	_ =	task.clear_ibuf [dreg:s7], $0x2FFFF;
	_ =	strace $0x9FFFFFFF  }
0xc2: {  	(tm) =	ssettm $0x7FFFFFFF  }
0xc3: {  	_ =	shalt  }
tec
execute0_lowered:
.L_overlay_start_1:
0x0: {  	(tag) =	ssettag $0x1  }
0x1: {  	s0 =	srdreg.scid;
	s2 =	stileid.u32  }
0x2: {  	s0 =	sand.u32 $0x1, s0;
	s2 =	sshll.u32 s2, $0x1  }
0x3: {  	s4 =	sor.u32 s0, s2  }
0x4: {  	s3 =	smul.u32 $0x3720, s4  }
0x5: {  	v0 =	vlaneseq.u32  }
0x6: {  	v2 =	vor.u32 $0x20, v0;
	v1 =	vmov s3  }
0x7: {  	v5 =	vor.u32 $0x10, v0;
	v3 =	vor.u32 s3, v0;
	v4 =	vmulhi.u32 $0x208209, v1  }
0x8: {  	v2 =	vadd.s32 s3, v2;
	v5 =	vor.u32 s3, v5;
	v3 =	vmulhi.u32 $0x38E38E39, v3  }
0x9: {  	v6 =	vshrl.u32 v2, $0x5;
	v5 =	vmulhi.u32 $0x38E38E39, v5;
	v7 =	vmul.u32 $0xFFFFFF20, v4  }
0xa: {  	v6 =	vmulhi.u32 $0x8208209, v6;
	v3 =	vshrl.u32 v3, $0x1  }
0xb: {  	v8 =	vmulhi.u32 $0x38E38E39, v2;
	v3 =	vadd.s32 v3, v7  }
0xc: {  	s1 =	rddreg [dreg:$0x0];
	s2 =	simm.s32 $0x0;
	v5 =	vshrl.u32 v5, $0x1;
	v9 =	vshrl.u32 v6, $0x1;
	v2 =	vcvt.s32.f32 v3  }
0xd: {  	[smem:$0x7FF] =	sst s2;
	v6 =	vmul.u32 $0xFFFFFF20, v9;
	v3 =	vcvt.s32.f32 v4;
	v4 =	vadd.s32 v5, v7  }
0xe: {  	s5 =	rddreg [dreg:$0x1];
	_ =	strace $0x80000047;
	v5 =	vshrl.u32 v8, $0x1;
	[tilespmem:$0x1FFA0] =	vst v2;
	v2 =	vcvt.s32.f32 v4  }
0xf: {  	s9 =	simm.s32 $0x30;
	s23 =	simm.s32 $0xEC80;
	v6 =	vadd.s32 v5, v6  }
0x10: {  	s24 =	simm.s32 $0x7200;
	s25 =	simm.s32 $0x11C80;
	s26 =	simm.s32 $0x1;
	[tilespmem:$0x1FFB0] =	vst v2;
	v2 =	vcvt.s32.f32 v6  }
0x11: {  	s28 =	simm.s32 $0x7280;
	s29 =	simm.s32 $0x7300;
	s30 =	simm.s32 $0x7380  }
0x12: {  	s31 =	simm.s32 $0x7400;
	s0 =	ssub.s32 $0x2, s0;
	s7 =	smul.u32 $0xDC8, s4;
	v5 =	vmul.u32 $0x2, v0;
	[tilespmem:$0x1FFC0] =	vst v2;
	v2 =	vcvt.s32.f32 v9  }
0x13: {  	s10 =	simm.s32 $0x0;
	s6 =	sshrl.u32 s0, $0x1;
	s4 =	sadd.s32 $0xC4C00, s5  }
0x14: {  	s5 =	sadd.s32 $0x188C00, s5;
	s0 =	ssub.s32 s0, s6;
	s1 =	sadd.s32 s1, s7;
	[tilespmem:$0x1FFD0] =	vst v2;
	v2 =	vor.u32 $0x1, v5  }
0x15: {  	v13 =	vimm.f32 $0.0e+00;
	s6 =	simm.s32 $0x14C80;
	s0 =	smax.u32 s0, $0x1;
	[dreg:$0x3] =	wrdreg s1;
	[tilespmem:$0x1FFE0] =	vst v2;
	v2 =	vor.u32 $0x20, v5  }
0x16: {  	[dreg:$0x4] =	wrdreg s0;
	s1 =	simm.s32 $0x13480;
	s0 =	simm.s32 $0x2;
	v10 =	vor.u32 $0x21, v5;
	v11 =	vor.u32 $0x40, v5;
	v12 =	vor.u32 $0x41, v5;
	[tilespmem:$0x1FFF0] =	vst v2  }
.LBB2_1:
0x17: {  	[dreg:$0x5] =	wrdreg s10  }
0x18: {  	s7 =	rddreg [dreg:$0x3];
	s15 =	simm.s32 $0x4  }
0x19: {  	[tilespmem:s2], [sflag:$0x4] =	stream.linear.gather [hbm4b:s7+s2], $0x6E40, $0x38;
	[tilespmem:$0x16480] =	vst v63  }
0x1a: {  	_ =	swait.ge [sflag:s15], $0x6E40  }
0x1b: {  	v2 =	vld [tilespmem:$0x1FFE0];
	_ =	sdelay $0x4  }
0x1c: {  	[sflag:s15] =	ssyncset.done $0x0  }
0x1d: {  	[sflag:s15] =	ssyncadd.s32 $0xFFFF91C0  }
0x1e: {  	v15 =	vld.idx.msk [tilespmem:v5+s2+$0x0], $0xffff  }
0x1f: {  	v14 =	vld.idx.msk [tilespmem:v2+s2+$0x0], $0xffff  }
0x20: {  	v2 =	vld [tilespmem:$0x1FFA0];
	_ =	sdelay $0x4  }
0x21: {  	v14 =	vadd.f32 v3, v14;
	v15 =	vadd.f32 v2, v15;
	_ =	sdelay $0x1  }
0x22: {  	v14 =	vmax.f32 v14, $0.0e+00;
	v15 =	vmax.f32 v15, $0.0e+00  }
0x23: {  	v14 =	vmin.f32 v14, $2.230000000e+02;
	v15 =	vmin.f32 v15, $2.230000000e+02  }
0x24: {  	v16 =	vtrunc.f32 v14;
	v17 =	vtrunc.f32 v15  }
0x25: {  	v16 =	vcvt.f32.s32 v16;
	v17 =	vcvt.f32.s32 v17;
	_ =	sdelay $0x1  }
0x26: {  	v18 =	vcvt.s32.f32 v16;
	v20 =	vcvt.s32.f32 v17;
	_ =	sdelay $0x1  }
0x27: {  	v19 =	vadd.f32 $1.000000000e+00, v18;
	v21 =	vadd.f32 $1.000000000e+00, v20;
	_ =	sdelay $0x1  }
0x28: {  	v19 =	vmin.f32 v19, $2.230000000e+02;
	v21 =	vmin.f32 v21, $2.230000000e+02  }
0x29: {  	v16 =	vmul.u32 $0xE0, v16;
	v22 =	vtrunc.f32 v19;
	v23 =	vtrunc.f32 v21  }
0x2a: {  	v21 =	vsub.f32 v21, v15;
	v19 =	vsub.f32 v19, v14;
	v23 =	vcvt.f32.s32 v23  }
0x2b: {  	v24 =	vadd.s32 v17, v16;
	v14 =	vsub.f32 v14, v18  }
0x2c: {  	[tilespmem:$0x6E80] =	vst v24;
	v15 =	vsub.f32 v15, v20;
	v35 =	vmul.f32 v19, v21;
	v16 =	vadd.s32 v23, v16  }
0x2d: {  	v2 =	vld [tilespmem:$0x1FFF0];
	v22 =	vcvt.f32.s32 v22;
	v36 =	vmul.f32 v21, v14;
	[tilespmem:$0x7080] =	vst v16  }
0x2e: {  	v37 =	vmul.f32 v19, v15;
	[tilespmem:$0x7280] =	vst v35  }
0x2f: {  	v14 =	vmul.f32 v14, v15;
	v22 =	vmul.u32 $0xE0, v22;
	[tilespmem:$0x7300] =	vst v36  }
0x30: {  	[tilespmem:$0x7380] =	vst v37  }
0x31: {  	[tilespmem:$0x7400] =	vst v14;
	v17 =	vadd.s32 v17, v22  }
0x32: {  	v34 =	vadd.s32 v23, v22;
	[tilespmem:$0x6F80] =	vst v17  }
0x33: {  	[tilespmem:$0x7180] =	vst v34  }
0x34: {  	v14 =	vld.idx.msk [tilespmem:v10+s2+$0x0], $0xffff  }
0x35: {  	v15 =	vld.idx.msk [tilespmem:v2+s2+$0x0], $0xffff  }
0x36: {  	v2 =	vld [tilespmem:$0x1FFB0];
	_ =	sdelay $0x4  }
0x37: {  	v14 =	vadd.f32 v3, v14;
	v15 =	vadd.f32 v2, v15;
	_ =	sdelay $0x1  }
0x38: {  	v14 =	vmax.f32 v14, $0.0e+00;
	v15 =	vmax.f32 v15, $0.0e+00  }
0x39: {  	v14 =	vmin.f32 v14, $2.230000000e+02;
	v15 =	vmin.f32 v15, $2.230000000e+02  }
0x3a: {  	v38 =	vtrunc.f32 v14;
	v39 =	vtrunc.f32 v15  }
0x3b: {  	v16 =	vcvt.f32.s32 v38;
	v17 =	vcvt.f32.s32 v39;
	_ =	sdelay $0x1  }
0x3c: {  	v40 =	vcvt.s32.f32 v16;
	v42 =	vcvt.s32.f32 v17;
	_ =	sdelay $0x1  }
0x3d: {  	v41 =	vadd.f32 $1.000000000e+00, v40;
	v43 =	vadd.f32 $1.000000000e+00, v42;
	_ =	sdelay $0x1  }
0x3e: {  	v19 =	vmin.f32 v41, $2.230000000e+02;
	v21 =	vmin.f32 v43, $2.230000000e+02  }
0x3f: {  	v16 =	vmul.u32 $0xE0, v16;
	v44 =	vtrunc.f32 v19;
	v45 =	vtrunc.f32 v21  }
0x40: {  	v21 =	vsub.f32 v21, v15;
	v19 =	vsub.f32 v19, v14;
	v23 =	vcvt.f32.s32 v45  }
0x41: {  	v46 =	vadd.s32 v17, v16;
	v14 =	vsub.f32 v14, v40  }
0x42: {  	[tilespmem:$0x6E90] =	vst v46;
	v15 =	vsub.f32 v15, v42;
	v48 =	vmul.f32 v19, v21;
	v16 =	vadd.s32 v23, v16  }
0x43: {  	v22 =	vcvt.f32.s32 v44;
	v49 =	vmul.f32 v21, v14;
	[tilespmem:$0x7090] =	vst v16  }
0x44: {  	v50 =	vmul.f32 v19, v15;
	[tilespmem:$0x7290] =	vst v48  }
0x45: {  	v14 =	vmul.f32 v14, v15;
	v22 =	vmul.u32 $0xE0, v22;
	[tilespmem:$0x7310] =	vst v49  }
0x46: {  	[tilespmem:$0x7390] =	vst v50  }
0x47: {  	[tilespmem:$0x7410] =	vst v14;
	v17 =	vadd.s32 v17, v22  }
0x48: {  	v47 =	vadd.s32 v23, v22;
	[tilespmem:$0x6F90] =	vst v17  }
0x49: {  	v2 =	vld [tilespmem:$0x1FFD0];
	[tilespmem:$0x7190] =	vst v47  }
0x4a: {  	v14 =	vld.idx.msk [tilespmem:v12+s2+$0x0], $0xffff;
	_ =	sdelay $0x3  }
0x4b: {  	v15 =	vld.idx.msk [tilespmem:v11+s2+$0x0], $0xffff  }
0x4c: {  	v14 =	vadd.f32 v2, v14;
	v2 =	vld [tilespmem:$0x1FFC0];
	_ =	sdelay $0x3  }
0x4d: {  	v14 =	vmax.f32 v14, $0.0e+00  }
0x4e: {  	v14 =	vmin.f32 v14, $2.230000000e+02;
	v15 =	vadd.f32 v2, v15  }
0x4f: {  	v51 =	vtrunc.f32 v14  }
0x50: {  	v16 =	vcvt.f32.s32 v51;
	v15 =	vmax.f32 v15, $0.0e+00  }
0x51: {  	v15 =	vmin.f32 v15, $2.230000000e+02  }
0x52: {  	v53 =	vcvt.s32.f32 v16;
	v52 =	vtrunc.f32 v15  }
0x53: {  	v17 =	vcvt.f32.s32 v52  }
0x54: {  	v54 =	vadd.f32 $1.000000000e+00, v53  }
0x55: {  	v55 =	vcvt.s32.f32 v17  }
0x56: {  	v19 =	vmin.f32 v54, $2.230000000e+02  }
0x57: {  	v57 =	vtrunc.f32 v19;
	v56 =	vadd.f32 $1.000000000e+00, v55  }
0x58: {  	v22 =	vcvt.f32.s32 v57  }
0x59: {  	v16 =	vmul.u32 $0xE0, v16;
	v21 =	vmin.f32 v56, $2.230000000e+02  }
0x5a: {  	v22 =	vmul.u32 $0xE0, v22;
	v58 =	vtrunc.f32 v21  }
0x5b: {  	v59 =	vadd.s32 v17, v16;
	v23 =	vcvt.f32.s32 v58  }
0x5c: {  	v19 =	vsub.f32 v19, v14;
	[tilespmem:$0x6EA0] =	vst v59;
	v21 =	vsub.f32 v21, v15;
	v17 =	vadd.s32 v17, v22  }
0x5d: {  	v14 =	vsub.f32 v14, v53;
	[tilespmem:$0x6FA0] =	vst v17;
	v16 =	vadd.s32 v23, v16  }
0x5e: {  	v15 =	vsub.f32 v15, v55;
	v61 =	vmul.f32 v19, v21;
	v60 =	vadd.s32 v23, v22;
	[tilespmem:$0x70A0] =	vst v16  }
0x5f: {  	v62 =	vmul.f32 v21, v14;
	[tilespmem:$0x71A0] =	vst v60  }
0x60: {  	v63 =	vmul.f32 v19, v15;
	[tilespmem:$0x72A0] =	vst v61  }
0x61: {  	v14 =	vmul.f32 v14, v15;
	[tilespmem:$0x7320] =	vst v62  }
0x62: {  	[tilespmem:$0x73A0] =	vst v63  }
0x63: {  	s16 =	simm.s32 $0x6E80;
	s8 =	simm.s32 $0x7480;
	[tilespmem:$0x7420] =	vst v14  }
0x64: {  	[tilespmem:s8], [sflag:$0x1] =	stream.indirect.gather [hbm4b:s4+s9], $0x80, s16, s9, $0xb8;
	[tilespmem:$0x16480] =	vst v63  }
0x65: {  	s17 =	simm.s32 $0x6F80;
	s18 =	simm.s32 $0xA480  }
0x66: {  	[tilespmem:s18], [sflag:$0x1] =	stream.indirect.gather [hbm4b:s4+s9], $0x80, s17, s9, $0xb8;
	[tilespmem:$0x16480] =	vst v63  }
0x67: {  	s19 =	simm.s32 $0x7080;
	s20 =	simm.s32 $0xD480  }
0x68: {  	[tilespmem:s20], [sflag:$0x1] =	stream.indirect.gather [hbm4b:s4+s9], $0x80, s19, s9, $0xb8;
	[tilespmem:$0x16480] =	vst v63  }
0x69: {  	s21 =	simm.s32 $0x7180;
	s22 =	simm.s32 $0x10480;
	s7 =	simm.s32 $0x0  }
0x6a: {  	[tilespmem:s22], [sflag:$0x1] =	stream.indirect.gather [hbm4b:s4+s9], $0x80, s21, s9, $0xb8;
	[tilespmem:$0x16480] =	vst v63  }
.LBB2_2:
0x6b: {  	s10 =	smul.u32 $0x60, s7;
	_ =	sdelay $0x1  }
0x6c: {  	s8 =	sadd.s32 $0x30, s10  }
0x6d: {  	v14 =	vor.u32 s8, v0  }
0x6e: {  	v15 =	vshll.u32 v14, $0x1  }
0x6f: {  	v16 =	vor.u32 $0x1, v15  }
0x70: {  	v14 =	vadd.s32 v1, v14  }
0x71: {  	v17 =	vshrl.u32 v14, $0x5  }
0x72: {  	v17 =	vmulhi.u32 $0x8208209, v17;
	_ =	sdelay $0x1  }
0x73: {  	v14 =	vmulhi.u32 $0x38E38E39, v14;
	v17 =	vshrl.u32 v17, $0x1;
	v16 =	vld.idx.msk [tilespmem:v16+s2+$0x0], $0xffff  }
0x74: {  	v18 =	vmul.u32 $0xFFFFFF20, v17;
	v15 =	vld.idx.msk [tilespmem:v15+s2+$0x0], $0xffff  }
0x75: {  	v14 =	vshrl.u32 v14, $0x1  }
0x76: {  	v17 =	vcvt.s32.f32 v17;
	v14 =	vadd.s32 v14, v18  }
0x77: {  	v14 =	vcvt.s32.f32 v14  }
0x78: {  	v16 =	vadd.f32 v17, v16  }
0x79: {  	v14 =	vadd.f32 v14, v15  }
0x7a: {  	v16 =	vmax.f32 v16, $0.0e+00  }
0x7b: {  	v14 =	vmax.f32 v14, $0.0e+00;
	v15 =	vmin.f32 v16, $2.230000000e+02  }
0x7c: {  	v14 =	vmin.f32 v14, $2.230000000e+02;
	v16 =	vtrunc.f32 v15  }
0x7d: {  	v17 =	vtrunc.f32 v14;
	v16 =	vcvt.f32.s32 v16  }
0x7e: {  	v17 =	vcvt.f32.s32 v17  }
0x7f: {  	v18 =	vcvt.s32.f32 v16  }
0x80: {  	v20 =	vcvt.s32.f32 v17  }
0x81: {  	v19 =	vadd.f32 $1.000000000e+00, v18  }
0x82: {  	v21 =	vadd.f32 $1.000000000e+00, v20  }
0x83: {  	v19 =	vmin.f32 v19, $2.230000000e+02  }
0x84: {  	v21 =	vmin.f32 v21, $2.230000000e+02;
	v22 =	vtrunc.f32 v19  }
0x85: {  	v23 =	vtrunc.f32 v21;
	v22 =	vcvt.f32.s32 v22  }
0x86: {  	v16 =	vmul.u32 $0xE0, v16;
	v23 =	vcvt.f32.s32 v23  }
0x87: {  	v21 =	vsub.f32 v21, v14;
	v19 =	vsub.f32 v19, v15;
	v22 =	vmul.u32 $0xE0, v22  }
0x88: {  	v24 =	vadd.s32 v17, v16;
	v16 =	vadd.s32 v23, v16  }
0x89: {  	s11 =	sadd.s32 $0x40, s10;
	v15 =	vsub.f32 v15, v18;
	v18 =	vmul.f32 v19, v21;
	[tilespmem:$0x7100] =	vst v16;
	v17 =	vadd.s32 v17, v22  }
0x8a: {  	v14 =	vsub.f32 v14, v20;
	[tilespmem:$0x7000] =	vst v17;
	v17 =	vor.u32 s11, v0  }
0x8b: {  	[tilespmem:$0x72B0] =	vst v18;
	v16 =	vadd.s32 v23, v22;
	v20 =	vshll.u32 v17, $0x1  }
0x8c: {  	v18 =	vmul.f32 v19, v14;
	[tilespmem:$0x7200] =	vst v16;
	v16 =	vmul.f32 v21, v15;
	v21 =	vor.u32 $0x1, v20  }
0x8d: {  	[tilespmem:$0x6F00] =	vst v24;
	v14 =	vmul.f32 v15, v14  }
0x8e: {  	[tilespmem:$0x73B0] =	vst v18  }
0x8f: {  	[tilespmem:$0x7430] =	vst v14;
	v15 =	vadd.s32 v1, v17  }
0x90: {  	[tilespmem:$0x7330] =	vst v16;
	v14 =	vshrl.u32 v15, $0x5  }
0x91: {  	v14 =	vmulhi.u32 $0x8208209, v14;
	v16 =	vld.idx.msk [tilespmem:v21+s2+$0x0], $0xffff;
	_ =	sdelay $0x1  }
0x92: {  	v15 =	vmulhi.u32 $0x38E38E39, v15;
	v14 =	vshrl.u32 v14, $0x1  }
0x93: {  	v17 =	vmul.u32 $0xFFFFFF20, v14;
	v18 =	vld.idx.msk [tilespmem:v20+s2+$0x0], $0xffff;
	v14 =	vcvt.s32.f32 v14  }
0x94: {  	v15 =	vshrl.u32 v15, $0x1  }
0x95: {  	v15 =	vadd.s32 v15, v17;
	v14 =	vadd.f32 v14, v16  }
0x96: {  	v15 =	vcvt.s32.f32 v15  }
0x97: {  	v14 =	vmax.f32 v14, $0.0e+00  }
0x98: {  	v15 =	vadd.f32 v15, v18;
	v14 =	vmin.f32 v14, $2.230000000e+02  }
0x99: {  	v16 =	vtrunc.f32 v14  }
0x9a: {  	v15 =	vmax.f32 v15, $0.0e+00;
	v16 =	vcvt.f32.s32 v16  }
0x9b: {  	v15 =	vmin.f32 v15, $2.230000000e+02  }
0x9c: {  	v17 =	vtrunc.f32 v15;
	v18 =	vcvt.s32.f32 v16  }
0x9d: {  	v17 =	vcvt.f32.s32 v17  }
0x9e: {  	v19 =	vadd.f32 $1.000000000e+00, v18  }
0x9f: {  	v20 =	vcvt.s32.f32 v17  }
0xa0: {  	v19 =	vmin.f32 v19, $2.230000000e+02  }
0xa1: {  	v21 =	vadd.f32 $1.000000000e+00, v20;
	v22 =	vtrunc.f32 v19  }
0xa2: {  	v22 =	vcvt.f32.s32 v22  }
0xa3: {  	v16 =	vmul.u32 $0xE0, v16;
	v21 =	vmin.f32 v21, $2.230000000e+02  }
0xa4: {  	v23 =	vtrunc.f32 v21;
	v22 =	vmul.u32 $0xE0, v22  }
0xa5: {  	v24 =	vadd.s32 v17, v16;
	v21 =	vsub.f32 v21, v15;
	v23 =	vcvt.f32.s32 v23  }
0xa6: {  	s21 =	sadd.s32 $0x50, s10;
	[tilespmem:$0x6F10] =	vst v24;
	v15 =	vsub.f32 v15, v20;
	v19 =	vsub.f32 v19, v14;
	v17 =	vadd.s32 v17, v22  }
0xa7: {  	v14 =	vsub.f32 v14, v18;
	v16 =	vadd.s32 v23, v16;
	[tilespmem:$0x7010] =	vst v17;
	v17 =	vor.u32 s21, v0  }
0xa8: {  	v18 =	vmul.f32 v19, v21;
	[tilespmem:$0x7110] =	vst v16;
	v16 =	vadd.s32 v23, v22;
	v20 =	vshll.u32 v17, $0x1  }
0xa9: {  	[tilespmem:$0x7210] =	vst v16;
	v16 =	vmul.f32 v21, v14;
	v14 =	vmul.f32 v14, v15;
	v21 =	vor.u32 $0x1, v20  }
0xaa: {  	[tilespmem:$0x72C0] =	vst v18;
	v18 =	vmul.f32 v19, v15;
	v15 =	vadd.s32 v1, v17  }
0xab: {  	[tilespmem:$0x7440] =	vst v14;
	v14 =	vshrl.u32 v15, $0x5  }
0xac: {  	[tilespmem:$0x73C0] =	vst v18;
	v14 =	vmulhi.u32 $0x8208209, v14  }
0xad: {  	[tilespmem:$0x7340] =	vst v16  }
0xae: {  	v15 =	vmulhi.u32 $0x38E38E39, v15;
	v14 =	vshrl.u32 v14, $0x1;
	v16 =	vld.idx.msk [tilespmem:v21+s2+$0x0], $0xffff  }
0xaf: {  	v17 =	vmul.u32 $0xFFFFFF20, v14;
	v18 =	vld.idx.msk [tilespmem:v20+s2+$0x0], $0xffff  }
0xb0: {  	v15 =	vshrl.u32 v15, $0x1  }
0xb1: {  	v14 =	vcvt.s32.f32 v14;
	v15 =	vadd.s32 v15, v17  }
0xb2: {  	v15 =	vcvt.s32.f32 v15  }
0xb3: {  	v14 =	vadd.f32 v14, v16  }
0xb4: {  	v15 =	vadd.f32 v15, v18  }
0xb5: {  	v14 =	vmax.f32 v14, $0.0e+00  }
0xb6: {  	v15 =	vmax.f32 v15, $0.0e+00;
	v14 =	vmin.f32 v14, $2.230000000e+02  }
0xb7: {  	v15 =	vmin.f32 v15, $2.230000000e+02;
	v16 =	vtrunc.f32 v14  }
0xb8: {  	v17 =	vtrunc.f32 v15;
	v16 =	vcvt.f32.s32 v16  }
0xb9: {  	v17 =	vcvt.f32.s32 v17  }
0xba: {  	v18 =	vcvt.s32.f32 v16  }
0xbb: {  	v20 =	vcvt.s32.f32 v17  }
0xbc: {  	v19 =	vadd.f32 $1.000000000e+00, v18  }
0xbd: {  	v21 =	vadd.f32 $1.000000000e+00, v20  }
0xbe: {  	v19 =	vmin.f32 v19, $2.230000000e+02  }
0xbf: {  	v21 =	vmin.f32 v21, $2.230000000e+02;
	v22 =	vtrunc.f32 v19  }
0xc0: {  	v16 =	vmul.u32 $0xE0, v16;
	v23 =	vtrunc.f32 v21;
	v22 =	vcvt.f32.s32 v22  }
0xc1: {  	v23 =	vcvt.f32.s32 v23  }
0xc2: {  	v24 =	vadd.s32 v17, v16;
	v22 =	vmul.u32 $0xE0, v22  }
0xc3: {  	[tilespmem:$0x6F20] =	vst v24;
	v21 =	vsub.f32 v21, v15;
	v19 =	vsub.f32 v19, v14;
	v16 =	vadd.s32 v23, v16  }
0xc4: {  	v14 =	vsub.f32 v14, v18;
	[tilespmem:$0x7120] =	vst v16;
	v17 =	vadd.s32 v17, v22  }
0xc5: {  	v15 =	vsub.f32 v15, v20;
	v16 =	vadd.s32 v23, v22;
	[tilespmem:$0x7020] =	vst v17;
	v17 =	vmul.f32 v19, v21  }
0xc6: {  	[tilespmem:$0x7220] =	vst v16;
	v16 =	vmul.f32 v21, v14  }
0xc7: {  	v14 =	vmul.f32 v14, v15;
	[tilespmem:$0x72D0] =	vst v17  }
0xc8: {  	v17 =	vmul.f32 v19, v15;
	[tilespmem:$0x7350] =	vst v16  }
0xc9: {  	[tilespmem:$0x7450] =	vst v14  }
0xca: {  	s22 =	simm.s32 $0x6F00;
	s12 =	simm.s32 $0x8C80;
	[tilespmem:$0x73D0] =	vst v17  }
0xcb: {  	[tilespmem:s12], [sflag:$0x2] =	stream.indirect.gather [hbm4b:s4+s9], $0x80, s22, s9, $0xb8;
	[tilespmem:$0x16480] =	vst v63  }
0xcc: {  	s13 =	simm.s32 $0xBC80;
	s12 =	simm.s32 $0x7000  }
0xcd: {  	[tilespmem:s13], [sflag:$0x2] =	stream.indirect.gather [hbm4b:s4+s9], $0x80, s12, s9, $0xb8;
	[tilespmem:$0x16480] =	vst v63  }
0xce: {  	s14 =	simm.s32 $0x7100  }
0xcf: {  	[tilespmem:s23], [sflag:$0x2] =	stream.indirect.gather [hbm4b:s4+s9], $0x80, s14, s9, $0xb8;
	[tilespmem:$0x16480] =	vst v63  }
0xd0: {  	_ = 	snop  }
0xd1: {  	[tilespmem:s25], [sflag:$0x2] =	stream.indirect.gather [hbm4b:s4+s9], $0x80, s24, s9, $0xb8;
	[tilespmem:$0x16480] =	vst v63  }
0xd2: {  	_ =	swait.ge [sflag:s26], $0x1800  }
0xd3: {  	[sflag:s26] =	ssyncset.done $0x0  }
0xd4: {  	[sflag:s26] =	ssyncadd.s32 $0xFFFFE800  }
0xd5: {  	_ =	swait.ge [sflag:s26], $0x1800  }
0xd6: {  	[sflag:s26] =	ssyncset.done $0x0  }
0xd7: {  	[sflag:s26] =	ssyncadd.s32 $0xFFFFE800  }
0xd8: {  	_ =	swait.ge [sflag:s26], $0x1800  }
0xd9: {  	[sflag:s26] =	ssyncset.done $0x0  }
0xda: {  	s15 =	simm.s32 $0x0;
	[sflag:s26] =	ssyncadd.s32 $0xFFFFE800  }
0xdb: {  	s16 =	simm.s32 $0x3;
	v14 =	vmov s15;
	_ =	swait.ge [sflag:s26], $0x1800  }
0xdc: {  	p0 =	seq.s32 s7, $0x0;
	v23 =	vmov s16;
	v14 =	vand.u32 $0xFFFFFFFC, v14;
	[sflag:s26] =	ssyncset.done $0x0  }
0xdd: {  	s11 =	simm.s32 @!p0 $0x3;
	v19 =	vbroadcast v14, $0x0;
	[sflag:s26] =	ssyncadd.s32 $0xFFFFE800  }
0xde: {  	s17 =	simm.s32 $0x2;
	_ =	swait.ge @!p0 [sflag:s11], $0x1800  }
0xdf: {  	v14 =	vmov s17;
	[sflag:s11] =	ssyncset.done @!p0 $0x0  }
0xe0: {  	v14 =	vand.u32 $0xFFFFFFFE, v14;
	[sflag:s11] =	ssyncadd.s32 @!p0 $0xFFFFE800  }
0xe1: {  	v20 =	vbroadcast v14, $0x0;
	v17 =	vld.idx.msk [tilespmem:v23+s28+$0x0], $0xffff  }
0xe2: {  	v18 =	vld.idx.msk [tilespmem:v23+s29+$0x0], $0xffff  }
0xe3: {  	v14 =	vld.idx.msk [tilespmem:v19+s31+$0x0], $0xffff  }
0xe4: {  	v16 =	vld.idx.msk [tilespmem:v19+s30+$0x0], $0xffff  }
0xe5: {  	s13 =	simm.s32 $0x7580;
	v21 =	vld.idx.msk [tilespmem:v19+s28+$0x0], $0xffff  }
0xe6: {  	s18 =	simm.s32 $0x1;
	v24 =	vld [tilespmem:s13+$0x0]  }
0xe7: {  	v22 =	vmov s18;
	v35 =	vld.idx.msk [tilespmem:v20+s28+$0x0], $0xffff  }
0xe8: {  	v22 =	vand.u32 $0xFFFFFFFD, v22;
	s14 =	simm.s32 $0xA580;
	v38 =	vld.idx.msk [tilespmem:v20+s29+$0x0], $0xffff  }
0xe9: {  	v26 =	vbroadcast v22, $0x0;
	v25 =	vld [tilespmem:s14+$0x0]  }
0xea: {  	s15 =	simm.s32 $0xD580;
	v37 =	vld.idx.msk [tilespmem:v20+s30+$0x0], $0xffff  }
0xeb: {  	v27 =	vld [tilespmem:s15+$0x0]  }
0xec: {  	s16 =	simm.s32 $0x10580;
	v36 =	vld.idx.msk [tilespmem:v20+s31+$0x0], $0xffff  }
0xed: {  	v28 =	vld [tilespmem:s16+$0x0]  }
0xee: {  	v22 =	vld.idx.msk [tilespmem:v19+s29+$0x0], $0xffff;
	v24 =	vmul.f32 v24, v35;
	v25 =	vmul.f32 v25, v38  }
0xef: {  	v19 =	vld.idx.msk [tilespmem:v26+s31+$0x0], $0xffff  }
0xf0: {  	v20 =	vld.idx.msk [tilespmem:v26+s30+$0x0], $0xffff;
	v27 =	vmul.f32 v27, v37;
	v29 =	vadd.f32 v25, v24  }
0xf1: {  	v25 =	vld.idx.msk [tilespmem:v26+s28+$0x0], $0xffff  }
0xf2: {  	v24 =	vld.idx.msk [tilespmem:v26+s29+$0x0], $0xffff;
	v26 =	vadd.f32 v27, v29;
	v27 =	vmul.f32 v28, v36  }
0xf3: {  	v30 =	vld [tilespmem:s14+$0xFFFFFF80]  }
0xf4: {  	v32 =	vld [tilespmem:s15+$0xFFFFFF00];
	v26 =	vadd.f32 v27, v26  }
0xf5: {  	s11 =	simm.s32 $0x13580;
	v28 =	vld [tilespmem:s13+$0xFFFFFF00]  }
0xf6: {  	v29 =	vld [tilespmem:s14+$0xFFFFFF00];
	[tilespmem:s11+$0x0] =	vst v26  }
0xf7: {  	v26 =	vld [tilespmem:s13+$0x10]  }
0xf8: {  	v31 =	vld [tilespmem:s14+$0x10]  }
0xf9: {  	v34 =	vld [tilespmem:s16+$0xFFFFFF00]  }
0xfa: {  	v33 =	vld [tilespmem:s15+$0x10]  }
0xfb: {  	v27 =	vld [tilespmem:s13+$0xFFFFFF80]  }
0xfc: {  	v28 =	vmul.f32 v28, v21;
	v29 =	vmul.f32 v29, v22;
	v39 =	vld [tilespmem:s16+$0x10]  }
0xfd: {  	v40 =	vld [tilespmem:s13+$0x80];
	v26 =	vmul.f32 v26, v35;
	v31 =	vmul.f32 v31, v38  }
0xfe: {  	v41 =	vld [tilespmem:s15+$0xFFFFFF80];
	v28 =	vadd.f32 v29, v28;
	v29 =	vmul.f32 v32, v16  }
0xff: {  	v53 =	vld [tilespmem:s14+$0x80];
	v26 =	vadd.f32 v31, v26;
	v31 =	vmul.f32 v33, v37  }
0x100: {  	v54 =	vmul.f32 v34, v14;
	v30 =	vmul.f32 v30, v24;
	v28 =	vadd.f32 v29, v28;
	v29 =	vld [tilespmem:s16+$0xFFFFFF80]  }
0x101: {  	v15 =	vld.idx.msk [tilespmem:v23+s30+$0x0], $0xffff;
	v27 =	vmul.f32 v27, v25;
	v26 =	vadd.f32 v31, v26;
	v31 =	vmul.f32 v39, v36  }
0x102: {  	v55 =	vld [tilespmem:s15+$0x80];
	v28 =	vadd.f32 v54, v28  }
0x103: {  	v23 =	vld.idx.msk [tilespmem:v23+s31+$0x0], $0xffff;
	v27 =	vadd.f32 v30, v27;
	v30 =	vmul.f32 v41, v20;
	v26 =	vadd.f32 v31, v26  }
0x104: {  	v56 =	vld [tilespmem:s16+$0x80];
	v32 =	vmul.f32 v53, v18;
	[tilespmem:s11+$0xFFFFFF00] =	vst v28;
	v31 =	vmul.f32 v40, v17  }
0x105: {  	v27 =	vadd.f32 v30, v27;
	v28 =	vmul.f32 v29, v19;
	v29 =	vld [tilespmem:s13+$0xFFFFFF10];
	[tilespmem:s11+$0x10] =	vst v26  }
0x106: {  	v26 =	vadd.f32 v32, v31;
	v31 =	vld [tilespmem:s13+$0x20]  }
0x107: {  	v30 =	vmul.f32 v55, v15;
	v27 =	vadd.f32 v28, v27;
	v28 =	vld [tilespmem:s14+$0x20]  }
0x108: {  	v57 =	vld [tilespmem:s14+$0xFFFFFF10]  }
0x109: {  	[tilespmem:s11+$0xFFFFFF80] =	vst v27;
	v27 =	vld [tilespmem:s15+$0x20];
	v26 =	vadd.f32 v30, v26;
	v30 =	vmul.f32 v56, v23  }
0x10a: {  	v61 =	vld [tilespmem:s15+$0xFFFFFF10]  }
0x10b: {  	v58 =	vld [tilespmem:s16+$0x20];
	v26 =	vadd.f32 v30, v26  }
0x10c: {  	v30 =	vld [tilespmem:s13+$0xFFFFFF90];
	v31 =	vmul.f32 v31, v35;
	v28 =	vmul.f32 v28, v38  }
0x10d: {  	[tilespmem:s11+$0x80] =	vst v26;
	v26 =	vld [tilespmem:s14+$0xFFFFFF90]  }
0x10e: {  	v63 =	vld [tilespmem:s16+$0xFFFFFF90];
	v27 =	vmul.f32 v27, v37;
	v28 =	vadd.f32 v28, v31  }
0x10f: {  	v31 =	vld [tilespmem:s15+$0xFFFFFF90]  }
0x110: {  	v60 =	vld [tilespmem:s14+$0x90];
	v27 =	vadd.f32 v27, v28;
	v28 =	vmul.f32 v58, v36  }
0x111: {  	v59 =	vld [tilespmem:s13+$0x90]  }
0x112: {  	v62 =	vld [tilespmem:s15+$0x90];
	v26 =	vmul.f32 v26, v24;
	v27 =	vadd.f32 v28, v27;
	v28 =	vmul.f32 v30, v25  }
0x113: {  	v29 =	vmul.f32 v29, v21;
	v32 =	vmul.f32 v57, v22;
	v30 =	vld [tilespmem:s16+$0xFFFFFF10]  }
0x114: {  	v42 =	vld [tilespmem:s16+$0x90];
	[tilespmem:s11+$0x20] =	vst v27;
	v26 =	vadd.f32 v26, v28;
	v27 =	vmul.f32 v31, v20  }
0x115: {  	v46 =	vmul.f32 v61, v16;
	v29 =	vadd.f32 v32, v29;
	v44 =	vmul.f32 v60, v18;
	v28 =	vld [tilespmem:s13+$0x30]  }
0x116: {  	v31 =	vmul.f32 v59, v17;
	v45 =	vld [tilespmem:s14+$0x30];
	v26 =	vadd.f32 v27, v26;
	v27 =	vmul.f32 v63, v19  }
0x117: {  	v29 =	vadd.f32 v46, v29;
	v47 =	vmul.f32 v62, v15  }
0x118: {  	v48 =	vld [tilespmem:s15+$0x30];
	v31 =	vadd.f32 v44, v31;
	v30 =	vmul.f32 v30, v14;
	v26 =	vadd.f32 v27, v26;
	_ =	sdelay $0x1  }
0x119: {  	v49 =	vld [tilespmem:s16+$0x30];
	v27 =	vadd.f32 v47, v31;
	v31 =	vmul.f32 v42, v23;
	v29 =	vadd.f32 v30, v29;
	[tilespmem:s11+$0xFFFFFF90] =	vst v26  }
0x11a: {  	v26 =	vmul.f32 v28, v35;
	v28 =	vmul.f32 v45, v38;
	v30 =	vld [tilespmem:s13+$0xFFFFFFA0]  }
0x11b: {  	[tilespmem:s11+$0xFFFFFF10] =	vst v29;
	v29 =	vld [tilespmem:s14+$0xFFFFFFA0]  }
0x11c: {  	v27 =	vadd.f32 v31, v27;
	v54 =	vld [tilespmem:s16+$0xFFFFFFA0];
	v26 =	vadd.f32 v28, v26;
	v28 =	vmul.f32 v48, v37  }
0x11d: {  	v31 =	vld [tilespmem:s13+$0xFFFFFF20]  }
0x11e: {  	[tilespmem:s11+$0x90] =	vst v27;
	v27 =	vld [tilespmem:s14+$0xFFFFFF20];
	v26 =	vadd.f32 v28, v26;
	v28 =	vmul.f32 v49, v36  }
0x11f: {  	v52 =	vld [tilespmem:s15+$0xFFFFFF20]  }
0x120: {  	v56 =	vld [tilespmem:s16+$0xFFFFFF20];
	v26 =	vadd.f32 v28, v26  }
0x121: {  	v50 =	vld [tilespmem:s13+$0xA0]  }
0x122: {  	v28 =	vld [tilespmem:s15+$0xFFFFFFA0];
	v30 =	vmul.f32 v30, v25;
	v29 =	vmul.f32 v29, v24;
	[tilespmem:s11+$0x30] =	vst v26  }
0x123: {  	v31 =	vmul.f32 v31, v21;
	v27 =	vmul.f32 v27, v22;
	v26 =	vld [tilespmem:s13+$0x40]  }
0x124: {  	s19 =	simm.s32 $0x7;
	v34 =	vmul.f32 v52, v16;
	v53 =	vld [tilespmem:s14+$0x40]  }
0x125: {  	v51 =	vld [tilespmem:s14+$0xA0];
	v29 =	vadd.f32 v29, v30;
	v30 =	vmov s19;
	v27 =	vadd.f32 v27, v31  }
0x126: {  	v57 =	vld [tilespmem:s15+$0xA0]  }
0x127: {  	v59 =	vld [tilespmem:s16+$0xA0];
	v42 =	vmul.f32 v56, v14;
	v34 =	vadd.f32 v34, v27  }
0x128: {  	v55 =	vld [tilespmem:s15+$0x40];
	v28 =	vmul.f32 v28, v20  }
0x129: {  	v43 =	vld [tilespmem:s16+$0x40];
	v34 =	vadd.f32 v42, v34;
	v26 =	vmul.f32 v26, v35;
	v31 =	vmul.f32 v53, v38  }
0x12a: {  	v28 =	vadd.f32 v28, v29;
	v29 =	vmul.f32 v54, v19;
	v27 =	vld.idx.msk [tilespmem:v30+s30+$0x0], $0xffff  }
0x12b: {  	[tilespmem:s11+$0xFFFFFF20] =	vst v34;
	v31 =	vadd.f32 v31, v26;
	v26 =	vld.idx.msk [tilespmem:v30+s31+$0x0], $0xffff  }
0x12c: {  	v32 =	vmul.f32 v50, v17;
	v28 =	vadd.f32 v29, v28;
	v34 =	vld [tilespmem:s13+$0xFFFFFF30]  }
0x12d: {  	v58 =	vmul.f32 v55, v37;
	v29 =	vmul.f32 v51, v18;
	v45 =	vld [tilespmem:s15+$0xFFFFFF30]  }
0x12e: {  	v60 =	vmul.f32 v43, v36;
	v49 =	vld [tilespmem:s16+$0xFFFFFF30];
	[tilespmem:s11+$0xFFFFFFA0] =	vst v28  }
0x12f: {  	v28 =	vadd.f32 v29, v32;
	v29 =	vmul.f32 v57, v15;
	v31 =	vadd.f32 v58, v31;
	v61 =	vld [tilespmem:s13+$0xFFFFFFB0]  }
0x130: {  	v62 =	vld [tilespmem:s14+$0xFFFFFFB0]  }
0x131: {  	v44 =	vld [tilespmem:s15+$0xFFFFFFB0];
	v28 =	vadd.f32 v29, v28;
	v29 =	vmul.f32 v59, v23;
	v31 =	vadd.f32 v60, v31  }
0x132: {  	v48 =	vld [tilespmem:s16+$0xFFFFFFB0]  }
0x133: {  	v28 =	vadd.f32 v29, v28;
	v29 =	vld [tilespmem:s14+$0xFFFFFF30];
	[tilespmem:s11+$0x40] =	vst v31  }
0x134: {  	s20 =	simm.s32 $0x4;
	v40 =	vld [tilespmem:s13+$0x50]  }
0x135: {  	v54 =	vmov s20;
	v63 =	vld [tilespmem:s14+$0x50]  }
0x136: {  	v39 =	vand.u32 $0xFFFFFFFC, v54;
	v42 =	vld [tilespmem:s15+$0x50]  }
0x137: {  	v46 =	vbroadcast v39, $0x0;
	[tilespmem:s11+$0xA0] =	vst v28;
	v43 =	vld [tilespmem:s16+$0x50]  }
0x138: {  	v28 =	vld [tilespmem:s13+$0xB0]  }
0x139: {  	s21 =	simm.s32 $0x5;
	v31 =	vld [tilespmem:s14+$0xB0]  }
0x13a: {  	v55 =	vmov s21;
	v32 =	vmul.f32 v61, v25;
	v33 =	vmul.f32 v62, v24;
	v47 =	vld [tilespmem:s15+$0xB0]  }
0x13b: {  	v39 =	vand.u32 $0xFFFFFFFD, v55;
	v34 =	vmul.f32 v34, v21;
	v50 =	vld [tilespmem:s16+$0xB0];
	v29 =	vmul.f32 v29, v22  }
0x13c: {  	v39 =	vbroadcast v39, $0x0;
	v44 =	vmul.f32 v44, v20;
	v33 =	vadd.f32 v33, v32;
	v32 =	vld.idx.msk [tilespmem:v30+s28+$0x0], $0xffff  }
0x13d: {  	v45 =	vmul.f32 v45, v16;
	v29 =	vadd.f32 v29, v34;
	v34 =	vld.idx.msk [tilespmem:v46+s28+$0x0], $0xffff  }
0x13e: {  	v57 =	vmul.f32 v48, v19;
	v33 =	vadd.f32 v44, v33;
	v51 =	vmul.f32 v31, v18;
	v31 =	vld.idx.msk [tilespmem:v30+s29+$0x0], $0xffff  }
0x13f: {  	v56 =	vmul.f32 v28, v17;
	v28 =	vld.idx.msk [tilespmem:v46+s31+$0x0], $0xffff  }
0x140: {  	v59 =	vmul.f32 v49, v14;
	v30 =	vld.idx.msk [tilespmem:v46+s30+$0x0], $0xffff;
	v44 =	vadd.f32 v57, v33;
	v29 =	vadd.f32 v45, v29  }
0x141: {  	v47 =	vmul.f32 v47, v15;
	v33 =	vld.idx.msk [tilespmem:v46+s29+$0x0], $0xffff;
	v58 =	vadd.f32 v51, v56  }
0x142: {  	[tilespmem:s11+$0xFFFFFFB0] =	vst v44;
	v45 =	vadd.f32 v59, v29;
	v29 =	vld.idx.msk [tilespmem:v39+s31+$0x0], $0xffff  }
0x143: {  	v60 =	vmul.f32 v50, v23;
	v44 =	vld [tilespmem:s13+$0xFFFFFFC0];
	v47 =	vadd.f32 v47, v58  }
0x144: {  	v61 =	vld [tilespmem:s14+$0xFFFFFFC0]  }
0x145: {  	v54 =	vld [tilespmem:s15+$0xFFFFFFC0];
	[tilespmem:s11+$0xFFFFFF30] =	vst v45;
	v46 =	vadd.f32 v60, v47  }
0x146: {  	v35 =	vmul.f32 v40, v35;
	v38 =	vmul.f32 v63, v38;
	v62 =	vld [tilespmem:s13+$0xFFFFFF40]  }
0x147: {  	v63 =	vld [tilespmem:s14+$0xFFFFFF40];
	[tilespmem:s11+$0xB0] =	vst v46  }
0x148: {  	v37 =	vmul.f32 v42, v37;
	v35 =	vadd.f32 v38, v35;
	v52 =	vld [tilespmem:s13+$0xC0]  }
0x149: {  	v53 =	vld [tilespmem:s14+$0xC0]  }
0x14a: {  	s22 =	simm.s32 $0x6;
	v36 =	vmul.f32 v43, v36;
	v35 =	vadd.f32 v37, v35;
	v55 =	vld [tilespmem:s15+$0xFFFFFF40]  }
0x14b: {  	v60 =	vmov s22;
	v56 =	vmul.f32 v44, v25;
	v57 =	vmul.f32 v61, v24;
	v58 =	vld [tilespmem:s15+$0xC0]  }
0x14c: {  	v42 =	vld [tilespmem:s16+$0xFFFFFFC0];
	v59 =	vmul.f32 v62, v21;
	v40 =	vmul.f32 v63, v22;
	v62 =	vand.u32 $0xFFFFFFFE, v60  }
0x14d: {  	[tilespmem:s11+$0x60] =	vst v13;
	v35 =	vadd.f32 v36, v35;
	v43 =	vld [tilespmem:s16+$0xFFFFFF40];
	v63 =	vmul.f32 v54, v20;
	v44 =	vbroadcast v62, $0x0  }
0x14e: {  	[tilespmem:s11+$0x70] =	vst v13;
	v46 =	vld [tilespmem:s16+$0xC0];
	v61 =	vadd.f32 v57, v56;
	v41 =	vmul.f32 v52, v17;
	v38 =	vmul.f32 v53, v18  }
0x14f: {  	s18 =	simm.s32 $0xD580;
	s17 =	simm.s32 $0x10580;
	s12 =	simm.s32 $0x13580;
	v36 =	vld.idx.msk [tilespmem:v39+s28+$0x0], $0xffff;
	[tilespmem:s11+$0x50] =	vst v35;
	v50 =	vmul.f32 v55, v16;
	v45 =	vadd.f32 v40, v59  }
0x150: {  	s19 =	simm.s32 $0xA580;
	s20 =	simm.s32 $0x7580;
	s21 =	simm.s32 $0x8;
	v35 =	vld.idx.msk [tilespmem:v39+s30+$0x0], $0xffff;
	v49 =	vadd.f32 v63, v61;
	v48 =	vmul.f32 v58, v15;
	v47 =	vadd.f32 v38, v41  }
.LBB2_3:
0x151: {  	p1 =	slt.u32 s21, $0x2C;
	v41 =	vld.idx.msk [tilespmem:v39+s29+$0x0], $0xffff;
	v37 =	vadd.f32 v50, v45;
	v39 =	vmul.f32 v42, v19;
	s13 =	sadd.s32 $0x200, s13  }
0x152: {  	v42 =	vld [tilespmem:s13+$0x0];
	v43 =	vmul.f32 v43, v14;
	v45 =	vadd.f32 v48, v47  }
0x153: {  	v38 =	vld.idx.msk [tilespmem:v44+s28+$0x0], $0xffff;
	v39 =	vadd.f32 v39, v49;
	v46 =	vmul.f32 v46, v23  }
0x154: {  	s14 =	sadd.s32 $0x200, s14;
	v40 =	vld.idx.msk [tilespmem:v44+s29+$0x0], $0xffff;
	v37 =	vadd.f32 v43, v37  }
0x155: {  	v43 =	vld [tilespmem:s14+$0x0];
	[tilespmem:s11+$0xFFFFFFC0] =	vst v39;
	v45 =	vadd.f32 v46, v45  }
0x156: {  	s15 =	sadd.s32 $0x200, s15;
	v39 =	vld.idx.msk [tilespmem:v44+s30+$0x0], $0xffff;
	[tilespmem:s11+$0xFFFFFF40] =	vst v37  }
0x157: {  	v46 =	vld [tilespmem:s15+$0x0];
	[tilespmem:s11+$0xC0] =	vst v45  }
0x158: {  	s16 =	sadd.s32 $0x200, s16;
	v37 =	vld.idx.msk [tilespmem:v44+s31+$0x0], $0xffff  }
0x159: {  	v44 =	vld [tilespmem:s16+$0x0]  }
0x15a: {  	v42 =	vmul.f32 v42, v38;
	v45 =	vld [tilespmem:s13+$0xFFFFFF00];
	v43 =	vmul.f32 v43, v40  }
0x15b: {  	v47 =	vld [tilespmem:s14+$0xFFFFFF00]  }
0x15c: {  	v48 =	vld [tilespmem:s13+$0xFFFFFF80];
	v42 =	vadd.f32 v43, v42;
	v43 =	vmul.f32 v46, v39  }
0x15d: {  	v46 =	vld [tilespmem:s14+$0xFFFFFF80]  }
0x15e: {  	v42 =	vadd.f32 v43, v42;
	v43 =	vmul.f32 v44, v37;
	v44 =	vld [tilespmem:s13+$0x80]  }
0x15f: {  	v45 =	vmul.f32 v45, v34;
	v49 =	vld [tilespmem:s14+$0x80]  }
0x160: {  	v47 =	vmul.f32 v47, v33;
	v50 =	vld [tilespmem:s15+$0xFFFFFF00];
	v42 =	vadd.f32 v43, v42  }
0x161: {  	s11 =	sadd.s32 $0x200, s11;
	v43 =	vmul.f32 v48, v36;
	v48 =	vld [tilespmem:s15+$0xFFFFFF80]  }
0x162: {  	v45 =	vadd.f32 v47, v45;
	v46 =	vmul.f32 v46, v41;
	[tilespmem:s11+$0x0] =	vst v42;
	v42 =	vld [tilespmem:s15+$0x80]  }
0x163: {  	v47 =	vld [tilespmem:s13+$0x10];
	v44 =	vmul.f32 v44, v32  }
0x164: {  	v43 =	vadd.f32 v46, v43;
	v46 =	vld [tilespmem:s14+$0x10];
	v49 =	vmul.f32 v49, v31  }
0x165: {  	v50 =	vmul.f32 v50, v30;
	v51 =	vld [tilespmem:s16+$0xFFFFFF00]  }
0x166: {  	v48 =	vmul.f32 v48, v35;
	v52 =	vld [tilespmem:s15+$0x10];
	v44 =	vadd.f32 v49, v44  }
0x167: {  	v45 =	vadd.f32 v50, v45;
	v49 =	vld [tilespmem:s16+$0xFFFFFF80];
	v42 =	vmul.f32 v42, v27  }
0x168: {  	v43 =	vadd.f32 v48, v43;
	v48 =	vld [tilespmem:s16+$0x10]  }
0x169: {  	v47 =	vmul.f32 v47, v38;
	v46 =	vmul.f32 v46, v40;
	v42 =	vadd.f32 v42, v44;
	v44 =	vld [tilespmem:s16+$0x80]  }
0x16a: {  	v50 =	vmul.f32 v51, v28;
	v51 =	vld [tilespmem:s20+$0xFFFFFFD0]  }
0x16b: {  	v46 =	vadd.f32 v46, v47;
	v47 =	vmul.f32 v52, v39;
	v52 =	vld [tilespmem:s19+$0xFFFFFFD0]  }
0x16c: {  	v45 =	vadd.f32 v50, v45;
	v49 =	vmul.f32 v49, v29;
	v50 =	vld [tilespmem:s20+$0xFFFFFF50]  }
0x16d: {  	v46 =	vadd.f32 v47, v46;
	v47 =	vmul.f32 v48, v37;
	v48 =	vld [tilespmem:s19+$0xFFFFFF50]  }
0x16e: {  	[tilespmem:s11+$0xFFFFFF00] =	vst v45;
	v43 =	vadd.f32 v49, v43;
	v44 =	vmul.f32 v44, v26;
	v45 =	vld [tilespmem:s20+$0xD0];
	s20 =	smov.u32 s13  }
0x16f: {  	v49 =	vld [tilespmem:s13+$0xFFFFFF10];
	v46 =	vadd.f32 v47, v46;
	v47 =	vmul.f32 v51, v25;
	v25 =	vmov v36  }
0x170: {  	v36 =	vld [tilespmem:s14+$0xFFFFFF10];
	[tilespmem:s11+$0xFFFFFF80] =	vst v43;
	v42 =	vadd.f32 v44, v42;
	v43 =	vmul.f32 v52, v24;
	v24 =	vmov v41  }
0x171: {  	v41 =	vld [tilespmem:s13+$0xFFFFFF90];
	[tilespmem:s11+$0x10] =	vst v46;
	v44 =	vmul.f32 v50, v21;
	v21 =	vmov v34  }
0x172: {  	v34 =	vld [tilespmem:s13+$0x20];
	[tilespmem:s11+$0x80] =	vst v42;
	v42 =	vmul.f32 v48, v22;
	v43 =	vadd.f32 v43, v47;
	v22 =	vmov v33  }
0x173: {  	v33 =	vld [tilespmem:s14+$0x20];
	v45 =	vmul.f32 v45, v17;
	v17 =	vmov v32  }
0x174: {  	v32 =	vmul.f32 v49, v21;
	v46 =	vld [tilespmem:s14+$0xFFFFFF90];
	v42 =	vadd.f32 v42, v44  }
0x175: {  	v36 =	vmul.f32 v36, v22;
	v44 =	vld [tilespmem:s15+$0x20]  }
0x176: {  	v41 =	vmul.f32 v41, v25;
	v47 =	vld [tilespmem:s13+$0x90]  }
0x177: {  	v32 =	vadd.f32 v36, v32;
	v36 =	vld [tilespmem:s16+$0x20]  }
0x178: {  	v34 =	vmul.f32 v34, v38;
	v33 =	vmul.f32 v33, v40;
	v48 =	vld [tilespmem:s14+$0x90]  }
0x179: {  	v46 =	vmul.f32 v46, v24;
	v49 =	vld [tilespmem:s15+$0xFFFFFF90]  }
0x17a: {  	v50 =	vld [tilespmem:s15+$0xFFFFFF10];
	v33 =	vadd.f32 v33, v34;
	v34 =	vmul.f32 v44, v39  }
0x17b: {  	v41 =	vadd.f32 v46, v41;
	v44 =	vmul.f32 v47, v17;
	v46 =	vld [tilespmem:s15+$0x90]  }
0x17c: {  	v47 =	vld [tilespmem:s16+$0xFFFFFF90];
	v33 =	vadd.f32 v34, v33;
	v34 =	vmul.f32 v36, v37  }
0x17d: {  	v36 =	vld [tilespmem:s16+$0xFFFFFF10];
	v48 =	vmul.f32 v48, v31  }
0x17e: {  	v49 =	vmul.f32 v49, v35;
	v33 =	vadd.f32 v34, v33;
	v34 =	vld [tilespmem:s16+$0x90]  }
0x17f: {  	v50 =	vmul.f32 v50, v30;
	v44 =	vadd.f32 v48, v44;
	v48 =	vld [tilespmem:s19+$0xD0];
	s19 =	smov.u32 s14  }
0x180: {  	v41 =	vadd.f32 v49, v41;
	[tilespmem:s11+$0x20] =	vst v33;
	v33 =	vmul.f32 v46, v27;
	v46 =	vld [tilespmem:s18+$0xFFFFFFD0]  }
0x181: {  	v32 =	vadd.f32 v50, v32;
	v47 =	vmul.f32 v47, v29;
	v49 =	vld [tilespmem:s13+$0x30]  }
0x182: {  	v36 =	vmul.f32 v36, v28;
	v50 =	vld [tilespmem:s14+$0x30];
	v33 =	vadd.f32 v33, v44  }
0x183: {  	v41 =	vadd.f32 v47, v41;
	v34 =	vmul.f32 v34, v26;
	v44 =	vld [tilespmem:s18+$0xFFFFFF50]  }
0x184: {  	v32 =	vadd.f32 v36, v32;
	v36 =	vld [tilespmem:s15+$0x30];
	v47 =	vmul.f32 v48, v18;
	v18 =	vmov v31  }
0x185: {  	[tilespmem:s11+$0xFFFFFF90] =	vst v41;
	v31 =	vadd.f32 v34, v33;
	v33 =	vmul.f32 v46, v20;
	v34 =	vld [tilespmem:s18+$0xD0];
	v20 =	vmov v35;
	s18 =	smov.u32 s15  }
0x186: {  	[tilespmem:s11+$0xFFFFFF10] =	vst v32;
	v32 =	vld [tilespmem:s16+$0x30];
	v35 =	vadd.f32 v47, v45  }
0x187: {  	v45 =	vmul.f32 v49, v38;
	v41 =	vld [tilespmem:s13+$0xFFFFFFA0];
	v46 =	vmul.f32 v50, v40;
	[tilespmem:s11+$0x90] =	vst v31;
	v31 =	vadd.f32 v33, v43  }
0x188: {  	v33 =	vld [tilespmem:s14+$0xFFFFFFA0];
	v43 =	vmul.f32 v44, v16;
	v16 =	vmov v30  }
0x189: {  	v30 =	vld [tilespmem:s13+$0xFFFFFF20];
	v44 =	vadd.f32 v46, v45;
	v36 =	vmul.f32 v36, v39  }
0x18a: {  	v45 =	vld [tilespmem:s14+$0xFFFFFF20];
	v42 =	vadd.f32 v43, v42;
	v34 =	vmul.f32 v34, v15;
	v15 =	vmov v27  }
0x18b: {  	v27 =	vadd.f32 v36, v44;
	v32 =	vmul.f32 v32, v37;
	v36 =	vld [tilespmem:s13+$0xA0]  }
0x18c: {  	v41 =	vmul.f32 v41, v25;
	v43 =	vld [tilespmem:s14+$0xA0];
	v34 =	vadd.f32 v34, v35  }
0x18d: {  	v33 =	vmul.f32 v33, v24;
	v35 =	vld [tilespmem:s15+$0xFFFFFFA0];
	v27 =	vadd.f32 v32, v27  }
0x18e: {  	v30 =	vmul.f32 v30, v21;
	v32 =	vld [tilespmem:s15+$0xFFFFFF20]  }
0x18f: {  	v44 =	vmul.f32 v45, v22;
	v33 =	vadd.f32 v33, v41;
	[tilespmem:s11+$0x30] =	vst v27;
	v27 =	vld [tilespmem:s15+$0xA0]  }
0x190: {  	v41 =	vld [tilespmem:s13+$0x40];
	v36 =	vmul.f32 v36, v17  }
0x191: {  	v30 =	vadd.f32 v44, v30;
	v44 =	vld [tilespmem:s14+$0x40];
	v43 =	vmul.f32 v43, v18  }
0x192: {  	v35 =	vmul.f32 v35, v20;
	v45 =	vld [tilespmem:s16+$0xFFFFFFA0]  }
0x193: {  	v32 =	vmul.f32 v32, v16;
	v46 =	vld [tilespmem:s15+$0x40];
	v36 =	vadd.f32 v43, v36  }
0x194: {  	s22 =	sadd.s32 $0x3, s21;
	v43 =	vld [tilespmem:s16+$0xFFFFFF20];
	v33 =	vadd.f32 v35, v33;
	v27 =	vmul.f32 v27, v15  }
0x195: {  	v35 =	vmov s22;
	v30 =	vadd.f32 v32, v30;
	v32 =	vld [tilespmem:s16+$0x40]  }
0x196: {  	v41 =	vmul.f32 v41, v38;
	v44 =	vmul.f32 v44, v40;
	v36 =	vadd.f32 v27, v36;
	v47 =	vld [tilespmem:s16+$0xA0]  }
0x197: {  	v27 =	vmul.f32 v45, v29;
	v45 =	vld [tilespmem:s17+$0xFFFFFFD0];
	[tilespmem:s12+$0xFFFFFFE0] =	vst v13  }
0x198: {  	v41 =	vadd.f32 v44, v41;
	v44 =	vmul.f32 v46, v39;
	v46 =	vld [tilespmem:s17+$0xFFFFFF50];
	[tilespmem:s12+$0xFFFFFFF0] =	vst v13  }
0x199: {  	v43 =	vmul.f32 v43, v28;
	v33 =	vadd.f32 v27, v33;
	[tilespmem:s12+$0xFFFFFF60] =	vst v13;
	v48 =	vld [tilespmem:s17+$0xD0];
	s17 =	smov.u32 s16  }
0x19a: {  	v49 =	vld.idx.msk [tilespmem:v35+s31+$0x0], $0xffff;
	v41 =	vadd.f32 v44, v41;
	v32 =	vmul.f32 v32, v37;
	[tilespmem:s12+$0xFFFFFF70] =	vst v13  }
0x19b: {  	v27 =	vld.idx.msk [tilespmem:v35+s30+$0x0], $0xffff;
	v30 =	vadd.f32 v43, v30;
	[tilespmem:s11+$0xFFFFFFA0] =	vst v33;
	v33 =	vmul.f32 v47, v26  }
0x19c: {  	v43 =	vld [tilespmem:s13+$0xFFFFFFB0];
	v32 =	vadd.f32 v32, v41;
	v41 =	vmul.f32 v45, v19;
	[tilespmem:s12+$0xE0] =	vst v13;
	v19 =	vmov v29  }
0x19d: {  	[tilespmem:s11+$0xFFFFFF20] =	vst v30;
	v29 =	vld [tilespmem:s14+$0xFFFFFFB0];
	v30 =	vadd.f32 v33, v36;
	v33 =	vmul.f32 v46, v14;
	v14 =	vmov v28  }
0x19e: {  	v28 =	vld [tilespmem:s13+$0xFFFFFF30];
	[tilespmem:s11+$0x40] =	vst v32;
	v31 =	vadd.f32 v41, v31;
	v32 =	vmul.f32 v48, v23;
	v23 =	vmov v26  }
0x19f: {  	v36 =	vld [tilespmem:s13+$0x50];
	[tilespmem:s11+$0xA0] =	vst v30;
	v30 =	vadd.f32 v33, v42  }
0x1a0: {  	v26 =	vmov v49;
	v33 =	vld [tilespmem:s14+$0x50];
	[tilespmem:s12+$0xFFFFFFD0] =	vst v31;
	v31 =	vadd.f32 v32, v34  }
0x1a1: {  	v32 =	vld [tilespmem:s14+$0xFFFFFF30];
	v34 =	vmul.f32 v43, v25;
	[tilespmem:s12+$0xFFFFFF50] =	vst v30  }
0x1a2: {  	v29 =	vmul.f32 v29, v24;
	v30 =	vld [tilespmem:s15+$0x50];
	[tilespmem:s12+$0xD0] =	vst v31  }
0x1a3: {  	v28 =	vmul.f32 v28, v21;
	v31 =	vld [tilespmem:s13+$0xB0];
	[tilespmem:s12+$0xF0] =	vst v13;
	s12 =	smov.u32 s11  }
0x1a4: {  	v29 =	vadd.f32 v29, v34;
	v34 =	vld [tilespmem:s16+$0x50];
	[tilespmem:s11+$0x60] =	vst v13  }
0x1a5: {  	v36 =	vmul.f32 v36, v38;
	v33 =	vmul.f32 v33, v40;
	[tilespmem:s11+$0x70] =	vst v13;
	v38 =	vld [tilespmem:s14+$0xB0]  }
0x1a6: {  	v40 =	vmov s21;
	v32 =	vmul.f32 v32, v22;
	v41 =	vld [tilespmem:s15+$0xFFFFFFB0]  }
0x1a7: {  	v40 =	vand.u32 $0xFFFFFFFC, v40;
	v42 =	vld [tilespmem:s15+$0xFFFFFF30];
	v33 =	vadd.f32 v33, v36;
	v30 =	vmul.f32 v30, v39  }
0x1a8: {  	v36 =	vbroadcast v40, $0x0;
	v40 =	vadd.f32 v32, v28;
	v28 =	vmul.f32 v31, v17;
	v43 =	vld [tilespmem:s15+$0xB0]  }
0x1a9: {  	s22 =	sadd.s32 $0x1, s21;
	v44 =	vld [tilespmem:s16+$0xFFFFFFB0];
	v30 =	vadd.f32 v30, v33;
	v31 =	vmul.f32 v34, v37  }
0x1aa: {  	v32 =	vmov s22;
	v33 =	vld [tilespmem:s16+$0xFFFFFF30];
	v34 =	vmul.f32 v38, v18  }
0x1ab: {  	v32 =	vand.u32 $0xFFFFFFFD, v32;
	v37 =	vmul.f32 v41, v20;
	v30 =	vadd.f32 v31, v30;
	v38 =	vld [tilespmem:s16+$0xB0]  }
0x1ac: {  	v39 =	vbroadcast v32, $0x0;
	v32 =	vld.idx.msk [tilespmem:v35+s28+$0x0], $0xffff;
	v41 =	vmul.f32 v42, v16;
	v34 =	vadd.f32 v34, v28  }
0x1ad: {  	v31 =	vld.idx.msk [tilespmem:v35+s29+$0x0], $0xffff;
	v29 =	vadd.f32 v37, v29;
	[tilespmem:s11+$0x50] =	vst v30;
	v35 =	vmul.f32 v43, v15  }
0x1ae: {  	v28 =	vld.idx.msk [tilespmem:v36+s31+$0x0], $0xffff;
	v37 =	vadd.f32 v41, v40;
	v40 =	vmul.f32 v44, v19  }
0x1af: {  	v30 =	vld.idx.msk [tilespmem:v36+s30+$0x0], $0xffff;
	v41 =	vmul.f32 v33, v14;
	v35 =	vadd.f32 v35, v34  }
0x1b0: {  	v34 =	vld.idx.msk [tilespmem:v36+s28+$0x0], $0xffff;
	v40 =	vadd.f32 v40, v29;
	v38 =	vmul.f32 v38, v23  }
0x1b1: {  	v33 =	vld.idx.msk [tilespmem:v36+s29+$0x0], $0xffff;
	v36 =	vadd.f32 v41, v37  }
0x1b2: {  	v29 =	vld.idx.msk [tilespmem:v39+s31+$0x0], $0xffff;
	[tilespmem:s11+$0xFFFFFFB0] =	vst v40;
	v35 =	vadd.f32 v38, v35  }
0x1b3: {  	[tilespmem:s11+$0xFFFFFF30] =	vst v36;
	v36 =	vld [tilespmem:s13+$0xFFFFFFC0]  }
0x1b4: {  	v37 =	vld [tilespmem:s14+$0xFFFFFFC0];
	[tilespmem:s11+$0xB0] =	vst v35  }
0x1b5: {  	v35 =	vld [tilespmem:s13+$0xFFFFFF40]  }
0x1b6: {  	v38 =	vld [tilespmem:s14+$0xFFFFFF40]  }
0x1b7: {  	v40 =	vld [tilespmem:s13+$0xC0]  }
0x1b8: {  	v36 =	vmul.f32 v36, v25;
	v41 =	vld [tilespmem:s14+$0xC0]  }
0x1b9: {  	v37 =	vmul.f32 v37, v24;
	v46 =	vld [tilespmem:s15+$0xFFFFFFC0]  }
0x1ba: {  	s22 =	sadd.s32 $0x2, s21;
	v35 =	vmul.f32 v35, v21;
	v47 =	vld [tilespmem:s15+$0xFFFFFF40]  }
0x1bb: {  	v42 =	vmov s22;
	v38 =	vmul.f32 v38, v22;
	v37 =	vadd.f32 v37, v36;
	v48 =	vld [tilespmem:s15+$0xC0]  }
.Ltmp0:
0x1bc: {  	v36 =	vand.u32 $0xFFFFFFFE, v42;
	v42 =	vld [tilespmem:s16+$0xFFFFFFC0];
	v40 =	vmul.f32 v40, v17;
	(pc) =	sbr.rel @p1 .LBB2_3-.Ltmp0, $4  }
0x1bd: {  	v44 =	vbroadcast v36, $0x0;
	v45 =	vadd.f32 v38, v35;
	v43 =	vld [tilespmem:s16+$0xFFFFFF40];
	v36 =	vmul.f32 v41, v18  }
0x1be: {  	v38 =	vmul.f32 v46, v20;
	v46 =	vld [tilespmem:s16+$0xC0]  }
0x1bf: {  	v35 =	vld.idx.msk [tilespmem:v39+s30+$0x0], $0xffff;
	v50 =	vmul.f32 v47, v16;
	v47 =	vadd.f32 v36, v40  }
0x1c0: {  	s21 =	sadd.s32 $0x4, s21;
	v36 =	vld.idx.msk [tilespmem:v39+s28+$0x0], $0xffff;
	v49 =	vadd.f32 v38, v37;
	v48 =	vmul.f32 v48, v15  }
0x1c1: {  	_ =	sdelay $0x3  }
0x1c2: {  	v37 =	vld.idx.msk [tilespmem:v39+s29+$0x0], $0xffff  }
0x1c3: {  	v40 =	vld.idx.msk [tilespmem:v44+s28+$0x0], $0xffff  }
0x1c4: {  	v41 =	vld.idx.msk [tilespmem:v44+s29+$0x0], $0xffff  }
0x1c5: {  	v39 =	vld.idx.msk [tilespmem:v44+s30+$0x0], $0xffff  }
0x1c6: {  	s21 =	sadd.s32 $0x200, s13;
	v38 =	vld.idx.msk [tilespmem:v44+s31+$0x0], $0xffff  }
0x1c7: {  	s22 =	sadd.s32 $0x200, s14;
	v51 =	vld [tilespmem:s21+$0x0]  }
0x1c8: {  	s15 =	sadd.s32 $0x200, s15;
	v52 =	vld [tilespmem:s22+$0x0]  }
0x1c9: {  	s13 =	sadd.s32 $0x200, s16;
	v53 =	vld [tilespmem:s15+$0x0]  }
0x1ca: {  	v61 =	vld [tilespmem:s13+$0x0]  }
0x1cb: {  	v54 =	vld [tilespmem:s21+$0xFFFFFF00]  }
0x1cc: {  	v55 =	vld [tilespmem:s22+$0xFFFFFF00]  }
0x1cd: {  	v45 =	vadd.f32 v50, v45;
	v56 =	vld [tilespmem:s21+$0xFFFFFF80];
	v43 =	vmul.f32 v43, v14  }
0x1ce: {  	v42 =	vmul.f32 v42, v19;
	v57 =	vld [tilespmem:s22+$0x80]  }
0x1cf: {  	v58 =	vld [tilespmem:s15+$0xFFFFFF00];
	v47 =	vadd.f32 v48, v47;
	v46 =	vmul.f32 v46, v23;
	v43 =	vadd.f32 v43, v45  }
0x1d0: {  	v60 =	vld [tilespmem:s13+$0xFFFFFF00];
	v42 =	vadd.f32 v42, v49;
	v51 =	vmul.f32 v51, v40;
	v52 =	vmul.f32 v52, v41  }
0x1d1: {  	v46 =	vadd.f32 v46, v47;
	[tilespmem:s11+$0xFFFFFF40] =	vst v43;
	v62 =	vmul.f32 v53, v39;
	v53 =	vld [tilespmem:s22+$0xFFFFFF80]  }
0x1d2: {  	[tilespmem:s11+$0xFFFFFFC0] =	vst v42;
	v43 =	vld [tilespmem:s20+$0xFFFFFF50];
	v51 =	vadd.f32 v52, v51  }
0x1d3: {  	v42 =	vld [tilespmem:s19+$0xFFFFFF50];
	[tilespmem:s11+$0xC0] =	vst v46  }
0x1d4: {  	v44 =	vmul.f32 v61, v38;
	v46 =	vld [tilespmem:s20+$0xD0];
	v51 =	vadd.f32 v62, v51  }
0x1d5: {  	v63 =	vmul.f32 v54, v34;
	v61 =	vmul.f32 v55, v33;
	v52 =	vld [tilespmem:s21+$0x80]  }
0x1d6: {  	v44 =	vadd.f32 v44, v51;
	v51 =	vld [tilespmem:s15+$0xFFFFFF80]  }
0x1d7: {  	v45 =	vadd.f32 v61, v63;
	v63 =	vmul.f32 v58, v30;
	v61 =	vld [tilespmem:s13+$0x80]  }
0x1d8: {  	s16 =	sadd.s32 $0x200, s11;
	v62 =	vmul.f32 v56, v36;
	v56 =	vld [tilespmem:s13+$0xFFFFFF80]  }
0x1d9: {  	v50 =	vadd.f32 v63, v45;
	v63 =	vmul.f32 v60, v28;
	v53 =	vmul.f32 v53, v37;
	[tilespmem:s16+$0x0] =	vst v44;
	v44 =	vld [tilespmem:s15+$0x80]  }
0x1da: {  	v45 =	vld [tilespmem:s19+$0xFFFFFFD0]  }
0x1db: {  	v50 =	vadd.f32 v63, v50;
	v49 =	vadd.f32 v53, v62;
	v59 =	vld [tilespmem:s21+$0x10];
	v62 =	vmul.f32 v51, v35  }
0x1dc: {  	v52 =	vmul.f32 v52, v32;
	v53 =	vmul.f32 v57, v31;
	v55 =	vld [tilespmem:s22+$0x10]  }
0x1dd: {  	[tilespmem:s16+$0xFFFFFF00] =	vst v50;
	v54 =	vld [tilespmem:s15+$0x10];
	v56 =	vmul.f32 v56, v29;
	v49 =	vadd.f32 v62, v49  }
0x1de: {  	v52 =	vadd.f32 v53, v52;
	v53 =	vld [tilespmem:s21+$0xFFFFFF10];
	v60 =	vmul.f32 v44, v27  }
0x1df: {  	v58 =	vld [tilespmem:s15+$0xFFFFFF10];
	v49 =	vadd.f32 v56, v49  }
0x1e0: {  	v61 =	vmul.f32 v61, v26;
	v51 =	vld [tilespmem:s13+$0x10];
	v52 =	vadd.f32 v60, v52  }
0x1e1: {  	v56 =	vld [tilespmem:s22+$0xFFFFFF10];
	[tilespmem:s16+$0xFFFFFF80] =	vst v49  }
0x1e2: {  	v62 =	vadd.f32 v61, v52;
	v50 =	vld [tilespmem:s21+$0xFFFFFF90]  }
0x1e3: {  	v55 =	vmul.f32 v55, v41;
	v60 =	vmul.f32 v59, v40;
	v63 =	vld [tilespmem:s22+$0xFFFFFF90]  }
0x1e4: {  	v61 =	vld [tilespmem:s15+$0xFFFFFF90];
	[tilespmem:s16+$0x80] =	vst v62  }
0x1e5: {  	v54 =	vmul.f32 v54, v39;
	v52 =	vadd.f32 v55, v60;
	v57 =	vld [tilespmem:s21+$0x90]  }
0x1e6: {  	v48 =	vld [tilespmem:s22+$0x90]  }
0x1e7: {  	v51 =	vmul.f32 v51, v38;
	v62 =	vadd.f32 v54, v52;
	v52 =	vld [tilespmem:s13+$0xFFFFFF90]  }
0x1e8: {  	v44 =	vld [tilespmem:s20+$0xFFFFFFD0];
	v50 =	vmul.f32 v50, v36;
	v49 =	vmul.f32 v63, v37  }
0x1e9: {  	v60 =	vmul.f32 v56, v33;
	v56 =	vld [tilespmem:s13+$0xFFFFFF10];
	v47 =	vadd.f32 v51, v62;
	v63 =	vmul.f32 v53, v34  }
0x1ea: {  	v54 =	vld [tilespmem:s15+$0x90];
	v61 =	vmul.f32 v61, v35;
	v49 =	vadd.f32 v49, v50  }
0x1eb: {  	[tilespmem:s16+$0x10] =	vst v47;
	v53 =	vld [tilespmem:s13+$0x90];
	v47 =	vadd.f32 v60, v63;
	v62 =	vmul.f32 v57, v32;
	v48 =	vmul.f32 v48, v31  }
0x1ec: {  	v55 =	vld [tilespmem:s21+$0x20];
	v63 =	vmul.f32 v58, v30;
	v60 =	vmul.f32 v52, v29;
	v49 =	vadd.f32 v61, v49  }
0x1ed: {  	v52 =	vld [tilespmem:s22+$0x20];
	v48 =	vadd.f32 v48, v62  }
0x1ee: {  	v56 =	vmul.f32 v56, v28;
	v62 =	vld [tilespmem:s15+$0x20];
	v57 =	vadd.f32 v63, v47;
	v49 =	vadd.f32 v60, v49  }
0x1ef: {  	v63 =	vld [tilespmem:s13+$0x20]  }
0x1f0: {  	v47 =	vld [tilespmem:s19+$0xD0];
	v59 =	vadd.f32 v56, v57;
	[tilespmem:s16+$0xFFFFFF90] =	vst v49  }
0x1f1: {  	v61 =	vmul.f32 v54, v27;
	v49 =	vld [tilespmem:s21+$0xFFFFFFA0]  }
0x1f2: {  	v58 =	vmul.f32 v53, v26;
	[tilespmem:s16+$0xFFFFFF10] =	vst v59;
	v60 =	vld [tilespmem:s22+$0xFFFFFFA0]  }
0x1f3: {  	v48 =	vadd.f32 v61, v48;
	v55 =	vmul.f32 v55, v40;
	v52 =	vmul.f32 v52, v41;
	v53 =	vld [tilespmem:s21+$0xFFFFFF20]  }
0x1f4: {  	v61 =	vld [tilespmem:s22+$0xFFFFFF20]  }
0x1f5: {  	v48 =	vadd.f32 v58, v48;
	v52 =	vadd.f32 v52, v55;
	v55 =	vld [tilespmem:s15+$0xFFFFFFA0]  }
0x1f6: {  	v58 =	vld [tilespmem:s15+$0xFFFFFF20]  }
0x1f7: {  	v54 =	vmul.f32 v62, v39;
	[tilespmem:s16+$0x90] =	vst v48;
	v48 =	vld [tilespmem:s18+$0xFFFFFFD0]  }
0x1f8: {  	v56 =	vld [tilespmem:s21+$0xA0]  }
0x1f9: {  	v50 =	vmul.f32 v63, v38;
	v52 =	vadd.f32 v54, v52;
	v54 =	vld [tilespmem:s13+$0xFFFFFFA0]  }
0x1fa: {  	v57 =	vld [tilespmem:s22+$0xA0];
	v49 =	vmul.f32 v49, v36;
	v51 =	vmul.f32 v60, v37  }
0x1fb: {  	v50 =	vadd.f32 v50, v52;
	v52 =	vmul.f32 v53, v34;
	v60 =	vld [tilespmem:s13+$0xFFFFFF20]  }
0x1fc: {  	v59 =	vld [tilespmem:s15+$0xA0];
	v53 =	vmul.f32 v61, v33;
	v62 =	vmul.f32 v55, v35;
	v49 =	vadd.f32 v51, v49  }
0x1fd: {  	v55 =	vld [tilespmem:s13+$0xA0];
	v61 =	vmul.f32 v58, v30  }
0x1fe: {  	v58 =	vld [tilespmem:s18+$0xFFFFFF50];
	[tilespmem:s16+$0x20] =	vst v50;
	v52 =	vadd.f32 v53, v52;
	v49 =	vadd.f32 v62, v49;
	v62 =	vmul.f32 v54, v29  }
0x1ff: {  	v50 =	vmul.f32 v56, v32;
	v63 =	vmul.f32 v57, v31;
	v56 =	vld [tilespmem:s21+$0x30]  }
0x200: {  	v54 =	vld [tilespmem:s22+$0x30];
	v52 =	vadd.f32 v61, v52;
	v60 =	vmul.f32 v60, v28;
	v49 =	vadd.f32 v62, v49  }
0x201: {  	v50 =	vadd.f32 v63, v50;
	v63 =	vmul.f32 v59, v27;
	v61 =	vld [tilespmem:s15+$0x30]  }
0x202: {  	v59 =	vld [tilespmem:s13+$0x30];
	v52 =	vadd.f32 v60, v52;
	[tilespmem:s16+$0xFFFFFFA0] =	vst v49  }
0x203: {  	v50 =	vadd.f32 v63, v50;
	v62 =	vmul.f32 v55, v26;
	v53 =	vld [tilespmem:s21+$0xFFFFFFB0]  }
0x204: {  	[tilespmem:s16+$0xFFFFFF20] =	vst v52;
	v52 =	vld [tilespmem:s22+$0xFFFFFFB0]  }
0x205: {  	v49 =	vadd.f32 v62, v50;
	v55 =	vld [tilespmem:s15+$0xFFFFFFB0]  }
0x206: {  	v50 =	vld [tilespmem:s21+$0xFFFFFF30]  }
0x207: {  	v63 =	vmul.f32 v56, v40;
	v54 =	vmul.f32 v54, v41;
	[tilespmem:s16+$0xA0] =	vst v49;
	v49 =	vld [tilespmem:s22+$0xFFFFFF30]  }
0x208: {  	v60 =	vld [tilespmem:s15+$0xFFFFFF30]  }
0x209: {  	v51 =	vmul.f32 v61, v39;
	v56 =	vld [tilespmem:s21+$0xB0];
	v54 =	vadd.f32 v54, v63  }
0x20a: {  	v57 =	vld [tilespmem:s22+$0xB0]  }
0x20b: {  	v51 =	vadd.f32 v51, v54;
	v54 =	vmul.f32 v59, v38;
	v59 =	vld [tilespmem:s13+$0xFFFFFFB0]  }
0x20c: {  	v61 =	vld [tilespmem:s15+$0xB0];
	v53 =	vmul.f32 v53, v36;
	v52 =	vmul.f32 v52, v37  }
0x20d: {  	v51 =	vadd.f32 v54, v51;
	v50 =	vmul.f32 v50, v34;
	v49 =	vmul.f32 v49, v33;
	v54 =	vld [tilespmem:s13+$0xFFFFFF30]  }
0x20e: {  	v55 =	vmul.f32 v55, v35;
	v52 =	vadd.f32 v52, v53;
	v53 =	vld [tilespmem:s18+$0xD0]  }
0x20f: {  	[tilespmem:s16+$0x30] =	vst v51;
	v49 =	vadd.f32 v49, v50;
	v50 =	vmul.f32 v56, v32;
	v51 =	vmul.f32 v57, v31;
	v56 =	vld [tilespmem:s13+$0xB0]  }
0x210: {  	v60 =	vmul.f32 v60, v30;
	v57 =	vld [tilespmem:s21+$0x40];
	v52 =	vadd.f32 v55, v52;
	v55 =	vmul.f32 v59, v29  }
0x211: {  	v59 =	vld [tilespmem:s22+$0x40];
	v50 =	vadd.f32 v51, v50;
	v51 =	vmul.f32 v61, v27  }
0x212: {  	v61 =	vld [tilespmem:s15+$0x40];
	v49 =	vadd.f32 v60, v49;
	v54 =	vmul.f32 v54, v28;
	v52 =	vadd.f32 v55, v52  }
0x213: {  	v60 =	vld [tilespmem:s17+$0xFFFFFFD0]  }
0x214: {  	v55 =	vld [tilespmem:s13+$0x40];
	v49 =	vadd.f32 v54, v49;
	[tilespmem:s16+$0xFFFFFFB0] =	vst v52  }
0x215: {  	v50 =	vadd.f32 v51, v50;
	v56 =	vmul.f32 v56, v26;
	v52 =	vld [tilespmem:s21+$0xFFFFFFC0]  }
0x216: {  	[tilespmem:s16+$0xFFFFFF30] =	vst v49;
	v49 =	vld [tilespmem:s22+$0xFFFFFFC0]  }
0x217: {  	v50 =	vadd.f32 v56, v50;
	v56 =	vmul.f32 v61, v39;
	v61 =	vld [tilespmem:s15+$0xFFFFFFC0]  }
0x218: {  	v62 =	vmul.f32 v57, v40;
	v63 =	vmul.f32 v59, v41;
	v51 =	vld [tilespmem:s21+$0xFFFFFF40]  }
0x219: {  	v25 =	vmul.f32 v44, v25;
	v44 =	vld [tilespmem:s15+$0xFFFFFF40]  }
0x21a: {  	v54 =	vadd.f32 v63, v62;
	v63 =	vmul.f32 v55, v38;
	v55 =	vld [tilespmem:s13+$0xFFFFFFC0]  }
0x21b: {  	[tilespmem:s16+$0xB0] =	vst v50;
	v50 =	vld [tilespmem:s22+$0xFFFFFF40]  }
0x21c: {  	v57 =	vld [tilespmem:s21+$0xC0]  }
0x21d: {  	v59 =	vld [tilespmem:s22+$0xC0];
	v62 =	vadd.f32 v56, v54  }
0x21e: {  	v56 =	vld [tilespmem:s15+$0xC0];
	v52 =	vmul.f32 v52, v36;
	v49 =	vmul.f32 v49, v37  }
0x21f: {  	v21 =	vmul.f32 v43, v21;
	v24 =	vmul.f32 v45, v24;
	v54 =	vld [tilespmem:s13+$0xFFFFFF40];
	v45 =	vadd.f32 v63, v62  }
0x220: {  	v22 =	vmul.f32 v42, v22;
	v61 =	vmul.f32 v61, v35;
	v49 =	vadd.f32 v49, v52;
	v52 =	vld [tilespmem:s17+$0xFFFFFF50]  }
0x221: {  	v51 =	vmul.f32 v51, v34;
	v50 =	vmul.f32 v50, v33;
	[tilespmem:s16+$0x40] =	vst v45;
	v45 =	vld [tilespmem:s17+$0xD0]  }
0x222: {  	v62 =	vmul.f32 v59, v31;
	v59 =	vld [tilespmem:s13+$0xC0];
	v63 =	vadd.f32 v61, v49;
	v61 =	vmul.f32 v55, v29  }
0x223: {  	v17 =	vmul.f32 v46, v17;
	v44 =	vmul.f32 v44, v30;
	v50 =	vadd.f32 v50, v51;
	v49 =	vld [tilespmem:s22+$0x50]  }
0x224: {  	v21 =	vadd.f32 v22, v21;
	[tilespmem:s12+$0xFFFFFFE0] =	vst v13;
	v57 =	vmul.f32 v57, v32;
	v55 =	vld [tilespmem:s15+$0x50];
	v43 =	vadd.f32 v61, v63  }
0x225: {  	v16 =	vmul.f32 v58, v16;
	[tilespmem:s12+$0xFFFFFFF0] =	vst v13;
	v54 =	vmul.f32 v54, v28;
	v44 =	vadd.f32 v44, v50;
	v50 =	vld [tilespmem:s21+$0x50]  }
0x226: {  	v18 =	vmul.f32 v47, v18;
	v62 =	vadd.f32 v62, v57;
	v63 =	vmul.f32 v56, v27;
	v56 =	vld [tilespmem:s13+$0x50];
	[tilespmem:s16+$0xFFFFFFC0] =	vst v43  }
0x227: {  	v16 =	vadd.f32 v16, v21;
	[tilespmem:s12+$0xFFFFFF60] =	vst v13;
	v14 =	vmul.f32 v52, v14;
	v44 =	vadd.f32 v54, v44;
	v58 =	vld [tilespmem:s21+$0xFFFFFFD0]  }
0x228: {  	[tilespmem:s12+$0xFFFFFF70] =	vst v13;
	v42 =	vadd.f32 v63, v62;
	v57 =	vmul.f32 v59, v26;
	v61 =	vld [tilespmem:s22+$0xFFFFFFD0]  }
0x229: {  	v17 =	vadd.f32 v18, v17;
	v15 =	vmul.f32 v53, v15;
	v14 =	vadd.f32 v14, v16;
	v52 =	vld [tilespmem:s15+$0xFFFFFFD0];
	[tilespmem:s16+$0xFFFFFF40] =	vst v44  }
0x22a: {  	[tilespmem:s12+$0xE0] =	vst v13;
	v47 =	vmul.f32 v49, v41;
	v59 =	vadd.f32 v57, v42;
	v63 =	vld [tilespmem:s21+$0xFFFFFF50]  }
0x22b: {  	v15 =	vadd.f32 v15, v17;
	v44 =	vmul.f32 v45, v23;
	v45 =	vld [tilespmem:s22+$0xFFFFFF50];
	v46 =	vmul.f32 v50, v40;
	[tilespmem:s12+$0xFFFFFF50] =	vst v14  }
0x22c: {  	v24 =	vadd.f32 v24, v25;
	v20 =	vmul.f32 v48, v20;
	v14 =	vld [tilespmem:s15+$0xFFFFFF50];
	[tilespmem:s16+$0xC0] =	vst v59  }
0x22d: {  	[tilespmem:s12+$0xF0] =	vst v13;
	v51 =	vmul.f32 v55, v39;
	v15 =	vadd.f32 v44, v15;
	v48 =	vld [tilespmem:s21+$0xD0];
	v50 =	vadd.f32 v47, v46  }
0x22e: {  	v20 =	vadd.f32 v20, v24;
	[tilespmem:s16+$0x60] =	vst v13;
	v62 =	vmul.f32 v60, v19;
	v49 =	vld [tilespmem:s22+$0xD0]  }
0x22f: {  	v53 =	vmul.f32 v56, v38;
	v56 =	vld [tilespmem:s13+$0xFFFFFFD0];
	[tilespmem:s12+$0xD0] =	vst v15;
	v15 =	vadd.f32 v51, v50  }
0x230: {  	[tilespmem:s16+$0x70] =	vst v13;
	v19 =	vadd.f32 v62, v20;
	v54 =	vld [tilespmem:s15+$0xD0];
	v22 =	vmul.f32 v58, v36  }
0x231: {  	[tilespmem:s16+$0xFFFFFFE0] =	vst v13;
	v55 =	vmul.f32 v61, v37;
	v58 =	vld [tilespmem:s13+$0xFFFFFF50];
	v20 =	vmul.f32 v52, v35;
	v15 =	vadd.f32 v53, v15  }
0x232: {  	[tilespmem:s16+$0xFFFFFFF0] =	vst v13;
	v59 =	vld [tilespmem:s13+$0xD0];
	v57 =	vmul.f32 v63, v34;
	v18 =	vmul.f32 v45, v33  }
0x233: {  	v24 =	vmul.f32 v48, v32;
	v16 =	vmul.f32 v49, v31;
	[tilespmem:s16+$0x50] =	vst v15;
	v15 =	vadd.f32 v55, v22  }
0x234: {  	[tilespmem:s12+$0xFFFFFFD0] =	vst v19;
	v14 =	vmul.f32 v14, v30;
	v61 =	vmul.f32 v56, v29;
	v17 =	vadd.f32 v18, v57  }
0x235: {  	[tilespmem:s16+$0xE0] =	vst v13;
	v60 =	vmul.f32 v54, v27;
	v16 =	vadd.f32 v16, v24;
	v15 =	vadd.f32 v20, v15  }
0x236: {  	[tilespmem:s16+$0xF0] =	vst v13;
	v62 =	vmul.f32 v58, v28;
	v14 =	vadd.f32 v14, v17  }
0x237: {  	p1 =	seq.s32 s7, $0x92;
	[tilespmem:s16+$0xFFFFFF60] =	vst v13;
	v63 =	vmul.f32 v59, v26;
	v16 =	vadd.f32 v60, v16;
	v15 =	vadd.f32 v61, v15  }
.Ltmp1:
0x238: {  	[tilespmem:s16+$0xFFFFFF70] =	vst v13;
	v14 =	vadd.f32 v62, v14;
	(pc) =	sbr.rel @p1 .LBB2_6-.Ltmp1, $4  }
0x239: {  	s22 =	sadd.s32 s3, s10;
	[tilespmem:s16+$0xFFFFFFD0] =	vst v15;
	v15 =	vadd.f32 v63, v16  }
0x23a: {  	s11 =	sshll.u32 s22, $0x4;
	[tilespmem:s16+$0xFFFFFF50] =	vst v14  }
0x23b: {  	s11 =	sadd.s32 s5, s11;
	[tilespmem:s16+$0xD0] =	vst v15  }
0x23c: {  	[hbm4b:s11+s2] =	stream.linear.scatter [tilespmem:s1], [sflag:$0x3], $0x1800, $0x38;
	[tilespmem:$0x16480] =	vst v63  }
0x23d: {  	s11 =	sadd.s32 $0x60, s10  }
0x23e: {  	v14 =	vor.u32 s11, v0  }
0x23f: {  	v15 =	vshll.u32 v14, $0x1;
	v14 =	vadd.s32 v1, v14  }
0x240: {  	v16 =	vor.u32 $0x1, v15;
	v17 =	vshrl.u32 v14, $0x5  }
0x241: {  	v17 =	vmulhi.u32 $0x8208209, v17;
	_ =	sdelay $0x1  }
0x242: {  	v14 =	vmulhi.u32 $0x38E38E39, v14;
	v17 =	vshrl.u32 v17, $0x1  }
0x243: {  	v18 =	vmul.u32 $0xFFFFFF20, v17;
	v15 =	vld.idx.msk [tilespmem:v15+s2+$0x0], $0xffff  }
0x244: {  	v14 =	vshrl.u32 v14, $0x1;
	v16 =	vld.idx.msk [tilespmem:v16+s2+$0x0], $0xffff  }
0x245: {  	v14 =	vadd.s32 v14, v18  }
0x246: {  	v14 =	vcvt.s32.f32 v14  }
0x247: {  	v17 =	vcvt.s32.f32 v17  }
0x248: {  	v14 =	vadd.f32 v14, v15  }
0x249: {  	v16 =	vadd.f32 v17, v16  }
0x24a: {  	v14 =	vmax.f32 v14, $0.0e+00  }
0x24b: {  	v16 =	vmax.f32 v16, $0.0e+00;
	v14 =	vmin.f32 v14, $2.230000000e+02  }
0x24c: {  	v15 =	vmin.f32 v16, $2.230000000e+02;
	v62 =	vtrunc.f32 v14  }
0x24d: {  	v16 =	vtrunc.f32 v15;
	v17 =	vcvt.f32.s32 v62  }
0x24e: {  	v16 =	vcvt.f32.s32 v16  }
0x24f: {  	v20 =	vcvt.s32.f32 v17  }
0x250: {  	v63 =	vcvt.s32.f32 v16  }
0x251: {  	v21 =	vadd.f32 $1.000000000e+00, v20  }
0x252: {  	v19 =	vadd.f32 $1.000000000e+00, v63  }
0x253: {  	v16 =	vmul.u32 $0xE0, v16;
	v21 =	vmin.f32 v21, $2.230000000e+02  }
0x254: {  	v19 =	vmin.f32 v19, $2.230000000e+02;
	v23 =	vtrunc.f32 v21;
	v21 =	vsub.f32 v21, v14  }
0x255: {  	v22 =	vtrunc.f32 v19;
	v23 =	vcvt.f32.s32 v23;
	v19 =	vsub.f32 v19, v15  }
0x256: {  	v24 =	vadd.s32 v17, v16;
	v15 =	vsub.f32 v15, v63  }
0x257: {  	s13 =	sadd.s32 $0x70, s10;
	[tilespmem:$0x6E80] =	vst v24;
	v14 =	vsub.f32 v14, v20;
	v16 =	vadd.s32 v23, v16;
	v28 =	vmul.f32 v19, v21  }
0x258: {  	v26 =	vor.u32 s13, v0;
	v22 =	vcvt.f32.s32 v22;
	v30 =	vmul.f32 v21, v15;
	[tilespmem:$0x7080] =	vst v16  }
0x259: {  	v29 =	vshll.u32 v26, $0x1;
	v32 =	vmul.f32 v19, v14;
	[tilespmem:$0x7280] =	vst v28  }
0x25a: {  	v31 =	vor.u32 $0x1, v29;
	v14 =	vmul.f32 v15, v14;
	v22 =	vmul.u32 $0xE0, v22;
	[tilespmem:$0x7300] =	vst v30  }
0x25b: {  	v15 =	vadd.s32 v1, v26;
	[tilespmem:$0x7380] =	vst v32  }
0x25c: {  	[tilespmem:$0x7400] =	vst v14;
	v14 =	vshrl.u32 v15, $0x5;
	v17 =	vadd.s32 v17, v22  }
0x25d: {  	v27 =	vadd.s32 v23, v22;
	v14 =	vmulhi.u32 $0x8208209, v14;
	[tilespmem:$0x6F80] =	vst v17  }
0x25e: {  	[tilespmem:$0x7180] =	vst v27  }
0x25f: {  	v15 =	vmulhi.u32 $0x38E38E39, v15;
	v16 =	vld.idx.msk [tilespmem:v31+s2+$0x0], $0xffff;
	v14 =	vshrl.u32 v14, $0x1  }
0x260: {  	v18 =	vld.idx.msk [tilespmem:v29+s2+$0x0], $0xffff;
	v33 =	vmul.u32 $0xFFFFFF20, v14  }
0x261: {  	v15 =	vshrl.u32 v15, $0x1  }
0x262: {  	v15 =	vadd.s32 v15, v33  }
0x263: {  	v14 =	vcvt.s32.f32 v14;
	v15 =	vcvt.s32.f32 v15;
	_ =	sdelay $0x1  }
0x264: {  	v14 =	vadd.f32 v14, v16;
	v15 =	vadd.f32 v15, v18;
	_ =	sdelay $0x1  }
0x265: {  	v14 =	vmax.f32 v14, $0.0e+00;
	v15 =	vmax.f32 v15, $0.0e+00  }
0x266: {  	v14 =	vmin.f32 v14, $2.230000000e+02;
	v15 =	vmin.f32 v15, $2.230000000e+02  }
0x267: {  	v34 =	vtrunc.f32 v14;
	v35 =	vtrunc.f32 v15  }
0x268: {  	v16 =	vcvt.f32.s32 v34;
	v17 =	vcvt.f32.s32 v35;
	_ =	sdelay $0x1  }
0x269: {  	v36 =	vcvt.s32.f32 v16;
	v38 =	vcvt.s32.f32 v17;
	_ =	sdelay $0x1  }
0x26a: {  	v37 =	vadd.f32 $1.000000000e+00, v36;
	v39 =	vadd.f32 $1.000000000e+00, v38;
	_ =	sdelay $0x1  }
0x26b: {  	v19 =	vmin.f32 v37, $2.230000000e+02;
	v21 =	vmin.f32 v39, $2.230000000e+02  }
0x26c: {  	v16 =	vmul.u32 $0xE0, v16;
	v40 =	vtrunc.f32 v19;
	v41 =	vtrunc.f32 v21  }
0x26d: {  	v19 =	vsub.f32 v19, v14;
	v21 =	vsub.f32 v21, v15;
	v23 =	vcvt.f32.s32 v41  }
0x26e: {  	v42 =	vadd.s32 v17, v16;
	v14 =	vsub.f32 v14, v36  }
0x26f: {  	s14 =	sadd.s32 $0x80, s10;
	[tilespmem:$0x6E90] =	vst v42;
	v15 =	vsub.f32 v15, v38;
	v45 =	vmul.f32 v19, v21;
	v16 =	vadd.s32 v23, v16  }
0x270: {  	v43 =	vor.u32 s14, v0;
	v22 =	vcvt.f32.s32 v40;
	v47 =	vmul.f32 v21, v14;
	[tilespmem:$0x7090] =	vst v16  }
0x271: {  	v46 =	vshll.u32 v43, $0x1;
	v49 =	vmul.f32 v19, v15;
	[tilespmem:$0x7290] =	vst v45  }
0x272: {  	v48 =	vor.u32 $0x1, v46;
	v22 =	vmul.u32 $0xE0, v22;
	v14 =	vmul.f32 v14, v15;
	[tilespmem:$0x7310] =	vst v47  }
0x273: {  	[tilespmem:$0x7390] =	vst v49  }
0x274: {  	v17 =	vadd.s32 v17, v22;
	[tilespmem:$0x7410] =	vst v14  }
0x275: {  	v15 =	vadd.s32 v1, v43;
	v44 =	vadd.s32 v23, v22;
	[tilespmem:$0x6F90] =	vst v17  }
0x276: {  	v14 =	vshrl.u32 v15, $0x5;
	[tilespmem:$0x7190] =	vst v44  }
0x277: {  	v14 =	vmulhi.u32 $0x8208209, v14;
	v16 =	vld.idx.msk [tilespmem:v48+s2+$0x0], $0xffff;
	_ =	sdelay $0x1  }
0x278: {  	v15 =	vmulhi.u32 $0x38E38E39, v15;
	v14 =	vshrl.u32 v14, $0x1  }
0x279: {  	v18 =	vld.idx.msk [tilespmem:v46+s2+$0x0], $0xffff;
	v50 =	vmul.u32 $0xFFFFFF20, v14;
	v14 =	vcvt.s32.f32 v14  }
0x27a: {  	v15 =	vshrl.u32 v15, $0x1  }
0x27b: {  	v15 =	vadd.s32 v15, v50;
	v14 =	vadd.f32 v14, v16  }
0x27c: {  	v15 =	vcvt.s32.f32 v15  }
0x27d: {  	v14 =	vmax.f32 v14, $0.0e+00  }
0x27e: {  	v15 =	vadd.f32 v15, v18;
	v14 =	vmin.f32 v14, $2.230000000e+02  }
0x27f: {  	v51 =	vtrunc.f32 v14  }
0x280: {  	v15 =	vmax.f32 v15, $0.0e+00;
	v16 =	vcvt.f32.s32 v51  }
0x281: {  	v15 =	vmin.f32 v15, $2.230000000e+02  }
0x282: {  	v52 =	vtrunc.f32 v15;
	v53 =	vcvt.s32.f32 v16  }
0x283: {  	v17 =	vcvt.f32.s32 v52  }
0x284: {  	v54 =	vadd.f32 $1.000000000e+00, v53  }
0x285: {  	v55 =	vcvt.s32.f32 v17  }
0x286: {  	v19 =	vmin.f32 v54, $2.230000000e+02  }
0x287: {  	v56 =	vadd.f32 $1.000000000e+00, v55;
	v57 =	vtrunc.f32 v19  }
0x288: {  	v22 =	vcvt.f32.s32 v57  }
0x289: {  	v16 =	vmul.u32 $0xE0, v16;
	v21 =	vmin.f32 v56, $2.230000000e+02  }
0x28a: {  	v58 =	vtrunc.f32 v21;
	v22 =	vmul.u32 $0xE0, v22  }
0x28b: {  	v59 =	vadd.s32 v17, v16;
	v23 =	vcvt.f32.s32 v58  }
0x28c: {  	[tilespmem:$0x6EA0] =	vst v59;
	v19 =	vsub.f32 v19, v14;
	v21 =	vsub.f32 v21, v15;
	v17 =	vadd.s32 v17, v22  }
0x28d: {  	v14 =	vsub.f32 v14, v53;
	v16 =	vadd.s32 v23, v16;
	[tilespmem:$0x6FA0] =	vst v17  }
0x28e: {  	v15 =	vsub.f32 v15, v55;
	v61 =	vmul.f32 v19, v21;
	v60 =	vadd.s32 v23, v22;
	[tilespmem:$0x70A0] =	vst v16  }
0x28f: {  	v62 =	vmul.f32 v21, v14;
	[tilespmem:$0x71A0] =	vst v60  }
0x290: {  	v63 =	vmul.f32 v19, v15;
	[tilespmem:$0x72A0] =	vst v61  }
0x291: {  	v14 =	vmul.f32 v14, v15;
	[tilespmem:$0x7320] =	vst v62  }
0x292: {  	[tilespmem:$0x73A0] =	vst v63  }
0x293: {  	s15 =	simm.s32 $0x6E80;
	s16 =	simm.s32 $0x7480;
	[tilespmem:$0x7420] =	vst v14  }
0x294: {  	[tilespmem:s16], [sflag:$0x1] =	stream.indirect.gather [hbm4b:s4+s9], $0x80, s15, s9, $0xb8;
	[tilespmem:$0x16480] =	vst v63  }
0x295: {  	s17 =	simm.s32 $0x6F80;
	s18 =	simm.s32 $0xA480  }
0x296: {  	[tilespmem:s18], [sflag:$0x1] =	stream.indirect.gather [hbm4b:s4+s9], $0x80, s17, s9, $0xb8;
	[tilespmem:$0x16480] =	vst v63  }
0x297: {  	s19 =	simm.s32 $0x7080;
	s20 =	simm.s32 $0xD480  }
0x298: {  	[tilespmem:s20], [sflag:$0x1] =	stream.indirect.gather [hbm4b:s4+s9], $0x80, s19, s9, $0xb8;
	[tilespmem:$0x16480] =	vst v63  }
0x299: {  	s21 =	simm.s32 $0x7180;
	s22 =	simm.s32 $0x10480  }
0x29a: {  	[tilespmem:s22], [sflag:$0x1] =	stream.indirect.gather [hbm4b:s4+s9], $0x80, s21, s9, $0xb8;
	[tilespmem:$0x16480] =	vst v63  }
.LBB2_6:
0x29b: {  	_ =	swait.ge [sflag:s0], $0x1800  }
0x29c: {  	[sflag:s0] =	ssyncset.done $0x0  }
0x29d: {  	[sflag:s0] =	ssyncadd.s32 $0xFFFFE800  }
0x29e: {  	_ =	swait.ge [sflag:s0], $0x1800  }
0x29f: {  	[sflag:s0] =	ssyncset.done $0x0  }
0x2a0: {  	[sflag:s0] =	ssyncadd.s32 $0xFFFFE800  }
0x2a1: {  	_ =	swait.ge [sflag:s0], $0x1800  }
0x2a2: {  	[sflag:s0] =	ssyncset.done $0x0  }
0x2a3: {  	[sflag:s0] =	ssyncadd.s32 $0xFFFFE800  }
0x2a4: {  	s10 =	simm.s32 $0x33;
	s11 =	simm.s32 $0x30;
	_ =	swait.ge [sflag:s0], $0x1800  }
0x2a5: {  	s18 =	simm.s32 $0x31;
	v16 =	vmov s10;
	v14 =	vmov s11;
	[sflag:s0] =	ssyncset.done $0x0  }
0x2a6: {  	s11 =	simm.s32 @!p0 $0x3;
	v15 =	vmov s18;
	v14 =	vand.u32 $0xFFFFFFFC, v14;
	[sflag:s0] =	ssyncadd.s32 $0xFFFFE800  }
0x2a7: {  	v15 =	vand.u32 $0xFFFFFFFD, v15;
	v17 =	vbroadcast v14, $0x0;
	_ =	swait.ge @!p0 [sflag:s11], $0x1800  }
0x2a8: {  	s19 =	simm.s32 $0x32;
	v18 =	vbroadcast v15, $0x0;
	[sflag:s11] =	ssyncset.done @!p0 $0x0  }
0x2a9: {  	v14 =	vmov s19;
	[sflag:s11] =	ssyncadd.s32 @!p0 $0xFFFFE800  }
0x2aa: {  	v14 =	vand.u32 $0xFFFFFFFE, v14;
	v33 =	vld.idx.msk [tilespmem:v16+s30+$0x0], $0xffff  }
0x2ab: {  	v19 =	vbroadcast v14, $0x0;
	v34 =	vld.idx.msk [tilespmem:v16+s28+$0x0], $0xffff  }
0x2ac: {  	v35 =	vld.idx.msk [tilespmem:v16+s29+$0x0], $0xffff  }
0x2ad: {  	v15 =	vld.idx.msk [tilespmem:v17+s31+$0x0], $0xffff  }
0x2ae: {  	v14 =	vld.idx.msk [tilespmem:v18+s31+$0x0], $0xffff  }
0x2af: {  	s19 =	simm.s32 $0x8E50;
	v36 =	vld.idx.msk [tilespmem:v17+s30+$0x0], $0xffff  }
0x2b0: {  	v20 =	vld [tilespmem:s19+$0xFFFFFF30]  }
0x2b1: {  	v45 =	vld.idx.msk [tilespmem:v19+s28+$0x0], $0xffff  }
0x2b2: {  	s18 =	simm.s32 $0xBE50;
	v44 =	vld.idx.msk [tilespmem:v19+s29+$0x0], $0xffff  }
0x2b3: {  	v21 =	vld [tilespmem:s18+$0xFFFFFF30]  }
0x2b4: {  	s17 =	simm.s32 $0xEE50;
	v43 =	vld.idx.msk [tilespmem:v19+s30+$0x0], $0xffff  }
0x2b5: {  	v22 =	vld [tilespmem:s17+$0xFFFFFF30]  }
0x2b6: {  	s11 =	simm.s32 $0x11E50;
	v41 =	vld.idx.msk [tilespmem:v19+s31+$0x0], $0xffff  }
0x2b7: {  	v19 =	vld [tilespmem:s11+$0xFFFFFF30]  }
0x2b8: {  	v37 =	vld.idx.msk [tilespmem:v18+s30+$0x0], $0xffff  }
0x2b9: {  	v42 =	vld.idx.msk [tilespmem:v17+s28+$0x0], $0xffff  }
0x2ba: {  	v38 =	vld.idx.msk [tilespmem:v17+s29+$0x0], $0xffff  }
0x2bb: {  	v40 =	vld.idx.msk [tilespmem:v18+s28+$0x0], $0xffff;
	v20 =	vmul.f32 v20, v45;
	v21 =	vmul.f32 v21, v44  }
0x2bc: {  	v39 =	vld.idx.msk [tilespmem:v18+s29+$0x0], $0xffff  }
0x2bd: {  	v23 =	vld [tilespmem:s17+$0xFFFFFE30];
	v17 =	vadd.f32 v21, v20;
	v20 =	vmul.f32 v22, v43  }
0x2be: {  	v25 =	vld [tilespmem:s11+$0xFFFFFE30]  }
0x2bf: {  	v27 =	vld [tilespmem:s19+$0xFFFFFFB0];
	v18 =	vmul.f32 v19, v41;
	v17 =	vadd.f32 v20, v17  }
0x2c0: {  	v28 =	vld [tilespmem:s17+$0xFFFFFEB0]  }
0x2c1: {  	v16 =	vld.idx.msk [tilespmem:v16+s31+$0x0], $0xffff;
	v17 =	vadd.f32 v18, v17  }
0x2c2: {  	s10 =	simm.s32 $0x14E70;
	v19 =	vld [tilespmem:s19+$0xFFFFFE30]  }
0x2c3: {  	v20 =	vld [tilespmem:s18+$0xFFFFFE30];
	[tilespmem:s10+$0xFFFFFF10] =	vst v17  }
0x2c4: {  	v17 =	vld [tilespmem:s19+$0xFFFFFF40]  }
0x2c5: {  	v22 =	vld [tilespmem:s18+$0xFFFFFF40]  }
0x2c6: {  	v21 =	vld [tilespmem:s18+$0xFFFFFEB0]  }
0x2c7: {  	v24 =	vld [tilespmem:s17+$0xFFFFFF40]  }
0x2c8: {  	v18 =	vld [tilespmem:s19+$0xFFFFFEB0]  }
0x2c9: {  	s14 =	simm.s32 $0x9050;
	v19 =	vmul.f32 v19, v42;
	v20 =	vmul.f32 v20, v38;
	v26 =	vld [tilespmem:s11+$0xFFFFFF40]  }
0x2ca: {  	s16 =	simm.s32 $0xC050;
	v62 =	vld [tilespmem:s14+$0xFFFFFF30];
	v17 =	vmul.f32 v17, v45;
	v22 =	vmul.f32 v22, v44  }
0x2cb: {  	v63 =	vld [tilespmem:s16+$0xFFFFFF30];
	v19 =	vadd.f32 v20, v19;
	v20 =	vmul.f32 v23, v36  }
0x2cc: {  	v23 =	vld [tilespmem:s18+$0xFFFFFFB0];
	v17 =	vadd.f32 v22, v17;
	v22 =	vmul.f32 v24, v43  }
0x2cd: {  	s15 =	simm.s32 $0xF050;
	v21 =	vmul.f32 v21, v39;
	v19 =	vadd.f32 v20, v19;
	v20 =	vld [tilespmem:s11+$0xFFFFFEB0];
	v24 =	vmul.f32 v25, v15  }
0x2ce: {  	s13 =	simm.s32 $0x12050;
	v2 =	vld [tilespmem:s15+$0xFFFFFF30];
	v18 =	vmul.f32 v18, v40;
	v17 =	vadd.f32 v22, v17;
	v22 =	vmul.f32 v26, v41  }
0x2cf: {  	v4 =	vld [tilespmem:s13+$0xFFFFFF30];
	v19 =	vadd.f32 v24, v19  }
0x2d0: {  	v18 =	vadd.f32 v21, v18;
	v21 =	vmul.f32 v28, v37;
	v25 =	vld [tilespmem:s17+$0xFFFFFFB0];
	v17 =	vadd.f32 v22, v17  }
0x2d1: {  	v6 =	vld [tilespmem:s14+$0xFFFFFE30];
	v23 =	vmul.f32 v23, v35;
	v22 =	vmul.f32 v27, v34;
	[tilespmem:s10+$0xFFFFFE10] =	vst v19  }
0x2d2: {  	v18 =	vadd.f32 v21, v18;
	v24 =	vld [tilespmem:s11+$0xFFFFFFB0];
	v19 =	vmul.f32 v20, v14;
	[tilespmem:s10+$0xFFFFFF20] =	vst v17  }
0x2d3: {  	v17 =	vadd.f32 v23, v22;
	v22 =	vld [tilespmem:s19+$0xFFFFFF50]  }
0x2d4: {  	v18 =	vadd.f32 v19, v18;
	v19 =	vld [tilespmem:s18+$0xFFFFFF50]  }
0x2d5: {  	v20 =	vld [tilespmem:s19+$0xFFFFFE40];
	v21 =	vmul.f32 v25, v33  }
0x2d6: {  	[tilespmem:s10+$0xFFFFFE90] =	vst v18;
	v18 =	vld [tilespmem:s17+$0xFFFFFF50]  }
0x2d7: {  	v28 =	vld [tilespmem:s11+$0xFFFFFE40];
	v17 =	vadd.f32 v21, v17;
	v21 =	vmul.f32 v24, v16  }
0x2d8: {  	v24 =	vld [tilespmem:s11+$0xFFFFFF50]  }
0x2d9: {  	v23 =	vld [tilespmem:s18+$0xFFFFFE40];
	v17 =	vadd.f32 v21, v17;
	v22 =	vmul.f32 v22, v45;
	v19 =	vmul.f32 v19, v44  }
0x2da: {  	v21 =	vld [tilespmem:s19+$0xFFFFFEC0]  }
0x2db: {  	[tilespmem:s10+$0xFFFFFF90] =	vst v17;
	v17 =	vld [tilespmem:s18+$0xFFFFFEC0];
	v18 =	vmul.f32 v18, v43;
	v19 =	vadd.f32 v19, v22  }
0x2dc: {  	v25 =	vld [tilespmem:s19+$0xFFFFFFC0]  }
0x2dd: {  	v22 =	vld [tilespmem:s17+$0xFFFFFE40];
	v18 =	vadd.f32 v18, v19;
	v19 =	vmul.f32 v24, v41  }
0x2de: {  	v26 =	vld [tilespmem:s18+$0xFFFFFFC0]  }
0x2df: {  	v27 =	vld [tilespmem:s17+$0xFFFFFEC0];
	v18 =	vadd.f32 v19, v18  }
0x2e0: {  	v24 =	vld [tilespmem:s17+$0xFFFFFFC0];
	v19 =	vmul.f32 v20, v42;
	v20 =	vmul.f32 v23, v38  }
0x2e1: {  	v21 =	vmul.f32 v21, v40;
	v17 =	vmul.f32 v17, v39;
	v23 =	vld [tilespmem:s11+$0xFFFFFEC0];
	[tilespmem:s10+$0xFFFFFF30] =	vst v18  }
0x2e2: {  	v18 =	vadd.f32 v20, v19;
	v19 =	vmul.f32 v22, v36;
	v20 =	vld [tilespmem:s19+$0xFFFFFF60]  }
0x2e3: {  	v17 =	vadd.f32 v17, v21;
	v21 =	vmul.f32 v25, v34;
	v22 =	vmul.f32 v26, v35;
	v25 =	vld [tilespmem:s18+$0xFFFFFF60]  }
0x2e4: {  	v29 =	vld [tilespmem:s11+$0xFFFFFFC0];
	v26 =	vmul.f32 v27, v37;
	v18 =	vadd.f32 v19, v18;
	v19 =	vmul.f32 v28, v15  }
0x2e5: {  	v21 =	vadd.f32 v22, v21;
	v22 =	vmul.f32 v24, v33;
	v24 =	vld [tilespmem:s17+$0xFFFFFF60]  }
0x2e6: {  	v7 =	vld [tilespmem:s16+$0xFFFFFE30];
	v17 =	vadd.f32 v26, v17;
	v23 =	vmul.f32 v23, v14;
	v18 =	vadd.f32 v19, v18  }
0x2e7: {  	v19 =	vadd.f32 v22, v21;
	v22 =	vld [tilespmem:s11+$0xFFFFFF60]  }
0x2e8: {  	v8 =	vld [tilespmem:s14+$0xFFFFFEB0];
	v17 =	vadd.f32 v23, v17;
	[tilespmem:s10+$0xFFFFFE20] =	vst v18;
	v18 =	vmul.f32 v20, v45;
	v20 =	vmul.f32 v25, v44  }
0x2e9: {  	v21 =	vmul.f32 v29, v16;
	v23 =	vld [tilespmem:s19+$0xFFFFFE50]  }
0x2ea: {  	[tilespmem:s10+$0xFFFFFEA0] =	vst v17;
	v17 =	vld [tilespmem:s18+$0xFFFFFE50];
	v18 =	vadd.f32 v20, v18;
	v20 =	vmul.f32 v24, v43  }
0x2eb: {  	v19 =	vadd.f32 v21, v19;
	v27 =	vld [tilespmem:s11+$0xFFFFFE50]  }
0x2ec: {  	v21 =	vld [tilespmem:s19+$0xFFFFFED0];
	v18 =	vadd.f32 v20, v18;
	v20 =	vmul.f32 v22, v41  }
0x2ed: {  	[tilespmem:s10+$0xFFFFFFA0] =	vst v19;
	v19 =	vld [tilespmem:s18+$0xFFFFFED0]  }
0x2ee: {  	v25 =	vld [tilespmem:s17+$0xFFFFFED0];
	v18 =	vadd.f32 v20, v18  }
0x2ef: {  	v20 =	vld [tilespmem:s17+$0xFFFFFE50]  }
0x2f0: {  	v29 =	vld [tilespmem:s11+$0xFFFFFED0];
	[tilespmem:s10+$0xFFFFFF40] =	vst v18  }
0x2f1: {  	v18 =	vld [tilespmem:s19+$0xFFFFFF70]  }
0x2f2: {  	v23 =	vmul.f32 v23, v42;
	v17 =	vmul.f32 v17, v38;
	v26 =	vld [tilespmem:s18+$0xFFFFFF70]  }
0x2f3: {  	v24 =	vld [tilespmem:s18+$0xFFFFFFD0];
	v21 =	vmul.f32 v21, v40  }
0x2f4: {  	s12 =	simm.s32 $0x37;
	v19 =	vmul.f32 v19, v39;
	v17 =	vadd.f32 v17, v23;
	v28 =	vld [tilespmem:s17+$0xFFFFFF70];
	v20 =	vmul.f32 v20, v36  }
0x2f5: {  	v22 =	vld [tilespmem:s19+$0xFFFFFFD0];
	v25 =	vmul.f32 v25, v37;
	v23 =	vmov s12  }
0x2f6: {  	v9 =	vld [tilespmem:s16+$0xFFFFFFB0];
	v19 =	vadd.f32 v19, v21;
	v17 =	vadd.f32 v20, v17;
	v20 =	vmul.f32 v27, v15  }
0x2f7: {  	v30 =	vld [tilespmem:s11+$0xFFFFFF70];
	v18 =	vmul.f32 v18, v45;
	v21 =	vmul.f32 v26, v44  }
0x2f8: {  	v19 =	vadd.f32 v25, v19;
	v25 =	vld [tilespmem:s11+$0xFFFFFFD0];
	v27 =	vmul.f32 v29, v14  }
0x2f9: {  	v26 =	vld [tilespmem:s17+$0xFFFFFFD0];
	v20 =	vadd.f32 v20, v17;
	v18 =	vadd.f32 v21, v18;
	v21 =	vmul.f32 v28, v43  }
0x2fa: {  	v24 =	vmul.f32 v24, v35;
	v22 =	vmul.f32 v22, v34;
	v17 =	vld.idx.msk [tilespmem:v23+s31+$0x0], $0xffff  }
0x2fb: {  	v19 =	vadd.f32 v27, v19;
	[tilespmem:s10+$0xFFFFFE30] =	vst v20;
	v21 =	vadd.f32 v21, v18;
	v18 =	vld.idx.msk [tilespmem:v23+s30+$0x0], $0xffff  }
0x2fc: {  	v20 =	vadd.f32 v24, v22;
	v24 =	vld [tilespmem:s19+$0xFFFFFE60]  }
0x2fd: {  	v28 =	vmul.f32 v30, v41;
	[tilespmem:s10+$0xFFFFFEB0] =	vst v19;
	v27 =	vld [tilespmem:s17+$0xFFFFFE60]  }
0x2fe: {  	v29 =	vld [tilespmem:s17+$0xFFFFFEE0];
	v22 =	vmul.f32 v26, v33  }
0x2ff: {  	v50 =	vld [tilespmem:s11+$0xFFFFFE60];
	v21 =	vadd.f32 v28, v21  }
0x300: {  	v26 =	vld [tilespmem:s18+$0xFFFFFE60];
	v19 =	vadd.f32 v22, v20;
	v20 =	vmul.f32 v25, v16  }
0x301: {  	v22 =	vld [tilespmem:s19+$0xFFFFFEE0];
	[tilespmem:s10+$0xFFFFFF50] =	vst v21  }
0x302: {  	v49 =	vld [tilespmem:s19+$0xFFFFFF80];
	v19 =	vadd.f32 v20, v19  }
0x303: {  	v48 =	vld [tilespmem:s18+$0xFFFFFF80]  }
0x304: {  	s20 =	simm.s32 $0x34;
	s21 =	simm.s32 $0x35;
	v20 =	vld [tilespmem:s18+$0xFFFFFEE0];
	[tilespmem:s10+$0xFFFFFFB0] =	vst v19  }
0x305: {  	v28 =	vmov s21;
	v19 =	vmov s20;
	v21 =	vld [tilespmem:s19+$0xFFFFFFE0]  }
0x306: {  	v28 =	vand.u32 $0xFFFFFFFD, v28;
	v25 =	vld [tilespmem:s18+$0xFFFFFFE0];
	v19 =	vand.u32 $0xFFFFFFFC, v19  }
0x307: {  	v32 =	vbroadcast v28, $0x0;
	v31 =	vld [tilespmem:s17+$0xFFFFFFE0];
	v30 =	vbroadcast v19, $0x0  }
0x308: {  	v51 =	vld [tilespmem:s11+$0xFFFFFFE0];
	v19 =	vmul.f32 v24, v42;
	v24 =	vmul.f32 v26, v38  }
0x309: {  	v22 =	vmul.f32 v22, v40;
	v26 =	vld [tilespmem:s11+$0xFFFFFEE0];
	v20 =	vmul.f32 v20, v39  }
0x30a: {  	v24 =	vadd.f32 v24, v19;
	v19 =	vld.idx.msk [tilespmem:v23+s28+$0x0], $0xffff  }
0x30b: {  	v27 =	vmul.f32 v27, v36;
	v22 =	vadd.f32 v20, v22;
	v20 =	vld.idx.msk [tilespmem:v23+s29+$0x0], $0xffff;
	v23 =	vmul.f32 v29, v37  }
0x30c: {  	v47 =	vld [tilespmem:s17+$0xFFFFFF80];
	v21 =	vmul.f32 v21, v34;
	v25 =	vmul.f32 v25, v35  }
0x30d: {  	v29 =	vmul.f32 v50, v15;
	v24 =	vadd.f32 v27, v24;
	v27 =	vld.idx.msk [tilespmem:v32+s31+$0x0], $0xffff;
	v23 =	vadd.f32 v23, v22  }
0x30e: {  	v26 =	vmul.f32 v26, v14;
	v28 =	vld.idx.msk [tilespmem:v30+s31+$0x0], $0xffff;
	v21 =	vadd.f32 v25, v21;
	v25 =	vmul.f32 v31, v33  }
0x30f: {  	v22 =	vld.idx.msk [tilespmem:v30+s30+$0x0], $0xffff;
	v24 =	vadd.f32 v29, v24  }
0x310: {  	v29 =	vmul.f32 v51, v16;
	v26 =	vadd.f32 v26, v23;
	v23 =	vld.idx.msk [tilespmem:v30+s28+$0x0], $0xffff;
	v25 =	vadd.f32 v25, v21  }
0x311: {  	v21 =	vld.idx.msk [tilespmem:v32+s30+$0x0], $0xffff;
	[tilespmem:s10+$0xFFFFFE40] =	vst v24  }
0x312: {  	v50 =	vld [tilespmem:s19+$0xFFFFFE70];
	v24 =	vadd.f32 v29, v25  }
0x313: {  	s22 =	simm.s32 $0x36;
	v51 =	vld [tilespmem:s18+$0xFFFFFE70]  }
0x314: {  	v56 =	vld [tilespmem:s17+$0xFFFFFE70];
	[tilespmem:s10+$0xFFFFFFC0] =	vst v24;
	v24 =	vmov s22  }
0x315: {  	[tilespmem:s10+$0xFFFFFEC0] =	vst v26;
	v26 =	vld.idx.msk [tilespmem:v30+s29+$0x0], $0xffff;
	v24 =	vand.u32 $0xFFFFFFFE, v24  }
0x316: {  	v52 =	vld [tilespmem:s19+$0xFFFFFEF0];
	v29 =	vbroadcast v24, $0x0  }
0x317: {  	v53 =	vld [tilespmem:s18+$0xFFFFFEF0]  }
0x318: {  	v57 =	vld [tilespmem:s17+$0xFFFFFEF0]  }
0x319: {  	v60 =	vld [tilespmem:s11+$0xFFFFFEF0]  }
0x31a: {  	v25 =	vld.idx.msk [tilespmem:v32+s29+$0x0], $0xffff  }
0x31b: {  	v24 =	vld.idx.msk [tilespmem:v32+s28+$0x0], $0xffff  }
0x31c: {  	v31 =	vld.idx.msk [tilespmem:v29+s28+$0x0], $0xffff  }
0x31d: {  	v32 =	vld.idx.msk [tilespmem:v29+s29+$0x0], $0xffff  }
0x31e: {  	v54 =	vld [tilespmem:s19+$0xFFFFFFF0]  }
0x31f: {  	v30 =	vld.idx.msk [tilespmem:v29+s30+$0x0], $0xffff  }
0x320: {  	v55 =	vld [tilespmem:s18+$0xFFFFFFF0];
	v50 =	vmul.f32 v50, v42;
	v51 =	vmul.f32 v51, v38  }
0x321: {  	v52 =	vmul.f32 v52, v40;
	v53 =	vmul.f32 v53, v39;
	v29 =	vld.idx.msk [tilespmem:v29+s31+$0x0], $0xffff  }
0x322: {  	v59 =	vld [tilespmem:s11+$0xFFFFFE70];
	v62 =	vmul.f32 v62, v31;
	v63 =	vmul.f32 v63, v32  }
0x323: {  	v46 =	vld [tilespmem:s11+$0xFFFFFF80];
	v60 =	vmul.f32 v60, v14;
	v52 =	vadd.f32 v53, v52;
	v53 =	vmul.f32 v56, v36  }
0x324: {  	v58 =	vld [tilespmem:s17+$0xFFFFFFF0];
	v56 =	vmul.f32 v57, v37;
	v2 =	vmul.f32 v2, v30;
	v62 =	vadd.f32 v63, v62  }
0x325: {  	v61 =	vld [tilespmem:s11+$0xFFFFFFF0];
	v50 =	vadd.f32 v51, v50;
	v51 =	vmul.f32 v54, v34;
	v54 =	vmul.f32 v55, v35  }
0x326: {  	v55 =	vld [tilespmem:s15+$0xFFFFFEB0];
	v52 =	vadd.f32 v56, v52;
	v4 =	vmul.f32 v4, v29;
	v2 =	vadd.f32 v2, v62  }
0x327: {  	v50 =	vadd.f32 v53, v50;
	v53 =	vmul.f32 v59, v15;
	v59 =	vld [tilespmem:s13+$0xFFFFFE30]  }
0x328: {  	v52 =	vadd.f32 v60, v52;
	v60 =	vld [tilespmem:s13+$0xFFFFFEB0];
	v2 =	vadd.f32 v4, v2  }
0x329: {  	s12 =	simm.s32 $0x15070;
	v63 =	vld [tilespmem:s16+$0xFFFFFEB0]  }
0x32a: {  	v4 =	vld [tilespmem:s15+$0xFFFFFE30];
	[tilespmem:s12+$0xFFFFFF10] =	vst v2  }
0x32b: {  	v51 =	vadd.f32 v54, v51;
	v54 =	vmul.f32 v58, v33;
	v57 =	vld [tilespmem:s14+$0xFFFFFF40]  }
0x32c: {  	v45 =	vmul.f32 v49, v45;
	v56 =	vld [tilespmem:s16+$0xFFFFFF40]  }
0x32d: {  	v44 =	vmul.f32 v48, v44;
	v51 =	vadd.f32 v54, v51;
	v54 =	vmul.f32 v61, v16;
	v61 =	vld [tilespmem:s13+$0xFFFFFFB0]  }
0x32e: {  	v6 =	vmul.f32 v6, v23;
	v7 =	vmul.f32 v7, v26;
	v50 =	vadd.f32 v53, v50;
	v53 =	vld [tilespmem:s15+$0xFFFFFF40]  }
0x32f: {  	v44 =	vadd.f32 v44, v45;
	v8 =	vmul.f32 v8, v24;
	v55 =	vmul.f32 v55, v21;
	v62 =	vld [tilespmem:s14+$0xFFFFFFB0]  }
0x330: {  	v6 =	vadd.f32 v7, v6;
	[tilespmem:s10+$0xFFFFFE50] =	vst v50;
	v58 =	vmul.f32 v63, v25;
	v7 =	vld [tilespmem:s13+$0xFFFFFF40];
	v4 =	vmul.f32 v4, v22  }
0x331: {  	v51 =	vadd.f32 v54, v51;
	v54 =	vld [tilespmem:s18+$0xFFFFFE80];
	v50 =	vmul.f32 v57, v31;
	v63 =	vmul.f32 v56, v32  }
0x332: {  	[tilespmem:s10+$0xFFFFFED0] =	vst v52;
	v2 =	vld [tilespmem:s15+$0xFFFFFFB0];
	v8 =	vadd.f32 v58, v8;
	v4 =	vadd.f32 v4, v6;
	v6 =	vmul.f32 v59, v28  }
0x333: {  	v9 =	vmul.f32 v9, v20;
	[tilespmem:s10+$0xFFFFFFD0] =	vst v51;
	v51 =	vld [tilespmem:s18+$0xFFFFFF00];
	v53 =	vmul.f32 v53, v30;
	v50 =	vadd.f32 v63, v50  }
0x334: {  	v45 =	vld [tilespmem:s17+$0x0];
	v8 =	vadd.f32 v55, v8;
	v4 =	vadd.f32 v6, v4;
	v6 =	vmul.f32 v60, v27  }
0x335: {  	v62 =	vmul.f32 v62, v19;
	v55 =	vld [tilespmem:s19+$0xFFFFFF00];
	v7 =	vmul.f32 v7, v29;
	v50 =	vadd.f32 v53, v50  }
0x336: {  	v57 =	vld [tilespmem:s19+$0xFFFFFE80];
	[tilespmem:s12+$0xFFFFFE10] =	vst v4;
	v4 =	vadd.f32 v6, v8  }
0x337: {  	v2 =	vmul.f32 v2, v18;
	v6 =	vld [tilespmem:s19+$0x0];
	v8 =	vadd.f32 v9, v62;
	v7 =	vadd.f32 v7, v50  }
0x338: {  	v62 =	vld [tilespmem:s18+$0x0];
	[tilespmem:s12+$0xFFFFFE90] =	vst v4  }
0x339: {  	v9 =	vld [tilespmem:s14+$0xFFFFFE40];
	v2 =	vadd.f32 v2, v8;
	v4 =	vmul.f32 v61, v17;
	[tilespmem:s12+$0xFFFFFF20] =	vst v7  }
0x33a: {  	v7 =	vld [tilespmem:s14+$0xFFFFFF50]  }
0x33b: {  	v2 =	vadd.f32 v4, v2;
	v4 =	vld [tilespmem:s16+$0xFFFFFF50]  }
0x33c: {  	v59 =	vld [tilespmem:s15+$0xFFFFFE40]  }
0x33d: {  	[tilespmem:s12+$0xFFFFFF90] =	vst v2;
	v2 =	vld [tilespmem:s15+$0xFFFFFF50]  }
0x33e: {  	v50 =	vld [tilespmem:s16+$0xFFFFFE40]  }
0x33f: {  	v56 =	vld [tilespmem:s13+$0xFFFFFF50]  }
0x340: {  	v8 =	vld [tilespmem:s14+$0xFFFFFEC0];
	v7 =	vmul.f32 v7, v31;
	v4 =	vmul.f32 v4, v32  }
0x341: {  	v52 =	vld [tilespmem:s16+$0xFFFFFEC0]  }
0x342: {  	v60 =	vld [tilespmem:s15+$0xFFFFFEC0];
	v2 =	vmul.f32 v2, v30;
	v4 =	vadd.f32 v4, v7  }
0x343: {  	v53 =	vld [tilespmem:s14+$0xFFFFFFC0]  }
0x344: {  	v58 =	vld [tilespmem:s16+$0xFFFFFFC0];
	v2 =	vadd.f32 v2, v4;
	v4 =	vmul.f32 v56, v29  }
0x345: {  	v61 =	vld [tilespmem:s13+$0xFFFFFE40]  }
0x346: {  	v9 =	vmul.f32 v9, v23;
	v50 =	vmul.f32 v50, v26;
	v7 =	vld [tilespmem:s15+$0xFFFFFFC0];
	v2 =	vadd.f32 v4, v2  }
0x347: {  	v8 =	vmul.f32 v8, v24;
	v52 =	vmul.f32 v52, v25;
	v56 =	vld [tilespmem:s13+$0xFFFFFEC0]  }
0x348: {  	v9 =	vadd.f32 v50, v9;
	v50 =	vmul.f32 v53, v19;
	v53 =	vmul.f32 v59, v22;
	v4 =	vld [tilespmem:s13+$0xFFFFFFC0];
	[tilespmem:s12+$0xFFFFFF30] =	vst v2  }
0x349: {  	v60 =	vmul.f32 v60, v21;
	v8 =	vadd.f32 v52, v8;
	v63 =	vmul.f32 v58, v20;
	v59 =	vld [tilespmem:s14+$0xFFFFFF60]  }
0x34a: {  	v61 =	vmul.f32 v61, v28;
	v9 =	vadd.f32 v53, v9;
	v53 =	vld [tilespmem:s16+$0xFFFFFF60]  }
0x34b: {  	v8 =	vadd.f32 v60, v8;
	v63 =	vadd.f32 v63, v50;
	v50 =	vld [tilespmem:s17+$0xFFFFFF00]  }
0x34c: {  	v9 =	vadd.f32 v61, v9;
	v7 =	vmul.f32 v7, v18;
	v58 =	vmul.f32 v56, v27;
	v60 =	vld [tilespmem:s15+$0xFFFFFF60]  }
0x34d: {  	v43 =	vmul.f32 v47, v43;
	v2 =	vld [tilespmem:s17+$0xFFFFFE80]  }
0x34e: {  	[tilespmem:s12+$0xFFFFFE20] =	vst v9;
	v7 =	vadd.f32 v7, v63;
	v9 =	vld [tilespmem:s13+$0xFFFFFF60];
	v4 =	vmul.f32 v4, v17;
	v8 =	vadd.f32 v58, v8  }
0x34f: {  	v47 =	vld [tilespmem:s14+$0xFFFFFE50];
	v61 =	vmul.f32 v59, v31;
	v63 =	vmul.f32 v53, v32  }
0x350: {  	v41 =	vmul.f32 v46, v41;
	v4 =	vadd.f32 v4, v7;
	[tilespmem:s12+$0xFFFFFEA0] =	vst v8;
	v7 =	vld [tilespmem:s16+$0xFFFFFE50]  }
0x351: {  	v38 =	vmul.f32 v54, v38;
	v52 =	vld [tilespmem:s14+$0xFFFFFED0];
	v53 =	vmul.f32 v60, v30;
	v48 =	vadd.f32 v63, v61  }
0x352: {  	v43 =	vadd.f32 v43, v44;
	v39 =	vmul.f32 v51, v39;
	v40 =	vmul.f32 v55, v40;
	[tilespmem:s12+$0xFFFFFFA0] =	vst v4;
	v4 =	vld [tilespmem:s16+$0xFFFFFED0]  }
0x353: {  	v8 =	vmul.f32 v57, v42;
	v9 =	vmul.f32 v9, v29;
	v57 =	vld [tilespmem:s14+$0xFFFFFFD0];
	v56 =	vadd.f32 v53, v48  }
0x354: {  	v40 =	vadd.f32 v39, v40;
	v6 =	vmul.f32 v6, v34;
	v58 =	vmul.f32 v62, v35;
	v59 =	vld [tilespmem:s16+$0xFFFFFFD0]  }
0x355: {  	v2 =	vmul.f32 v2, v36;
	v60 =	vld [tilespmem:s15+$0xFFFFFE50];
	v8 =	vadd.f32 v38, v8;
	v9 =	vadd.f32 v9, v56  }
0x356: {  	v62 =	vmul.f32 v45, v33;
	v6 =	vadd.f32 v58, v6;
	v61 =	vmul.f32 v50, v37;
	v63 =	vld [tilespmem:s15+$0xFFFFFED0]  }
0x357: {  	v39 =	vld [tilespmem:s15+$0xFFFFFFD0];
	v35 =	vadd.f32 v2, v8;
	v2 =	vmul.f32 v47, v23;
	v7 =	vmul.f32 v7, v26;
	[tilespmem:s12+$0xFFFFFF40] =	vst v9  }
0x358: {  	v43 =	vadd.f32 v41, v43;
	v8 =	vmul.f32 v52, v24;
	v4 =	vmul.f32 v4, v25;
	v33 =	vld [tilespmem:s14+$0xFFFFFF70]  }
0x359: {  	[tilespmem:s10+$0xFFFFFF70] =	vst v13;
	v36 =	vadd.f32 v62, v6;
	v6 =	vmul.f32 v57, v19;
	v9 =	vmul.f32 v59, v20;
	v37 =	vld [tilespmem:s16+$0xFFFFFF70]  }
0x35a: {  	[tilespmem:s10+$0xFFFFFF80] =	vst v13;
	s20 =	simm.s32 $0x4;
	v42 =	vld [tilespmem:s13+$0xFFFFFE50];
	v34 =	vadd.f32 v61, v40;
	v45 =	vmul.f32 v60, v22;
	v40 =	vadd.f32 v7, v2  }
0x35b: {  	[tilespmem:s10+$0xFFFFFF60] =	vst v43;
	s19 =	simm.s32 $0x9050;
	s18 =	simm.s32 $0xC050;
	s17 =	simm.s32 $0xF050;
	v44 =	vmul.f32 v63, v21;
	v41 =	vadd.f32 v4, v8;
	v38 =	vld [tilespmem:s15+$0xFFFFFF70];
	v43 =	vadd.f32 v9, v6  }
.LBB2_7:
0x35c: {  	s21 =	sadd.s32 $0x37, s20;
	v2 =	vadd.f32 v45, v40;
	v4 =	vld [tilespmem:s13+$0xFFFFFED0];
	v6 =	vmul.f32 v39, v18  }
0x35d: {  	v7 =	vmov s21;
	v8 =	vadd.f32 v44, v41;
	v9 =	vld [tilespmem:s13+$0xFFFFFF70]  }
0x35e: {  	v33 =	vmul.f32 v33, v31;
	v37 =	vmul.f32 v37, v32;
	v6 =	vadd.f32 v6, v43;
	v39 =	vld [tilespmem:s13+$0xFFFFFFD0]  }
0x35f: {  	v40 =	vmul.f32 v42, v28;
	v41 =	vld [tilespmem:s11+$0xFFFFFE80];
	[tilespmem:s10+$0xFFFFFE70] =	vst v13  }
0x360: {  	v33 =	vadd.f32 v37, v33;
	v37 =	vmul.f32 v38, v30;
	[tilespmem:s10+$0xFFFFFE80] =	vst v13;
	v38 =	vld [tilespmem:s11+$0xFFFFFF00]  }
0x361: {  	v2 =	vadd.f32 v40, v2;
	v4 =	vmul.f32 v4, v27;
	[tilespmem:s10+$0xFFFFFEF0] =	vst v13;
	v40 =	vld [tilespmem:s11+$0x0];
	s11 =	smov.u32 s13  }
0x362: {  	v42 =	vld.idx.msk [tilespmem:v7+s31+$0x0], $0xffff;
	v37 =	vadd.f32 v37, v33;
	v9 =	vmul.f32 v9, v29;
	[tilespmem:s10+$0xFFFFFF00] =	vst v13  }
0x363: {  	v33 =	vld.idx.msk [tilespmem:v7+s30+$0x0], $0xffff;
	[tilespmem:s12+$0xFFFFFE30] =	vst v2;
	v2 =	vadd.f32 v4, v8;
	v4 =	vmul.f32 v39, v17  }
0x364: {  	v8 =	vld [tilespmem:s14+$0xFFFFFE60];
	v9 =	vadd.f32 v9, v37;
	v37 =	vmul.f32 v41, v15;
	[tilespmem:s10+$0xFFFFFFF0] =	vst v13;
	v15 =	vmov v28  }
0x365: {  	v28 =	vld [tilespmem:s16+$0xFFFFFE60];
	[tilespmem:s12+$0xFFFFFEB0] =	vst v2;
	v2 =	vadd.f32 v4, v6;
	v4 =	vmul.f32 v38, v14;
	v14 =	vmov v27  }
0x366: {  	v6 =	vld [tilespmem:s14+$0xFFFFFEE0];
	[tilespmem:s12+$0xFFFFFF50] =	vst v9;
	v9 =	vadd.f32 v37, v35;
	v27 =	vmul.f32 v40, v16;
	v16 =	vmov v17  }
0x367: {  	v35 =	vld [tilespmem:s14+$0xFFFFFF80];
	[tilespmem:s12+$0xFFFFFFB0] =	vst v2;
	v2 =	vadd.f32 v4, v34  }
0x368: {  	v17 =	vmov v42;
	v4 =	vld [tilespmem:s16+$0xFFFFFF80];
	[tilespmem:s10+$0xFFFFFE60] =	vst v9;
	v9 =	vadd.f32 v27, v36  }
0x369: {  	v8 =	vmul.f32 v8, v23;
	v27 =	vld [tilespmem:s16+$0xFFFFFEE0];
	[tilespmem:s10+$0xFFFFFEE0] =	vst v2  }
0x36a: {  	v2 =	vmul.f32 v28, v26;
	v28 =	vld [tilespmem:s15+$0xFFFFFF80];
	[tilespmem:s10+$0xFFFFFFE0] =	vst v9  }
0x36b: {  	v6 =	vmul.f32 v6, v24;
	v9 =	vld [tilespmem:s14+$0xFFFFFFE0];
	[tilespmem:s10+$0x0] =	vst v13;
	s10 =	smov.u32 s12  }
0x36c: {  	s21 =	sadd.s32 $0x34, s20;
	v2 =	vadd.f32 v2, v8;
	v8 =	vld [tilespmem:s13+$0xFFFFFF80];
	[tilespmem:s12+$0xFFFFFF70] =	vst v13  }
0x36d: {  	v34 =	vmov s21;
	s21 =	sadd.s32 $0x35, s20;
	v31 =	vmul.f32 v35, v31;
	v4 =	vmul.f32 v4, v32;
	[tilespmem:s12+$0xFFFFFF80] =	vst v13;
	v32 =	vld [tilespmem:s16+$0xFFFFFFE0]  }
0x36e: {  	v34 =	vand.u32 $0xFFFFFFFC, v34;
	v35 =	vmov s21;
	v36 =	vld [tilespmem:s15+$0xFFFFFE60];
	v27 =	vmul.f32 v27, v25  }
0x36f: {  	v35 =	vand.u32 $0xFFFFFFFD, v35;
	v38 =	vld [tilespmem:s15+$0xFFFFFEE0];
	v4 =	vadd.f32 v4, v31;
	v28 =	vmul.f32 v28, v30  }
0x370: {  	v30 =	vbroadcast v34, $0x0;
	v6 =	vadd.f32 v27, v6;
	v9 =	vmul.f32 v9, v19;
	v27 =	vld [tilespmem:s15+$0xFFFFFFE0]  }
0x371: {  	v31 =	vbroadcast v35, $0x0;
	v34 =	vld [tilespmem:s13+$0xFFFFFE60];
	v4 =	vadd.f32 v28, v4;
	v8 =	vmul.f32 v8, v29  }
0x372: {  	v29 =	vld [tilespmem:s13+$0xFFFFFEE0];
	v28 =	vmul.f32 v32, v20  }
0x373: {  	v32 =	vmul.f32 v36, v22;
	v4 =	vadd.f32 v8, v4;
	v8 =	vld [tilespmem:s13+$0xFFFFFFE0]  }
0x374: {  	v37 =	vld.idx.msk [tilespmem:v7+s28+$0x0], $0xffff;
	v36 =	vmul.f32 v38, v21;
	v9 =	vadd.f32 v28, v9  }
0x375: {  	v35 =	vld.idx.msk [tilespmem:v7+s29+$0x0], $0xffff;
	v2 =	vadd.f32 v32, v2;
	[tilespmem:s12+$0xFFFFFF60] =	vst v4;
	v4 =	vmul.f32 v27, v18  }
0x376: {  	v28 =	vld.idx.msk [tilespmem:v30+s31+$0x0], $0xffff;
	v7 =	vmul.f32 v34, v15;
	v6 =	vadd.f32 v36, v6  }
0x377: {  	v27 =	vld.idx.msk [tilespmem:v31+s31+$0x0], $0xffff;
	v29 =	vmul.f32 v29, v14;
	v4 =	vadd.f32 v4, v9  }
0x378: {  	v36 =	vld.idx.msk [tilespmem:v30+s30+$0x0], $0xffff;
	v2 =	vadd.f32 v7, v2;
	v7 =	vmul.f32 v8, v16  }
0x379: {  	v34 =	vld.idx.msk [tilespmem:v31+s30+$0x0], $0xffff;
	v6 =	vadd.f32 v29, v6  }
0x37a: {  	v38 =	vld.idx.msk [tilespmem:v30+s28+$0x0], $0xffff;
	[tilespmem:s12+$0xFFFFFE40] =	vst v2;
	v2 =	vadd.f32 v7, v4  }
0x37b: {  	v4 =	vld [tilespmem:s14+$0xFFFFFE70];
	[tilespmem:s12+$0xFFFFFEC0] =	vst v6  }
0x37c: {  	v6 =	vld [tilespmem:s16+$0xFFFFFE70];
	[tilespmem:s12+$0xFFFFFFC0] =	vst v2  }
0x37d: {  	v2 =	vld [tilespmem:s14+$0xFFFFFEF0]  }
0x37e: {  	v7 =	vld [tilespmem:s16+$0xFFFFFEF0]  }
0x37f: {  	v8 =	vld [tilespmem:s14+$0xFFFFFFF0]  }
0x380: {  	v4 =	vmul.f32 v4, v23;
	v9 =	vld [tilespmem:s16+$0xFFFFFFF0]  }
0x381: {  	v6 =	vmul.f32 v6, v26;
	v29 =	vld [tilespmem:s15+$0xFFFFFE70]  }
0x382: {  	s21 =	sadd.s32 $0x36, s20;
	v2 =	vmul.f32 v2, v24;
	v32 =	vld [tilespmem:s15+$0xFFFFFEF0]  }
0x383: {  	v39 =	vmov s21;
	v4 =	vadd.f32 v6, v4;
	v6 =	vmul.f32 v7, v25;
	v7 =	vld [tilespmem:s15+$0xFFFFFFF0]  }
0x384: {  	v39 =	vand.u32 $0xFFFFFFFE, v39;
	v42 =	vld [tilespmem:s13+$0xFFFFFE70];
	v8 =	vmul.f32 v8, v19  }
0x385: {  	v43 =	vbroadcast v39, $0x0;
	v2 =	vadd.f32 v6, v2;
	v6 =	vld [tilespmem:s13+$0xFFFFFEF0];
	v9 =	vmul.f32 v9, v20  }
0x386: {  	v29 =	vmul.f32 v29, v22;
	v44 =	vld [tilespmem:s13+$0xFFFFFFF0]  }
0x387: {  	v41 =	vld.idx.msk [tilespmem:v30+s29+$0x0], $0xffff;
	v30 =	vmul.f32 v32, v21;
	v8 =	vadd.f32 v9, v8  }
0x388: {  	s20 =	sadd.s32 $0x4, s20;
	v40 =	vld.idx.msk [tilespmem:v31+s28+$0x0], $0xffff;
	v4 =	vadd.f32 v29, v4;
	v7 =	vmul.f32 v7, v18  }
0x389: {  	p0 =	slt.u32 s20, $0x2C;
	s14 =	sadd.s32 $0x200, s14;
	v39 =	vld.idx.msk [tilespmem:v31+s29+$0x0], $0xffff;
	v9 =	vmul.f32 v42, v15;
	v2 =	vadd.f32 v30, v2  }
0x38a: {  	v42 =	vld [tilespmem:s14+$0xFFFFFF30];
	v6 =	vmul.f32 v6, v14;
	v7 =	vadd.f32 v7, v8  }
0x38b: {  	v31 =	vld.idx.msk [tilespmem:v43+s28+$0x0], $0xffff;
	v4 =	vadd.f32 v9, v4;
	v8 =	vmul.f32 v44, v16  }
0x38c: {  	s16 =	sadd.s32 $0x200, s16;
	v32 =	vld.idx.msk [tilespmem:v43+s29+$0x0], $0xffff;
	v2 =	vadd.f32 v6, v2  }
0x38d: {  	v6 =	vld [tilespmem:s16+$0xFFFFFF30];
	[tilespmem:s12+$0xFFFFFE50] =	vst v4;
	v4 =	vadd.f32 v8, v7  }
0x38e: {  	s15 =	sadd.s32 $0x200, s15;
	v30 =	vld.idx.msk [tilespmem:v43+s30+$0x0], $0xffff;
	[tilespmem:s12+$0xFFFFFED0] =	vst v2  }
0x38f: {  	v2 =	vld [tilespmem:s15+$0xFFFFFF30];
	[tilespmem:s12+$0xFFFFFFD0] =	vst v4  }
0x390: {  	s13 =	sadd.s32 $0x200, s13;
	v29 =	vld.idx.msk [tilespmem:v43+s31+$0x0], $0xffff  }
0x391: {  	v4 =	vld [tilespmem:s13+$0xFFFFFF30]  }
0x392: {  	v8 =	vmul.f32 v42, v31;
	v7 =	vld [tilespmem:s14+$0xFFFFFE30];
	v6 =	vmul.f32 v6, v32  }
0x393: {  	v9 =	vld [tilespmem:s16+$0xFFFFFE30]  }
0x394: {  	v42 =	vld [tilespmem:s14+$0xFFFFFEB0];
	v6 =	vadd.f32 v6, v8;
	v2 =	vmul.f32 v2, v30  }
0x395: {  	v8 =	vld [tilespmem:s16+$0xFFFFFEB0]  }
0x396: {  	v2 =	vadd.f32 v2, v6;
	v4 =	vmul.f32 v4, v29;
	v6 =	vld [tilespmem:s14+$0xFFFFFFB0]  }
0x397: {  	v7 =	vmul.f32 v7, v38;
	v43 =	vld [tilespmem:s16+$0xFFFFFFB0]  }
0x398: {  	v9 =	vmul.f32 v9, v41;
	v44 =	vld [tilespmem:s15+$0xFFFFFE30];
	v2 =	vadd.f32 v4, v2  }
0x399: {  	s12 =	sadd.s32 $0x200, s12;
	v4 =	vmul.f32 v42, v40;
	v42 =	vld [tilespmem:s15+$0xFFFFFEB0]  }
0x39a: {  	v7 =	vadd.f32 v9, v7;
	v8 =	vmul.f32 v8, v39;
	[tilespmem:s12+$0xFFFFFF10] =	vst v2;
	v2 =	vld [tilespmem:s15+$0xFFFFFFB0]  }
0x39b: {  	v9 =	vld [tilespmem:s14+$0xFFFFFF40];
	v6 =	vmul.f32 v6, v37  }
0x39c: {  	v4 =	vadd.f32 v8, v4;
	v8 =	vld [tilespmem:s16+$0xFFFFFF40];
	v43 =	vmul.f32 v43, v35  }
0x39d: {  	v44 =	vmul.f32 v44, v36;
	v45 =	vld [tilespmem:s13+$0xFFFFFE30]  }
0x39e: {  	v42 =	vmul.f32 v42, v34;
	v46 =	vld [tilespmem:s15+$0xFFFFFF40];
	v6 =	vadd.f32 v43, v6  }
0x39f: {  	v7 =	vadd.f32 v44, v7;
	v43 =	vld [tilespmem:s13+$0xFFFFFEB0];
	v2 =	vmul.f32 v2, v33  }
0x3a0: {  	v4 =	vadd.f32 v42, v4;
	v42 =	vld [tilespmem:s13+$0xFFFFFF40]  }
0x3a1: {  	v9 =	vmul.f32 v9, v31;
	v8 =	vmul.f32 v8, v32;
	v2 =	vadd.f32 v2, v6;
	v6 =	vld [tilespmem:s13+$0xFFFFFFB0]  }
0x3a2: {  	v44 =	vmul.f32 v45, v28;
	v45 =	vld [tilespmem:s19+$0xFFFFFE80]  }
0x3a3: {  	v8 =	vadd.f32 v8, v9;
	v9 =	vmul.f32 v46, v30;
	v46 =	vld [tilespmem:s18+$0xFFFFFE80]  }
0x3a4: {  	v7 =	vadd.f32 v44, v7;
	v43 =	vmul.f32 v43, v27;
	v44 =	vld [tilespmem:s19+$0xFFFFFF00]  }
0x3a5: {  	v8 =	vadd.f32 v9, v8;
	v9 =	vmul.f32 v42, v29;
	v42 =	vld [tilespmem:s18+$0xFFFFFF00]  }
0x3a6: {  	[tilespmem:s12+$0xFFFFFE10] =	vst v7;
	v4 =	vadd.f32 v43, v4;
	v6 =	vmul.f32 v6, v17;
	v7 =	vld [tilespmem:s19+$0x0];
	s19 =	smov.u32 s14  }
0x3a7: {  	v43 =	vld [tilespmem:s14+$0xFFFFFE40];
	v8 =	vadd.f32 v9, v8;
	v9 =	vmul.f32 v45, v23;
	v23 =	vmov v38  }
0x3a8: {  	v38 =	vld [tilespmem:s16+$0xFFFFFE40];
	[tilespmem:s12+$0xFFFFFE90] =	vst v4;
	v2 =	vadd.f32 v6, v2;
	v4 =	vmul.f32 v46, v26;
	v26 =	vmov v41  }
0x3a9: {  	v6 =	vld [tilespmem:s14+$0xFFFFFEC0];
	[tilespmem:s12+$0xFFFFFF20] =	vst v8;
	v8 =	vmul.f32 v44, v24;
	v24 =	vmov v40  }
0x3aa: {  	v40 =	vld [tilespmem:s14+$0xFFFFFF50];
	[tilespmem:s12+$0xFFFFFF90] =	vst v2;
	v2 =	vadd.f32 v4, v9;
	v4 =	vmul.f32 v42, v25;
	v25 =	vmov v39  }
0x3ab: {  	v9 =	vld [tilespmem:s16+$0xFFFFFF50];
	v7 =	vmul.f32 v7, v19;
	v19 =	vmov v37  }
0x3ac: {  	v37 =	vmul.f32 v43, v23;
	v39 =	vld [tilespmem:s16+$0xFFFFFEC0];
	v4 =	vadd.f32 v4, v8  }
0x3ad: {  	v8 =	vmul.f32 v38, v26;
	v38 =	vld [tilespmem:s15+$0xFFFFFF50]  }
0x3ae: {  	v6 =	vmul.f32 v6, v24;
	v41 =	vld [tilespmem:s14+$0xFFFFFFC0]  }
0x3af: {  	v8 =	vadd.f32 v8, v37;
	v37 =	vld [tilespmem:s13+$0xFFFFFF50]  }
0x3b0: {  	v40 =	vmul.f32 v40, v31;
	v9 =	vmul.f32 v9, v32;
	v42 =	vld [tilespmem:s16+$0xFFFFFFC0]  }
0x3b1: {  	v43 =	vld [tilespmem:s15+$0xFFFFFE40];
	v39 =	vmul.f32 v39, v25  }
0x3b2: {  	v44 =	vld [tilespmem:s15+$0xFFFFFEC0];
	v9 =	vadd.f32 v9, v40;
	v38 =	vmul.f32 v38, v30  }
0x3b3: {  	v6 =	vadd.f32 v39, v6;
	v39 =	vmul.f32 v41, v19;
	v40 =	vld [tilespmem:s15+$0xFFFFFFC0]  }
0x3b4: {  	v41 =	vld [tilespmem:s13+$0xFFFFFE40];
	v9 =	vadd.f32 v38, v9;
	v37 =	vmul.f32 v37, v29  }
0x3b5: {  	v38 =	vld [tilespmem:s13+$0xFFFFFEC0];
	v42 =	vmul.f32 v42, v35  }
0x3b6: {  	v43 =	vmul.f32 v43, v36;
	v9 =	vadd.f32 v37, v9;
	v37 =	vld [tilespmem:s13+$0xFFFFFFC0]  }
0x3b7: {  	v44 =	vmul.f32 v44, v34;
	v39 =	vadd.f32 v42, v39;
	v42 =	vld [tilespmem:s18+$0x0];
	s18 =	smov.u32 s16  }
0x3b8: {  	v8 =	vadd.f32 v43, v8;
	[tilespmem:s12+$0xFFFFFF30] =	vst v9;
	v9 =	vmul.f32 v40, v33;
	v40 =	vld [tilespmem:s17+$0xFFFFFE80]  }
0x3b9: {  	v41 =	vmul.f32 v41, v28;
	v6 =	vadd.f32 v44, v6;
	v43 =	vld [tilespmem:s14+$0xFFFFFF60]  }
0x3ba: {  	v38 =	vmul.f32 v38, v27;
	v44 =	vld [tilespmem:s16+$0xFFFFFF60];
	v9 =	vadd.f32 v9, v39  }
0x3bb: {  	v8 =	vadd.f32 v41, v8;
	v37 =	vmul.f32 v37, v17;
	v39 =	vld [tilespmem:s17+$0xFFFFFF00]  }
0x3bc: {  	v6 =	vadd.f32 v38, v6;
	v38 =	vld [tilespmem:s15+$0xFFFFFF60];
	v41 =	vmul.f32 v42, v20;
	v20 =	vmov v35  }
0x3bd: {  	[tilespmem:s12+$0xFFFFFE20] =	vst v8;
	v8 =	vadd.f32 v37, v9;
	v9 =	vmul.f32 v40, v22;
	v37 =	vld [tilespmem:s17+$0x0];
	v22 =	vmov v36;
	s17 =	smov.u32 s15  }
0x3be: {  	[tilespmem:s12+$0xFFFFFEA0] =	vst v6;
	v6 =	vld [tilespmem:s13+$0xFFFFFF60];
	v7 =	vadd.f32 v41, v7  }
0x3bf: {  	v40 =	vmul.f32 v43, v31;
	v36 =	vld [tilespmem:s14+$0xFFFFFE50];
	v41 =	vmul.f32 v44, v32;
	[tilespmem:s12+$0xFFFFFFA0] =	vst v8;
	v35 =	vadd.f32 v9, v2  }
0x3c0: {  	v2 =	vld [tilespmem:s16+$0xFFFFFE50];
	v8 =	vmul.f32 v39, v21;
	v21 =	vmov v34  }
0x3c1: {  	v9 =	vld [tilespmem:s14+$0xFFFFFED0];
	v39 =	vadd.f32 v41, v40;
	v38 =	vmul.f32 v38, v30  }
0x3c2: {  	v41 =	vld [tilespmem:s16+$0xFFFFFED0];
	v34 =	vadd.f32 v8, v4;
	v4 =	vmul.f32 v37, v18;
	v18 =	vmov v33  }
0x3c3: {  	v8 =	vadd.f32 v38, v39;
	v6 =	vmul.f32 v6, v29;
	v37 =	vld [tilespmem:s14+$0xFFFFFFD0]  }
0x3c4: {  	v33 =	vmul.f32 v36, v23;
	v38 =	vld [tilespmem:s16+$0xFFFFFFD0];
	v36 =	vadd.f32 v4, v7  }
0x3c5: {  	v2 =	vmul.f32 v2, v26;
	v4 =	vld [tilespmem:s15+$0xFFFFFE50];
	v6 =	vadd.f32 v6, v8  }
0x3c6: {  	v7 =	vmul.f32 v9, v24;
	v8 =	vld [tilespmem:s15+$0xFFFFFED0]  }
.Ltmp2:
0x3c7: {  	v40 =	vadd.f32 v2, v33;
	v2 =	vmul.f32 v41, v25;
	[tilespmem:s12+$0xFFFFFF40] =	vst v6;
	v39 =	vld [tilespmem:s15+$0xFFFFFFD0];
	(pc) =	sbr.rel @p0 .LBB2_7-.Ltmp2, $4  }
0x3c8: {  	v33 =	vld [tilespmem:s14+$0xFFFFFF70];
	v6 =	vmul.f32 v37, v19  }
0x3c9: {  	v41 =	vadd.f32 v2, v7;
	v37 =	vld [tilespmem:s16+$0xFFFFFF70];
	v2 =	vmul.f32 v38, v20  }
0x3ca: {  	v45 =	vmul.f32 v4, v22;
	v42 =	vld [tilespmem:s13+$0xFFFFFE50]  }
0x3cb: {  	v44 =	vmul.f32 v8, v21;
	v38 =	vld [tilespmem:s15+$0xFFFFFF70];
	v43 =	vadd.f32 v2, v6  }
0x3cc: {  	_ =	sdelay $0x1  }
0x3cd: {  	v2 =	vld [tilespmem:s13+$0xFFFFFED0]  }
0x3ce: {  	v6 =	vadd.f32 v45, v40;
	v7 =	vmul.f32 v42, v28  }
0x3cf: {  	v4 =	vld [tilespmem:s13+$0xFFFFFFD0]  }
0x3d0: {  	v6 =	vadd.f32 v7, v6;
	_ =	sdelay $0x1  }
0x3d1: {  	v8 =	vmul.f32 v39, v18;
	v9 =	vadd.f32 v44, v41;
	v2 =	vmul.f32 v2, v27;
	[tilespmem:s12+$0xFFFFFE30] =	vst v6  }
0x3d2: {  	v6 =	vld [tilespmem:s14+$0xFFFFFE60]  }
0x3d3: {  	v7 =	vadd.f32 v8, v43;
	v4 =	vmul.f32 v4, v17;
	v2 =	vadd.f32 v2, v9;
	v8 =	vld [tilespmem:s16+$0xFFFFFE60]  }
0x3d4: {  	v53 =	vld [tilespmem:s15+$0xFFFFFE60]  }
0x3d5: {  	v55 =	vld [tilespmem:s13+$0xFFFFFE60];
	[tilespmem:s12+$0xFFFFFEB0] =	vst v2;
	v2 =	vadd.f32 v4, v7  }
0x3d6: {  	v4 =	vld [tilespmem:s14+$0xFFFFFEE0]  }
0x3d7: {  	[tilespmem:s12+$0xFFFFFFB0] =	vst v2;
	v2 =	vld [tilespmem:s16+$0xFFFFFEE0]  }
0x3d8: {  	v54 =	vld [tilespmem:s15+$0xFFFFFEE0]  }
0x3d9: {  	v7 =	vld [tilespmem:s14+$0xFFFFFFE0];
	v6 =	vmul.f32 v6, v23;
	v8 =	vmul.f32 v8, v26  }
0x3da: {  	v9 =	vld [tilespmem:s16+$0xFFFFFFE0]  }
0x3db: {  	v6 =	vadd.f32 v8, v6;
	v8 =	vmul.f32 v53, v22  }
0x3dc: {  	v57 =	vld [tilespmem:s13+$0xFFFFFEE0];
	v4 =	vmul.f32 v4, v24;
	v2 =	vmul.f32 v2, v25  }
0x3dd: {  	v56 =	vld [tilespmem:s15+$0xFFFFFFE0];
	v6 =	vadd.f32 v8, v6;
	v8 =	vmul.f32 v55, v28  }
0x3de: {  	v58 =	vmul.f32 v54, v21;
	v2 =	vadd.f32 v2, v4  }
0x3df: {  	v4 =	vmul.f32 v7, v19;
	v7 =	vmul.f32 v9, v20;
	v9 =	vld [tilespmem:s13+$0xFFFFFFE0];
	v6 =	vadd.f32 v8, v6  }
0x3e0: {  	v60 =	vld [tilespmem:s11+$0xFFFFFE80]  }
0x3e1: {  	v59 =	vmul.f32 v57, v27;
	v8 =	vld [tilespmem:s13+$0xFFFFFF70];
	v2 =	vadd.f32 v58, v2;
	[tilespmem:s12+$0xFFFFFE40] =	vst v6  }
0x3e2: {  	v4 =	vadd.f32 v7, v4;
	v7 =	vmul.f32 v56, v18;
	v6 =	vld [tilespmem:s14+$0xFFFFFE70]  }
0x3e3: {  	v2 =	vadd.f32 v59, v2;
	v46 =	vld [tilespmem:s15+$0xFFFFFE70]  }
0x3e4: {  	v4 =	vadd.f32 v7, v4;
	v48 =	vld [tilespmem:s13+$0xFFFFFE70];
	v7 =	vmul.f32 v9, v17  }
0x3e5: {  	[tilespmem:s12+$0xFFFFFEC0] =	vst v2;
	v2 =	vld [tilespmem:s16+$0xFFFFFE70]  }
0x3e6: {  	v61 =	vmul.f32 v37, v32;
	v9 =	vmul.f32 v33, v31;
	v4 =	vadd.f32 v7, v4;
	v7 =	vld [tilespmem:s14+$0xFFFFFEF0]  }
0x3e7: {  	v47 =	vld [tilespmem:s15+$0xFFFFFEF0]  }
0x3e8: {  	v45 =	vmul.f32 v38, v30;
	v9 =	vadd.f32 v61, v9;
	[tilespmem:s12+$0xFFFFFFC0] =	vst v4;
	v4 =	vld [tilespmem:s16+$0xFFFFFEF0]  }
0x3e9: {  	v62 =	vld [tilespmem:s14+$0xFFFFFFF0]  }
0x3ea: {  	v8 =	vmul.f32 v8, v29;
	v9 =	vadd.f32 v45, v9;
	v63 =	vld [tilespmem:s16+$0xFFFFFFF0]  }
0x3eb: {  	v6 =	vmul.f32 v6, v23;
	v49 =	vld [tilespmem:s15+$0xFFFFFFF0];
	v2 =	vmul.f32 v2, v26  }
0x3ec: {  	v38 =	vmul.f32 v46, v22;
	v8 =	vadd.f32 v8, v9;
	v9 =	vld [tilespmem:s13+$0xFFFFFEF0]  }
0x3ed: {  	v50 =	vld [tilespmem:s13+$0xFFFFFFF0];
	v7 =	vmul.f32 v7, v24;
	v2 =	vadd.f32 v2, v6;
	v4 =	vmul.f32 v4, v25  }
0x3ee: {  	v33 =	vmul.f32 v48, v28;
	v6 =	vld [tilespmem:s11+$0xFFFFFF00]  }
0x3ef: {  	v41 =	vmul.f32 v47, v21;
	[tilespmem:s12+$0xFFFFFF50] =	vst v8;
	v8 =	vld [tilespmem:s11+$0x0];
	v2 =	vadd.f32 v38, v2;
	v4 =	vadd.f32 v4, v7  }
0x3f0: {  	v51 =	vld [tilespmem:s14+$0xFFFFFF80];
	v37 =	vmul.f32 v62, v19;
	v7 =	vmul.f32 v63, v20  }
0x3f1: {  	[tilespmem:s10+$0xFFFFFE70] =	vst v13;
	v52 =	vld [tilespmem:s16+$0xFFFFFF80];
	v9 =	vmul.f32 v9, v27;
	v2 =	vadd.f32 v33, v2;
	v4 =	vadd.f32 v41, v4  }
0x3f2: {  	[tilespmem:s10+$0xFFFFFE80] =	vst v13;
	v54 =	vld [tilespmem:s15+$0xFFFFFF80]  }
0x3f3: {  	v53 =	vmul.f32 v49, v18;
	v7 =	vadd.f32 v7, v37;
	[tilespmem:s12+$0xFFFFFE50] =	vst v2;
	v4 =	vadd.f32 v9, v4;
	v9 =	vld [tilespmem:s13+$0xFFFFFF80]  }
0x3f4: {  	[tilespmem:s10+$0xFFFFFEF0] =	vst v13;
	v6 =	vmul.f32 v6, v14;
	v2 =	vld [tilespmem:s19+$0xFFFFFE80]  }
0x3f5: {  	[tilespmem:s10+$0xFFFFFF00] =	vst v13;
	v39 =	vmul.f32 v50, v17;
	v7 =	vadd.f32 v53, v7;
	v59 =	vld [tilespmem:s17+$0xFFFFFE80]  }
0x3f6: {  	v15 =	vmul.f32 v60, v15;
	v6 =	vadd.f32 v6, v34;
	[tilespmem:s12+$0xFFFFFED0] =	vst v4;
	v4 =	vld [tilespmem:s18+$0xFFFFFE80]  }
0x3f7: {  	[tilespmem:s10+$0xFFFFFFF0] =	vst v13;
	v8 =	vmul.f32 v8, v16;
	v7 =	vadd.f32 v39, v7;
	v55 =	vld [tilespmem:s19+$0xFFFFFF00]  }
0x3f8: {  	v14 =	vadd.f32 v15, v35;
	v15 =	vmul.f32 v51, v31;
	v56 =	vmul.f32 v52, v32;
	[tilespmem:s10+$0xFFFFFEE0] =	vst v6;
	v6 =	vld [tilespmem:s17+$0xFFFFFF00]  }
0x3f9: {  	[tilespmem:s12+$0xFFFFFFD0] =	vst v7;
	v7 =	vld [tilespmem:s18+$0xFFFFFF00]  }
0x3fa: {  	[tilespmem:s10+$0xFFFFFE60] =	vst v14;
	v8 =	vadd.f32 v8, v36;
	v14 =	vadd.f32 v56, v15;
	v15 =	vmul.f32 v54, v30;
	v57 =	vld [tilespmem:s19+$0x0]  }
0x3fb: {  	[tilespmem:s10+$0x0] =	vst v13;
	v58 =	vld [tilespmem:s18+$0x0]  }
0x3fc: {  	[tilespmem:s10+$0xFFFFFFE0] =	vst v8;
	v8 =	vadd.f32 v15, v14;
	v15 =	vld [tilespmem:s13+$0xFFFFFE80];
	v9 =	vmul.f32 v9, v29  }
0x3fd: {  	[tilespmem:s12+$0xFFFFFF70] =	vst v13;
	v14 =	vld [tilespmem:s17+$0x0];
	v2 =	vmul.f32 v2, v23;
	v4 =	vmul.f32 v4, v26  }
0x3fe: {  	[tilespmem:s12+$0xFFFFFF80] =	vst v13;
	v60 =	vld [tilespmem:s13+$0xFFFFFF00];
	v8 =	vadd.f32 v9, v8;
	v9 =	vmul.f32 v55, v24  }
0x3ff: {  	[tilespmem:s12+$0xFFFFFE70] =	vst v13;
	v63 =	vld [tilespmem:s13+$0x0];
	v7 =	vmul.f32 v7, v25;
	v2 =	vadd.f32 v4, v2;
	v4 =	vmul.f32 v59, v22  }
0x400: {  	[tilespmem:s12+$0xFFFFFE80] =	vst v13;
	v61 =	vmul.f32 v57, v19;
	v62 =	vmul.f32 v58, v20  }
0x401: {  	[tilespmem:s12+$0xFFFFFEF0] =	vst v13;
	v6 =	vmul.f32 v6, v21;
	v7 =	vadd.f32 v7, v9;
	v2 =	vadd.f32 v4, v2  }
0x402: {  	[tilespmem:s12+$0xFFFFFF60] =	vst v8;
	v4 =	vmul.f32 v14, v18;
	v9 =	vmul.f32 v15, v28;
	v8 =	vadd.f32 v62, v61  }
0x403: {  	s7 =	sadd.s32 $0x1, s7;
	[tilespmem:s12+$0xFFFFFF00] =	vst v13;
	v6 =	vadd.f32 v6, v7;
	v7 =	vmul.f32 v60, v27  }
0x404: {  	p0 =	sne.s32 s7, $0x93;
	[tilespmem:s12+$0xFFFFFFF0] =	vst v13;
	v2 =	vadd.f32 v9, v2;
	v4 =	vadd.f32 v4, v8;
	v8 =	vmul.f32 v63, v17  }
.Ltmp3:
0x405: {  	[tilespmem:s12+$0x0] =	vst v13;
	v6 =	vadd.f32 v7, v6;
	(pc) =	sbr.rel @p0 .LBB2_2-.Ltmp3, $4  }
0x406: {  	s8 =	sadd.s32 s3, s8;
	[tilespmem:s12+$0xFFFFFE60] =	vst v2;
	v2 =	vadd.f32 v8, v4  }
0x407: {  	s8 =	sshll.u32 s8, $0x4;
	[tilespmem:s12+$0xFFFFFEE0] =	vst v6  }
0x408: {  	s8 =	sadd.s32 s5, s8;
	[tilespmem:s12+$0xFFFFFFE0] =	vst v2  }
0x409: {  	[hbm4b:s8+s2] =	stream.linear.scatter [tilespmem:s6], [sflag:$0x3], $0x1800, $0x38;
	[tilespmem:$0x16480] =	vst v63  }
0x40a: {  	s8 =	simm.s32 $0x3  }
0x40b: {  	_ =	swait.ge [sflag:s8], $0x1800  }
0x40c: {  	[sflag:s8] =	ssyncset.done $0x0  }
0x40d: {  	[sflag:s8] =	ssyncadd.s32 $0xFFFFE800  }
0x40e: {  	_ =	swait.ge [sflag:s8], $0x1800  }
0x40f: {  	s10 =	rddreg [dreg:$0x5]  }
0x410: {  	s7 =	rddreg [dreg:$0x4];
	s10 =	sadd.s32 $0x1, s10  }
0x411: {  	p0 =	sne.s32 s10, s7  }
.Ltmp4:
0x412: {  	_ = 	snop;
	(pc) =	sbr.rel @p0 .LBB2_1-.Ltmp4, $3  }
0x413: {  	_ =	sdelay $0x1  }
0x414: {  	[sflag:s8] =	ssyncset.done $0x0  }
0x415: {  	[sflag:s8] =	ssyncadd.s32 $0xFFFFE800  }
0x416: {  	_ =	sfence.sel $0x180000  }
0x417: {  	[bflag:$0x0] =	sbarrier.arrive $0xFFFF  }
0x418: {  	_ =	strace $0x90000047  }
0x419: {  	s0 =	stileid.u32;
	[bflag:$0x2] =	sbarrier.arrive $0xFFFF  }
0x41a: {  	p0 =	sne.s32 s0, $0x0;
	s0 =	rddreg [dreg:$0x2]  }
0x41b: {  	s0 =	sadd.s32 @!p0 $0x100000, s0  }
0x41c: {  	[sflag:s0] =	ssyncadd.tile.s32 @!p0 $0x1;
	_ =	shalt  }
.Lfunc_end2:
_tile_overlayer_lowered:
.L_overlay_start_2:
0x41d: {  	(tag) =	ssettag $0x2  }
0x41e: {  	s0 =	rddreg [dreg:$0x0];
	s2 =	stileid.u32  }
0x41f: {  	s1 =	rddreg [dreg:$0x1];
	p0 =	sne.s32 s2, $0x0  }
0x420: {  	s3 =	rddreg [dreg:$0x2];
	[bflag:$0x3] =	sbarrier.arrive $0xFFFF;
	s2 =	simm.s32 @!p0 $0x1C04  }
0x421: {  	[timem:s3], [sflag:s2] =	dma.local @!p0 [hbm:s0], s1  }
0x422: {  	s0 =	simm.s32 @!p0 $0x4  }
0x423: {  	_ =	swait.ge @!p0 [sflag:s0], s1  }
0x424: {  	s1 =	ssub.s32 @!p0 $0x0, s1;
	[sflag:s0] =	ssyncset.done @!p0 $0x0  }
0x425: {  	[sflag:s0] =	ssyncadd.s32 @!p0 s1  }
0x426: {  	[bflag:$0x3] =	sbarrier.arrive $0xFFFF  }
0x427: {  	_ =	shalt  }

</sc_bundles>
